<compile_context>
chip_gen: v7x
topology: tpu7x:2x2x1
jax: 0.10.2.dev20260603
libtpu: 0.0.44.dev20260713+nightly
codegen_flags: <defaults>
</compile_context>

<pallas_src>
import functools

import jax
import jax.numpy as jnp
from jax import lax
from jax.experimental import pallas as pl
from jax.experimental.pallas import tpu as pltpu
from jax.experimental.pallas import tpu_sc as plsc

NC = 2
NS = 16
NW = NC * NS

C = 1024
NBUF = 2


def _gather_body(idx_hbm, w_hbm, s_hbm, m_hbm, rows_out, s_out, m_out,
                 idx_v, rows_v, s_v, m_v, sem_g, sem_w, *, rpw):
  wid = lax.axis_index("s") * NC + lax.axis_index("c")
  base0 = wid * rpw
  nchunks = rpw // C

  pending_gather = [None] * NBUF
  pending_wb = [None] * NBUF

  def start(ci, sl):
    base = pl.multiple_of(base0 + ci * C, C)
    if pending_wb[sl] is not None:
      for c in pending_wb[sl]:
        c.wait()
      pending_wb[sl] = None
    pltpu.sync_copy(idx_hbm.at[pl.ds(base, C)], idx_v.at[sl])
    pending_gather[sl] = (
        pltpu.async_copy(w_hbm.at[idx_v.at[sl]], rows_v.at[sl], sem_g.at[sl, 0]),
        pltpu.async_copy(s_hbm.at[idx_v.at[sl]], s_v.at[sl], sem_g.at[sl, 1]),
        pltpu.async_copy(m_hbm.at[idx_v.at[sl]], m_v.at[sl], sem_g.at[sl, 2]),
    )

  def drain(ci, sl):
    base = pl.multiple_of(base0 + ci * C, C)
    for c in pending_gather[sl]:
      c.wait()
    pending_gather[sl] = None
    pending_wb[sl] = (
        pltpu.async_copy(rows_v.at[sl], rows_out.at[pl.ds(base, C)], sem_w.at[sl, 0]),
        pltpu.async_copy(s_v.at[sl], s_out.at[pl.ds(base, C)], sem_w.at[sl, 1]),
        pltpu.async_copy(m_v.at[sl], m_out.at[pl.ds(base, C)], sem_w.at[sl, 2]),
    )

  start(0, 0)
  for ci in range(nchunks):
    if ci + 1 < nchunks:
      start(ci + 1, (ci + 1) % NBUF)
    drain(ci, ci % NBUF)
  for sl in range(NBUF):
    if pending_wb[sl] is not None:
      for c in pending_wb[sl]:
        c.wait()


def _dequant_body(q_ref, s_ref, m_ref, o_ref):
  q = q_ref[...].astype(jnp.float32)
  s = s_ref[...]
  m = m_ref[...]
  o_ref[...] = (s * (q + m)).astype(jnp.bfloat16)


def kernel(idx, weight, scales, means):
  B, L = idx.shape
  V, D = weight.shape
  BL = B * L
  rpw = BL // NW

  idxf = idx.reshape(BL)
  wlin = jax.lax.optimization_barrier(weight.reshape(V * D))
  w2 = wlin.reshape(V, D)
  sf = scales.reshape(V)
  mf = means.reshape(V)

  mesh = plsc.VectorSubcoreMesh(core_axis_name="c", subcore_axis_name="s")
  rows, s_g, m_g = pl.kernel(
      functools.partial(_gather_body, rpw=rpw),
      out_type=[
          jax.ShapeDtypeStruct((BL, D), jnp.int8),
          jax.ShapeDtypeStruct((BL,), jnp.float32),
          jax.ShapeDtypeStruct((BL,), jnp.float32),
      ],
      mesh=mesh,
      compiler_params=pltpu.CompilerParams(
          needs_layout_passes=False, use_tc_tiling_on_sc=False),
      scratch_types=[
          pltpu.VMEM((NBUF, C), jnp.int32),
          pltpu.VMEM((NBUF, C, D), jnp.int8),
          pltpu.VMEM((NBUF, C), jnp.float32),
          pltpu.VMEM((NBUF, C), jnp.float32),
          pltpu.SemaphoreType.DMA((NBUF, 3)),
          pltpu.SemaphoreType.DMA((NBUF, 3)),
      ],
  )(idxf, w2, sf, mf)

  Bt = 4096
  out = pl.pallas_call(
      _dequant_body,
      grid=(BL // Bt,),
      in_specs=[
          pl.BlockSpec((Bt, D), lambda i: (i, 0)),
          pl.BlockSpec((Bt, 1), lambda i: (i, 0)),
          pl.BlockSpec((Bt, 1), lambda i: (i, 0)),
      ],
      out_specs=pl.BlockSpec((Bt, D), lambda i: (i, 0)),
      out_shape=jax.ShapeDtypeStruct((BL, D), jnp.bfloat16),
  )(rows, s_g.reshape(BL, 1), m_g.reshape(BL, 1))
  return out.reshape(B, L, D)

# --- scband reference (transcript-rebuilt; emitter-appended) ---
"""Pipeline reference for scband-quant-embedding-13099650253517 (READ-ONLY COPY).

The authoritative reference and input builder live on the scoring server;
editing this copy changes nothing except your own understanding.
"""

import jax, jax.numpy as jnp
import numpy as np

V = 1000000
D = 64
B = 16384
L = 20


def setup_inputs(seed: int = 0) -> dict:
    key = jax.random.key(seed)
    k1, k2 = jax.random.split(key)
    # Original full-precision embedding table, quantized exactly as QuantEmbedding.__init__ does
    orig = jax.random.normal(k1, (V, D), dtype=jnp.float32)
    mins = jnp.min(orig, axis=1, keepdims=True)
    maxs = jnp.max(orig, axis=1, keepdims=True)
    scales = (maxs - mins) / 255.0
    scales = jnp.where(scales == 0, 1e-08, scales)
    means = jnp.mean(orig, axis=1, keepdims=True)
    weight = jnp.clip(jnp.round((orig - means) / scales), -128, 127).astype(jnp.int8)
    idx = jax.random.randint(k2, (B, L), 0, V, dtype=jnp.int32)
    return {"idx": idx, "weight": weight, "scales": scales, "means": means}


def reference(idx, weight, scales, means):
    # quantized_emb = self.weight[idx].float()
    quantized_emb = jnp.take(weight, idx, axis=0).astype(jnp.float32)
    # (self.scales[idx] * (quantized_emb + self.means[idx])).bfloat16()
    s = jnp.take(scales, idx, axis=0)  # [B, L, 1]
    m = jnp.take(means, idx, axis=0)   # [B, L, 1]
    return (s * (quantized_emb + m)).astype(jnp.bfloat16)

if __name__ == "__main__":
    import jax
    _d = setup_inputs()
    print(jax.jit(kernel)(*tuple(_d.values())))

</pallas_src>

<mosaic_0001>
#map = affine_map<(d0, d1) -> (0)>
#map1 = affine_map<(d0, d1) -> (0, 0)>
module attributes {stable_mosaic.version = 14 : i64} {
  func.func @_gather_body(%arg0: i32, %arg1: i32, %arg2: memref<327680xi32, #tpu.memory_space<hbm>>, %arg3: memref<1000000x64xi8, #tpu.memory_space<hbm>>, %arg4: memref<1000000xf32, #tpu.memory_space<hbm>>, %arg5: memref<1000000xf32, #tpu.memory_space<hbm>>, %arg6: memref<327680x64xi8, #tpu.memory_space<hbm>>, %arg7: memref<327680xf32, #tpu.memory_space<hbm>>, %arg8: memref<327680xf32, #tpu.memory_space<hbm>>, %arg9: memref<2x1024xi32, #tpu.memory_space<vmem>>, %arg10: memref<2x1024x64xi8, #tpu.memory_space<vmem>>, %arg11: memref<2x1024xf32, #tpu.memory_space<vmem>>, %arg12: memref<2x1024xf32, #tpu.memory_space<vmem>>, %arg13: memref<2x3x!tpu.dma_semaphore, #tpu.memory_space<semaphore_mem>>, %arg14: memref<2x3x!tpu.dma_semaphore, #tpu.memory_space<semaphore_mem>>) attributes {dimension_semantics = [#tpu.dimension_semantics<core_parallel>, #tpu.dimension_semantics<subcore_parallel>], iteration_bounds = array<i64: 2, 16>, scalar_prefetch = 0 : i64, scratch_operands = 6 : i64, tpu.core_type = #tpu.core_type<sc_vector_subcore>, window_params = [{transform_indices = #map}, {transform_indices = #map1}, {transform_indices = #map}, {transform_indices = #map}, {transform_indices = #map1}, {transform_indices = #map}, {transform_indices = #map}]} {
    %mul3A = arith.constant 2 : i32
    %mul3A_0 = arith.muli %arg1, %mul3A : i32
    %add3A = arith.addi %mul3A_0, %arg0 : i32
    %mul3A_1 = arith.constant 10240 : i32
    %mul3A_2 = arith.muli %add3A, %mul3A_1 : i32
    %add3A_3 = arith.constant 0 : i32
    %add3A_4 = arith.addi %mul3A_2, %add3A_3 : i32
    %multiple_of3A = tpu.assume_multiple %add3A_4, 1024 : i32
    %run_scoped3A = arith.constant 0 : i32
    "tpu.region"() ({
      %run_scoped3A_1809 = tpu.sem_alloc : memref<!tpu.dma_semaphore, #tpu.memory_space<semaphore_mem>>
      %dma_start3A_1810 = arith.constant 0 : i32
      %dma_start3A_1811 = tpu.memref_slice %arg9[%run_scoped3A, %dma_start3A_1810] : memref<2x1024xi32, #tpu.memory_space<vmem>> -> memref<1x1024xi32, #tpu.memory_space<vmem>>
      %dma_start3A_1812 = tpu.memref_squeeze %dma_start3A_1811 : memref<1x1024xi32, #tpu.memory_space<vmem>> -> memref<1024xi32, #tpu.memory_space<vmem>>
      %dma_start3A_1813 = tpu.memref_slice %arg2[%multiple_of3A] : memref<327680xi32, #tpu.memory_space<hbm>> -> memref<1024xi32, #tpu.memory_space<hbm>>
      %dma_start3A_1814 = arith.constant 0 : i32
      %dma_start3A_1815 = tpu.memref_slice %arg9[%run_scoped3A, %dma_start3A_1814] : memref<2x1024xi32, #tpu.memory_space<vmem>> -> memref<1x1024xi32, #tpu.memory_space<vmem>>
      %dma_start3A_1816 = tpu.memref_squeeze %dma_start3A_1815 : memref<1x1024xi32, #tpu.memory_space<vmem>> -> memref<1024xi32, #tpu.memory_space<vmem>>
      %dma_start3A_1817 = tpu.memref_slice %arg2[%multiple_of3A] : memref<327680xi32, #tpu.memory_space<hbm>> -> memref<1024xi32, #tpu.memory_space<hbm>>
      tpu.enqueue_dma source(%dma_start3A_1817 : memref<1024xi32, #tpu.memory_space<hbm>>) target(%dma_start3A_1816 : memref<1024xi32, #tpu.memory_space<vmem>>) target_semaphore(%run_scoped3A_1809 : memref<!tpu.dma_semaphore, #tpu.memory_space<semaphore_mem>>)
      %dma_wait3A_1818 = arith.constant 0 : i32
      %dma_wait3A_1819 = tpu.memref_slice %arg9[%run_scoped3A, %dma_wait3A_1818] : memref<2x1024xi32, #tpu.memory_space<vmem>> -> memref<1x1024xi32, #tpu.memory_space<vmem>>
      %dma_wait3A_1820 = tpu.memref_squeeze %dma_wait3A_1819 : memref<1x1024xi32, #tpu.memory_space<vmem>> -> memref<1024xi32, #tpu.memory_space<vmem>>
      %dma_wait3A_1821 = tpu.memref_slice %arg2[%multiple_of3A] : memref<327680xi32, #tpu.memory_space<hbm>> -> memref<1024xi32, #tpu.memory_space<hbm>>
      %dma_wait3A_1822 = arith.constant 0 : i32
      %dma_wait3A_1823 = tpu.memref_slice %arg9[%run_scoped3A, %dma_wait3A_1822] : memref<2x1024xi32, #tpu.memory_space<vmem>> -> memref<1x1024xi32, #tpu.memory_space<vmem>>
      %dma_wait3A_1824 = tpu.memref_squeeze %dma_wait3A_1823 : memref<1x1024xi32, #tpu.memory_space<vmem>> -> memref<1024xi32, #tpu.memory_space<vmem>>
      %dma_wait3A_1825 = tpu.memref_slice %arg2[%multiple_of3A] : memref<327680xi32, #tpu.memory_space<hbm>> -> memref<1024xi32, #tpu.memory_space<hbm>>
      tpu.wait_dma2 semaphore(%run_scoped3A_1809 : memref<!tpu.dma_semaphore, #tpu.memory_space<semaphore_mem>>) src(%dma_wait3A_1825 : memref<1024xi32, #tpu.memory_space<hbm>>) dst(%dma_wait3A_1824 : memref<1024xi32, #tpu.memory_space<vmem>>)
      tpu.yield
    }) : () -> ()
    %dma_start3A = arith.constant 0 : i32
    %dma_start3A_5 = arith.constant 0 : i32
    %dma_start3A_6 = arith.constant 0 : i32
    %dma_start3A_7 = arith.constant 0 : i32
    %dma_start3A_8 = arith.constant 0 : i32
    %dma_start3A_9 = arith.constant 0 : i32
    %dma_start3A_10 = tpu.memref_slice %arg10[%dma_start3A_5, %dma_start3A_8, %dma_start3A_9] : memref<2x1024x64xi8, #tpu.memory_space<vmem>> -> memref<1x1024x64xi8, #tpu.memory_space<vmem>>
    %dma_start3A_11 = tpu.memref_squeeze %dma_start3A_10 : memref<1x1024x64xi8, #tpu.memory_space<vmem>> -> memref<1024x64xi8, #tpu.memory_space<vmem>>
    %dma_start3A_12 = arith.constant 0 : i32
    %dma_start3A_13 = tpu.memref_slice %arg9[%dma_start3A, %dma_start3A_12] : memref<2x1024xi32, #tpu.memory_space<vmem>> -> memref<1x1024xi32, #tpu.memory_space<vmem>>
    %dma_start3A_14 = tpu.memref_squeeze %dma_start3A_13 : memref<1x1024xi32, #tpu.memory_space<vmem>> -> memref<1024xi32, #tpu.memory_space<vmem>>
    %dma_start3A_15 = arith.constant 0 : i32
    %dma_start3A_16 = arith.constant 0 : i32
    %dma_start3A_17 = tpu.memref_slice %arg3[%dma_start3A_15, %dma_start3A_16] : memref<1000000x64xi8, #tpu.memory_space<hbm>> -> memref<1000000x64xi8, #tpu.memory_space<hbm>>
    %dma_start3A_18 = tpu.memref_slice %arg13[%dma_start3A_6, %dma_start3A_7] : memref<2x3x!tpu.dma_semaphore, #tpu.memory_space<semaphore_mem>> -> memref<1x1x!tpu.dma_semaphore, #tpu.memory_space<semaphore_mem>>
    %dma_start3A_19 = tpu.memref_squeeze %dma_start3A_18 : memref<1x1x!tpu.dma_semaphore, #tpu.memory_space<semaphore_mem>> -> memref<!tpu.dma_semaphore, #tpu.memory_space<semaphore_mem>>
    tpu.enqueue_indirect_dma source(%dma_start3A_17 : memref<1000000x64xi8, #tpu.memory_space<hbm>>) target(%dma_start3A_11 : memref<1024x64xi8, #tpu.memory_space<vmem>>) offsets(%dma_start3A_14 : memref<1024xi32, #tpu.memory_space<vmem>>) semaphore(%dma_start3A_19 : memref<!tpu.dma_semaphore, #tpu.memory_space<semaphore_mem>>)
    %dma_start3A_20 = arith.constant 0 : i32
    %dma_start3A_21 = arith.constant 0 : i32
    %dma_start3A_22 = arith.constant 0 : i32
    %dma_start3A_23 = arith.constant 1 : i32
    %dma_start3A_24 = arith.constant 0 : i32
    %dma_start3A_25 = tpu.memref_slice %arg11[%dma_start3A_21, %dma_start3A_24] : memref<2x1024xf32, #tpu.memory_space<vmem>> -> memref<1x1024xf32, #tpu.memory_space<vmem>>
    %dma_start3A_26 = tpu.memref_squeeze %dma_start3A_25 : memref<1x1024xf32, #tpu.memory_space<vmem>> -> memref<1024xf32, #tpu.memory_space<vmem>>
    %dma_start3A_27 = arith.constant 0 : i32
    %dma_start3A_28 = tpu.memref_slice %arg9[%dma_start3A_20, %dma_start3A_27] : memref<2x1024xi32, #tpu.memory_space<vmem>> -> memref<1x1024xi32, #tpu.memory_space<vmem>>
    %dma_start3A_29 = tpu.memref_squeeze %dma_start3A_28 : memref<1x1024xi32, #tpu.memory_space<vmem>> -> memref<1024xi32, #tpu.memory_space<vmem>>
    %dma_start3A_30 = arith.constant 0 : i32
    %dma_start3A_31 = tpu.memref_slice %arg4[%dma_start3A_30] : memref<1000000xf32, #tpu.memory_space<hbm>> -> memref<1000000xf32, #tpu.memory_space<hbm>>
    %dma_start3A_32 = tpu.memref_slice %arg13[%dma_start3A_22, %dma_start3A_23] : memref<2x3x!tpu.dma_semaphore, #tpu.memory_space<semaphore_mem>> -> memref<1x1x!tpu.dma_semaphore, #tpu.memory_space<semaphore_mem>>
    %dma_start3A_33 = tpu.memref_squeeze %dma_start3A_32 : memref<1x1x!tpu.dma_semaphore, #tpu.memory_space<semaphore_mem>> -> memref<!tpu.dma_semaphore, #tpu.memory_space<semaphore_mem>>
    tpu.enqueue_indirect_dma source(%dma_start3A_31 : memref<1000000xf32, #tpu.memory_space<hbm>>) target(%dma_start3A_26 : memref<1024xf32, #tpu.memory_space<vmem>>) offsets(%dma_start3A_29 : memref<1024xi32, #tpu.memory_space<vmem>>) semaphore(%dma_start3A_33 : memref<!tpu.dma_semaphore, #tpu.memory_space<semaphore_mem>>)
    %dma_start3A_34 = arith.constant 0 : i32
    %dma_start3A_35 = arith.constant 0 : i32
    %dma_start3A_36 = arith.constant 0 : i32
    %dma_start3A_37 = arith.constant 2 : i32
    %dma_start3A_38 = arith.constant 0 : i32
    %dma_start3A_39 = tpu.memref_slice %arg12[%dma_start3A_35, %dma_start3A_38] : memref<2x1024xf32, #tpu.memory_space<vmem>> -> memref<1x1024xf32, #tpu.memory_space<vmem>>
    %dma_start3A_40 = tpu.memref_squeeze %dma_start3A_39 : memref<1x1024xf32, #tpu.memory_space<vmem>> -> memref<1024xf32, #tpu.memory_space<vmem>>
    %dma_start3A_41 = arith.constant 0 : i32
    %dma_start3A_42 = tpu.memref_slice %arg9[%dma_start3A_34, %dma_start3A_41] : memref<2x1024xi32, #tpu.memory_space<vmem>> -> memref<1x1024xi32, #tpu.memory_space<vmem>>
    %dma_start3A_43 = tpu.memref_squeeze %dma_start3A_42 : memref<1x1024xi32, #tpu.memory_space<vmem>> -> memref<1024xi32, #tpu.memory_space<vmem>>
    %dma_start3A_44 = arith.constant 0 : i32
    %dma_start3A_45 = tpu.memref_slice %arg5[%dma_start3A_44] : memref<1000000xf32, #tpu.memory_space<hbm>> -> memref<1000000xf32, #tpu.memory_space<hbm>>
    %dma_start3A_46 = tpu.memref_slice %arg13[%dma_start3A_36, %dma_start3A_37] : memref<2x3x!tpu.dma_semaphore, #tpu.memory_space<semaphore_mem>> -> memref<1x1x!tpu.dma_semaphore, #tpu.memory_space<semaphore_mem>>
    %dma_start3A_47 = tpu.memref_squeeze %dma_start3A_46 : memref<1x1x!tpu.dma_semaphore, #tpu.memory_space<semaphore_mem>> -> memref<!tpu.dma_semaphore, #tpu.memory_space<semaphore_mem>>
    tpu.enqueue_indirect_dma source(%dma_start3A_45 : memref<1000000xf32, #tpu.memory_space<hbm>>) target(%dma_start3A_40 : memref<1024xf32, #tpu.memory_space<vmem>>) offsets(%dma_start3A_43 : memref<1024xi32, #tpu.memory_space<vmem>>) semaphore(%dma_start3A_47 : memref<!tpu.dma_semaphore, #tpu.memory_space<semaphore_mem>>)
    %add3A_48 = arith.constant 1024 : i32
    %add3A_49 = arith.addi %mul3A_2, %add3A_48 : i32
    %multiple_of3A_50 = tpu.assume_multiple %add3A_49, 1024 : i32
    %run_scoped3A_51 = arith.constant 1 : i32
    "tpu.region"() ({
      %run_scoped3A_1809 = tpu.sem_alloc : memref<!tpu.dma_semaphore, #tpu.memory_space<semaphore_mem>>
      %dma_start3A_1810 = arith.constant 0 : i32
      %dma_start3A_1811 = tpu.memref_slice %arg9[%run_scoped3A_51, %dma_start3A_1810] : memref<2x1024xi32, #tpu.memory_space<vmem>> -> memref<1x1024xi32, #tpu.memory_space<vmem>>
      %dma_start3A_1812 = tpu.memref_squeeze %dma_start3A_1811 : memref<1x1024xi32, #tpu.memory_space<vmem>> -> memref<1024xi32, #tpu.memory_space<vmem>>
      %dma_start3A_1813 = tpu.memref_slice %arg2[%multiple_of3A_50] : memref<327680xi32, #tpu.memory_space<hbm>> -> memref<1024xi32, #tpu.memory_space<hbm>>
      %dma_start3A_1814 = arith.constant 0 : i32
      %dma_start3A_1815 = tpu.memref_slice %arg9[%run_scoped3A_51, %dma_start3A_1814] : memref<2x1024xi32, #tpu.memory_space<vmem>> -> memref<1x1024xi32, #tpu.memory_space<vmem>>
      %dma_start3A_1816 = tpu.memref_squeeze %dma_start3A_1815 : memref<1x1024xi32, #tpu.memory_space<vmem>> -> memref<1024xi32, #tpu.memory_space<vmem>>
      %dma_start3A_1817 = tpu.memref_slice %arg2[%multiple_of3A_50] : memref<327680xi32, #tpu.memory_space<hbm>> -> memref<1024xi32, #tpu.memory_space<hbm>>
      tpu.enqueue_dma source(%dma_start3A_1817 : memref<1024xi32, #tpu.memory_space<hbm>>) target(%dma_start3A_1816 : memref<1024xi32, #tpu.memory_space<vmem>>) target_semaphore(%run_scoped3A_1809 : memref<!tpu.dma_semaphore, #tpu.memory_space<semaphore_mem>>)
      %dma_wait3A_1818 = arith.constant 0 : i32
      %dma_wait3A_1819 = tpu.memref_slice %arg9[%run_scoped3A_51, %dma_wait3A_1818] : memref<2x1024xi32, #tpu.memory_space<vmem>> -> memref<1x1024xi32, #tpu.memory_space<vmem>>
      %dma_wait3A_1820 = tpu.memref_squeeze %dma_wait3A_1819 : memref<1x1024xi32, #tpu.memory_space<vmem>> -> memref<1024xi32, #tpu.memory_space<vmem>>
      %dma_wait3A_1821 = tpu.memref_slice %arg2[%multiple_of3A_50] : memref<327680xi32, #tpu.memory_space<hbm>> -> memref<1024xi32, #tpu.memory_space<hbm>>
      %dma_wait3A_1822 = arith.constant 0 : i32
      %dma_wait3A_1823 = tpu.memref_slice %arg9[%run_scoped3A_51, %dma_wait3A_1822] : memref<2x1024xi32, #tpu.memory_space<vmem>> -> memref<1x1024xi32, #tpu.memory_space<vmem>>
      %dma_wait3A_1824 = tpu.memref_squeeze %dma_wait3A_1823 : memref<1x1024xi32, #tpu.memory_space<vmem>> -> memref<1024xi32, #tpu.memory_space<vmem>>
      %dma_wait3A_1825 = tpu.memref_slice %arg2[%multiple_of3A_50] : memref<327680xi32, #tpu.memory_space<hbm>> -> memref<1024xi32, #tpu.memory_space<hbm>>
      tpu.wait_dma2 semaphore(%run_scoped3A_1809 : memref<!tpu.dma_semaphore, #tpu.memory_space<semaphore_mem>>) src(%dma_wait3A_1825 : memref<1024xi32, #tpu.memory_space<hbm>>) dst(%dma_wait3A_1824 : memref<1024xi32, #tpu.memory_space<vmem>>)
      tpu.yield
    }) : () -> ()
    %dma_start3A_52 = arith.constant 1 : i32
    %dma_start3A_53 = arith.constant 1 : i32
    %dma_start3A_54 = arith.constant 1 : i32
    %dma_start3A_55 = arith.constant 0 : i32
    %dma_start3A_56 = arith.constant 0 : i32
    %dma_start3A_57 = arith.constant 0 : i32
    %dma_start3A_58 = tpu.memref_slice %arg10[%dma_start3A_53, %dma_start3A_56, %dma_start3A_57] : memref<2x1024x64xi8, #tpu.memory_space<vmem>> -> memref<1x1024x64xi8, #tpu.memory_space<vmem>>
    %dma_start3A_59 = tpu.memref_squeeze %dma_start3A_58 : memref<1x1024x64xi8, #tpu.memory_space<vmem>> -> memref<1024x64xi8, #tpu.memory_space<vmem>>
    %dma_start3A_60 = arith.constant 0 : i32
    %dma_start3A_61 = tpu.memref_slice %arg9[%dma_start3A_52, %dma_start3A_60] : memref<2x1024xi32, #tpu.memory_space<vmem>> -> memref<1x1024xi32, #tpu.memory_space<vmem>>
    %dma_start3A_62 = tpu.memref_squeeze %dma_start3A_61 : memref<1x1024xi32, #tpu.memory_space<vmem>> -> memref<1024xi32, #tpu.memory_space<vmem>>
    %dma_start3A_63 = arith.constant 0 : i32
    %dma_start3A_64 = arith.constant 0 : i32
    %dma_start3A_65 = tpu.memref_slice %arg3[%dma_start3A_63, %dma_start3A_64] : memref<1000000x64xi8, #tpu.memory_space<hbm>> -> memref<1000000x64xi8, #tpu.memory_space<hbm>>
    %dma_start3A_66 = tpu.memref_slice %arg13[%dma_start3A_54, %dma_start3A_55] : memref<2x3x!tpu.dma_semaphore, #tpu.memory_space<semaphore_mem>> -> memref<1x1x!tpu.dma_semaphore, #tpu.memory_space<semaphore_mem>>
    %dma_start3A_67 = tpu.memref_squeeze %dma_start3A_66 : memref<1x1x!tpu.dma_semaphore, #tpu.memory_space<semaphore_mem>> -> memref<!tpu.dma_semaphore, #tpu.memory_space<semaphore_mem>>
    tpu.enqueue_indirect_dma source(%dma_start3A_65 : memref<1000000x64xi8, #tpu.memory_space<hbm>>) target(%dma_start3A_59 : memref<1024x64xi8, #tpu.memory_space<vmem>>) offsets(%dma_start3A_62 : memref<1024xi32, #tpu.memory_space<vmem>>) semaphore(%dma_start3A_67 : memref<!tpu.dma_semaphore, #tpu.memory_space<semaphore_mem>>)
    %dma_start3A_68 = arith.constant 1 : i32
    %dma_start3A_69 = arith.constant 1 : i32
    %dma_start3A_70 = arith.constant 1 : i32
    %dma_start3A_71 = arith.constant 1 : i32
    %dma_start3A_72 = arith.constant 0 : i32
    %dma_start3A_73 = tpu.memref_slice %arg11[%dma_start3A_69, %dma_start3A_72] : memref<2x1024xf32, #tpu.memory_space<vmem>> -> memref<1x1024xf32, #tpu.memory_space<vmem>>
    %dma_start3A_74 = tpu.memref_squeeze %dma_start3A_73 : memref<1x1024xf32, #tpu.memory_space<vmem>> -> memref<1024xf32, #tpu.memory_space<vmem>>
    %dma_start3A_75 = arith.constant 0 : i32
    %dma_start3A_76 = tpu.memref_slice %arg9[%dma_start3A_68, %dma_start3A_75] : memref<2x1024xi32, #tpu.memory_space<vmem>> -> memref<1x1024xi32, #tpu.memory_space<vmem>>
    %dma_start3A_77 = tpu.memref_squeeze %dma_start3A_76 : memref<1x1024xi32, #tpu.memory_space<vmem>> -> memref<1024xi32, #tpu.memory_space<vmem>>
    %dma_start3A_78 = arith.constant 0 : i32
    %dma_start3A_79 = tpu.memref_slice %arg4[%dma_start3A_78] : memref<1000000xf32, #tpu.memory_space<hbm>> -> memref<1000000xf32, #tpu.memory_space<hbm>>
    %dma_start3A_80 = tpu.memref_slice %arg13[%dma_start3A_70, %dma_start3A_71] : memref<2x3x!tpu.dma_semaphore, #tpu.memory_space<semaphore_mem>> -> memref<1x1x!tpu.dma_semaphore, #tpu.memory_space<semaphore_mem>>
    %dma_start3A_81 = tpu.memref_squeeze %dma_start3A_80 : memref<1x1x!tpu.dma_semaphore, #tpu.memory_space<semaphore_mem>> -> memref<!tpu.dma_semaphore, #tpu.memory_space<semaphore_mem>>
    tpu.enqueue_indirect_dma source(%dma_start3A_79 : memref<1000000xf32, #tpu.memory_space<hbm>>) target(%dma_start3A_74 : memref<1024xf32, #tpu.memory_space<vmem>>) offsets(%dma_start3A_77 : memref<1024xi32, #tpu.memory_space<vmem>>) semaphore(%dma_start3A_81 : memref<!tpu.dma_semaphore, #tpu.memory_space<semaphore_mem>>)
    %dma_start3A_82 = arith.constant 1 : i32
    %dma_start3A_83 = arith.constant 1 : i32
    %dma_start3A_84 = arith.constant 1 : i32
    %dma_start3A_85 = arith.constant 2 : i32
    %dma_start3A_86 = arith.constant 0 : i32
    %dma_start3A_87 = tpu.memref_slice %arg12[%dma_start3A_83, %dma_start3A_86] : memref<2x1024xf32, #tpu.memory_space<vmem>> -> memref<1x1024xf32, #tpu.memory_space<vmem>>
    %dma_start3A_88 = tpu.memref_squeeze %dma_start3A_87 : memref<1x1024xf32, #tpu.memory_space<vmem>> -> memref<1024xf32, #tpu.memory_space<vmem>>
    %dma_start3A_89 = arith.constant 0 : i32
    %dma_start3A_90 = tpu.memref_slice %arg9[%dma_start3A_82, %dma_start3A_89] : memref<2x1024xi32, #tpu.memory_space<vmem>> -> memref<1x1024xi32, #tpu.memory_space<vmem>>
    %dma_start3A_91 = tpu.memref_squeeze %dma_start3A_90 : memref<1x1024xi32, #tpu.memory_space<vmem>> -> memref<1024xi32, #tpu.memory_space<vmem>>
    %dma_start3A_92 = arith.constant 0 : i32
    %dma_start3A_93 = tpu.memref_slice %arg5[%dma_start3A_92] : memref<1000000xf32, #tpu.memory_space<hbm>> -> memref<1000000xf32, #tpu.memory_space<hbm>>
    %dma_start3A_94 = tpu.memref_slice %arg13[%dma_start3A_84, %dma_start3A_85] : memref<2x3x!tpu.dma_semaphore, #tpu.memory_space<semaphore_mem>> -> memref<1x1x!tpu.dma_semaphore, #tpu.memory_space<semaphore_mem>>
    %dma_start3A_95 = tpu.memref_squeeze %dma_start3A_94 : memref<1x1x!tpu.dma_semaphore, #tpu.memory_space<semaphore_mem>> -> memref<!tpu.dma_semaphore, #tpu.memory_space<semaphore_mem>>
    tpu.enqueue_indirect_dma source(%dma_start3A_93 : memref<1000000xf32, #tpu.memory_space<hbm>>) target(%dma_start3A_88 : memref<1024xf32, #tpu.memory_space<vmem>>) offsets(%dma_start3A_91 : memref<1024xi32, #tpu.memory_space<vmem>>) semaphore(%dma_start3A_95 : memref<!tpu.dma_semaphore, #tpu.memory_space<semaphore_mem>>)
    %add3A_96 = arith.constant 0 : i32
    %add3A_97 = arith.addi %mul3A_2, %add3A_96 : i32
    %multiple_of3A_98 = tpu.assume_multiple %add3A_97, 1024 : i32
    %dma_wait3A = arith.constant 0 : i32
    %dma_wait3A_99 = arith.constant 0 : i32
    %dma_wait3A_100 = arith.constant 0 : i32
    %dma_wait3A_101 = arith.constant 0 : i32
    %dma_wait3A_102 = arith.constant 0 : i32
    %dma_wait3A_103 = arith.constant 0 : i32
    %dma_wait3A_104 = tpu.memref_slice %arg10[%dma_wait3A_99, %dma_wait3A_102, %dma_wait3A_103] : memref<2x1024x64xi8, #tpu.memory_space<vmem>> -> memref<1x1024x64xi8, #tpu.memory_space<vmem>>
    %dma_wait3A_105 = tpu.memref_squeeze %dma_wait3A_104 : memref<1x1024x64xi8, #tpu.memory_space<vmem>> -> memref<1024x64xi8, #tpu.memory_space<vmem>>
    %dma_wait3A_106 = arith.constant 0 : i32
    %dma_wait3A_107 = tpu.memref_slice %arg9[%dma_wait3A, %dma_wait3A_106] : memref<2x1024xi32, #tpu.memory_space<vmem>> -> memref<1x1024xi32, #tpu.memory_space<vmem>>
    %dma_wait3A_108 = tpu.memref_squeeze %dma_wait3A_107 : memref<1x1024xi32, #tpu.memory_space<vmem>> -> memref<1024xi32, #tpu.memory_space<vmem>>
    %dma_wait3A_109 = arith.constant 0 : i32
    %dma_wait3A_110 = arith.constant 0 : i32
    %dma_wait3A_111 = tpu.memref_slice %arg3[%dma_wait3A_109, %dma_wait3A_110] : memref<1000000x64xi8, #tpu.memory_space<hbm>> -> memref<1000000x64xi8, #tpu.memory_space<hbm>>
    %dma_wait3A_112 = tpu.memref_slice %arg13[%dma_wait3A_100, %dma_wait3A_101] : memref<2x3x!tpu.dma_semaphore, #tpu.memory_space<semaphore_mem>> -> memref<1x1x!tpu.dma_semaphore, #tpu.memory_space<semaphore_mem>>
    %dma_wait3A_113 = tpu.memref_squeeze %dma_wait3A_112 : memref<1x1x!tpu.dma_semaphore, #tpu.memory_space<semaphore_mem>> -> memref<!tpu.dma_semaphore, #tpu.memory_space<semaphore_mem>>
    tpu.wait_indirect_dma semaphore(%dma_wait3A_113 : memref<!tpu.dma_semaphore, #tpu.memory_space<semaphore_mem>>) src(%dma_wait3A_111 : memref<1000000x64xi8, #tpu.memory_space<hbm>>) dst(%dma_wait3A_105 : memref<1024x64xi8, #tpu.memory_space<vmem>>)
    %dma_wait3A_114 = arith.constant 0 : i32
    %dma_wait3A_115 = arith.constant 0 : i32
    %dma_wait3A_116 = arith.constant 0 : i32
    %dma_wait3A_117 = arith.constant 1 : i32
    %dma_wait3A_118 = arith.constant 0 : i32
    %dma_wait3A_119 = tpu.memref_slice %arg11[%dma_wait3A_115, %dma_wait3A_118] : memref<2x1024xf32, #tpu.memory_space<vmem>> -> memref<1x1024xf32, #tpu.memory_space<vmem>>
    %dma_wait3A_120 = tpu.memref_squeeze %dma_wait3A_119 : memref<1x1024xf32, #tpu.memory_space<vmem>> -> memref<1024xf32, #tpu.memory_space<vmem>>
    %dma_wait3A_121 = arith.constant 0 : i32
    %dma_wait3A_122 = tpu.memref_slice %arg9[%dma_wait3A_114, %dma_wait3A_121] : memref<2x1024xi32, #tpu.memory_space<vmem>> -> memref<1x1024xi32, #tpu.memory_space<vmem>>
    %dma_wait3A_123 = tpu.memref_squeeze %dma_wait3A_122 : memref<1x1024xi32, #tpu.memory_space<vmem>> -> memref<1024xi32, #tpu.memory_space<vmem>>
    %dma_wait3A_124 = arith.constant 0 : i32
    %dma_wait3A_125 = tpu.memref_slice %arg4[%dma_wait3A_124] : memref<1000000xf32, #tpu.memory_space<hbm>> -> memref<1000000xf32, #tpu.memory_space<hbm>>
    %dma_wait3A_126 = tpu.memref_slice %arg13[%dma_wait3A_116, %dma_wait3A_117] : memref<2x3x!tpu.dma_semaphore, #tpu.memory_space<semaphore_mem>> -> memref<1x1x!tpu.dma_semaphore, #tpu.memory_space<semaphore_mem>>
    %dma_wait3A_127 = tpu.memref_squeeze %dma_wait3A_126 : memref<1x1x!tpu.dma_semaphore, #tpu.memory_space<semaphore_mem>> -> memref<!tpu.dma_semaphore, #tpu.memory_space<semaphore_mem>>
    tpu.wait_indirect_dma semaphore(%dma_wait3A_127 : memref<!tpu.dma_semaphore, #tpu.memory_space<semaphore_mem>>) src(%dma_wait3A_125 : memref<1000000xf32, #tpu.memory_space<hbm>>) dst(%dma_wait3A_120 : memref<1024xf32, #tpu.memory_space<vmem>>)
    %dma_wait3A_128 = arith.constant 0 : i32
    %dma_wait3A_129 = arith.constant 0 : i32
    %dma_wait3A_130 = arith.constant 0 : i32
    %dma_wait3A_131 = arith.constant 2 : i32
    %dma_wait3A_132 = arith.constant 0 : i32
    %dma_wait3A_133 = tpu.memref_slice %arg12[%dma_wait3A_129, %dma_wait3A_132] : memref<2x1024xf32, #tpu.memory_space<vmem>> -> memref<1x1024xf32, #tpu.memory_space<vmem>>
    %dma_wait3A_134 = tpu.memref_squeeze %dma_wait3A_133 : memref<1x1024xf32, #tpu.memory_space<vmem>> -> memref<1024xf32, #tpu.memory_space<vmem>>
    %dma_wait3A_135 = arith.constant 0 : i32
    %dma_wait3A_136 = tpu.memref_slice %arg9[%dma_wait3A_128, %dma_wait3A_135] : memref<2x1024xi32, #tpu.memory_space<vmem>> -> memref<1x1024xi32, #tpu.memory_space<vmem>>
    %dma_wait3A_137 = tpu.memref_squeeze %dma_wait3A_136 : memref<1x1024xi32, #tpu.memory_space<vmem>> -> memref<1024xi32, #tpu.memory_space<vmem>>
    %dma_wait3A_138 = arith.constant 0 : i32
    %dma_wait3A_139 = tpu.memref_slice %arg5[%dma_wait3A_138] : memref<1000000xf32, #tpu.memory_space<hbm>> -> memref<1000000xf32, #tpu.memory_space<hbm>>
    %dma_wait3A_140 = tpu.memref_slice %arg13[%dma_wait3A_130, %dma_wait3A_131] : memref<2x3x!tpu.dma_semaphore, #tpu.memory_space<semaphore_mem>> -> memref<1x1x!tpu.dma_semaphore, #tpu.memory_space<semaphore_mem>>
    %dma_wait3A_141 = tpu.memref_squeeze %dma_wait3A_140 : memref<1x1x!tpu.dma_semaphore, #tpu.memory_space<semaphore_mem>> -> memref<!tpu.dma_semaphore, #tpu.memory_space<semaphore_mem>>
    tpu.wait_indirect_dma semaphore(%dma_wait3A_141 : memref<!tpu.dma_semaphore, #tpu.memory_space<semaphore_mem>>) src(%dma_wait3A_139 : memref<1000000xf32, #tpu.memory_space<hbm>>) dst(%dma_wait3A_134 : memref<1024xf32, #tpu.memory_space<vmem>>)
    %dma_start3A_142 = arith.constant 0 : i32
    %dma_start3A_143 = arith.constant 0 : i32
    %dma_start3A_144 = arith.constant 0 : i32
    %dma_start3A_145 = arith.constant 0 : i32
    %dma_start3A_146 = arith.constant 0 : i32
    %dma_start3A_147 = tpu.memref_slice %arg10[%dma_start3A_142, %dma_start3A_145, %dma_start3A_146] : memref<2x1024x64xi8, #tpu.memory_space<vmem>> -> memref<1x1024x64xi8, #tpu.memory_space<vmem>>
    %dma_start3A_148 = tpu.memref_squeeze %dma_start3A_147 : memref<1x1024x64xi8, #tpu.memory_space<vmem>> -> memref<1024x64xi8, #tpu.memory_space<vmem>>
    %dma_start3A_149 = arith.constant 0 : i32
    %dma_start3A_150 = tpu.memref_slice %arg6[%multiple_of3A_98, %dma_start3A_149] : memref<327680x64xi8, #tpu.memory_space<hbm>> -> memref<1024x64xi8, #tpu.memory_space<hbm>>
    %dma_start3A_151 = tpu.memref_slice %arg14[%dma_start3A_143, %dma_start3A_144] : memref<2x3x!tpu.dma_semaphore, #tpu.memory_space<semaphore_mem>> -> memref<1x1x!tpu.dma_semaphore, #tpu.memory_space<semaphore_mem>>
    %dma_start3A_152 = tpu.memref_squeeze %dma_start3A_151 : memref<1x1x!tpu.dma_semaphore, #tpu.memory_space<semaphore_mem>> -> memref<!tpu.dma_semaphore, #tpu.memory_space<semaphore_mem>>
    %dma_start3A_153 = arith.constant 0 : i32
    %dma_start3A_154 = tpu.memref_slice %arg6[%multiple_of3A_98, %dma_start3A_153] : memref<327680x64xi8, #tpu.memory_space<hbm>> -> memref<1024x64xi8, #tpu.memory_space<hbm>>
    %dma_start3A_155 = arith.constant 0 : i32
    %dma_start3A_156 = arith.constant 0 : i32
    %dma_start3A_157 = tpu.memref_slice %arg10[%dma_start3A_142, %dma_start3A_155, %dma_start3A_156] : memref<2x1024x64xi8, #tpu.memory_space<vmem>> -> memref<1x1024x64xi8, #tpu.memory_space<vmem>>
    %dma_start3A_158 = tpu.memref_squeeze %dma_start3A_157 : memref<1x1024x64xi8, #tpu.memory_space<vmem>> -> memref<1024x64xi8, #tpu.memory_space<vmem>>
    tpu.enqueue_dma source(%dma_start3A_158 : memref<1024x64xi8, #tpu.memory_space<vmem>>) target(%dma_start3A_154 : memref<1024x64xi8, #tpu.memory_space<hbm>>) target_semaphore(%dma_start3A_152 : memref<!tpu.dma_semaphore, #tpu.memory_space<semaphore_mem>>)
    %dma_start3A_159 = arith.constant 0 : i32
    %dma_start3A_160 = arith.constant 0 : i32
    %dma_start3A_161 = arith.constant 1 : i32
    %dma_start3A_162 = arith.constant 0 : i32
    %dma_start3A_163 = tpu.memref_slice %arg11[%dma_start3A_159, %dma_start3A_162] : memref<2x1024xf32, #tpu.memory_space<vmem>> -> memref<1x1024xf32, #tpu.memory_space<vmem>>
    %dma_start3A_164 = tpu.memref_squeeze %dma_start3A_163 : memref<1x1024xf32, #tpu.memory_space<vmem>> -> memref<1024xf32, #tpu.memory_space<vmem>>
    %dma_start3A_165 = tpu.memref_slice %arg7[%multiple_of3A_98] : memref<327680xf32, #tpu.memory_space<hbm>> -> memref<1024xf32, #tpu.memory_space<hbm>>
    %dma_start3A_166 = tpu.memref_slice %arg14[%dma_start3A_160, %dma_start3A_161] : memref<2x3x!tpu.dma_semaphore, #tpu.memory_space<semaphore_mem>> -> memref<1x1x!tpu.dma_semaphore, #tpu.memory_space<semaphore_mem>>
    %dma_start3A_167 = tpu.memref_squeeze %dma_start3A_166 : memref<1x1x!tpu.dma_semaphore, #tpu.memory_space<semaphore_mem>> -> memref<!tpu.dma_semaphore, #tpu.memory_space<semaphore_mem>>
    %dma_start3A_168 = tpu.memref_slice %arg7[%multiple_of3A_98] : memref<327680xf32, #tpu.memory_space<hbm>> -> memref<1024xf32, #tpu.memory_space<hbm>>
    %dma_start3A_169 = arith.constant 0 : i32
    %dma_start3A_170 = tpu.memref_slice %arg11[%dma_start3A_159, %dma_start3A_169] : memref<2x1024xf32, #tpu.memory_space<vmem>> -> memref<1x1024xf32, #tpu.memory_space<vmem>>
    %dma_start3A_171 = tpu.memref_squeeze %dma_start3A_170 : memref<1x1024xf32, #tpu.memory_space<vmem>> -> memref<1024xf32, #tpu.memory_space<vmem>>
    tpu.enqueue_dma source(%dma_start3A_171 : memref<1024xf32, #tpu.memory_space<vmem>>) target(%dma_start3A_168 : memref<1024xf32, #tpu.memory_space<hbm>>) target_semaphore(%dma_start3A_167 : memref<!tpu.dma_semaphore, #tpu.memory_space<semaphore_mem>>)
    %dma_start3A_172 = arith.constant 0 : i32
    %dma_start3A_173 = arith.constant 0 : i32
    %dma_start3A_174 = arith.constant 2 : i32
    %dma_start3A_175 = arith.constant 0 : i32
    %dma_start3A_176 = tpu.memref_slice %arg12[%dma_start3A_172, %dma_start3A_175] : memref<2x1024xf32, #tpu.memory_space<vmem>> -> memref<1x1024xf32, #tpu.memory_space<vmem>>
    %dma_start3A_177 = tpu.memref_squeeze %dma_start3A_176 : memref<1x1024xf32, #tpu.memory_space<vmem>> -> memref<1024xf32, #tpu.memory_space<vmem>>
    %dma_start3A_178 = tpu.memref_slice %arg8[%multiple_of3A_98] : memref<327680xf32, #tpu.memory_space<hbm>> -> memref<1024xf32, #tpu.memory_space<hbm>>
    %dma_start3A_179 = tpu.memref_slice %arg14[%dma_start3A_173, %dma_start3A_174] : memref<2x3x!tpu.dma_semaphore, #tpu.memory_space<semaphore_mem>> -> memref<1x1x!tpu.dma_semaphore, #tpu.memory_space<semaphore_mem>>
    %dma_start3A_180 = tpu.memref_squeeze %dma_start3A_179 : memref<1x1x!tpu.dma_semaphore, #tpu.memory_space<semaphore_mem>> -> memref<!tpu.dma_semaphore, #tpu.memory_space<semaphore_mem>>
    %dma_start3A_181 = tpu.memref_slice %arg8[%multiple_of3A_98] : memref<327680xf32, #tpu.memory_space<hbm>> -> memref<1024xf32, #tpu.memory_space<hbm>>
    %dma_start3A_182 = arith.constant 0 : i32
    %dma_start3A_183 = tpu.memref_slice %arg12[%dma_start3A_172, %dma_start3A_182] : memref<2x1024xf32, #tpu.memory_space<vmem>> -> memref<1x1024xf32, #tpu.memory_space<vmem>>
    %dma_start3A_184 = tpu.memref_squeeze %dma_start3A_183 : memref<1x1024xf32, #tpu.memory_space<vmem>> -> memref<1024xf32, #tpu.memory_space<vmem>>
    tpu.enqueue_dma source(%dma_start3A_184 : memref<1024xf32, #tpu.memory_space<vmem>>) target(%dma_start3A_181 : memref<1024xf32, #tpu.memory_space<hbm>>) target_semaphore(%dma_start3A_180 : memref<!tpu.dma_semaphore, #tpu.memory_space<semaphore_mem>>)
    %add3A_185 = arith.constant 2048 : i32
    %add3A_186 = arith.addi %mul3A_2, %add3A_185 : i32
    %multiple_of3A_187 = tpu.assume_multiple %add3A_186, 1024 : i32
    %dma_wait3A_188 = arith.constant 0 : i32
    %dma_wait3A_189 = arith.constant 0 : i32
    %dma_wait3A_190 = arith.constant 0 : i32
    %dma_wait3A_191 = arith.constant 0 : i32
    %dma_wait3A_192 = arith.constant 0 : i32
    %dma_wait3A_193 = tpu.memref_slice %arg10[%dma_wait3A_188, %dma_wait3A_191, %dma_wait3A_192] : memref<2x1024x64xi8, #tpu.memory_space<vmem>> -> memref<1x1024x64xi8, #tpu.memory_space<vmem>>
    %dma_wait3A_194 = tpu.memref_squeeze %dma_wait3A_193 : memref<1x1024x64xi8, #tpu.memory_space<vmem>> -> memref<1024x64xi8, #tpu.memory_space<vmem>>
    %dma_wait3A_195 = arith.constant 0 : i32
    %dma_wait3A_196 = tpu.memref_slice %arg6[%multiple_of3A_98, %dma_wait3A_195] : memref<327680x64xi8, #tpu.memory_space<hbm>> -> memref<1024x64xi8, #tpu.memory_space<hbm>>
    %dma_wait3A_197 = tpu.memref_slice %arg14[%dma_wait3A_189, %dma_wait3A_190] : memref<2x3x!tpu.dma_semaphore, #tpu.memory_space<semaphore_mem>> -> memref<1x1x!tpu.dma_semaphore, #tpu.memory_space<semaphore_mem>>
    %dma_wait3A_198 = tpu.memref_squeeze %dma_wait3A_197 : memref<1x1x!tpu.dma_semaphore, #tpu.memory_space<semaphore_mem>> -> memref<!tpu.dma_semaphore, #tpu.memory_space<semaphore_mem>>
    %dma_wait3A_199 = arith.constant 0 : i32
    %dma_wait3A_200 = tpu.memref_slice %arg6[%multiple_of3A_98, %dma_wait3A_199] : memref<327680x64xi8, #tpu.memory_space<hbm>> -> memref<1024x64xi8, #tpu.memory_space<hbm>>
    %dma_wait3A_201 = arith.constant 0 : i32
    %dma_wait3A_202 = arith.constant 0 : i32
    %dma_wait3A_203 = tpu.memref_slice %arg10[%dma_wait3A_188, %dma_wait3A_201, %dma_wait3A_202] : memref<2x1024x64xi8, #tpu.memory_space<vmem>> -> memref<1x1024x64xi8, #tpu.memory_space<vmem>>
    %dma_wait3A_204 = tpu.memref_squeeze %dma_wait3A_203 : memref<1x1024x64xi8, #tpu.memory_space<vmem>> -> memref<1024x64xi8, #tpu.memory_space<vmem>>
    tpu.wait_dma2 semaphore(%dma_wait3A_198 : memref<!tpu.dma_semaphore, #tpu.memory_space<semaphore_mem>>) src(%dma_wait3A_204 : memref<1024x64xi8, #tpu.memory_space<vmem>>) dst(%dma_wait3A_200 : memref<1024x64xi8, #tpu.memory_space<hbm>>)
    %dma_wait3A_205 = arith.constant 0 : i32
    %dma_wait3A_206 = arith.constant 0 : i32
    %dma_wait3A_207 = arith.constant 1 : i32
    %dma_wait3A_208 = arith.constant 0 : i32
    %dma_wait3A_209 = tpu.memref_slice %arg11[%dma_wait3A_205, %dma_wait3A_208] : memref<2x1024xf32, #tpu.memory_space<vmem>> -> memref<1x1024xf32, #tpu.memory_space<vmem>>
    %dma_wait3A_210 = tpu.memref_squeeze %dma_wait3A_209 : memref<1x1024xf32, #tpu.memory_space<vmem>> -> memref<1024xf32, #tpu.memory_space<vmem>>
    %dma_wait3A_211 = tpu.memref_slice %arg7[%multiple_of3A_98] : memref<327680xf32, #tpu.memory_space<hbm>> -> memref<1024xf32, #tpu.memory_space<hbm>>
    %dma_wait3A_212 = tpu.memref_slice %arg14[%dma_wait3A_206, %dma_wait3A_207] : memref<2x3x!tpu.dma_semaphore, #tpu.memory_space<semaphore_mem>> -> memref<1x1x!tpu.dma_semaphore, #tpu.memory_space<semaphore_mem>>
    %dma_wait3A_213 = tpu.memref_squeeze %dma_wait3A_212 : memref<1x1x!tpu.dma_semaphore, #tpu.memory_space<semaphore_mem>> -> memref<!tpu.dma_semaphore, #tpu.memory_space<semaphore_mem>>
    %dma_wait3A_214 = tpu.memref_slice %arg7[%multiple_of3A_98] : memref<327680xf32, #tpu.memory_space<hbm>> -> memref<1024xf32, #tpu.memory_space<hbm>>
    %dma_wait3A_215 = arith.constant 0 : i32
    %dma_wait3A_216 = tpu.memref_slice %arg11[%dma_wait3A_205, %dma_wait3A_215] : memref<2x1024xf32, #tpu.memory_space<vmem>> -> memref<1x1024xf32, #tpu.memory_space<vmem>>
    %dma_wait3A_217 = tpu.memref_squeeze %dma_wait3A_216 : memref<1x1024xf32, #tpu.memory_space<vmem>> -> memref<1024xf32, #tpu.memory_space<vmem>>
    tpu.wait_dma2 semaphore(%dma_wait3A_213 : memref<!tpu.dma_semaphore, #tpu.memory_space<semaphore_mem>>) src(%dma_wait3A_217 : memref<1024xf32, #tpu.memory_space<vmem>>) dst(%dma_wait3A_214 : memref<1024xf32, #tpu.memory_space<hbm>>)
    %dma_wait3A_218 = arith.constant 0 : i32
    %dma_wait3A_219 = arith.constant 0 : i32
    %dma_wait3A_220 = arith.constant 2 : i32
    %dma_wait3A_221 = arith.constant 0 : i32
    %dma_wait3A_222 = tpu.memref_slice %arg12[%dma_wait3A_218, %dma_wait3A_221] : memref<2x1024xf32, #tpu.memory_space<vmem>> -> memref<1x1024xf32, #tpu.memory_space<vmem>>
    %dma_wait3A_223 = tpu.memref_squeeze %dma_wait3A_222 : memref<1x1024xf32, #tpu.memory_space<vmem>> -> memref<1024xf32, #tpu.memory_space<vmem>>
    %dma_wait3A_224 = tpu.memref_slice %arg8[%multiple_of3A_98] : memref<327680xf32, #tpu.memory_space<hbm>> -> memref<1024xf32, #tpu.memory_space<hbm>>
    %dma_wait3A_225 = tpu.memref_slice %arg14[%dma_wait3A_219, %dma_wait3A_220] : memref<2x3x!tpu.dma_semaphore, #tpu.memory_space<semaphore_mem>> -> memref<1x1x!tpu.dma_semaphore, #tpu.memory_space<semaphore_mem>>
    %dma_wait3A_226 = tpu.memref_squeeze %dma_wait3A_225 : memref<1x1x!tpu.dma_semaphore, #tpu.memory_space<semaphore_mem>> -> memref<!tpu.dma_semaphore, #tpu.memory_space<semaphore_mem>>
    %dma_wait3A_227 = tpu.memref_slice %arg8[%multiple_of3A_98] : memref<327680xf32, #tpu.memory_space<hbm>> -> memref<1024xf32, #tpu.memory_space<hbm>>
    %dma_wait3A_228 = arith.constant 0 : i32
    %dma_wait3A_229 = tpu.memref_slice %arg12[%dma_wait3A_218, %dma_wait3A_228] : memref<2x1024xf32, #tpu.memory_space<vmem>> -> memref<1x1024xf32, #tpu.memory_space<vmem>>
    %dma_wait3A_230 = tpu.memref_squeeze %dma_wait3A_229 : memref<1x1024xf32, #tpu.memory_space<vmem>> -> memref<1024xf32, #tpu.memory_space<vmem>>
    tpu.wait_dma2 semaphore(%dma_wait3A_226 : memref<!tpu.dma_semaphore, #tpu.memory_space<semaphore_mem>>) src(%dma_wait3A_230 : memref<1024xf32, #tpu.memory_space<vmem>>) dst(%dma_wait3A_227 : memref<1024xf32, #tpu.memory_space<hbm>>)
    %run_scoped3A_231 = arith.constant 0 : i32
    "tpu.region"() ({
      %run_scoped3A_1809 = tpu.sem_alloc : memref<!tpu.dma_semaphore, #tpu.memory_space<semaphore_mem>>
      %dma_start3A_1810 = arith.constant 0 : i32
      %dma_start3A_1811 = tpu.memref_slice %arg9[%run_scoped3A_231, %dma_start3A_1810] : memref<2x1024xi32, #tpu.memory_space<vmem>> -> memref<1x1024xi32, #tpu.memory_space<vmem>>
      %dma_start3A_1812 = tpu.memref_squeeze %dma_start3A_1811 : memref<1x1024xi32, #tpu.memory_space<vmem>> -> memref<1024xi32, #tpu.memory_space<vmem>>
      %dma_start3A_1813 = tpu.memref_slice %arg2[%multiple_of3A_187] : memref<327680xi32, #tpu.memory_space<hbm>> -> memref<1024xi32, #tpu.memory_space<hbm>>
      %dma_start3A_1814 = arith.constant 0 : i32
      %dma_start3A_1815 = tpu.memref_slice %arg9[%run_scoped3A_231, %dma_start3A_1814] : memref<2x1024xi32, #tpu.memory_space<vmem>> -> memref<1x1024xi32, #tpu.memory_space<vmem>>
      %dma_start3A_1816 = tpu.memref_squeeze %dma_start3A_1815 : memref<1x1024xi32, #tpu.memory_space<vmem>> -> memref<1024xi32, #tpu.memory_space<vmem>>
      %dma_start3A_1817 = tpu.memref_slice %arg2[%multiple_of3A_187] : memref<327680xi32, #tpu.memory_space<hbm>> -> memref<1024xi32, #tpu.memory_space<hbm>>
      tpu.enqueue_dma source(%dma_start3A_1817 : memref<1024xi32, #tpu.memory_space<hbm>>) target(%dma_start3A_1816 : memref<1024xi32, #tpu.memory_space<vmem>>) target_semaphore(%run_scoped3A_1809 : memref<!tpu.dma_semaphore, #tpu.memory_space<semaphore_mem>>)
      %dma_wait3A_1818 = arith.constant 0 : i32
      %dma_wait3A_1819 = tpu.memref_slice %arg9[%run_scoped3A_231, %dma_wait3A_1818] : memref<2x1024xi32, #tpu.memory_space<vmem>> -> memref<1x1024xi32, #tpu.memory_space<vmem>>
      %dma_wait3A_1820 = tpu.memref_squeeze %dma_wait3A_1819 : memref<1x1024xi32, #tpu.memory_space<vmem>> -> memref<1024xi32, #tpu.memory_space<vmem>>
      %dma_wait3A_1821 = tpu.memref_slice %arg2[%multiple_of3A_187] : memref<327680xi32, #tpu.memory_space<hbm>> -> memref<1024xi32, #tpu.memory_space<hbm>>
      %dma_wait3A_1822 = arith.constant 0 : i32
      %dma_wait3A_1823 = tpu.memref_slice %arg9[%run_scoped3A_231, %dma_wait3A_1822] : memref<2x1024xi32, #tpu.memory_space<vmem>> -> memref<1x1024xi32, #tpu.memory_space<vmem>>
      %dma_wait3A_1824 = tpu.memref_squeeze %dma_wait3A_1823 : memref<1x1024xi32, #tpu.memory_space<vmem>> -> memref<1024xi32, #tpu.memory_space<vmem>>
      %dma_wait3A_1825 = tpu.memref_slice %arg2[%multiple_of3A_187] : memref<327680xi32, #tpu.memory_space<hbm>> -> memref<1024xi32, #tpu.memory_space<hbm>>
      tpu.wait_dma2 semaphore(%run_scoped3A_1809 : memref<!tpu.dma_semaphore, #tpu.memory_space<semaphore_mem>>) src(%dma_wait3A_1825 : memref<1024xi32, #tpu.memory_space<hbm>>) dst(%dma_wait3A_1824 : memref<1024xi32, #tpu.memory_space<vmem>>)
      tpu.yield
    }) : () -> ()
    %dma_start3A_232 = arith.constant 0 : i32
    %dma_start3A_233 = arith.constant 0 : i32
    %dma_start3A_234 = arith.constant 0 : i32
    %dma_start3A_235 = arith.constant 0 : i32
    %dma_start3A_236 = arith.constant 0 : i32
    %dma_start3A_237 = arith.constant 0 : i32
    %dma_start3A_238 = tpu.memref_slice %arg10[%dma_start3A_233, %dma_start3A_236, %dma_start3A_237] : memref<2x1024x64xi8, #tpu.memory_space<vmem>> -> memref<1x1024x64xi8, #tpu.memory_space<vmem>>
    %dma_start3A_239 = tpu.memref_squeeze %dma_start3A_238 : memref<1x1024x64xi8, #tpu.memory_space<vmem>> -> memref<1024x64xi8, #tpu.memory_space<vmem>>
    %dma_start3A_240 = arith.constant 0 : i32
    %dma_start3A_241 = tpu.memref_slice %arg9[%dma_start3A_232, %dma_start3A_240] : memref<2x1024xi32, #tpu.memory_space<vmem>> -> memref<1x1024xi32, #tpu.memory_space<vmem>>
    %dma_start3A_242 = tpu.memref_squeeze %dma_start3A_241 : memref<1x1024xi32, #tpu.memory_space<vmem>> -> memref<1024xi32, #tpu.memory_space<vmem>>
    %dma_start3A_243 = arith.constant 0 : i32
    %dma_start3A_244 = arith.constant 0 : i32
    %dma_start3A_245 = tpu.memref_slice %arg3[%dma_start3A_243, %dma_start3A_244] : memref<1000000x64xi8, #tpu.memory_space<hbm>> -> memref<1000000x64xi8, #tpu.memory_space<hbm>>
    %dma_start3A_246 = tpu.memref_slice %arg13[%dma_start3A_234, %dma_start3A_235] : memref<2x3x!tpu.dma_semaphore, #tpu.memory_space<semaphore_mem>> -> memref<1x1x!tpu.dma_semaphore, #tpu.memory_space<semaphore_mem>>
    %dma_start3A_247 = tpu.memref_squeeze %dma_start3A_246 : memref<1x1x!tpu.dma_semaphore, #tpu.memory_space<semaphore_mem>> -> memref<!tpu.dma_semaphore, #tpu.memory_space<semaphore_mem>>
    tpu.enqueue_indirect_dma source(%dma_start3A_245 : memref<1000000x64xi8, #tpu.memory_space<hbm>>) target(%dma_start3A_239 : memref<1024x64xi8, #tpu.memory_space<vmem>>) offsets(%dma_start3A_242 : memref<1024xi32, #tpu.memory_space<vmem>>) semaphore(%dma_start3A_247 : memref<!tpu.dma_semaphore, #tpu.memory_space<semaphore_mem>>)
    %dma_start3A_248 = arith.constant 0 : i32
    %dma_start3A_249 = arith.constant 0 : i32
    %dma_start3A_250 = arith.constant 0 : i32
    %dma_start3A_251 = arith.constant 1 : i32
    %dma_start3A_252 = arith.constant 0 : i32
    %dma_start3A_253 = tpu.memref_slice %arg11[%dma_start3A_249, %dma_start3A_252] : memref<2x1024xf32, #tpu.memory_space<vmem>> -> memref<1x1024xf32, #tpu.memory_space<vmem>>
    %dma_start3A_254 = tpu.memref_squeeze %dma_start3A_253 : memref<1x1024xf32, #tpu.memory_space<vmem>> -> memref<1024xf32, #tpu.memory_space<vmem>>
    %dma_start3A_255 = arith.constant 0 : i32
    %dma_start3A_256 = tpu.memref_slice %arg9[%dma_start3A_248, %dma_start3A_255] : memref<2x1024xi32, #tpu.memory_space<vmem>> -> memref<1x1024xi32, #tpu.memory_space<vmem>>
    %dma_start3A_257 = tpu.memref_squeeze %dma_start3A_256 : memref<1x1024xi32, #tpu.memory_space<vmem>> -> memref<1024xi32, #tpu.memory_space<vmem>>
    %dma_start3A_258 = arith.constant 0 : i32
    %dma_start3A_259 = tpu.memref_slice %arg4[%dma_start3A_258] : memref<1000000xf32, #tpu.memory_space<hbm>> -> memref<1000000xf32, #tpu.memory_space<hbm>>
    %dma_start3A_260 = tpu.memref_slice %arg13[%dma_start3A_250, %dma_start3A_251] : memref<2x3x!tpu.dma_semaphore, #tpu.memory_space<semaphore_mem>> -> memref<1x1x!tpu.dma_semaphore, #tpu.memory_space<semaphore_mem>>
    %dma_start3A_261 = tpu.memref_squeeze %dma_start3A_260 : memref<1x1x!tpu.dma_semaphore, #tpu.memory_space<semaphore_mem>> -> memref<!tpu.dma_semaphore, #tpu.memory_space<semaphore_mem>>
    tpu.enqueue_indirect_dma source(%dma_start3A_259 : memref<1000000xf32, #tpu.memory_space<hbm>>) target(%dma_start3A_254 : memref<1024xf32, #tpu.memory_space<vmem>>) offsets(%dma_start3A_257 : memref<1024xi32, #tpu.memory_space<vmem>>) semaphore(%dma_start3A_261 : memref<!tpu.dma_semaphore, #tpu.memory_space<semaphore_mem>>)
    %dma_start3A_262 = arith.constant 0 : i32
    %dma_start3A_263 = arith.constant 0 : i32
    %dma_start3A_264 = arith.constant 0 : i32
    %dma_start3A_265 = arith.constant 2 : i32
    %dma_start3A_266 = arith.constant 0 : i32
    %dma_start3A_267 = tpu.memref_slice %arg12[%dma_start3A_263, %dma_start3A_266] : memref<2x1024xf32, #tpu.memory_space<vmem>> -> memref<1x1024xf32, #tpu.memory_space<vmem>>
    %dma_start3A_268 = tpu.memref_squeeze %dma_start3A_267 : memref<1x1024xf32, #tpu.memory_space<vmem>> -> memref<1024xf32, #tpu.memory_space<vmem>>
    %dma_start3A_269 = arith.constant 0 : i32
    %dma_start3A_270 = tpu.memref_slice %arg9[%dma_start3A_262, %dma_start3A_269] : memref<2x1024xi32, #tpu.memory_space<vmem>> -> memref<1x1024xi32, #tpu.memory_space<vmem>>
    %dma_start3A_271 = tpu.memref_squeeze %dma_start3A_270 : memref<1x1024xi32, #tpu.memory_space<vmem>> -> memref<1024xi32, #tpu.memory_space<vmem>>
    %dma_start3A_272 = arith.constant 0 : i32
    %dma_start3A_273 = tpu.memref_slice %arg5[%dma_start3A_272] : memref<1000000xf32, #tpu.memory_space<hbm>> -> memref<1000000xf32, #tpu.memory_space<hbm>>
    %dma_start3A_274 = tpu.memref_slice %arg13[%dma_start3A_264, %dma_start3A_265] : memref<2x3x!tpu.dma_semaphore, #tpu.memory_space<semaphore_mem>> -> memref<1x1x!tpu.dma_semaphore, #tpu.memory_space<semaphore_mem>>
    %dma_start3A_275 = tpu.memref_squeeze %dma_start3A_274 : memref<1x1x!tpu.dma_semaphore, #tpu.memory_space<semaphore_mem>> -> memref<!tpu.dma_semaphore, #tpu.memory_space<semaphore_mem>>
    tpu.enqueue_indirect_dma source(%dma_start3A_273 : memref<1000000xf32, #tpu.memory_space<hbm>>) target(%dma_start3A_268 : memref<1024xf32, #tpu.memory_space<vmem>>) offsets(%dma_start3A_271 : memref<1024xi32, #tpu.memory_space<vmem>>) semaphore(%dma_start3A_275 : memref<!tpu.dma_semaphore, #tpu.memory_space<semaphore_mem>>)
    %add3A_276 = arith.constant 1024 : i32
    %add3A_277 = arith.addi %mul3A_2, %add3A_276 : i32
    %multiple_of3A_278 = tpu.assume_multiple %add3A_277, 1024 : i32
    %dma_wait3A_279 = arith.constant 1 : i32
    %dma_wait3A_280 = arith.constant 1 : i32
    %dma_wait3A_281 = arith.constant 1 : i32
    %dma_wait3A_282 = arith.constant 0 : i32
    %dma_wait3A_283 = arith.constant 0 : i32
    %dma_wait3A_284 = arith.constant 0 : i32
    %dma_wait3A_285 = tpu.memref_slice %arg10[%dma_wait3A_280, %dma_wait3A_283, %dma_wait3A_284] : memref<2x1024x64xi8, #tpu.memory_space<vmem>> -> memref<1x1024x64xi8, #tpu.memory_space<vmem>>
    %dma_wait3A_286 = tpu.memref_squeeze %dma_wait3A_285 : memref<1x1024x64xi8, #tpu.memory_space<vmem>> -> memref<1024x64xi8, #tpu.memory_space<vmem>>
    %dma_wait3A_287 = arith.constant 0 : i32
    %dma_wait3A_288 = tpu.memref_slice %arg9[%dma_wait3A_279, %dma_wait3A_287] : memref<2x1024xi32, #tpu.memory_space<vmem>> -> memref<1x1024xi32, #tpu.memory_space<vmem>>
    %dma_wait3A_289 = tpu.memref_squeeze %dma_wait3A_288 : memref<1x1024xi32, #tpu.memory_space<vmem>> -> memref<1024xi32, #tpu.memory_space<vmem>>
    %dma_wait3A_290 = arith.constant 0 : i32
    %dma_wait3A_291 = arith.constant 0 : i32
    %dma_wait3A_292 = tpu.memref_slice %arg3[%dma_wait3A_290, %dma_wait3A_291] : memref<1000000x64xi8, #tpu.memory_space<hbm>> -> memref<1000000x64xi8, #tpu.memory_space<hbm>>
    %dma_wait3A_293 = tpu.memref_slice %arg13[%dma_wait3A_281, %dma_wait3A_282] : memref<2x3x!tpu.dma_semaphore, #tpu.memory_space<semaphore_mem>> -> memref<1x1x!tpu.dma_semaphore, #tpu.memory_space<semaphore_mem>>
    %dma_wait3A_294 = tpu.memref_squeeze %dma_wait3A_293 : memref<1x1x!tpu.dma_semaphore, #tpu.memory_space<semaphore_mem>> -> memref<!tpu.dma_semaphore, #tpu.memory_space<semaphore_mem>>
    tpu.wait_indirect_dma semaphore(%dma_wait3A_294 : memref<!tpu.dma_semaphore, #tpu.memory_space<semaphore_mem>>) src(%dma_wait3A_292 : memref<1000000x64xi8, #tpu.memory_space<hbm>>) dst(%dma_wait3A_286 : memref<1024x64xi8, #tpu.memory_space<vmem>>)
    %dma_wait3A_295 = arith.constant 1 : i32
    %dma_wait3A_296 = arith.constant 1 : i32
    %dma_wait3A_297 = arith.constant 1 : i32
    %dma_wait3A_298 = arith.constant 1 : i32
    %dma_wait3A_299 = arith.constant 0 : i32
    %dma_wait3A_300 = tpu.memref_slice %arg11[%dma_wait3A_296, %dma_wait3A_299] : memref<2x1024xf32, #tpu.memory_space<vmem>> -> memref<1x1024xf32, #tpu.memory_space<vmem>>
    %dma_wait3A_301 = tpu.memref_squeeze %dma_wait3A_300 : memref<1x1024xf32, #tpu.memory_space<vmem>> -> memref<1024xf32, #tpu.memory_space<vmem>>
    %dma_wait3A_302 = arith.constant 0 : i32
    %dma_wait3A_303 = tpu.memref_slice %arg9[%dma_wait3A_295, %dma_wait3A_302] : memref<2x1024xi32, #tpu.memory_space<vmem>> -> memref<1x1024xi32, #tpu.memory_space<vmem>>
    %dma_wait3A_304 = tpu.memref_squeeze %dma_wait3A_303 : memref<1x1024xi32, #tpu.memory_space<vmem>> -> memref<1024xi32, #tpu.memory_space<vmem>>
    %dma_wait3A_305 = arith.constant 0 : i32
    %dma_wait3A_306 = tpu.memref_slice %arg4[%dma_wait3A_305] : memref<1000000xf32, #tpu.memory_space<hbm>> -> memref<1000000xf32, #tpu.memory_space<hbm>>
    %dma_wait3A_307 = tpu.memref_slice %arg13[%dma_wait3A_297, %dma_wait3A_298] : memref<2x3x!tpu.dma_semaphore, #tpu.memory_space<semaphore_mem>> -> memref<1x1x!tpu.dma_semaphore, #tpu.memory_space<semaphore_mem>>
    %dma_wait3A_308 = tpu.memref_squeeze %dma_wait3A_307 : memref<1x1x!tpu.dma_semaphore, #tpu.memory_space<semaphore_mem>> -> memref<!tpu.dma_semaphore, #tpu.memory_space<semaphore_mem>>
    tpu.wait_indirect_dma semaphore(%dma_wait3A_308 : memref<!tpu.dma_semaphore, #tpu.memory_space<semaphore_mem>>) src(%dma_wait3A_306 : memref<1000000xf32, #tpu.memory_space<hbm>>) dst(%dma_wait3A_301 : memref<1024xf32, #tpu.memory_space<vmem>>)
    %dma_wait3A_309 = arith.constant 1 : i32
    %dma_wait3A_310 = arith.constant 1 : i32
    %dma_wait3A_311 = arith.constant 1 : i32
    %dma_wait3A_312 = arith.constant 2 : i32
    %dma_wait3A_313 = arith.constant 0 : i32
    %dma_wait3A_314 = tpu.memref_slice %arg12[%dma_wait3A_310, %dma_wait3A_313] : memref<2x1024xf32, #tpu.memory_space<vmem>> -> memref<1x1024xf32, #tpu.memory_space<vmem>>
    %dma_wait3A_315 = tpu.memref_squeeze %dma_wait3A_314 : memref<1x1024xf32, #tpu.memory_space<vmem>> -> memref<1024xf32, #tpu.memory_space<vmem>>
    %dma_wait3A_316 = arith.constant 0 : i32
    %dma_wait3A_317 = tpu.memref_slice %arg9[%dma_wait3A_309, %dma_wait3A_316] : memref<2x1024xi32, #tpu.memory_space<vmem>> -> memref<1x1024xi32, #tpu.memory_space<vmem>>
    %dma_wait3A_318 = tpu.memref_squeeze %dma_wait3A_317 : memref<1x1024xi32, #tpu.memory_space<vmem>> -> memref<1024xi32, #tpu.memory_space<vmem>>
    %dma_wait3A_319 = arith.constant 0 : i32
    %dma_wait3A_320 = tpu.memref_slice %arg5[%dma_wait3A_319] : memref<1000000xf32, #tpu.memory_space<hbm>> -> memref<1000000xf32, #tpu.memory_space<hbm>>
    %dma_wait3A_321 = tpu.memref_slice %arg13[%dma_wait3A_311, %dma_wait3A_312] : memref<2x3x!tpu.dma_semaphore, #tpu.memory_space<semaphore_mem>> -> memref<1x1x!tpu.dma_semaphore, #tpu.memory_space<semaphore_mem>>
    %dma_wait3A_322 = tpu.memref_squeeze %dma_wait3A_321 : memref<1x1x!tpu.dma_semaphore, #tpu.memory_space<semaphore_mem>> -> memref<!tpu.dma_semaphore, #tpu.memory_space<semaphore_mem>>
    tpu.wait_indirect_dma semaphore(%dma_wait3A_322 : memref<!tpu.dma_semaphore, #tpu.memory_space<semaphore_mem>>) src(%dma_wait3A_320 : memref<1000000xf32, #tpu.memory_space<hbm>>) dst(%dma_wait3A_315 : memref<1024xf32, #tpu.memory_space<vmem>>)
    %dma_start3A_323 = arith.constant 1 : i32
    %dma_start3A_324 = arith.constant 1 : i32
    %dma_start3A_325 = arith.constant 0 : i32
    %dma_start3A_326 = arith.constant 0 : i32
    %dma_start3A_327 = arith.constant 0 : i32
    %dma_start3A_328 = tpu.memref_slice %arg10[%dma_start3A_323, %dma_start3A_326, %dma_start3A_327] : memref<2x1024x64xi8, #tpu.memory_space<vmem>> -> memref<1x1024x64xi8, #tpu.memory_space<vmem>>
    %dma_start3A_329 = tpu.memref_squeeze %dma_start3A_328 : memref<1x1024x64xi8, #tpu.memory_space<vmem>> -> memref<1024x64xi8, #tpu.memory_space<vmem>>
    %dma_start3A_330 = arith.constant 0 : i32
    %dma_start3A_331 = tpu.memref_slice %arg6[%multiple_of3A_278, %dma_start3A_330] : memref<327680x64xi8, #tpu.memory_space<hbm>> -> memref<1024x64xi8, #tpu.memory_space<hbm>>
    %dma_start3A_332 = tpu.memref_slice %arg14[%dma_start3A_324, %dma_start3A_325] : memref<2x3x!tpu.dma_semaphore, #tpu.memory_space<semaphore_mem>> -> memref<1x1x!tpu.dma_semaphore, #tpu.memory_space<semaphore_mem>>
    %dma_start3A_333 = tpu.memref_squeeze %dma_start3A_332 : memref<1x1x!tpu.dma_semaphore, #tpu.memory_space<semaphore_mem>> -> memref<!tpu.dma_semaphore, #tpu.memory_space<semaphore_mem>>
    %dma_start3A_334 = arith.constant 0 : i32
    %dma_start3A_335 = tpu.memref_slice %arg6[%multiple_of3A_278, %dma_start3A_334] : memref<327680x64xi8, #tpu.memory_space<hbm>> -> memref<1024x64xi8, #tpu.memory_space<hbm>>
    %dma_start3A_336 = arith.constant 0 : i32
    %dma_start3A_337 = arith.constant 0 : i32
    %dma_start3A_338 = tpu.memref_slice %arg10[%dma_start3A_323, %dma_start3A_336, %dma_start3A_337] : memref<2x1024x64xi8, #tpu.memory_space<vmem>> -> memref<1x1024x64xi8, #tpu.memory_space<vmem>>
    %dma_start3A_339 = tpu.memref_squeeze %dma_start3A_338 : memref<1x1024x64xi8, #tpu.memory_space<vmem>> -> memref<1024x64xi8, #tpu.memory_space<vmem>>
    tpu.enqueue_dma source(%dma_start3A_339 : memref<1024x64xi8, #tpu.memory_space<vmem>>) target(%dma_start3A_335 : memref<1024x64xi8, #tpu.memory_space<hbm>>) target_semaphore(%dma_start3A_333 : memref<!tpu.dma_semaphore, #tpu.memory_space<semaphore_mem>>)
    %dma_start3A_340 = arith.constant 1 : i32
    %dma_start3A_341 = arith.constant 1 : i32
    %dma_start3A_342 = arith.constant 1 : i32
    %dma_start3A_343 = arith.constant 0 : i32
    %dma_start3A_344 = tpu.memref_slice %arg11[%dma_start3A_340, %dma_start3A_343] : memref<2x1024xf32, #tpu.memory_space<vmem>> -> memref<1x1024xf32, #tpu.memory_space<vmem>>
    %dma_start3A_345 = tpu.memref_squeeze %dma_start3A_344 : memref<1x1024xf32, #tpu.memory_space<vmem>> -> memref<1024xf32, #tpu.memory_space<vmem>>
    %dma_start3A_346 = tpu.memref_slice %arg7[%multiple_of3A_278] : memref<327680xf32, #tpu.memory_space<hbm>> -> memref<1024xf32, #tpu.memory_space<hbm>>
    %dma_start3A_347 = tpu.memref_slice %arg14[%dma_start3A_341, %dma_start3A_342] : memref<2x3x!tpu.dma_semaphore, #tpu.memory_space<semaphore_mem>> -> memref<1x1x!tpu.dma_semaphore, #tpu.memory_space<semaphore_mem>>
    %dma_start3A_348 = tpu.memref_squeeze %dma_start3A_347 : memref<1x1x!tpu.dma_semaphore, #tpu.memory_space<semaphore_mem>> -> memref<!tpu.dma_semaphore, #tpu.memory_space<semaphore_mem>>
    %dma_start3A_349 = tpu.memref_slice %arg7[%multiple_of3A_278] : memref<327680xf32, #tpu.memory_space<hbm>> -> memref<1024xf32, #tpu.memory_space<hbm>>
    %dma_start3A_350 = arith.constant 0 : i32
    %dma_start3A_351 = tpu.memref_slice %arg11[%dma_start3A_340, %dma_start3A_350] : memref<2x1024xf32, #tpu.memory_space<vmem>> -> memref<1x1024xf32, #tpu.memory_space<vmem>>
    %dma_start3A_352 = tpu.memref_squeeze %dma_start3A_351 : memref<1x1024xf32, #tpu.memory_space<vmem>> -> memref<1024xf32, #tpu.memory_space<vmem>>
    tpu.enqueue_dma source(%dma_start3A_352 : memref<1024xf32, #tpu.memory_space<vmem>>) target(%dma_start3A_349 : memref<1024xf32, #tpu.memory_space<hbm>>) target_semaphore(%dma_start3A_348 : memref<!tpu.dma_semaphore, #tpu.memory_space<semaphore_mem>>)
    %dma_start3A_353 = arith.constant 1 : i32
    %dma_start3A_354 = arith.constant 1 : i32
    %dma_start3A_355 = arith.constant 2 : i32
    %dma_start3A_356 = arith.constant 0 : i32
    %dma_start3A_357 = tpu.memref_slice %arg12[%dma_start3A_353, %dma_start3A_356] : memref<2x1024xf32, #tpu.memory_space<vmem>> -> memref<1x1024xf32, #tpu.memory_space<vmem>>
    %dma_start3A_358 = tpu.memref_squeeze %dma_start3A_357 : memref<1x1024xf32, #tpu.memory_space<vmem>> -> memref<1024xf32, #tpu.memory_space<vmem>>
    %dma_start3A_359 = tpu.memref_slice %arg8[%multiple_of3A_278] : memref<327680xf32, #tpu.memory_space<hbm>> -> memref<1024xf32, #tpu.memory_space<hbm>>
    %dma_start3A_360 = tpu.memref_slice %arg14[%dma_start3A_354, %dma_start3A_355] : memref<2x3x!tpu.dma_semaphore, #tpu.memory_space<semaphore_mem>> -> memref<1x1x!tpu.dma_semaphore, #tpu.memory_space<semaphore_mem>>
    %dma_start3A_361 = tpu.memref_squeeze %dma_start3A_360 : memref<1x1x!tpu.dma_semaphore, #tpu.memory_space<semaphore_mem>> -> memref<!tpu.dma_semaphore, #tpu.memory_space<semaphore_mem>>
    %dma_start3A_362 = tpu.memref_slice %arg8[%multiple_of3A_278] : memref<327680xf32, #tpu.memory_space<hbm>> -> memref<1024xf32, #tpu.memory_space<hbm>>
    %dma_start3A_363 = arith.constant 0 : i32
    %dma_start3A_364 = tpu.memref_slice %arg12[%dma_start3A_353, %dma_start3A_363] : memref<2x1024xf32, #tpu.memory_space<vmem>> -> memref<1x1024xf32, #tpu.memory_space<vmem>>
    %dma_start3A_365 = tpu.memref_squeeze %dma_start3A_364 : memref<1x1024xf32, #tpu.memory_space<vmem>> -> memref<1024xf32, #tpu.memory_space<vmem>>
    tpu.enqueue_dma source(%dma_start3A_365 : memref<1024xf32, #tpu.memory_space<vmem>>) target(%dma_start3A_362 : memref<1024xf32, #tpu.memory_space<hbm>>) target_semaphore(%dma_start3A_361 : memref<!tpu.dma_semaphore, #tpu.memory_space<semaphore_mem>>)
    %add3A_366 = arith.constant 3072 : i32
    %add3A_367 = arith.addi %mul3A_2, %add3A_366 : i32
    %multiple_of3A_368 = tpu.assume_multiple %add3A_367, 1024 : i32
    %dma_wait3A_369 = arith.constant 1 : i32
    %dma_wait3A_370 = arith.constant 1 : i32
    %dma_wait3A_371 = arith.constant 0 : i32
    %dma_wait3A_372 = arith.constant 0 : i32
    %dma_wait3A_373 = arith.constant 0 : i32
    %dma_wait3A_374 = tpu.memref_slice %arg10[%dma_wait3A_369, %dma_wait3A_372, %dma_wait3A_373] : memref<2x1024x64xi8, #tpu.memory_space<vmem>> -> memref<1x1024x64xi8, #tpu.memory_space<vmem>>
    %dma_wait3A_375 = tpu.memref_squeeze %dma_wait3A_374 : memref<1x1024x64xi8, #tpu.memory_space<vmem>> -> memref<1024x64xi8, #tpu.memory_space<vmem>>
    %dma_wait3A_376 = arith.constant 0 : i32
    %dma_wait3A_377 = tpu.memref_slice %arg6[%multiple_of3A_278, %dma_wait3A_376] : memref<327680x64xi8, #tpu.memory_space<hbm>> -> memref<1024x64xi8, #tpu.memory_space<hbm>>
    %dma_wait3A_378 = tpu.memref_slice %arg14[%dma_wait3A_370, %dma_wait3A_371] : memref<2x3x!tpu.dma_semaphore, #tpu.memory_space<semaphore_mem>> -> memref<1x1x!tpu.dma_semaphore, #tpu.memory_space<semaphore_mem>>
    %dma_wait3A_379 = tpu.memref_squeeze %dma_wait3A_378 : memref<1x1x!tpu.dma_semaphore, #tpu.memory_space<semaphore_mem>> -> memref<!tpu.dma_semaphore, #tpu.memory_space<semaphore_mem>>
    %dma_wait3A_380 = arith.constant 0 : i32
    %dma_wait3A_381 = tpu.memref_slice %arg6[%multiple_of3A_278, %dma_wait3A_380] : memref<327680x64xi8, #tpu.memory_space<hbm>> -> memref<1024x64xi8, #tpu.memory_space<hbm>>
    %dma_wait3A_382 = arith.constant 0 : i32
    %dma_wait3A_383 = arith.constant 0 : i32
    %dma_wait3A_384 = tpu.memref_slice %arg10[%dma_wait3A_369, %dma_wait3A_382, %dma_wait3A_383] : memref<2x1024x64xi8, #tpu.memory_space<vmem>> -> memref<1x1024x64xi8, #tpu.memory_space<vmem>>
    %dma_wait3A_385 = tpu.memref_squeeze %dma_wait3A_384 : memref<1x1024x64xi8, #tpu.memory_space<vmem>> -> memref<1024x64xi8, #tpu.memory_space<vmem>>
    tpu.wait_dma2 semaphore(%dma_wait3A_379 : memref<!tpu.dma_semaphore, #tpu.memory_space<semaphore_mem>>) src(%dma_wait3A_385 : memref<1024x64xi8, #tpu.memory_space<vmem>>) dst(%dma_wait3A_381 : memref<1024x64xi8, #tpu.memory_space<hbm>>)
    %dma_wait3A_386 = arith.constant 1 : i32
    %dma_wait3A_387 = arith.constant 1 : i32
    %dma_wait3A_388 = arith.constant 1 : i32
    %dma_wait3A_389 = arith.constant 0 : i32
    %dma_wait3A_390 = tpu.memref_slice %arg11[%dma_wait3A_386, %dma_wait3A_389] : memref<2x1024xf32, #tpu.memory_space<vmem>> -> memref<1x1024xf32, #tpu.memory_space<vmem>>
    %dma_wait3A_391 = tpu.memref_squeeze %dma_wait3A_390 : memref<1x1024xf32, #tpu.memory_space<vmem>> -> memref<1024xf32, #tpu.memory_space<vmem>>
    %dma_wait3A_392 = tpu.memref_slice %arg7[%multiple_of3A_278] : memref<327680xf32, #tpu.memory_space<hbm>> -> memref<1024xf32, #tpu.memory_space<hbm>>
    %dma_wait3A_393 = tpu.memref_slice %arg14[%dma_wait3A_387, %dma_wait3A_388] : memref<2x3x!tpu.dma_semaphore, #tpu.memory_space<semaphore_mem>> -> memref<1x1x!tpu.dma_semaphore, #tpu.memory_space<semaphore_mem>>
    %dma_wait3A_394 = tpu.memref_squeeze %dma_wait3A_393 : memref<1x1x!tpu.dma_semaphore, #tpu.memory_space<semaphore_mem>> -> memref<!tpu.dma_semaphore, #tpu.memory_space<semaphore_mem>>
    %dma_wait3A_395 = tpu.memref_slice %arg7[%multiple_of3A_278] : memref<327680xf32, #tpu.memory_space<hbm>> -> memref<1024xf32, #tpu.memory_space<hbm>>
    %dma_wait3A_396 = arith.constant 0 : i32
    %dma_wait3A_397 = tpu.memref_slice %arg11[%dma_wait3A_386, %dma_wait3A_396] : memref<2x1024xf32, #tpu.memory_space<vmem>> -> memref<1x1024xf32, #tpu.memory_space<vmem>>
    %dma_wait3A_398 = tpu.memref_squeeze %dma_wait3A_397 : memref<1x1024xf32, #tpu.memory_space<vmem>> -> memref<1024xf32, #tpu.memory_space<vmem>>
    tpu.wait_dma2 semaphore(%dma_wait3A_394 : memref<!tpu.dma_semaphore, #tpu.memory_space<semaphore_mem>>) src(%dma_wait3A_398 : memref<1024xf32, #tpu.memory_space<vmem>>) dst(%dma_wait3A_395 : memref<1024xf32, #tpu.memory_space<hbm>>)
    %dma_wait3A_399 = arith.constant 1 : i32
    %dma_wait3A_400 = arith.constant 1 : i32
    %dma_wait3A_401 = arith.constant 2 : i32
    %dma_wait3A_402 = arith.constant 0 : i32
    %dma_wait3A_403 = tpu.memref_slice %arg12[%dma_wait3A_399, %dma_wait3A_402] : memref<2x1024xf32, #tpu.memory_space<vmem>> -> memref<1x1024xf32, #tpu.memory_space<vmem>>
    %dma_wait3A_404 = tpu.memref_squeeze %dma_wait3A_403 : memref<1x1024xf32, #tpu.memory_space<vmem>> -> memref<1024xf32, #tpu.memory_space<vmem>>
    %dma_wait3A_405 = tpu.memref_slice %arg8[%multiple_of3A_278] : memref<327680xf32, #tpu.memory_space<hbm>> -> memref<1024xf32, #tpu.memory_space<hbm>>
    %dma_wait3A_406 = tpu.memref_slice %arg14[%dma_wait3A_400, %dma_wait3A_401] : memref<2x3x!tpu.dma_semaphore, #tpu.memory_space<semaphore_mem>> -> memref<1x1x!tpu.dma_semaphore, #tpu.memory_space<semaphore_mem>>
    %dma_wait3A_407 = tpu.memref_squeeze %dma_wait3A_406 : memref<1x1x!tpu.dma_semaphore, #tpu.memory_space<semaphore_mem>> -> memref<!tpu.dma_semaphore, #tpu.memory_space<semaphore_mem>>
    %dma_wait3A_408 = tpu.memref_slice %arg8[%multiple_of3A_278] : memref<327680xf32, #tpu.memory_space<hbm>> -> memref<1024xf32, #tpu.memory_space<hbm>>
    %dma_wait3A_409 = arith.constant 0 : i32
    %dma_wait3A_410 = tpu.memref_slice %arg12[%dma_wait3A_399, %dma_wait3A_409] : memref<2x1024xf32, #tpu.memory_space<vmem>> -> memref<1x1024xf32, #tpu.memory_space<vmem>>
    %dma_wait3A_411 = tpu.memref_squeeze %dma_wait3A_410 : memref<1x1024xf32, #tpu.memory_space<vmem>> -> memref<1024xf32, #tpu.memory_space<vmem>>
    tpu.wait_dma2 semaphore(%dma_wait3A_407 : memref<!tpu.dma_semaphore, #tpu.memory_space<semaphore_mem>>) src(%dma_wait3A_411 : memref<1024xf32, #tpu.memory_space<vmem>>) dst(%dma_wait3A_408 : memref<1024xf32, #tpu.memory_space<hbm>>)
    %run_scoped3A_412 = arith.constant 1 : i32
    "tpu.region"() ({
      %run_scoped3A_1809 = tpu.sem_alloc : memref<!tpu.dma_semaphore, #tpu.memory_space<semaphore_mem>>
      %dma_start3A_1810 = arith.constant 0 : i32
      %dma_start3A_1811 = tpu.memref_slice %arg9[%run_scoped3A_412, %dma_start3A_1810] : memref<2x1024xi32, #tpu.memory_space<vmem>> -> memref<1x1024xi32, #tpu.memory_space<vmem>>
      %dma_start3A_1812 = tpu.memref_squeeze %dma_start3A_1811 : memref<1x1024xi32, #tpu.memory_space<vmem>> -> memref<1024xi32, #tpu.memory_space<vmem>>
      %dma_start3A_1813 = tpu.memref_slice %arg2[%multiple_of3A_368] : memref<327680xi32, #tpu.memory_space<hbm>> -> memref<1024xi32, #tpu.memory_space<hbm>>
      %dma_start3A_1814 = arith.constant 0 : i32
      %dma_start3A_1815 = tpu.memref_slice %arg9[%run_scoped3A_412, %dma_start3A_1814] : memref<2x1024xi32, #tpu.memory_space<vmem>> -> memref<1x1024xi32, #tpu.memory_space<vmem>>
      %dma_start3A_1816 = tpu.memref_squeeze %dma_start3A_1815 : memref<1x1024xi32, #tpu.memory_space<vmem>> -> memref<1024xi32, #tpu.memory_space<vmem>>
      %dma_start3A_1817 = tpu.memref_slice %arg2[%multiple_of3A_368] : memref<327680xi32, #tpu.memory_space<hbm>> -> memref<1024xi32, #tpu.memory_space<hbm>>
      tpu.enqueue_dma source(%dma_start3A_1817 : memref<1024xi32, #tpu.memory_space<hbm>>) target(%dma_start3A_1816 : memref<1024xi32, #tpu.memory_space<vmem>>) target_semaphore(%run_scoped3A_1809 : memref<!tpu.dma_semaphore, #tpu.memory_space<semaphore_mem>>)
      %dma_wait3A_1818 = arith.constant 0 : i32
      %dma_wait3A_1819 = tpu.memref_slice %arg9[%run_scoped3A_412, %dma_wait3A_1818] : memref<2x1024xi32, #tpu.memory_space<vmem>> -> memref<1x1024xi32, #tpu.memory_space<vmem>>
      %dma_wait3A_1820 = tpu.memref_squeeze %dma_wait3A_1819 : memref<1x1024xi32, #tpu.memory_space<vmem>> -> memref<1024xi32, #tpu.memory_space<vmem>>
      %dma_wait3A_1821 = tpu.memref_slice %arg2[%multiple_of3A_368] : memref<327680xi32, #tpu.memory_space<hbm>> -> memref<1024xi32, #tpu.memory_space<hbm>>
      %dma_wait3A_1822 = arith.constant 0 : i32
      %dma_wait3A_1823 = tpu.memref_slice %arg9[%run_scoped3A_412, %dma_wait3A_1822] : memref<2x1024xi32, #tpu.memory_space<vmem>> -> memref<1x1024xi32, #tpu.memory_space<vmem>>
      %dma_wait3A_1824 = tpu.memref_squeeze %dma_wait3A_1823 : memref<1x1024xi32, #tpu.memory_space<vmem>> -> memref<1024xi32, #tpu.memory_space<vmem>>
      %dma_wait3A_1825 = tpu.memref_slice %arg2[%multiple_of3A_368] : memref<327680xi32, #tpu.memory_space<hbm>> -> memref<1024xi32, #tpu.memory_space<hbm>>
      tpu.wait_dma2 semaphore(%run_scoped3A_1809 : memref<!tpu.dma_semaphore, #tpu.memory_space<semaphore_mem>>) src(%dma_wait3A_1825 : memref<1024xi32, #tpu.memory_space<hbm>>) dst(%dma_wait3A_1824 : memref<1024xi32, #tpu.memory_space<vmem>>)
      tpu.yield
    }) : () -> ()
    %dma_start3A_413 = arith.constant 1 : i32
    %dma_start3A_414 = arith.constant 1 : i32
    %dma_start3A_415 = arith.constant 1 : i32
    %dma_start3A_416 = arith.constant 0 : i32
    %dma_start3A_417 = arith.constant 0 : i32
    %dma_start3A_418 = arith.constant 0 : i32
    %dma_start3A_419 = tpu.memref_slice %arg10[%dma_start3A_414, %dma_start3A_417, %dma_start3A_418] : memref<2x1024x64xi8, #tpu.memory_space<vmem>> -> memref<1x1024x64xi8, #tpu.memory_space<vmem>>
    %dma_start3A_420 = tpu.memref_squeeze %dma_start3A_419 : memref<1x1024x64xi8, #tpu.memory_space<vmem>> -> memref<1024x64xi8, #tpu.memory_space<vmem>>
    %dma_start3A_421 = arith.constant 0 : i32
    %dma_start3A_422 = tpu.memref_slice %arg9[%dma_start3A_413, %dma_start3A_421] : memref<2x1024xi32, #tpu.memory_space<vmem>> -> memref<1x1024xi32, #tpu.memory_space<vmem>>
    %dma_start3A_423 = tpu.memref_squeeze %dma_start3A_422 : memref<1x1024xi32, #tpu.memory_space<vmem>> -> memref<1024xi32, #tpu.memory_space<vmem>>
    %dma_start3A_424 = arith.constant 0 : i32
    %dma_start3A_425 = arith.constant 0 : i32
    %dma_start3A_426 = tpu.memref_slice %arg3[%dma_start3A_424, %dma_start3A_425] : memref<1000000x64xi8, #tpu.memory_space<hbm>> -> memref<1000000x64xi8, #tpu.memory_space<hbm>>
    %dma_start3A_427 = tpu.memref_slice %arg13[%dma_start3A_415, %dma_start3A_416] : memref<2x3x!tpu.dma_semaphore, #tpu.memory_space<semaphore_mem>> -> memref<1x1x!tpu.dma_semaphore, #tpu.memory_space<semaphore_mem>>
    %dma_start3A_428 = tpu.memref_squeeze %dma_start3A_427 : memref<1x1x!tpu.dma_semaphore, #tpu.memory_space<semaphore_mem>> -> memref<!tpu.dma_semaphore, #tpu.memory_space<semaphore_mem>>
    tpu.enqueue_indirect_dma source(%dma_start3A_426 : memref<1000000x64xi8, #tpu.memory_space<hbm>>) target(%dma_start3A_420 : memref<1024x64xi8, #tpu.memory_space<vmem>>) offsets(%dma_start3A_423 : memref<1024xi32, #tpu.memory_space<vmem>>) semaphore(%dma_start3A_428 : memref<!tpu.dma_semaphore, #tpu.memory_space<semaphore_mem>>)
    %dma_start3A_429 = arith.constant 1 : i32
    %dma_start3A_430 = arith.constant 1 : i32
    %dma_start3A_431 = arith.constant 1 : i32
    %dma_start3A_432 = arith.constant 1 : i32
    %dma_start3A_433 = arith.constant 0 : i32
    %dma_start3A_434 = tpu.memref_slice %arg11[%dma_start3A_430, %dma_start3A_433] : memref<2x1024xf32, #tpu.memory_space<vmem>> -> memref<1x1024xf32, #tpu.memory_space<vmem>>
    %dma_start3A_435 = tpu.memref_squeeze %dma_start3A_434 : memref<1x1024xf32, #tpu.memory_space<vmem>> -> memref<1024xf32, #tpu.memory_space<vmem>>
    %dma_start3A_436 = arith.constant 0 : i32
    %dma_start3A_437 = tpu.memref_slice %arg9[%dma_start3A_429, %dma_start3A_436] : memref<2x1024xi32, #tpu.memory_space<vmem>> -> memref<1x1024xi32, #tpu.memory_space<vmem>>
    %dma_start3A_438 = tpu.memref_squeeze %dma_start3A_437 : memref<1x1024xi32, #tpu.memory_space<vmem>> -> memref<1024xi32, #tpu.memory_space<vmem>>
    %dma_start3A_439 = arith.constant 0 : i32
    %dma_start3A_440 = tpu.memref_slice %arg4[%dma_start3A_439] : memref<1000000xf32, #tpu.memory_space<hbm>> -> memref<1000000xf32, #tpu.memory_space<hbm>>
    %dma_start3A_441 = tpu.memref_slice %arg13[%dma_start3A_431, %dma_start3A_432] : memref<2x3x!tpu.dma_semaphore, #tpu.memory_space<semaphore_mem>> -> memref<1x1x!tpu.dma_semaphore, #tpu.memory_space<semaphore_mem>>
    %dma_start3A_442 = tpu.memref_squeeze %dma_start3A_441 : memref<1x1x!tpu.dma_semaphore, #tpu.memory_space<semaphore_mem>> -> memref<!tpu.dma_semaphore, #tpu.memory_space<semaphore_mem>>
    tpu.enqueue_indirect_dma source(%dma_start3A_440 : memref<1000000xf32, #tpu.memory_space<hbm>>) target(%dma_start3A_435 : memref<1024xf32, #tpu.memory_space<vmem>>) offsets(%dma_start3A_438 : memref<1024xi32, #tpu.memory_space<vmem>>) semaphore(%dma_start3A_442 : memref<!tpu.dma_semaphore, #tpu.memory_space<semaphore_mem>>)
    %dma_start3A_443 = arith.constant 1 : i32
    %dma_start3A_444 = arith.constant 1 : i32
    %dma_start3A_445 = arith.constant 1 : i32
    %dma_start3A_446 = arith.constant 2 : i32
    %dma_start3A_447 = arith.constant 0 : i32
    %dma_start3A_448 = tpu.memref_slice %arg12[%dma_start3A_444, %dma_start3A_447] : memref<2x1024xf32, #tpu.memory_space<vmem>> -> memref<1x1024xf32, #tpu.memory_space<vmem>>
    %dma_start3A_449 = tpu.memref_squeeze %dma_start3A_448 : memref<1x1024xf32, #tpu.memory_space<vmem>> -> memref<1024xf32, #tpu.memory_space<vmem>>
    %dma_start3A_450 = arith.constant 0 : i32
    %dma_start3A_451 = tpu.memref_slice %arg9[%dma_start3A_443, %dma_start3A_450] : memref<2x1024xi32, #tpu.memory_space<vmem>> -> memref<1x1024xi32, #tpu.memory_space<vmem>>
    %dma_start3A_452 = tpu.memref_squeeze %dma_start3A_451 : memref<1x1024xi32, #tpu.memory_space<vmem>> -> memref<1024xi32, #tpu.memory_space<vmem>>
    %dma_start3A_453 = arith.constant 0 : i32
    %dma_start3A_454 = tpu.memref_slice %arg5[%dma_start3A_453] : memref<1000000xf32, #tpu.memory_space<hbm>> -> memref<1000000xf32, #tpu.memory_space<hbm>>
    %dma_start3A_455 = tpu.memref_slice %arg13[%dma_start3A_445, %dma_start3A_446] : memref<2x3x!tpu.dma_semaphore, #tpu.memory_space<semaphore_mem>> -> memref<1x1x!tpu.dma_semaphore, #tpu.memory_space<semaphore_mem>>
    %dma_start3A_456 = tpu.memref_squeeze %dma_start3A_455 : memref<1x1x!tpu.dma_semaphore, #tpu.memory_space<semaphore_mem>> -> memref<!tpu.dma_semaphore, #tpu.memory_space<semaphore_mem>>
    tpu.enqueue_indirect_dma source(%dma_start3A_454 : memref<1000000xf32, #tpu.memory_space<hbm>>) target(%dma_start3A_449 : memref<1024xf32, #tpu.memory_space<vmem>>) offsets(%dma_start3A_452 : memref<1024xi32, #tpu.memory_space<vmem>>) semaphore(%dma_start3A_456 : memref<!tpu.dma_semaphore, #tpu.memory_space<semaphore_mem>>)
    %add3A_457 = arith.constant 2048 : i32
    %add3A_458 = arith.addi %mul3A_2, %add3A_457 : i32
    %multiple_of3A_459 = tpu.assume_multiple %add3A_458, 1024 : i32
    %dma_wait3A_460 = arith.constant 0 : i32
    %dma_wait3A_461 = arith.constant 0 : i32
    %dma_wait3A_462 = arith.constant 0 : i32
    %dma_wait3A_463 = arith.constant 0 : i32
    %dma_wait3A_464 = arith.constant 0 : i32
    %dma_wait3A_465 = arith.constant 0 : i32
    %dma_wait3A_466 = tpu.memref_slice %arg10[%dma_wait3A_461, %dma_wait3A_464, %dma_wait3A_465] : memref<2x1024x64xi8, #tpu.memory_space<vmem>> -> memref<1x1024x64xi8, #tpu.memory_space<vmem>>
    %dma_wait3A_467 = tpu.memref_squeeze %dma_wait3A_466 : memref<1x1024x64xi8, #tpu.memory_space<vmem>> -> memref<1024x64xi8, #tpu.memory_space<vmem>>
    %dma_wait3A_468 = arith.constant 0 : i32
    %dma_wait3A_469 = tpu.memref_slice %arg9[%dma_wait3A_460, %dma_wait3A_468] : memref<2x1024xi32, #tpu.memory_space<vmem>> -> memref<1x1024xi32, #tpu.memory_space<vmem>>
    %dma_wait3A_470 = tpu.memref_squeeze %dma_wait3A_469 : memref<1x1024xi32, #tpu.memory_space<vmem>> -> memref<1024xi32, #tpu.memory_space<vmem>>
    %dma_wait3A_471 = arith.constant 0 : i32
    %dma_wait3A_472 = arith.constant 0 : i32
    %dma_wait3A_473 = tpu.memref_slice %arg3[%dma_wait3A_471, %dma_wait3A_472] : memref<1000000x64xi8, #tpu.memory_space<hbm>> -> memref<1000000x64xi8, #tpu.memory_space<hbm>>
    %dma_wait3A_474 = tpu.memref_slice %arg13[%dma_wait3A_462, %dma_wait3A_463] : memref<2x3x!tpu.dma_semaphore, #tpu.memory_space<semaphore_mem>> -> memref<1x1x!tpu.dma_semaphore, #tpu.memory_space<semaphore_mem>>
    %dma_wait3A_475 = tpu.memref_squeeze %dma_wait3A_474 : memref<1x1x!tpu.dma_semaphore, #tpu.memory_space<semaphore_mem>> -> memref<!tpu.dma_semaphore, #tpu.memory_space<semaphore_mem>>
    tpu.wait_indirect_dma semaphore(%dma_wait3A_475 : memref<!tpu.dma_semaphore, #tpu.memory_space<semaphore_mem>>) src(%dma_wait3A_473 : memref<1000000x64xi8, #tpu.memory_space<hbm>>) dst(%dma_wait3A_467 : memref<1024x64xi8, #tpu.memory_space<vmem>>)
    %dma_wait3A_476 = arith.constant 0 : i32
    %dma_wait3A_477 = arith.constant 0 : i32
    %dma_wait3A_478 = arith.constant 0 : i32
    %dma_wait3A_479 = arith.constant 1 : i32
    %dma_wait3A_480 = arith.constant 0 : i32
    %dma_wait3A_481 = tpu.memref_slice %arg11[%dma_wait3A_477, %dma_wait3A_480] : memref<2x1024xf32, #tpu.memory_space<vmem>> -> memref<1x1024xf32, #tpu.memory_space<vmem>>
    %dma_wait3A_482 = tpu.memref_squeeze %dma_wait3A_481 : memref<1x1024xf32, #tpu.memory_space<vmem>> -> memref<1024xf32, #tpu.memory_space<vmem>>
    %dma_wait3A_483 = arith.constant 0 : i32
    %dma_wait3A_484 = tpu.memref_slice %arg9[%dma_wait3A_476, %dma_wait3A_483] : memref<2x1024xi32, #tpu.memory_space<vmem>> -> memref<1x1024xi32, #tpu.memory_space<vmem>>
    %dma_wait3A_485 = tpu.memref_squeeze %dma_wait3A_484 : memref<1x1024xi32, #tpu.memory_space<vmem>> -> memref<1024xi32, #tpu.memory_space<vmem>>
    %dma_wait3A_486 = arith.constant 0 : i32
    %dma_wait3A_487 = tpu.memref_slice %arg4[%dma_wait3A_486] : memref<1000000xf32, #tpu.memory_space<hbm>> -> memref<1000000xf32, #tpu.memory_space<hbm>>
    %dma_wait3A_488 = tpu.memref_slice %arg13[%dma_wait3A_478, %dma_wait3A_479] : memref<2x3x!tpu.dma_semaphore, #tpu.memory_space<semaphore_mem>> -> memref<1x1x!tpu.dma_semaphore, #tpu.memory_space<semaphore_mem>>
    %dma_wait3A_489 = tpu.memref_squeeze %dma_wait3A_488 : memref<1x1x!tpu.dma_semaphore, #tpu.memory_space<semaphore_mem>> -> memref<!tpu.dma_semaphore, #tpu.memory_space<semaphore_mem>>
    tpu.wait_indirect_dma semaphore(%dma_wait3A_489 : memref<!tpu.dma_semaphore, #tpu.memory_space<semaphore_mem>>) src(%dma_wait3A_487 : memref<1000000xf32, #tpu.memory_space<hbm>>) dst(%dma_wait3A_482 : memref<1024xf32, #tpu.memory_space<vmem>>)
    %dma_wait3A_490 = arith.constant 0 : i32
    %dma_wait3A_491 = arith.constant 0 : i32
    %dma_wait3A_492 = arith.constant 0 : i32
    %dma_wait3A_493 = arith.constant 2 : i32
    %dma_wait3A_494 = arith.constant 0 : i32
    %dma_wait3A_495 = tpu.memref_slice %arg12[%dma_wait3A_491, %dma_wait3A_494] : memref<2x1024xf32, #tpu.memory_space<vmem>> -> memref<1x1024xf32, #tpu.memory_space<vmem>>
    %dma_wait3A_496 = tpu.memref_squeeze %dma_wait3A_495 : memref<1x1024xf32, #tpu.memory_space<vmem>> -> memref<1024xf32, #tpu.memory_space<vmem>>
    %dma_wait3A_497 = arith.constant 0 : i32
    %dma_wait3A_498 = tpu.memref_slice %arg9[%dma_wait3A_490, %dma_wait3A_497] : memref<2x1024xi32, #tpu.memory_space<vmem>> -> memref<1x1024xi32, #tpu.memory_space<vmem>>
    %dma_wait3A_499 = tpu.memref_squeeze %dma_wait3A_498 : memref<1x1024xi32, #tpu.memory_space<vmem>> -> memref<1024xi32, #tpu.memory_space<vmem>>
    %dma_wait3A_500 = arith.constant 0 : i32
    %dma_wait3A_501 = tpu.memref_slice %arg5[%dma_wait3A_500] : memref<1000000xf32, #tpu.memory_space<hbm>> -> memref<1000000xf32, #tpu.memory_space<hbm>>
    %dma_wait3A_502 = tpu.memref_slice %arg13[%dma_wait3A_492, %dma_wait3A_493] : memref<2x3x!tpu.dma_semaphore, #tpu.memory_space<semaphore_mem>> -> memref<1x1x!tpu.dma_semaphore, #tpu.memory_space<semaphore_mem>>
    %dma_wait3A_503 = tpu.memref_squeeze %dma_wait3A_502 : memref<1x1x!tpu.dma_semaphore, #tpu.memory_space<semaphore_mem>> -> memref<!tpu.dma_semaphore, #tpu.memory_space<semaphore_mem>>
    tpu.wait_indirect_dma semaphore(%dma_wait3A_503 : memref<!tpu.dma_semaphore, #tpu.memory_space<semaphore_mem>>) src(%dma_wait3A_501 : memref<1000000xf32, #tpu.memory_space<hbm>>) dst(%dma_wait3A_496 : memref<1024xf32, #tpu.memory_space<vmem>>)
    %dma_start3A_504 = arith.constant 0 : i32
    %dma_start3A_505 = arith.constant 0 : i32
    %dma_start3A_506 = arith.constant 0 : i32
    %dma_start3A_507 = arith.constant 0 : i32
    %dma_start3A_508 = arith.constant 0 : i32
    %dma_start3A_509 = tpu.memref_slice %arg10[%dma_start3A_504, %dma_start3A_507, %dma_start3A_508] : memref<2x1024x64xi8, #tpu.memory_space<vmem>> -> memref<1x1024x64xi8, #tpu.memory_space<vmem>>
    %dma_start3A_510 = tpu.memref_squeeze %dma_start3A_509 : memref<1x1024x64xi8, #tpu.memory_space<vmem>> -> memref<1024x64xi8, #tpu.memory_space<vmem>>
    %dma_start3A_511 = arith.constant 0 : i32
    %dma_start3A_512 = tpu.memref_slice %arg6[%multiple_of3A_459, %dma_start3A_511] : memref<327680x64xi8, #tpu.memory_space<hbm>> -> memref<1024x64xi8, #tpu.memory_space<hbm>>
    %dma_start3A_513 = tpu.memref_slice %arg14[%dma_start3A_505, %dma_start3A_506] : memref<2x3x!tpu.dma_semaphore, #tpu.memory_space<semaphore_mem>> -> memref<1x1x!tpu.dma_semaphore, #tpu.memory_space<semaphore_mem>>
    %dma_start3A_514 = tpu.memref_squeeze %dma_start3A_513 : memref<1x1x!tpu.dma_semaphore, #tpu.memory_space<semaphore_mem>> -> memref<!tpu.dma_semaphore, #tpu.memory_space<semaphore_mem>>
    %dma_start3A_515 = arith.constant 0 : i32
    %dma_start3A_516 = tpu.memref_slice %arg6[%multiple_of3A_459, %dma_start3A_515] : memref<327680x64xi8, #tpu.memory_space<hbm>> -> memref<1024x64xi8, #tpu.memory_space<hbm>>
    %dma_start3A_517 = arith.constant 0 : i32
    %dma_start3A_518 = arith.constant 0 : i32
    %dma_start3A_519 = tpu.memref_slice %arg10[%dma_start3A_504, %dma_start3A_517, %dma_start3A_518] : memref<2x1024x64xi8, #tpu.memory_space<vmem>> -> memref<1x1024x64xi8, #tpu.memory_space<vmem>>
    %dma_start3A_520 = tpu.memref_squeeze %dma_start3A_519 : memref<1x1024x64xi8, #tpu.memory_space<vmem>> -> memref<1024x64xi8, #tpu.memory_space<vmem>>
    tpu.enqueue_dma source(%dma_start3A_520 : memref<1024x64xi8, #tpu.memory_space<vmem>>) target(%dma_start3A_516 : memref<1024x64xi8, #tpu.memory_space<hbm>>) target_semaphore(%dma_start3A_514 : memref<!tpu.dma_semaphore, #tpu.memory_space<semaphore_mem>>)
    %dma_start3A_521 = arith.constant 0 : i32
    %dma_start3A_522 = arith.constant 0 : i32
    %dma_start3A_523 = arith.constant 1 : i32
    %dma_start3A_524 = arith.constant 0 : i32
    %dma_start3A_525 = tpu.memref_slice %arg11[%dma_start3A_521, %dma_start3A_524] : memref<2x1024xf32, #tpu.memory_space<vmem>> -> memref<1x1024xf32, #tpu.memory_space<vmem>>
    %dma_start3A_526 = tpu.memref_squeeze %dma_start3A_525 : memref<1x1024xf32, #tpu.memory_space<vmem>> -> memref<1024xf32, #tpu.memory_space<vmem>>
    %dma_start3A_527 = tpu.memref_slice %arg7[%multiple_of3A_459] : memref<327680xf32, #tpu.memory_space<hbm>> -> memref<1024xf32, #tpu.memory_space<hbm>>
    %dma_start3A_528 = tpu.memref_slice %arg14[%dma_start3A_522, %dma_start3A_523] : memref<2x3x!tpu.dma_semaphore, #tpu.memory_space<semaphore_mem>> -> memref<1x1x!tpu.dma_semaphore, #tpu.memory_space<semaphore_mem>>
    %dma_start3A_529 = tpu.memref_squeeze %dma_start3A_528 : memref<1x1x!tpu.dma_semaphore, #tpu.memory_space<semaphore_mem>> -> memref<!tpu.dma_semaphore, #tpu.memory_space<semaphore_mem>>
    %dma_start3A_530 = tpu.memref_slice %arg7[%multiple_of3A_459] : memref<327680xf32, #tpu.memory_space<hbm>> -> memref<1024xf32, #tpu.memory_space<hbm>>
    %dma_start3A_531 = arith.constant 0 : i32
    %dma_start3A_532 = tpu.memref_slice %arg11[%dma_start3A_521, %dma_start3A_531] : memref<2x1024xf32, #tpu.memory_space<vmem>> -> memref<1x1024xf32, #tpu.memory_space<vmem>>
    %dma_start3A_533 = tpu.memref_squeeze %dma_start3A_532 : memref<1x1024xf32, #tpu.memory_space<vmem>> -> memref<1024xf32, #tpu.memory_space<vmem>>
    tpu.enqueue_dma source(%dma_start3A_533 : memref<1024xf32, #tpu.memory_space<vmem>>) target(%dma_start3A_530 : memref<1024xf32, #tpu.memory_space<hbm>>) target_semaphore(%dma_start3A_529 : memref<!tpu.dma_semaphore, #tpu.memory_space<semaphore_mem>>)
    %dma_start3A_534 = arith.constant 0 : i32
    %dma_start3A_535 = arith.constant 0 : i32
    %dma_start3A_536 = arith.constant 2 : i32
    %dma_start3A_537 = arith.constant 0 : i32
    %dma_start3A_538 = tpu.memref_slice %arg12[%dma_start3A_534, %dma_start3A_537] : memref<2x1024xf32, #tpu.memory_space<vmem>> -> memref<1x1024xf32, #tpu.memory_space<vmem>>
    %dma_start3A_539 = tpu.memref_squeeze %dma_start3A_538 : memref<1x1024xf32, #tpu.memory_space<vmem>> -> memref<1024xf32, #tpu.memory_space<vmem>>
    %dma_start3A_540 = tpu.memref_slice %arg8[%multiple_of3A_459] : memref<327680xf32, #tpu.memory_space<hbm>> -> memref<1024xf32, #tpu.memory_space<hbm>>
    %dma_start3A_541 = tpu.memref_slice %arg14[%dma_start3A_535, %dma_start3A_536] : memref<2x3x!tpu.dma_semaphore, #tpu.memory_space<semaphore_mem>> -> memref<1x1x!tpu.dma_semaphore, #tpu.memory_space<semaphore_mem>>
    %dma_start3A_542 = tpu.memref_squeeze %dma_start3A_541 : memref<1x1x!tpu.dma_semaphore, #tpu.memory_space<semaphore_mem>> -> memref<!tpu.dma_semaphore, #tpu.memory_space<semaphore_mem>>
    %dma_start3A_543 = tpu.memref_slice %arg8[%multiple_of3A_459] : memref<327680xf32, #tpu.memory_space<hbm>> -> memref<1024xf32, #tpu.memory_space<hbm>>
    %dma_start3A_544 = arith.constant 0 : i32
    %dma_start3A_545 = tpu.memref_slice %arg12[%dma_start3A_534, %dma_start3A_544] : memref<2x1024xf32, #tpu.memory_space<vmem>> -> memref<1x1024xf32, #tpu.memory_space<vmem>>
    %dma_start3A_546 = tpu.memref_squeeze %dma_start3A_545 : memref<1x1024xf32, #tpu.memory_space<vmem>> -> memref<1024xf32, #tpu.memory_space<vmem>>
    tpu.enqueue_dma source(%dma_start3A_546 : memref<1024xf32, #tpu.memory_space<vmem>>) target(%dma_start3A_543 : memref<1024xf32, #tpu.memory_space<hbm>>) target_semaphore(%dma_start3A_542 : memref<!tpu.dma_semaphore, #tpu.memory_space<semaphore_mem>>)
    %add3A_547 = arith.constant 4096 : i32
    %add3A_548 = arith.addi %mul3A_2, %add3A_547 : i32
    %multiple_of3A_549 = tpu.assume_multiple %add3A_548, 1024 : i32
    %dma_wait3A_550 = arith.constant 0 : i32
    %dma_wait3A_551 = arith.constant 0 : i32
    %dma_wait3A_552 = arith.constant 0 : i32
    %dma_wait3A_553 = arith.constant 0 : i32
    %dma_wait3A_554 = arith.constant 0 : i32
    %dma_wait3A_555 = tpu.memref_slice %arg10[%dma_wait3A_550, %dma_wait3A_553, %dma_wait3A_554] : memref<2x1024x64xi8, #tpu.memory_space<vmem>> -> memref<1x1024x64xi8, #tpu.memory_space<vmem>>
    %dma_wait3A_556 = tpu.memref_squeeze %dma_wait3A_555 : memref<1x1024x64xi8, #tpu.memory_space<vmem>> -> memref<1024x64xi8, #tpu.memory_space<vmem>>
    %dma_wait3A_557 = arith.constant 0 : i32
    %dma_wait3A_558 = tpu.memref_slice %arg6[%multiple_of3A_459, %dma_wait3A_557] : memref<327680x64xi8, #tpu.memory_space<hbm>> -> memref<1024x64xi8, #tpu.memory_space<hbm>>
    %dma_wait3A_559 = tpu.memref_slice %arg14[%dma_wait3A_551, %dma_wait3A_552] : memref<2x3x!tpu.dma_semaphore, #tpu.memory_space<semaphore_mem>> -> memref<1x1x!tpu.dma_semaphore, #tpu.memory_space<semaphore_mem>>
    %dma_wait3A_560 = tpu.memref_squeeze %dma_wait3A_559 : memref<1x1x!tpu.dma_semaphore, #tpu.memory_space<semaphore_mem>> -> memref<!tpu.dma_semaphore, #tpu.memory_space<semaphore_mem>>
    %dma_wait3A_561 = arith.constant 0 : i32
    %dma_wait3A_562 = tpu.memref_slice %arg6[%multiple_of3A_459, %dma_wait3A_561] : memref<327680x64xi8, #tpu.memory_space<hbm>> -> memref<1024x64xi8, #tpu.memory_space<hbm>>
    %dma_wait3A_563 = arith.constant 0 : i32
    %dma_wait3A_564 = arith.constant 0 : i32
    %dma_wait3A_565 = tpu.memref_slice %arg10[%dma_wait3A_550, %dma_wait3A_563, %dma_wait3A_564] : memref<2x1024x64xi8, #tpu.memory_space<vmem>> -> memref<1x1024x64xi8, #tpu.memory_space<vmem>>
    %dma_wait3A_566 = tpu.memref_squeeze %dma_wait3A_565 : memref<1x1024x64xi8, #tpu.memory_space<vmem>> -> memref<1024x64xi8, #tpu.memory_space<vmem>>
    tpu.wait_dma2 semaphore(%dma_wait3A_560 : memref<!tpu.dma_semaphore, #tpu.memory_space<semaphore_mem>>) src(%dma_wait3A_566 : memref<1024x64xi8, #tpu.memory_space<vmem>>) dst(%dma_wait3A_562 : memref<1024x64xi8, #tpu.memory_space<hbm>>)
    %dma_wait3A_567 = arith.constant 0 : i32
    %dma_wait3A_568 = arith.constant 0 : i32
    %dma_wait3A_569 = arith.constant 1 : i32
    %dma_wait3A_570 = arith.constant 0 : i32
    %dma_wait3A_571 = tpu.memref_slice %arg11[%dma_wait3A_567, %dma_wait3A_570] : memref<2x1024xf32, #tpu.memory_space<vmem>> -> memref<1x1024xf32, #tpu.memory_space<vmem>>
    %dma_wait3A_572 = tpu.memref_squeeze %dma_wait3A_571 : memref<1x1024xf32, #tpu.memory_space<vmem>> -> memref<1024xf32, #tpu.memory_space<vmem>>
    %dma_wait3A_573 = tpu.memref_slice %arg7[%multiple_of3A_459] : memref<327680xf32, #tpu.memory_space<hbm>> -> memref<1024xf32, #tpu.memory_space<hbm>>
    %dma_wait3A_574 = tpu.memref_slice %arg14[%dma_wait3A_568, %dma_wait3A_569] : memref<2x3x!tpu.dma_semaphore, #tpu.memory_space<semaphore_mem>> -> memref<1x1x!tpu.dma_semaphore, #tpu.memory_space<semaphore_mem>>
    %dma_wait3A_575 = tpu.memref_squeeze %dma_wait3A_574 : memref<1x1x!tpu.dma_semaphore, #tpu.memory_space<semaphore_mem>> -> memref<!tpu.dma_semaphore, #tpu.memory_space<semaphore_mem>>
    %dma_wait3A_576 = tpu.memref_slice %arg7[%multiple_of3A_459] : memref<327680xf32, #tpu.memory_space<hbm>> -> memref<1024xf32, #tpu.memory_space<hbm>>
    %dma_wait3A_577 = arith.constant 0 : i32
    %dma_wait3A_578 = tpu.memref_slice %arg11[%dma_wait3A_567, %dma_wait3A_577] : memref<2x1024xf32, #tpu.memory_space<vmem>> -> memref<1x1024xf32, #tpu.memory_space<vmem>>
    %dma_wait3A_579 = tpu.memref_squeeze %dma_wait3A_578 : memref<1x1024xf32, #tpu.memory_space<vmem>> -> memref<1024xf32, #tpu.memory_space<vmem>>
    tpu.wait_dma2 semaphore(%dma_wait3A_575 : memref<!tpu.dma_semaphore, #tpu.memory_space<semaphore_mem>>) src(%dma_wait3A_579 : memref<1024xf32, #tpu.memory_space<vmem>>) dst(%dma_wait3A_576 : memref<1024xf32, #tpu.memory_space<hbm>>)
    %dma_wait3A_580 = arith.constant 0 : i32
    %dma_wait3A_581 = arith.constant 0 : i32
    %dma_wait3A_582 = arith.constant 2 : i32
    %dma_wait3A_583 = arith.constant 0 : i32
    %dma_wait3A_584 = tpu.memref_slice %arg12[%dma_wait3A_580, %dma_wait3A_583] : memref<2x1024xf32, #tpu.memory_space<vmem>> -> memref<1x1024xf32, #tpu.memory_space<vmem>>
    %dma_wait3A_585 = tpu.memref_squeeze %dma_wait3A_584 : memref<1x1024xf32, #tpu.memory_space<vmem>> -> memref<1024xf32, #tpu.memory_space<vmem>>
    %dma_wait3A_586 = tpu.memref_slice %arg8[%multiple_of3A_459] : memref<327680xf32, #tpu.memory_space<hbm>> -> memref<1024xf32, #tpu.memory_space<hbm>>
    %dma_wait3A_587 = tpu.memref_slice %arg14[%dma_wait3A_581, %dma_wait3A_582] : memref<2x3x!tpu.dma_semaphore, #tpu.memory_space<semaphore_mem>> -> memref<1x1x!tpu.dma_semaphore, #tpu.memory_space<semaphore_mem>>
    %dma_wait3A_588 = tpu.memref_squeeze %dma_wait3A_587 : memref<1x1x!tpu.dma_semaphore, #tpu.memory_space<semaphore_mem>> -> memref<!tpu.dma_semaphore, #tpu.memory_space<semaphore_mem>>
    %dma_wait3A_589 = tpu.memref_slice %arg8[%multiple_of3A_459] : memref<327680xf32, #tpu.memory_space<hbm>> -> memref<1024xf32, #tpu.memory_space<hbm>>
    %dma_wait3A_590 = arith.constant 0 : i32
    %dma_wait3A_591 = tpu.memref_slice %arg12[%dma_wait3A_580, %dma_wait3A_590] : memref<2x1024xf32, #tpu.memory_space<vmem>> -> memref<1x1024xf32, #tpu.memory_space<vmem>>
    %dma_wait3A_592 = tpu.memref_squeeze %dma_wait3A_591 : memref<1x1024xf32, #tpu.memory_space<vmem>> -> memref<1024xf32, #tpu.memory_space<vmem>>
    tpu.wait_dma2 semaphore(%dma_wait3A_588 : memref<!tpu.dma_semaphore, #tpu.memory_space<semaphore_mem>>) src(%dma_wait3A_592 : memref<1024xf32, #tpu.memory_space<vmem>>) dst(%dma_wait3A_589 : memref<1024xf32, #tpu.memory_space<hbm>>)
    %run_scoped3A_593 = arith.constant 0 : i32
    "tpu.region"() ({
      %run_scoped3A_1809 = tpu.sem_alloc : memref<!tpu.dma_semaphore, #tpu.memory_space<semaphore_mem>>
      %dma_start3A_1810 = arith.constant 0 : i32
      %dma_start3A_1811 = tpu.memref_slice %arg9[%run_scoped3A_593, %dma_start3A_1810] : memref<2x1024xi32, #tpu.memory_space<vmem>> -> memref<1x1024xi32, #tpu.memory_space<vmem>>
      %dma_start3A_1812 = tpu.memref_squeeze %dma_start3A_1811 : memref<1x1024xi32, #tpu.memory_space<vmem>> -> memref<1024xi32, #tpu.memory_space<vmem>>
      %dma_start3A_1813 = tpu.memref_slice %arg2[%multiple_of3A_549] : memref<327680xi32, #tpu.memory_space<hbm>> -> memref<1024xi32, #tpu.memory_space<hbm>>
      %dma_start3A_1814 = arith.constant 0 : i32
      %dma_start3A_1815 = tpu.memref_slice %arg9[%run_scoped3A_593, %dma_start3A_1814] : memref<2x1024xi32, #tpu.memory_space<vmem>> -> memref<1x1024xi32, #tpu.memory_space<vmem>>
      %dma_start3A_1816 = tpu.memref_squeeze %dma_start3A_1815 : memref<1x1024xi32, #tpu.memory_space<vmem>> -> memref<1024xi32, #tpu.memory_space<vmem>>
      %dma_start3A_1817 = tpu.memref_slice %arg2[%multiple_of3A_549] : memref<327680xi32, #tpu.memory_space<hbm>> -> memref<1024xi32, #tpu.memory_space<hbm>>
      tpu.enqueue_dma source(%dma_start3A_1817 : memref<1024xi32, #tpu.memory_space<hbm>>) target(%dma_start3A_1816 : memref<1024xi32, #tpu.memory_space<vmem>>) target_semaphore(%run_scoped3A_1809 : memref<!tpu.dma_semaphore, #tpu.memory_space<semaphore_mem>>)
      %dma_wait3A_1818 = arith.constant 0 : i32
      %dma_wait3A_1819 = tpu.memref_slice %arg9[%run_scoped3A_593, %dma_wait3A_1818] : memref<2x1024xi32, #tpu.memory_space<vmem>> -> memref<1x1024xi32, #tpu.memory_space<vmem>>
      %dma_wait3A_1820 = tpu.memref_squeeze %dma_wait3A_1819 : memref<1x1024xi32, #tpu.memory_space<vmem>> -> memref<1024xi32, #tpu.memory_space<vmem>>
      %dma_wait3A_1821 = tpu.memref_slice %arg2[%multiple_of3A_549] : memref<327680xi32, #tpu.memory_space<hbm>> -> memref<1024xi32, #tpu.memory_space<hbm>>
      %dma_wait3A_1822 = arith.constant 0 : i32
      %dma_wait3A_1823 = tpu.memref_slice %arg9[%run_scoped3A_593, %dma_wait3A_1822] : memref<2x1024xi32, #tpu.memory_space<vmem>> -> memref<1x1024xi32, #tpu.memory_space<vmem>>
      %dma_wait3A_1824 = tpu.memref_squeeze %dma_wait3A_1823 : memref<1x1024xi32, #tpu.memory_space<vmem>> -> memref<1024xi32, #tpu.memory_space<vmem>>
      %dma_wait3A_1825 = tpu.memref_slice %arg2[%multiple_of3A_549] : memref<327680xi32, #tpu.memory_space<hbm>> -> memref<1024xi32, #tpu.memory_space<hbm>>
      tpu.wait_dma2 semaphore(%run_scoped3A_1809 : memref<!tpu.dma_semaphore, #tpu.memory_space<semaphore_mem>>) src(%dma_wait3A_1825 : memref<1024xi32, #tpu.memory_space<hbm>>) dst(%dma_wait3A_1824 : memref<1024xi32, #tpu.memory_space<vmem>>)
      tpu.yield
    }) : () -> ()
    %dma_start3A_594 = arith.constant 0 : i32
    %dma_start3A_595 = arith.constant 0 : i32
    %dma_start3A_596 = arith.constant 0 : i32
    %dma_start3A_597 = arith.constant 0 : i32
    %dma_start3A_598 = arith.constant 0 : i32
    %dma_start3A_599 = arith.constant 0 : i32
    %dma_start3A_600 = tpu.memref_slice %arg10[%dma_start3A_595, %dma_start3A_598, %dma_start3A_599] : memref<2x1024x64xi8, #tpu.memory_space<vmem>> -> memref<1x1024x64xi8, #tpu.memory_space<vmem>>
    %dma_start3A_601 = tpu.memref_squeeze %dma_start3A_600 : memref<1x1024x64xi8, #tpu.memory_space<vmem>> -> memref<1024x64xi8, #tpu.memory_space<vmem>>
    %dma_start3A_602 = arith.constant 0 : i32
    %dma_start3A_603 = tpu.memref_slice %arg9[%dma_start3A_594, %dma_start3A_602] : memref<2x1024xi32, #tpu.memory_space<vmem>> -> memref<1x1024xi32, #tpu.memory_space<vmem>>
    %dma_start3A_604 = tpu.memref_squeeze %dma_start3A_603 : memref<1x1024xi32, #tpu.memory_space<vmem>> -> memref<1024xi32, #tpu.memory_space<vmem>>
    %dma_start3A_605 = arith.constant 0 : i32
    %dma_start3A_606 = arith.constant 0 : i32
    %dma_start3A_607 = tpu.memref_slice %arg3[%dma_start3A_605, %dma_start3A_606] : memref<1000000x64xi8, #tpu.memory_space<hbm>> -> memref<1000000x64xi8, #tpu.memory_space<hbm>>
    %dma_start3A_608 = tpu.memref_slice %arg13[%dma_start3A_596, %dma_start3A_597] : memref<2x3x!tpu.dma_semaphore, #tpu.memory_space<semaphore_mem>> -> memref<1x1x!tpu.dma_semaphore, #tpu.memory_space<semaphore_mem>>
    %dma_start3A_609 = tpu.memref_squeeze %dma_start3A_608 : memref<1x1x!tpu.dma_semaphore, #tpu.memory_space<semaphore_mem>> -> memref<!tpu.dma_semaphore, #tpu.memory_space<semaphore_mem>>
    tpu.enqueue_indirect_dma source(%dma_start3A_607 : memref<1000000x64xi8, #tpu.memory_space<hbm>>) target(%dma_start3A_601 : memref<1024x64xi8, #tpu.memory_space<vmem>>) offsets(%dma_start3A_604 : memref<1024xi32, #tpu.memory_space<vmem>>) semaphore(%dma_start3A_609 : memref<!tpu.dma_semaphore, #tpu.memory_space<semaphore_mem>>)
    %dma_start3A_610 = arith.constant 0 : i32
    %dma_start3A_611 = arith.constant 0 : i32
    %dma_start3A_612 = arith.constant 0 : i32
    %dma_start3A_613 = arith.constant 1 : i32
    %dma_start3A_614 = arith.constant 0 : i32
    %dma_start3A_615 = tpu.memref_slice %arg11[%dma_start3A_611, %dma_start3A_614] : memref<2x1024xf32, #tpu.memory_space<vmem>> -> memref<1x1024xf32, #tpu.memory_space<vmem>>
    %dma_start3A_616 = tpu.memref_squeeze %dma_start3A_615 : memref<1x1024xf32, #tpu.memory_space<vmem>> -> memref<1024xf32, #tpu.memory_space<vmem>>
    %dma_start3A_617 = arith.constant 0 : i32
    %dma_start3A_618 = tpu.memref_slice %arg9[%dma_start3A_610, %dma_start3A_617] : memref<2x1024xi32, #tpu.memory_space<vmem>> -> memref<1x1024xi32, #tpu.memory_space<vmem>>
    %dma_start3A_619 = tpu.memref_squeeze %dma_start3A_618 : memref<1x1024xi32, #tpu.memory_space<vmem>> -> memref<1024xi32, #tpu.memory_space<vmem>>
    %dma_start3A_620 = arith.constant 0 : i32
    %dma_start3A_621 = tpu.memref_slice %arg4[%dma_start3A_620] : memref<1000000xf32, #tpu.memory_space<hbm>> -> memref<1000000xf32, #tpu.memory_space<hbm>>
    %dma_start3A_622 = tpu.memref_slice %arg13[%dma_start3A_612, %dma_start3A_613] : memref<2x3x!tpu.dma_semaphore, #tpu.memory_space<semaphore_mem>> -> memref<1x1x!tpu.dma_semaphore, #tpu.memory_space<semaphore_mem>>
    %dma_start3A_623 = tpu.memref_squeeze %dma_start3A_622 : memref<1x1x!tpu.dma_semaphore, #tpu.memory_space<semaphore_mem>> -> memref<!tpu.dma_semaphore, #tpu.memory_space<semaphore_mem>>
    tpu.enqueue_indirect_dma source(%dma_start3A_621 : memref<1000000xf32, #tpu.memory_space<hbm>>) target(%dma_start3A_616 : memref<1024xf32, #tpu.memory_space<vmem>>) offsets(%dma_start3A_619 : memref<1024xi32, #tpu.memory_space<vmem>>) semaphore(%dma_start3A_623 : memref<!tpu.dma_semaphore, #tpu.memory_space<semaphore_mem>>)
    %dma_start3A_624 = arith.constant 0 : i32
    %dma_start3A_625 = arith.constant 0 : i32
    %dma_start3A_626 = arith.constant 0 : i32
    %dma_start3A_627 = arith.constant 2 : i32
    %dma_start3A_628 = arith.constant 0 : i32
    %dma_start3A_629 = tpu.memref_slice %arg12[%dma_start3A_625, %dma_start3A_628] : memref<2x1024xf32, #tpu.memory_space<vmem>> -> memref<1x1024xf32, #tpu.memory_space<vmem>>
    %dma_start3A_630 = tpu.memref_squeeze %dma_start3A_629 : memref<1x1024xf32, #tpu.memory_space<vmem>> -> memref<1024xf32, #tpu.memory_space<vmem>>
    %dma_start3A_631 = arith.constant 0 : i32
    %dma_start3A_632 = tpu.memref_slice %arg9[%dma_start3A_624, %dma_start3A_631] : memref<2x1024xi32, #tpu.memory_space<vmem>> -> memref<1x1024xi32, #tpu.memory_space<vmem>>
    %dma_start3A_633 = tpu.memref_squeeze %dma_start3A_632 : memref<1x1024xi32, #tpu.memory_space<vmem>> -> memref<1024xi32, #tpu.memory_space<vmem>>
    %dma_start3A_634 = arith.constant 0 : i32
    %dma_start3A_635 = tpu.memref_slice %arg5[%dma_start3A_634] : memref<1000000xf32, #tpu.memory_space<hbm>> -> memref<1000000xf32, #tpu.memory_space<hbm>>
    %dma_start3A_636 = tpu.memref_slice %arg13[%dma_start3A_626, %dma_start3A_627] : memref<2x3x!tpu.dma_semaphore, #tpu.memory_space<semaphore_mem>> -> memref<1x1x!tpu.dma_semaphore, #tpu.memory_space<semaphore_mem>>
    %dma_start3A_637 = tpu.memref_squeeze %dma_start3A_636 : memref<1x1x!tpu.dma_semaphore, #tpu.memory_space<semaphore_mem>> -> memref<!tpu.dma_semaphore, #tpu.memory_space<semaphore_mem>>
    tpu.enqueue_indirect_dma source(%dma_start3A_635 : memref<1000000xf32, #tpu.memory_space<hbm>>) target(%dma_start3A_630 : memref<1024xf32, #tpu.memory_space<vmem>>) offsets(%dma_start3A_633 : memref<1024xi32, #tpu.memory_space<vmem>>) semaphore(%dma_start3A_637 : memref<!tpu.dma_semaphore, #tpu.memory_space<semaphore_mem>>)
    %add3A_638 = arith.constant 3072 : i32
    %add3A_639 = arith.addi %mul3A_2, %add3A_638 : i32
    %multiple_of3A_640 = tpu.assume_multiple %add3A_639, 1024 : i32
    %dma_wait3A_641 = arith.constant 1 : i32
    %dma_wait3A_642 = arith.constant 1 : i32
    %dma_wait3A_643 = arith.constant 1 : i32
    %dma_wait3A_644 = arith.constant 0 : i32
    %dma_wait3A_645 = arith.constant 0 : i32
    %dma_wait3A_646 = arith.constant 0 : i32
    %dma_wait3A_647 = tpu.memref_slice %arg10[%dma_wait3A_642, %dma_wait3A_645, %dma_wait3A_646] : memref<2x1024x64xi8, #tpu.memory_space<vmem>> -> memref<1x1024x64xi8, #tpu.memory_space<vmem>>
    %dma_wait3A_648 = tpu.memref_squeeze %dma_wait3A_647 : memref<1x1024x64xi8, #tpu.memory_space<vmem>> -> memref<1024x64xi8, #tpu.memory_space<vmem>>
    %dma_wait3A_649 = arith.constant 0 : i32
    %dma_wait3A_650 = tpu.memref_slice %arg9[%dma_wait3A_641, %dma_wait3A_649] : memref<2x1024xi32, #tpu.memory_space<vmem>> -> memref<1x1024xi32, #tpu.memory_space<vmem>>
    %dma_wait3A_651 = tpu.memref_squeeze %dma_wait3A_650 : memref<1x1024xi32, #tpu.memory_space<vmem>> -> memref<1024xi32, #tpu.memory_space<vmem>>
    %dma_wait3A_652 = arith.constant 0 : i32
    %dma_wait3A_653 = arith.constant 0 : i32
    %dma_wait3A_654 = tpu.memref_slice %arg3[%dma_wait3A_652, %dma_wait3A_653] : memref<1000000x64xi8, #tpu.memory_space<hbm>> -> memref<1000000x64xi8, #tpu.memory_space<hbm>>
    %dma_wait3A_655 = tpu.memref_slice %arg13[%dma_wait3A_643, %dma_wait3A_644] : memref<2x3x!tpu.dma_semaphore, #tpu.memory_space<semaphore_mem>> -> memref<1x1x!tpu.dma_semaphore, #tpu.memory_space<semaphore_mem>>
    %dma_wait3A_656 = tpu.memref_squeeze %dma_wait3A_655 : memref<1x1x!tpu.dma_semaphore, #tpu.memory_space<semaphore_mem>> -> memref<!tpu.dma_semaphore, #tpu.memory_space<semaphore_mem>>
    tpu.wait_indirect_dma semaphore(%dma_wait3A_656 : memref<!tpu.dma_semaphore, #tpu.memory_space<semaphore_mem>>) src(%dma_wait3A_654 : memref<1000000x64xi8, #tpu.memory_space<hbm>>) dst(%dma_wait3A_648 : memref<1024x64xi8, #tpu.memory_space<vmem>>)
    %dma_wait3A_657 = arith.constant 1 : i32
    %dma_wait3A_658 = arith.constant 1 : i32
    %dma_wait3A_659 = arith.constant 1 : i32
    %dma_wait3A_660 = arith.constant 1 : i32
    %dma_wait3A_661 = arith.constant 0 : i32
    %dma_wait3A_662 = tpu.memref_slice %arg11[%dma_wait3A_658, %dma_wait3A_661] : memref<2x1024xf32, #tpu.memory_space<vmem>> -> memref<1x1024xf32, #tpu.memory_space<vmem>>
    %dma_wait3A_663 = tpu.memref_squeeze %dma_wait3A_662 : memref<1x1024xf32, #tpu.memory_space<vmem>> -> memref<1024xf32, #tpu.memory_space<vmem>>
    %dma_wait3A_664 = arith.constant 0 : i32
    %dma_wait3A_665 = tpu.memref_slice %arg9[%dma_wait3A_657, %dma_wait3A_664] : memref<2x1024xi32, #tpu.memory_space<vmem>> -> memref<1x1024xi32, #tpu.memory_space<vmem>>
    %dma_wait3A_666 = tpu.memref_squeeze %dma_wait3A_665 : memref<1x1024xi32, #tpu.memory_space<vmem>> -> memref<1024xi32, #tpu.memory_space<vmem>>
    %dma_wait3A_667 = arith.constant 0 : i32
    %dma_wait3A_668 = tpu.memref_slice %arg4[%dma_wait3A_667] : memref<1000000xf32, #tpu.memory_space<hbm>> -> memref<1000000xf32, #tpu.memory_space<hbm>>
    %dma_wait3A_669 = tpu.memref_slice %arg13[%dma_wait3A_659, %dma_wait3A_660] : memref<2x3x!tpu.dma_semaphore, #tpu.memory_space<semaphore_mem>> -> memref<1x1x!tpu.dma_semaphore, #tpu.memory_space<semaphore_mem>>
    %dma_wait3A_670 = tpu.memref_squeeze %dma_wait3A_669 : memref<1x1x!tpu.dma_semaphore, #tpu.memory_space<semaphore_mem>> -> memref<!tpu.dma_semaphore, #tpu.memory_space<semaphore_mem>>
    tpu.wait_indirect_dma semaphore(%dma_wait3A_670 : memref<!tpu.dma_semaphore, #tpu.memory_space<semaphore_mem>>) src(%dma_wait3A_668 : memref<1000000xf32, #tpu.memory_space<hbm>>) dst(%dma_wait3A_663 : memref<1024xf32, #tpu.memory_space<vmem>>)
    %dma_wait3A_671 = arith.constant 1 : i32
    %dma_wait3A_672 = arith.constant 1 : i32
    %dma_wait3A_673 = arith.constant 1 : i32
    %dma_wait3A_674 = arith.constant 2 : i32
    %dma_wait3A_675 = arith.constant 0 : i32
    %dma_wait3A_676 = tpu.memref_slice %arg12[%dma_wait3A_672, %dma_wait3A_675] : memref<2x1024xf32, #tpu.memory_space<vmem>> -> memref<1x1024xf32, #tpu.memory_space<vmem>>
    %dma_wait3A_677 = tpu.memref_squeeze %dma_wait3A_676 : memref<1x1024xf32, #tpu.memory_space<vmem>> -> memref<1024xf32, #tpu.memory_space<vmem>>
    %dma_wait3A_678 = arith.constant 0 : i32
    %dma_wait3A_679 = tpu.memref_slice %arg9[%dma_wait3A_671, %dma_wait3A_678] : memref<2x1024xi32, #tpu.memory_space<vmem>> -> memref<1x1024xi32, #tpu.memory_space<vmem>>
    %dma_wait3A_680 = tpu.memref_squeeze %dma_wait3A_679 : memref<1x1024xi32, #tpu.memory_space<vmem>> -> memref<1024xi32, #tpu.memory_space<vmem>>
    %dma_wait3A_681 = arith.constant 0 : i32
    %dma_wait3A_682 = tpu.memref_slice %arg5[%dma_wait3A_681] : memref<1000000xf32, #tpu.memory_space<hbm>> -> memref<1000000xf32, #tpu.memory_space<hbm>>
    %dma_wait3A_683 = tpu.memref_slice %arg13[%dma_wait3A_673, %dma_wait3A_674] : memref<2x3x!tpu.dma_semaphore, #tpu.memory_space<semaphore_mem>> -> memref<1x1x!tpu.dma_semaphore, #tpu.memory_space<semaphore_mem>>
    %dma_wait3A_684 = tpu.memref_squeeze %dma_wait3A_683 : memref<1x1x!tpu.dma_semaphore, #tpu.memory_space<semaphore_mem>> -> memref<!tpu.dma_semaphore, #tpu.memory_space<semaphore_mem>>
    tpu.wait_indirect_dma semaphore(%dma_wait3A_684 : memref<!tpu.dma_semaphore, #tpu.memory_space<semaphore_mem>>) src(%dma_wait3A_682 : memref<1000000xf32, #tpu.memory_space<hbm>>) dst(%dma_wait3A_677 : memref<1024xf32, #tpu.memory_space<vmem>>)
    %dma_start3A_685 = arith.constant 1 : i32
    %dma_start3A_686 = arith.constant 1 : i32
    %dma_start3A_687 = arith.constant 0 : i32
    %dma_start3A_688 = arith.constant 0 : i32
    %dma_start3A_689 = arith.constant 0 : i32
    %dma_start3A_690 = tpu.memref_slice %arg10[%dma_start3A_685, %dma_start3A_688, %dma_start3A_689] : memref<2x1024x64xi8, #tpu.memory_space<vmem>> -> memref<1x1024x64xi8, #tpu.memory_space<vmem>>
    %dma_start3A_691 = tpu.memref_squeeze %dma_start3A_690 : memref<1x1024x64xi8, #tpu.memory_space<vmem>> -> memref<1024x64xi8, #tpu.memory_space<vmem>>
    %dma_start3A_692 = arith.constant 0 : i32
    %dma_start3A_693 = tpu.memref_slice %arg6[%multiple_of3A_640, %dma_start3A_692] : memref<327680x64xi8, #tpu.memory_space<hbm>> -> memref<1024x64xi8, #tpu.memory_space<hbm>>
    %dma_start3A_694 = tpu.memref_slice %arg14[%dma_start3A_686, %dma_start3A_687] : memref<2x3x!tpu.dma_semaphore, #tpu.memory_space<semaphore_mem>> -> memref<1x1x!tpu.dma_semaphore, #tpu.memory_space<semaphore_mem>>
    %dma_start3A_695 = tpu.memref_squeeze %dma_start3A_694 : memref<1x1x!tpu.dma_semaphore, #tpu.memory_space<semaphore_mem>> -> memref<!tpu.dma_semaphore, #tpu.memory_space<semaphore_mem>>
    %dma_start3A_696 = arith.constant 0 : i32
    %dma_start3A_697 = tpu.memref_slice %arg6[%multiple_of3A_640, %dma_start3A_696] : memref<327680x64xi8, #tpu.memory_space<hbm>> -> memref<1024x64xi8, #tpu.memory_space<hbm>>
    %dma_start3A_698 = arith.constant 0 : i32
    %dma_start3A_699 = arith.constant 0 : i32
    %dma_start3A_700 = tpu.memref_slice %arg10[%dma_start3A_685, %dma_start3A_698, %dma_start3A_699] : memref<2x1024x64xi8, #tpu.memory_space<vmem>> -> memref<1x1024x64xi8, #tpu.memory_space<vmem>>
    %dma_start3A_701 = tpu.memref_squeeze %dma_start3A_700 : memref<1x1024x64xi8, #tpu.memory_space<vmem>> -> memref<1024x64xi8, #tpu.memory_space<vmem>>
    tpu.enqueue_dma source(%dma_start3A_701 : memref<1024x64xi8, #tpu.memory_space<vmem>>) target(%dma_start3A_697 : memref<1024x64xi8, #tpu.memory_space<hbm>>) target_semaphore(%dma_start3A_695 : memref<!tpu.dma_semaphore, #tpu.memory_space<semaphore_mem>>)
    %dma_start3A_702 = arith.constant 1 : i32
    %dma_start3A_703 = arith.constant 1 : i32
    %dma_start3A_704 = arith.constant 1 : i32
    %dma_start3A_705 = arith.constant 0 : i32
    %dma_start3A_706 = tpu.memref_slice %arg11[%dma_start3A_702, %dma_start3A_705] : memref<2x1024xf32, #tpu.memory_space<vmem>> -> memref<1x1024xf32, #tpu.memory_space<vmem>>
    %dma_start3A_707 = tpu.memref_squeeze %dma_start3A_706 : memref<1x1024xf32, #tpu.memory_space<vmem>> -> memref<1024xf32, #tpu.memory_space<vmem>>
    %dma_start3A_708 = tpu.memref_slice %arg7[%multiple_of3A_640] : memref<327680xf32, #tpu.memory_space<hbm>> -> memref<1024xf32, #tpu.memory_space<hbm>>
    %dma_start3A_709 = tpu.memref_slice %arg14[%dma_start3A_703, %dma_start3A_704] : memref<2x3x!tpu.dma_semaphore, #tpu.memory_space<semaphore_mem>> -> memref<1x1x!tpu.dma_semaphore, #tpu.memory_space<semaphore_mem>>
    %dma_start3A_710 = tpu.memref_squeeze %dma_start3A_709 : memref<1x1x!tpu.dma_semaphore, #tpu.memory_space<semaphore_mem>> -> memref<!tpu.dma_semaphore, #tpu.memory_space<semaphore_mem>>
    %dma_start3A_711 = tpu.memref_slice %arg7[%multiple_of3A_640] : memref<327680xf32, #tpu.memory_space<hbm>> -> memref<1024xf32, #tpu.memory_space<hbm>>
    %dma_start3A_712 = arith.constant 0 : i32
    %dma_start3A_713 = tpu.memref_slice %arg11[%dma_start3A_702, %dma_start3A_712] : memref<2x1024xf32, #tpu.memory_space<vmem>> -> memref<1x1024xf32, #tpu.memory_space<vmem>>
    %dma_start3A_714 = tpu.memref_squeeze %dma_start3A_713 : memref<1x1024xf32, #tpu.memory_space<vmem>> -> memref<1024xf32, #tpu.memory_space<vmem>>
    tpu.enqueue_dma source(%dma_start3A_714 : memref<1024xf32, #tpu.memory_space<vmem>>) target(%dma_start3A_711 : memref<1024xf32, #tpu.memory_space<hbm>>) target_semaphore(%dma_start3A_710 : memref<!tpu.dma_semaphore, #tpu.memory_space<semaphore_mem>>)
    %dma_start3A_715 = arith.constant 1 : i32
    %dma_start3A_716 = arith.constant 1 : i32
    %dma_start3A_717 = arith.constant 2 : i32
    %dma_start3A_718 = arith.constant 0 : i32
    %dma_start3A_719 = tpu.memref_slice %arg12[%dma_start3A_715, %dma_start3A_718] : memref<2x1024xf32, #tpu.memory_space<vmem>> -> memref<1x1024xf32, #tpu.memory_space<vmem>>
    %dma_start3A_720 = tpu.memref_squeeze %dma_start3A_719 : memref<1x1024xf32, #tpu.memory_space<vmem>> -> memref<1024xf32, #tpu.memory_space<vmem>>
    %dma_start3A_721 = tpu.memref_slice %arg8[%multiple_of3A_640] : memref<327680xf32, #tpu.memory_space<hbm>> -> memref<1024xf32, #tpu.memory_space<hbm>>
    %dma_start3A_722 = tpu.memref_slice %arg14[%dma_start3A_716, %dma_start3A_717] : memref<2x3x!tpu.dma_semaphore, #tpu.memory_space<semaphore_mem>> -> memref<1x1x!tpu.dma_semaphore, #tpu.memory_space<semaphore_mem>>
    %dma_start3A_723 = tpu.memref_squeeze %dma_start3A_722 : memref<1x1x!tpu.dma_semaphore, #tpu.memory_space<semaphore_mem>> -> memref<!tpu.dma_semaphore, #tpu.memory_space<semaphore_mem>>
    %dma_start3A_724 = tpu.memref_slice %arg8[%multiple_of3A_640] : memref<327680xf32, #tpu.memory_space<hbm>> -> memref<1024xf32, #tpu.memory_space<hbm>>
    %dma_start3A_725 = arith.constant 0 : i32
    %dma_start3A_726 = tpu.memref_slice %arg12[%dma_start3A_715, %dma_start3A_725] : memref<2x1024xf32, #tpu.memory_space<vmem>> -> memref<1x1024xf32, #tpu.memory_space<vmem>>
    %dma_start3A_727 = tpu.memref_squeeze %dma_start3A_726 : memref<1x1024xf32, #tpu.memory_space<vmem>> -> memref<1024xf32, #tpu.memory_space<vmem>>
    tpu.enqueue_dma source(%dma_start3A_727 : memref<1024xf32, #tpu.memory_space<vmem>>) target(%dma_start3A_724 : memref<1024xf32, #tpu.memory_space<hbm>>) target_semaphore(%dma_start3A_723 : memref<!tpu.dma_semaphore, #tpu.memory_space<semaphore_mem>>)
    %add3A_728 = arith.constant 5120 : i32
    %add3A_729 = arith.addi %mul3A_2, %add3A_728 : i32
    %multiple_of3A_730 = tpu.assume_multiple %add3A_729, 1024 : i32
    %dma_wait3A_731 = arith.constant 1 : i32
    %dma_wait3A_732 = arith.constant 1 : i32
    %dma_wait3A_733 = arith.constant 0 : i32
    %dma_wait3A_734 = arith.constant 0 : i32
    %dma_wait3A_735 = arith.constant 0 : i32
    %dma_wait3A_736 = tpu.memref_slice %arg10[%dma_wait3A_731, %dma_wait3A_734, %dma_wait3A_735] : memref<2x1024x64xi8, #tpu.memory_space<vmem>> -> memref<1x1024x64xi8, #tpu.memory_space<vmem>>
    %dma_wait3A_737 = tpu.memref_squeeze %dma_wait3A_736 : memref<1x1024x64xi8, #tpu.memory_space<vmem>> -> memref<1024x64xi8, #tpu.memory_space<vmem>>
    %dma_wait3A_738 = arith.constant 0 : i32
    %dma_wait3A_739 = tpu.memref_slice %arg6[%multiple_of3A_640, %dma_wait3A_738] : memref<327680x64xi8, #tpu.memory_space<hbm>> -> memref<1024x64xi8, #tpu.memory_space<hbm>>
    %dma_wait3A_740 = tpu.memref_slice %arg14[%dma_wait3A_732, %dma_wait3A_733] : memref<2x3x!tpu.dma_semaphore, #tpu.memory_space<semaphore_mem>> -> memref<1x1x!tpu.dma_semaphore, #tpu.memory_space<semaphore_mem>>
    %dma_wait3A_741 = tpu.memref_squeeze %dma_wait3A_740 : memref<1x1x!tpu.dma_semaphore, #tpu.memory_space<semaphore_mem>> -> memref<!tpu.dma_semaphore, #tpu.memory_space<semaphore_mem>>
    %dma_wait3A_742 = arith.constant 0 : i32
    %dma_wait3A_743 = tpu.memref_slice %arg6[%multiple_of3A_640, %dma_wait3A_742] : memref<327680x64xi8, #tpu.memory_space<hbm>> -> memref<1024x64xi8, #tpu.memory_space<hbm>>
    %dma_wait3A_744 = arith.constant 0 : i32
    %dma_wait3A_745 = arith.constant 0 : i32
    %dma_wait3A_746 = tpu.memref_slice %arg10[%dma_wait3A_731, %dma_wait3A_744, %dma_wait3A_745] : memref<2x1024x64xi8, #tpu.memory_space<vmem>> -> memref<1x1024x64xi8, #tpu.memory_space<vmem>>
    %dma_wait3A_747 = tpu.memref_squeeze %dma_wait3A_746 : memref<1x1024x64xi8, #tpu.memory_space<vmem>> -> memref<1024x64xi8, #tpu.memory_space<vmem>>
    tpu.wait_dma2 semaphore(%dma_wait3A_741 : memref<!tpu.dma_semaphore, #tpu.memory_space<semaphore_mem>>) src(%dma_wait3A_747 : memref<1024x64xi8, #tpu.memory_space<vmem>>) dst(%dma_wait3A_743 : memref<1024x64xi8, #tpu.memory_space<hbm>>)
    %dma_wait3A_748 = arith.constant 1 : i32
    %dma_wait3A_749 = arith.constant 1 : i32
    %dma_wait3A_750 = arith.constant 1 : i32
    %dma_wait3A_751 = arith.constant 0 : i32
    %dma_wait3A_752 = tpu.memref_slice %arg11[%dma_wait3A_748, %dma_wait3A_751] : memref<2x1024xf32, #tpu.memory_space<vmem>> -> memref<1x1024xf32, #tpu.memory_space<vmem>>
    %dma_wait3A_753 = tpu.memref_squeeze %dma_wait3A_752 : memref<1x1024xf32, #tpu.memory_space<vmem>> -> memref<1024xf32, #tpu.memory_space<vmem>>
    %dma_wait3A_754 = tpu.memref_slice %arg7[%multiple_of3A_640] : memref<327680xf32, #tpu.memory_space<hbm>> -> memref<1024xf32, #tpu.memory_space<hbm>>
    %dma_wait3A_755 = tpu.memref_slice %arg14[%dma_wait3A_749, %dma_wait3A_750] : memref<2x3x!tpu.dma_semaphore, #tpu.memory_space<semaphore_mem>> -> memref<1x1x!tpu.dma_semaphore, #tpu.memory_space<semaphore_mem>>
    %dma_wait3A_756 = tpu.memref_squeeze %dma_wait3A_755 : memref<1x1x!tpu.dma_semaphore, #tpu.memory_space<semaphore_mem>> -> memref<!tpu.dma_semaphore, #tpu.memory_space<semaphore_mem>>
    %dma_wait3A_757 = tpu.memref_slice %arg7[%multiple_of3A_640] : memref<327680xf32, #tpu.memory_space<hbm>> -> memref<1024xf32, #tpu.memory_space<hbm>>
    %dma_wait3A_758 = arith.constant 0 : i32
    %dma_wait3A_759 = tpu.memref_slice %arg11[%dma_wait3A_748, %dma_wait3A_758] : memref<2x1024xf32, #tpu.memory_space<vmem>> -> memref<1x1024xf32, #tpu.memory_space<vmem>>
    %dma_wait3A_760 = tpu.memref_squeeze %dma_wait3A_759 : memref<1x1024xf32, #tpu.memory_space<vmem>> -> memref<1024xf32, #tpu.memory_space<vmem>>
    tpu.wait_dma2 semaphore(%dma_wait3A_756 : memref<!tpu.dma_semaphore, #tpu.memory_space<semaphore_mem>>) src(%dma_wait3A_760 : memref<1024xf32, #tpu.memory_space<vmem>>) dst(%dma_wait3A_757 : memref<1024xf32, #tpu.memory_space<hbm>>)
    %dma_wait3A_761 = arith.constant 1 : i32
    %dma_wait3A_762 = arith.constant 1 : i32
    %dma_wait3A_763 = arith.constant 2 : i32
    %dma_wait3A_764 = arith.constant 0 : i32
    %dma_wait3A_765 = tpu.memref_slice %arg12[%dma_wait3A_761, %dma_wait3A_764] : memref<2x1024xf32, #tpu.memory_space<vmem>> -> memref<1x1024xf32, #tpu.memory_space<vmem>>
    %dma_wait3A_766 = tpu.memref_squeeze %dma_wait3A_765 : memref<1x1024xf32, #tpu.memory_space<vmem>> -> memref<1024xf32, #tpu.memory_space<vmem>>
    %dma_wait3A_767 = tpu.memref_slice %arg8[%multiple_of3A_640] : memref<327680xf32, #tpu.memory_space<hbm>> -> memref<1024xf32, #tpu.memory_space<hbm>>
    %dma_wait3A_768 = tpu.memref_slice %arg14[%dma_wait3A_762, %dma_wait3A_763] : memref<2x3x!tpu.dma_semaphore, #tpu.memory_space<semaphore_mem>> -> memref<1x1x!tpu.dma_semaphore, #tpu.memory_space<semaphore_mem>>
    %dma_wait3A_769 = tpu.memref_squeeze %dma_wait3A_768 : memref<1x1x!tpu.dma_semaphore, #tpu.memory_space<semaphore_mem>> -> memref<!tpu.dma_semaphore, #tpu.memory_space<semaphore_mem>>
    %dma_wait3A_770 = tpu.memref_slice %arg8[%multiple_of3A_640] : memref<327680xf32, #tpu.memory_space<hbm>> -> memref<1024xf32, #tpu.memory_space<hbm>>
    %dma_wait3A_771 = arith.constant 0 : i32
    %dma_wait3A_772 = tpu.memref_slice %arg12[%dma_wait3A_761, %dma_wait3A_771] : memref<2x1024xf32, #tpu.memory_space<vmem>> -> memref<1x1024xf32, #tpu.memory_space<vmem>>
    %dma_wait3A_773 = tpu.memref_squeeze %dma_wait3A_772 : memref<1x1024xf32, #tpu.memory_space<vmem>> -> memref<1024xf32, #tpu.memory_space<vmem>>
    tpu.wait_dma2 semaphore(%dma_wait3A_769 : memref<!tpu.dma_semaphore, #tpu.memory_space<semaphore_mem>>) src(%dma_wait3A_773 : memref<1024xf32, #tpu.memory_space<vmem>>) dst(%dma_wait3A_770 : memref<1024xf32, #tpu.memory_space<hbm>>)
    %run_scoped3A_774 = arith.constant 1 : i32
    "tpu.region"() ({
      %run_scoped3A_1809 = tpu.sem_alloc : memref<!tpu.dma_semaphore, #tpu.memory_space<semaphore_mem>>
      %dma_start3A_1810 = arith.constant 0 : i32
      %dma_start3A_1811 = tpu.memref_slice %arg9[%run_scoped3A_774, %dma_start3A_1810] : memref<2x1024xi32, #tpu.memory_space<vmem>> -> memref<1x1024xi32, #tpu.memory_space<vmem>>
      %dma_start3A_1812 = tpu.memref_squeeze %dma_start3A_1811 : memref<1x1024xi32, #tpu.memory_space<vmem>> -> memref<1024xi32, #tpu.memory_space<vmem>>
      %dma_start3A_1813 = tpu.memref_slice %arg2[%multiple_of3A_730] : memref<327680xi32, #tpu.memory_space<hbm>> -> memref<1024xi32, #tpu.memory_space<hbm>>
      %dma_start3A_1814 = arith.constant 0 : i32
      %dma_start3A_1815 = tpu.memref_slice %arg9[%run_scoped3A_774, %dma_start3A_1814] : memref<2x1024xi32, #tpu.memory_space<vmem>> -> memref<1x1024xi32, #tpu.memory_space<vmem>>
      %dma_start3A_1816 = tpu.memref_squeeze %dma_start3A_1815 : memref<1x1024xi32, #tpu.memory_space<vmem>> -> memref<1024xi32, #tpu.memory_space<vmem>>
      %dma_start3A_1817 = tpu.memref_slice %arg2[%multiple_of3A_730] : memref<327680xi32, #tpu.memory_space<hbm>> -> memref<1024xi32, #tpu.memory_space<hbm>>
      tpu.enqueue_dma source(%dma_start3A_1817 : memref<1024xi32, #tpu.memory_space<hbm>>) target(%dma_start3A_1816 : memref<1024xi32, #tpu.memory_space<vmem>>) target_semaphore(%run_scoped3A_1809 : memref<!tpu.dma_semaphore, #tpu.memory_space<semaphore_mem>>)
      %dma_wait3A_1818 = arith.constant 0 : i32
      %dma_wait3A_1819 = tpu.memref_slice %arg9[%run_scoped3A_774, %dma_wait3A_1818] : memref<2x1024xi32, #tpu.memory_space<vmem>> -> memref<1x1024xi32, #tpu.memory_space<vmem>>
      %dma_wait3A_1820 = tpu.memref_squeeze %dma_wait3A_1819 : memref<1x1024xi32, #tpu.memory_space<vmem>> -> memref<1024xi32, #tpu.memory_space<vmem>>
      %dma_wait3A_1821 = tpu.memref_slice %arg2[%multiple_of3A_730] : memref<327680xi32, #tpu.memory_space<hbm>> -> memref<1024xi32, #tpu.memory_space<hbm>>
      %dma_wait3A_1822 = arith.constant 0 : i32
      %dma_wait3A_1823 = tpu.memref_slice %arg9[%run_scoped3A_774, %dma_wait3A_1822] : memref<2x1024xi32, #tpu.memory_space<vmem>> -> memref<1x1024xi32, #tpu.memory_space<vmem>>
      %dma_wait3A_1824 = tpu.memref_squeeze %dma_wait3A_1823 : memref<1x1024xi32, #tpu.memory_space<vmem>> -> memref<1024xi32, #tpu.memory_space<vmem>>
      %dma_wait3A_1825 = tpu.memref_slice %arg2[%multiple_of3A_730] : memref<327680xi32, #tpu.memory_space<hbm>> -> memref<1024xi32, #tpu.memory_space<hbm>>
      tpu.wait_dma2 semaphore(%run_scoped3A_1809 : memref<!tpu.dma_semaphore, #tpu.memory_space<semaphore_mem>>) src(%dma_wait3A_1825 : memref<1024xi32, #tpu.memory_space<hbm>>) dst(%dma_wait3A_1824 : memref<1024xi32, #tpu.memory_space<vmem>>)
      tpu.yield
    }) : () -> ()
    %dma_start3A_775 = arith.constant 1 : i32
    %dma_start3A_776 = arith.constant 1 : i32
    %dma_start3A_777 = arith.constant 1 : i32
    %dma_start3A_778 = arith.constant 0 : i32
    %dma_start3A_779 = arith.constant 0 : i32
    %dma_start3A_780 = arith.constant 0 : i32
    %dma_start3A_781 = tpu.memref_slice %arg10[%dma_start3A_776, %dma_start3A_779, %dma_start3A_780] : memref<2x1024x64xi8, #tpu.memory_space<vmem>> -> memref<1x1024x64xi8, #tpu.memory_space<vmem>>
    %dma_start3A_782 = tpu.memref_squeeze %dma_start3A_781 : memref<1x1024x64xi8, #tpu.memory_space<vmem>> -> memref<1024x64xi8, #tpu.memory_space<vmem>>
    %dma_start3A_783 = arith.constant 0 : i32
    %dma_start3A_784 = tpu.memref_slice %arg9[%dma_start3A_775, %dma_start3A_783] : memref<2x1024xi32, #tpu.memory_space<vmem>> -> memref<1x1024xi32, #tpu.memory_space<vmem>>
    %dma_start3A_785 = tpu.memref_squeeze %dma_start3A_784 : memref<1x1024xi32, #tpu.memory_space<vmem>> -> memref<1024xi32, #tpu.memory_space<vmem>>
    %dma_start3A_786 = arith.constant 0 : i32
    %dma_start3A_787 = arith.constant 0 : i32
    %dma_start3A_788 = tpu.memref_slice %arg3[%dma_start3A_786, %dma_start3A_787] : memref<1000000x64xi8, #tpu.memory_space<hbm>> -> memref<1000000x64xi8, #tpu.memory_space<hbm>>
    %dma_start3A_789 = tpu.memref_slice %arg13[%dma_start3A_777, %dma_start3A_778] : memref<2x3x!tpu.dma_semaphore, #tpu.memory_space<semaphore_mem>> -> memref<1x1x!tpu.dma_semaphore, #tpu.memory_space<semaphore_mem>>
    %dma_start3A_790 = tpu.memref_squeeze %dma_start3A_789 : memref<1x1x!tpu.dma_semaphore, #tpu.memory_space<semaphore_mem>> -> memref<!tpu.dma_semaphore, #tpu.memory_space<semaphore_mem>>
    tpu.enqueue_indirect_dma source(%dma_start3A_788 : memref<1000000x64xi8, #tpu.memory_space<hbm>>) target(%dma_start3A_782 : memref<1024x64xi8, #tpu.memory_space<vmem>>) offsets(%dma_start3A_785 : memref<1024xi32, #tpu.memory_space<vmem>>) semaphore(%dma_start3A_790 : memref<!tpu.dma_semaphore, #tpu.memory_space<semaphore_mem>>)
    %dma_start3A_791 = arith.constant 1 : i32
    %dma_start3A_792 = arith.constant 1 : i32
    %dma_start3A_793 = arith.constant 1 : i32
    %dma_start3A_794 = arith.constant 1 : i32
    %dma_start3A_795 = arith.constant 0 : i32
    %dma_start3A_796 = tpu.memref_slice %arg11[%dma_start3A_792, %dma_start3A_795] : memref<2x1024xf32, #tpu.memory_space<vmem>> -> memref<1x1024xf32, #tpu.memory_space<vmem>>
    %dma_start3A_797 = tpu.memref_squeeze %dma_start3A_796 : memref<1x1024xf32, #tpu.memory_space<vmem>> -> memref<1024xf32, #tpu.memory_space<vmem>>
    %dma_start3A_798 = arith.constant 0 : i32
    %dma_start3A_799 = tpu.memref_slice %arg9[%dma_start3A_791, %dma_start3A_798] : memref<2x1024xi32, #tpu.memory_space<vmem>> -> memref<1x1024xi32, #tpu.memory_space<vmem>>
    %dma_start3A_800 = tpu.memref_squeeze %dma_start3A_799 : memref<1x1024xi32, #tpu.memory_space<vmem>> -> memref<1024xi32, #tpu.memory_space<vmem>>
    %dma_start3A_801 = arith.constant 0 : i32
    %dma_start3A_802 = tpu.memref_slice %arg4[%dma_start3A_801] : memref<1000000xf32, #tpu.memory_space<hbm>> -> memref<1000000xf32, #tpu.memory_space<hbm>>
    %dma_start3A_803 = tpu.memref_slice %arg13[%dma_start3A_793, %dma_start3A_794] : memref<2x3x!tpu.dma_semaphore, #tpu.memory_space<semaphore_mem>> -> memref<1x1x!tpu.dma_semaphore, #tpu.memory_space<semaphore_mem>>
    %dma_start3A_804 = tpu.memref_squeeze %dma_start3A_803 : memref<1x1x!tpu.dma_semaphore, #tpu.memory_space<semaphore_mem>> -> memref<!tpu.dma_semaphore, #tpu.memory_space<semaphore_mem>>
    tpu.enqueue_indirect_dma source(%dma_start3A_802 : memref<1000000xf32, #tpu.memory_space<hbm>>) target(%dma_start3A_797 : memref<1024xf32, #tpu.memory_space<vmem>>) offsets(%dma_start3A_800 : memref<1024xi32, #tpu.memory_space<vmem>>) semaphore(%dma_start3A_804 : memref<!tpu.dma_semaphore, #tpu.memory_space<semaphore_mem>>)
    %dma_start3A_805 = arith.constant 1 : i32
    %dma_start3A_806 = arith.constant 1 : i32
    %dma_start3A_807 = arith.constant 1 : i32
    %dma_start3A_808 = arith.constant 2 : i32
    %dma_start3A_809 = arith.constant 0 : i32
    %dma_start3A_810 = tpu.memref_slice %arg12[%dma_start3A_806, %dma_start3A_809] : memref<2x1024xf32, #tpu.memory_space<vmem>> -> memref<1x1024xf32, #tpu.memory_space<vmem>>
    %dma_start3A_811 = tpu.memref_squeeze %dma_start3A_810 : memref<1x1024xf32, #tpu.memory_space<vmem>> -> memref<1024xf32, #tpu.memory_space<vmem>>
    %dma_start3A_812 = arith.constant 0 : i32
    %dma_start3A_813 = tpu.memref_slice %arg9[%dma_start3A_805, %dma_start3A_812] : memref<2x1024xi32, #tpu.memory_space<vmem>> -> memref<1x1024xi32, #tpu.memory_space<vmem>>
    %dma_start3A_814 = tpu.memref_squeeze %dma_start3A_813 : memref<1x1024xi32, #tpu.memory_space<vmem>> -> memref<1024xi32, #tpu.memory_space<vmem>>
    %dma_start3A_815 = arith.constant 0 : i32
    %dma_start3A_816 = tpu.memref_slice %arg5[%dma_start3A_815] : memref<1000000xf32, #tpu.memory_space<hbm>> -> memref<1000000xf32, #tpu.memory_space<hbm>>
    %dma_start3A_817 = tpu.memref_slice %arg13[%dma_start3A_807, %dma_start3A_808] : memref<2x3x!tpu.dma_semaphore, #tpu.memory_space<semaphore_mem>> -> memref<1x1x!tpu.dma_semaphore, #tpu.memory_space<semaphore_mem>>
    %dma_start3A_818 = tpu.memref_squeeze %dma_start3A_817 : memref<1x1x!tpu.dma_semaphore, #tpu.memory_space<semaphore_mem>> -> memref<!tpu.dma_semaphore, #tpu.memory_space<semaphore_mem>>
    tpu.enqueue_indirect_dma source(%dma_start3A_816 : memref<1000000xf32, #tpu.memory_space<hbm>>) target(%dma_start3A_811 : memref<1024xf32, #tpu.memory_space<vmem>>) offsets(%dma_start3A_814 : memref<1024xi32, #tpu.memory_space<vmem>>) semaphore(%dma_start3A_818 : memref<!tpu.dma_semaphore, #tpu.memory_space<semaphore_mem>>)
    %add3A_819 = arith.constant 4096 : i32
    %add3A_820 = arith.addi %mul3A_2, %add3A_819 : i32
    %multiple_of3A_821 = tpu.assume_multiple %add3A_820, 1024 : i32
    %dma_wait3A_822 = arith.constant 0 : i32
    %dma_wait3A_823 = arith.constant 0 : i32
    %dma_wait3A_824 = arith.constant 0 : i32
    %dma_wait3A_825 = arith.constant 0 : i32
    %dma_wait3A_826 = arith.constant 0 : i32
    %dma_wait3A_827 = arith.constant 0 : i32
    %dma_wait3A_828 = tpu.memref_slice %arg10[%dma_wait3A_823, %dma_wait3A_826, %dma_wait3A_827] : memref<2x1024x64xi8, #tpu.memory_space<vmem>> -> memref<1x1024x64xi8, #tpu.memory_space<vmem>>
    %dma_wait3A_829 = tpu.memref_squeeze %dma_wait3A_828 : memref<1x1024x64xi8, #tpu.memory_space<vmem>> -> memref<1024x64xi8, #tpu.memory_space<vmem>>
    %dma_wait3A_830 = arith.constant 0 : i32
    %dma_wait3A_831 = tpu.memref_slice %arg9[%dma_wait3A_822, %dma_wait3A_830] : memref<2x1024xi32, #tpu.memory_space<vmem>> -> memref<1x1024xi32, #tpu.memory_space<vmem>>
    %dma_wait3A_832 = tpu.memref_squeeze %dma_wait3A_831 : memref<1x1024xi32, #tpu.memory_space<vmem>> -> memref<1024xi32, #tpu.memory_space<vmem>>
    %dma_wait3A_833 = arith.constant 0 : i32
    %dma_wait3A_834 = arith.constant 0 : i32
    %dma_wait3A_835 = tpu.memref_slice %arg3[%dma_wait3A_833, %dma_wait3A_834] : memref<1000000x64xi8, #tpu.memory_space<hbm>> -> memref<1000000x64xi8, #tpu.memory_space<hbm>>
    %dma_wait3A_836 = tpu.memref_slice %arg13[%dma_wait3A_824, %dma_wait3A_825] : memref<2x3x!tpu.dma_semaphore, #tpu.memory_space<semaphore_mem>> -> memref<1x1x!tpu.dma_semaphore, #tpu.memory_space<semaphore_mem>>
    %dma_wait3A_837 = tpu.memref_squeeze %dma_wait3A_836 : memref<1x1x!tpu.dma_semaphore, #tpu.memory_space<semaphore_mem>> -> memref<!tpu.dma_semaphore, #tpu.memory_space<semaphore_mem>>
    tpu.wait_indirect_dma semaphore(%dma_wait3A_837 : memref<!tpu.dma_semaphore, #tpu.memory_space<semaphore_mem>>) src(%dma_wait3A_835 : memref<1000000x64xi8, #tpu.memory_space<hbm>>) dst(%dma_wait3A_829 : memref<1024x64xi8, #tpu.memory_space<vmem>>)
    %dma_wait3A_838 = arith.constant 0 : i32
    %dma_wait3A_839 = arith.constant 0 : i32
    %dma_wait3A_840 = arith.constant 0 : i32
    %dma_wait3A_841 = arith.constant 1 : i32
    %dma_wait3A_842 = arith.constant 0 : i32
    %dma_wait3A_843 = tpu.memref_slice %arg11[%dma_wait3A_839, %dma_wait3A_842] : memref<2x1024xf32, #tpu.memory_space<vmem>> -> memref<1x1024xf32, #tpu.memory_space<vmem>>
    %dma_wait3A_844 = tpu.memref_squeeze %dma_wait3A_843 : memref<1x1024xf32, #tpu.memory_space<vmem>> -> memref<1024xf32, #tpu.memory_space<vmem>>
    %dma_wait3A_845 = arith.constant 0 : i32
    %dma_wait3A_846 = tpu.memref_slice %arg9[%dma_wait3A_838, %dma_wait3A_845] : memref<2x1024xi32, #tpu.memory_space<vmem>> -> memref<1x1024xi32, #tpu.memory_space<vmem>>
    %dma_wait3A_847 = tpu.memref_squeeze %dma_wait3A_846 : memref<1x1024xi32, #tpu.memory_space<vmem>> -> memref<1024xi32, #tpu.memory_space<vmem>>
    %dma_wait3A_848 = arith.constant 0 : i32
    %dma_wait3A_849 = tpu.memref_slice %arg4[%dma_wait3A_848] : memref<1000000xf32, #tpu.memory_space<hbm>> -> memref<1000000xf32, #tpu.memory_space<hbm>>
    %dma_wait3A_850 = tpu.memref_slice %arg13[%dma_wait3A_840, %dma_wait3A_841] : memref<2x3x!tpu.dma_semaphore, #tpu.memory_space<semaphore_mem>> -> memref<1x1x!tpu.dma_semaphore, #tpu.memory_space<semaphore_mem>>
    %dma_wait3A_851 = tpu.memref_squeeze %dma_wait3A_850 : memref<1x1x!tpu.dma_semaphore, #tpu.memory_space<semaphore_mem>> -> memref<!tpu.dma_semaphore, #tpu.memory_space<semaphore_mem>>
    tpu.wait_indirect_dma semaphore(%dma_wait3A_851 : memref<!tpu.dma_semaphore, #tpu.memory_space<semaphore_mem>>) src(%dma_wait3A_849 : memref<1000000xf32, #tpu.memory_space<hbm>>) dst(%dma_wait3A_844 : memref<1024xf32, #tpu.memory_space<vmem>>)
    %dma_wait3A_852 = arith.constant 0 : i32
    %dma_wait3A_853 = arith.constant 0 : i32
    %dma_wait3A_854 = arith.constant 0 : i32
    %dma_wait3A_855 = arith.constant 2 : i32
    %dma_wait3A_856 = arith.constant 0 : i32
    %dma_wait3A_857 = tpu.memref_slice %arg12[%dma_wait3A_853, %dma_wait3A_856] : memref<2x1024xf32, #tpu.memory_space<vmem>> -> memref<1x1024xf32, #tpu.memory_space<vmem>>
    %dma_wait3A_858 = tpu.memref_squeeze %dma_wait3A_857 : memref<1x1024xf32, #tpu.memory_space<vmem>> -> memref<1024xf32, #tpu.memory_space<vmem>>
    %dma_wait3A_859 = arith.constant 0 : i32
    %dma_wait3A_860 = tpu.memref_slice %arg9[%dma_wait3A_852, %dma_wait3A_859] : memref<2x1024xi32, #tpu.memory_space<vmem>> -> memref<1x1024xi32, #tpu.memory_space<vmem>>
    %dma_wait3A_861 = tpu.memref_squeeze %dma_wait3A_860 : memref<1x1024xi32, #tpu.memory_space<vmem>> -> memref<1024xi32, #tpu.memory_space<vmem>>
    %dma_wait3A_862 = arith.constant 0 : i32
    %dma_wait3A_863 = tpu.memref_slice %arg5[%dma_wait3A_862] : memref<1000000xf32, #tpu.memory_space<hbm>> -> memref<1000000xf32, #tpu.memory_space<hbm>>
    %dma_wait3A_864 = tpu.memref_slice %arg13[%dma_wait3A_854, %dma_wait3A_855] : memref<2x3x!tpu.dma_semaphore, #tpu.memory_space<semaphore_mem>> -> memref<1x1x!tpu.dma_semaphore, #tpu.memory_space<semaphore_mem>>
    %dma_wait3A_865 = tpu.memref_squeeze %dma_wait3A_864 : memref<1x1x!tpu.dma_semaphore, #tpu.memory_space<semaphore_mem>> -> memref<!tpu.dma_semaphore, #tpu.memory_space<semaphore_mem>>
    tpu.wait_indirect_dma semaphore(%dma_wait3A_865 : memref<!tpu.dma_semaphore, #tpu.memory_space<semaphore_mem>>) src(%dma_wait3A_863 : memref<1000000xf32, #tpu.memory_space<hbm>>) dst(%dma_wait3A_858 : memref<1024xf32, #tpu.memory_space<vmem>>)
    %dma_start3A_866 = arith.constant 0 : i32
    %dma_start3A_867 = arith.constant 0 : i32
    %dma_start3A_868 = arith.constant 0 : i32
    %dma_start3A_869 = arith.constant 0 : i32
    %dma_start3A_870 = arith.constant 0 : i32
    %dma_start3A_871 = tpu.memref_slice %arg10[%dma_start3A_866, %dma_start3A_869, %dma_start3A_870] : memref<2x1024x64xi8, #tpu.memory_space<vmem>> -> memref<1x1024x64xi8, #tpu.memory_space<vmem>>
    %dma_start3A_872 = tpu.memref_squeeze %dma_start3A_871 : memref<1x1024x64xi8, #tpu.memory_space<vmem>> -> memref<1024x64xi8, #tpu.memory_space<vmem>>
    %dma_start3A_873 = arith.constant 0 : i32
    %dma_start3A_874 = tpu.memref_slice %arg6[%multiple_of3A_821, %dma_start3A_873] : memref<327680x64xi8, #tpu.memory_space<hbm>> -> memref<1024x64xi8, #tpu.memory_space<hbm>>
    %dma_start3A_875 = tpu.memref_slice %arg14[%dma_start3A_867, %dma_start3A_868] : memref<2x3x!tpu.dma_semaphore, #tpu.memory_space<semaphore_mem>> -> memref<1x1x!tpu.dma_semaphore, #tpu.memory_space<semaphore_mem>>
    %dma_start3A_876 = tpu.memref_squeeze %dma_start3A_875 : memref<1x1x!tpu.dma_semaphore, #tpu.memory_space<semaphore_mem>> -> memref<!tpu.dma_semaphore, #tpu.memory_space<semaphore_mem>>
    %dma_start3A_877 = arith.constant 0 : i32
    %dma_start3A_878 = tpu.memref_slice %arg6[%multiple_of3A_821, %dma_start3A_877] : memref<327680x64xi8, #tpu.memory_space<hbm>> -> memref<1024x64xi8, #tpu.memory_space<hbm>>
    %dma_start3A_879 = arith.constant 0 : i32
    %dma_start3A_880 = arith.constant 0 : i32
    %dma_start3A_881 = tpu.memref_slice %arg10[%dma_start3A_866, %dma_start3A_879, %dma_start3A_880] : memref<2x1024x64xi8, #tpu.memory_space<vmem>> -> memref<1x1024x64xi8, #tpu.memory_space<vmem>>
    %dma_start3A_882 = tpu.memref_squeeze %dma_start3A_881 : memref<1x1024x64xi8, #tpu.memory_space<vmem>> -> memref<1024x64xi8, #tpu.memory_space<vmem>>
    tpu.enqueue_dma source(%dma_start3A_882 : memref<1024x64xi8, #tpu.memory_space<vmem>>) target(%dma_start3A_878 : memref<1024x64xi8, #tpu.memory_space<hbm>>) target_semaphore(%dma_start3A_876 : memref<!tpu.dma_semaphore, #tpu.memory_space<semaphore_mem>>)
    %dma_start3A_883 = arith.constant 0 : i32
    %dma_start3A_884 = arith.constant 0 : i32
    %dma_start3A_885 = arith.constant 1 : i32
    %dma_start3A_886 = arith.constant 0 : i32
    %dma_start3A_887 = tpu.memref_slice %arg11[%dma_start3A_883, %dma_start3A_886] : memref<2x1024xf32, #tpu.memory_space<vmem>> -> memref<1x1024xf32, #tpu.memory_space<vmem>>
    %dma_start3A_888 = tpu.memref_squeeze %dma_start3A_887 : memref<1x1024xf32, #tpu.memory_space<vmem>> -> memref<1024xf32, #tpu.memory_space<vmem>>
    %dma_start3A_889 = tpu.memref_slice %arg7[%multiple_of3A_821] : memref<327680xf32, #tpu.memory_space<hbm>> -> memref<1024xf32, #tpu.memory_space<hbm>>
    %dma_start3A_890 = tpu.memref_slice %arg14[%dma_start3A_884, %dma_start3A_885] : memref<2x3x!tpu.dma_semaphore, #tpu.memory_space<semaphore_mem>> -> memref<1x1x!tpu.dma_semaphore, #tpu.memory_space<semaphore_mem>>
    %dma_start3A_891 = tpu.memref_squeeze %dma_start3A_890 : memref<1x1x!tpu.dma_semaphore, #tpu.memory_space<semaphore_mem>> -> memref<!tpu.dma_semaphore, #tpu.memory_space<semaphore_mem>>
    %dma_start3A_892 = tpu.memref_slice %arg7[%multiple_of3A_821] : memref<327680xf32, #tpu.memory_space<hbm>> -> memref<1024xf32, #tpu.memory_space<hbm>>
    %dma_start3A_893 = arith.constant 0 : i32
    %dma_start3A_894 = tpu.memref_slice %arg11[%dma_start3A_883, %dma_start3A_893] : memref<2x1024xf32, #tpu.memory_space<vmem>> -> memref<1x1024xf32, #tpu.memory_space<vmem>>
    %dma_start3A_895 = tpu.memref_squeeze %dma_start3A_894 : memref<1x1024xf32, #tpu.memory_space<vmem>> -> memref<1024xf32, #tpu.memory_space<vmem>>
    tpu.enqueue_dma source(%dma_start3A_895 : memref<1024xf32, #tpu.memory_space<vmem>>) target(%dma_start3A_892 : memref<1024xf32, #tpu.memory_space<hbm>>) target_semaphore(%dma_start3A_891 : memref<!tpu.dma_semaphore, #tpu.memory_space<semaphore_mem>>)
    %dma_start3A_896 = arith.constant 0 : i32
    %dma_start3A_897 = arith.constant 0 : i32
    %dma_start3A_898 = arith.constant 2 : i32
    %dma_start3A_899 = arith.constant 0 : i32
    %dma_start3A_900 = tpu.memref_slice %arg12[%dma_start3A_896, %dma_start3A_899] : memref<2x1024xf32, #tpu.memory_space<vmem>> -> memref<1x1024xf32, #tpu.memory_space<vmem>>
    %dma_start3A_901 = tpu.memref_squeeze %dma_start3A_900 : memref<1x1024xf32, #tpu.memory_space<vmem>> -> memref<1024xf32, #tpu.memory_space<vmem>>
    %dma_start3A_902 = tpu.memref_slice %arg8[%multiple_of3A_821] : memref<327680xf32, #tpu.memory_space<hbm>> -> memref<1024xf32, #tpu.memory_space<hbm>>
    %dma_start3A_903 = tpu.memref_slice %arg14[%dma_start3A_897, %dma_start3A_898] : memref<2x3x!tpu.dma_semaphore, #tpu.memory_space<semaphore_mem>> -> memref<1x1x!tpu.dma_semaphore, #tpu.memory_space<semaphore_mem>>
    %dma_start3A_904 = tpu.memref_squeeze %dma_start3A_903 : memref<1x1x!tpu.dma_semaphore, #tpu.memory_space<semaphore_mem>> -> memref<!tpu.dma_semaphore, #tpu.memory_space<semaphore_mem>>
    %dma_start3A_905 = tpu.memref_slice %arg8[%multiple_of3A_821] : memref<327680xf32, #tpu.memory_space<hbm>> -> memref<1024xf32, #tpu.memory_space<hbm>>
    %dma_start3A_906 = arith.constant 0 : i32
    %dma_start3A_907 = tpu.memref_slice %arg12[%dma_start3A_896, %dma_start3A_906] : memref<2x1024xf32, #tpu.memory_space<vmem>> -> memref<1x1024xf32, #tpu.memory_space<vmem>>
    %dma_start3A_908 = tpu.memref_squeeze %dma_start3A_907 : memref<1x1024xf32, #tpu.memory_space<vmem>> -> memref<1024xf32, #tpu.memory_space<vmem>>
    tpu.enqueue_dma source(%dma_start3A_908 : memref<1024xf32, #tpu.memory_space<vmem>>) target(%dma_start3A_905 : memref<1024xf32, #tpu.memory_space<hbm>>) target_semaphore(%dma_start3A_904 : memref<!tpu.dma_semaphore, #tpu.memory_space<semaphore_mem>>)
    %add3A_909 = arith.constant 6144 : i32
    %add3A_910 = arith.addi %mul3A_2, %add3A_909 : i32
    %multiple_of3A_911 = tpu.assume_multiple %add3A_910, 1024 : i32
    %dma_wait3A_912 = arith.constant 0 : i32
    %dma_wait3A_913 = arith.constant 0 : i32
    %dma_wait3A_914 = arith.constant 0 : i32
    %dma_wait3A_915 = arith.constant 0 : i32
    %dma_wait3A_916 = arith.constant 0 : i32
    %dma_wait3A_917 = tpu.memref_slice %arg10[%dma_wait3A_912, %dma_wait3A_915, %dma_wait3A_916] : memref<2x1024x64xi8, #tpu.memory_space<vmem>> -> memref<1x1024x64xi8, #tpu.memory_space<vmem>>
    %dma_wait3A_918 = tpu.memref_squeeze %dma_wait3A_917 : memref<1x1024x64xi8, #tpu.memory_space<vmem>> -> memref<1024x64xi8, #tpu.memory_space<vmem>>
    %dma_wait3A_919 = arith.constant 0 : i32
    %dma_wait3A_920 = tpu.memref_slice %arg6[%multiple_of3A_821, %dma_wait3A_919] : memref<327680x64xi8, #tpu.memory_space<hbm>> -> memref<1024x64xi8, #tpu.memory_space<hbm>>
    %dma_wait3A_921 = tpu.memref_slice %arg14[%dma_wait3A_913, %dma_wait3A_914] : memref<2x3x!tpu.dma_semaphore, #tpu.memory_space<semaphore_mem>> -> memref<1x1x!tpu.dma_semaphore, #tpu.memory_space<semaphore_mem>>
    %dma_wait3A_922 = tpu.memref_squeeze %dma_wait3A_921 : memref<1x1x!tpu.dma_semaphore, #tpu.memory_space<semaphore_mem>> -> memref<!tpu.dma_semaphore, #tpu.memory_space<semaphore_mem>>
    %dma_wait3A_923 = arith.constant 0 : i32
    %dma_wait3A_924 = tpu.memref_slice %arg6[%multiple_of3A_821, %dma_wait3A_923] : memref<327680x64xi8, #tpu.memory_space<hbm>> -> memref<1024x64xi8, #tpu.memory_space<hbm>>
    %dma_wait3A_925 = arith.constant 0 : i32
    %dma_wait3A_926 = arith.constant 0 : i32
    %dma_wait3A_927 = tpu.memref_slice %arg10[%dma_wait3A_912, %dma_wait3A_925, %dma_wait3A_926] : memref<2x1024x64xi8, #tpu.memory_space<vmem>> -> memref<1x1024x64xi8, #tpu.memory_space<vmem>>
    %dma_wait3A_928 = tpu.memref_squeeze %dma_wait3A_927 : memref<1x1024x64xi8, #tpu.memory_space<vmem>> -> memref<1024x64xi8, #tpu.memory_space<vmem>>
    tpu.wait_dma2 semaphore(%dma_wait3A_922 : memref<!tpu.dma_semaphore, #tpu.memory_space<semaphore_mem>>) src(%dma_wait3A_928 : memref<1024x64xi8, #tpu.memory_space<vmem>>) dst(%dma_wait3A_924 : memref<1024x64xi8, #tpu.memory_space<hbm>>)
    %dma_wait3A_929 = arith.constant 0 : i32
    %dma_wait3A_930 = arith.constant 0 : i32
    %dma_wait3A_931 = arith.constant 1 : i32
    %dma_wait3A_932 = arith.constant 0 : i32
    %dma_wait3A_933 = tpu.memref_slice %arg11[%dma_wait3A_929, %dma_wait3A_932] : memref<2x1024xf32, #tpu.memory_space<vmem>> -> memref<1x1024xf32, #tpu.memory_space<vmem>>
    %dma_wait3A_934 = tpu.memref_squeeze %dma_wait3A_933 : memref<1x1024xf32, #tpu.memory_space<vmem>> -> memref<1024xf32, #tpu.memory_space<vmem>>
    %dma_wait3A_935 = tpu.memref_slice %arg7[%multiple_of3A_821] : memref<327680xf32, #tpu.memory_space<hbm>> -> memref<1024xf32, #tpu.memory_space<hbm>>
    %dma_wait3A_936 = tpu.memref_slice %arg14[%dma_wait3A_930, %dma_wait3A_931] : memref<2x3x!tpu.dma_semaphore, #tpu.memory_space<semaphore_mem>> -> memref<1x1x!tpu.dma_semaphore, #tpu.memory_space<semaphore_mem>>
    %dma_wait3A_937 = tpu.memref_squeeze %dma_wait3A_936 : memref<1x1x!tpu.dma_semaphore, #tpu.memory_space<semaphore_mem>> -> memref<!tpu.dma_semaphore, #tpu.memory_space<semaphore_mem>>
    %dma_wait3A_938 = tpu.memref_slice %arg7[%multiple_of3A_821] : memref<327680xf32, #tpu.memory_space<hbm>> -> memref<1024xf32, #tpu.memory_space<hbm>>
    %dma_wait3A_939 = arith.constant 0 : i32
    %dma_wait3A_940 = tpu.memref_slice %arg11[%dma_wait3A_929, %dma_wait3A_939] : memref<2x1024xf32, #tpu.memory_space<vmem>> -> memref<1x1024xf32, #tpu.memory_space<vmem>>
    %dma_wait3A_941 = tpu.memref_squeeze %dma_wait3A_940 : memref<1x1024xf32, #tpu.memory_space<vmem>> -> memref<1024xf32, #tpu.memory_space<vmem>>
    tpu.wait_dma2 semaphore(%dma_wait3A_937 : memref<!tpu.dma_semaphore, #tpu.memory_space<semaphore_mem>>) src(%dma_wait3A_941 : memref<1024xf32, #tpu.memory_space<vmem>>) dst(%dma_wait3A_938 : memref<1024xf32, #tpu.memory_space<hbm>>)
    %dma_wait3A_942 = arith.constant 0 : i32
    %dma_wait3A_943 = arith.constant 0 : i32
    %dma_wait3A_944 = arith.constant 2 : i32
    %dma_wait3A_945 = arith.constant 0 : i32
    %dma_wait3A_946 = tpu.memref_slice %arg12[%dma_wait3A_942, %dma_wait3A_945] : memref<2x1024xf32, #tpu.memory_space<vmem>> -> memref<1x1024xf32, #tpu.memory_space<vmem>>
    %dma_wait3A_947 = tpu.memref_squeeze %dma_wait3A_946 : memref<1x1024xf32, #tpu.memory_space<vmem>> -> memref<1024xf32, #tpu.memory_space<vmem>>
    %dma_wait3A_948 = tpu.memref_slice %arg8[%multiple_of3A_821] : memref<327680xf32, #tpu.memory_space<hbm>> -> memref<1024xf32, #tpu.memory_space<hbm>>
    %dma_wait3A_949 = tpu.memref_slice %arg14[%dma_wait3A_943, %dma_wait3A_944] : memref<2x3x!tpu.dma_semaphore, #tpu.memory_space<semaphore_mem>> -> memref<1x1x!tpu.dma_semaphore, #tpu.memory_space<semaphore_mem>>
    %dma_wait3A_950 = tpu.memref_squeeze %dma_wait3A_949 : memref<1x1x!tpu.dma_semaphore, #tpu.memory_space<semaphore_mem>> -> memref<!tpu.dma_semaphore, #tpu.memory_space<semaphore_mem>>
    %dma_wait3A_951 = tpu.memref_slice %arg8[%multiple_of3A_821] : memref<327680xf32, #tpu.memory_space<hbm>> -> memref<1024xf32, #tpu.memory_space<hbm>>
    %dma_wait3A_952 = arith.constant 0 : i32
    %dma_wait3A_953 = tpu.memref_slice %arg12[%dma_wait3A_942, %dma_wait3A_952] : memref<2x1024xf32, #tpu.memory_space<vmem>> -> memref<1x1024xf32, #tpu.memory_space<vmem>>
    %dma_wait3A_954 = tpu.memref_squeeze %dma_wait3A_953 : memref<1x1024xf32, #tpu.memory_space<vmem>> -> memref<1024xf32, #tpu.memory_space<vmem>>
    tpu.wait_dma2 semaphore(%dma_wait3A_950 : memref<!tpu.dma_semaphore, #tpu.memory_space<semaphore_mem>>) src(%dma_wait3A_954 : memref<1024xf32, #tpu.memory_space<vmem>>) dst(%dma_wait3A_951 : memref<1024xf32, #tpu.memory_space<hbm>>)
    %run_scoped3A_955 = arith.constant 0 : i32
    "tpu.region"() ({
      %run_scoped3A_1809 = tpu.sem_alloc : memref<!tpu.dma_semaphore, #tpu.memory_space<semaphore_mem>>
      %dma_start3A_1810 = arith.constant 0 : i32
      %dma_start3A_1811 = tpu.memref_slice %arg9[%run_scoped3A_955, %dma_start3A_1810] : memref<2x1024xi32, #tpu.memory_space<vmem>> -> memref<1x1024xi32, #tpu.memory_space<vmem>>
      %dma_start3A_1812 = tpu.memref_squeeze %dma_start3A_1811 : memref<1x1024xi32, #tpu.memory_space<vmem>> -> memref<1024xi32, #tpu.memory_space<vmem>>
      %dma_start3A_1813 = tpu.memref_slice %arg2[%multiple_of3A_911] : memref<327680xi32, #tpu.memory_space<hbm>> -> memref<1024xi32, #tpu.memory_space<hbm>>
      %dma_start3A_1814 = arith.constant 0 : i32
      %dma_start3A_1815 = tpu.memref_slice %arg9[%run_scoped3A_955, %dma_start3A_1814] : memref<2x1024xi32, #tpu.memory_space<vmem>> -> memref<1x1024xi32, #tpu.memory_space<vmem>>
      %dma_start3A_1816 = tpu.memref_squeeze %dma_start3A_1815 : memref<1x1024xi32, #tpu.memory_space<vmem>> -> memref<1024xi32, #tpu.memory_space<vmem>>
      %dma_start3A_1817 = tpu.memref_slice %arg2[%multiple_of3A_911] : memref<327680xi32, #tpu.memory_space<hbm>> -> memref<1024xi32, #tpu.memory_space<hbm>>
      tpu.enqueue_dma source(%dma_start3A_1817 : memref<1024xi32, #tpu.memory_space<hbm>>) target(%dma_start3A_1816 : memref<1024xi32, #tpu.memory_space<vmem>>) target_semaphore(%run_scoped3A_1809 : memref<!tpu.dma_semaphore, #tpu.memory_space<semaphore_mem>>)
      %dma_wait3A_1818 = arith.constant 0 : i32
      %dma_wait3A_1819 = tpu.memref_slice %arg9[%run_scoped3A_955, %dma_wait3A_1818] : memref<2x1024xi32, #tpu.memory_space<vmem>> -> memref<1x1024xi32, #tpu.memory_space<vmem>>
      %dma_wait3A_1820 = tpu.memref_squeeze %dma_wait3A_1819 : memref<1x1024xi32, #tpu.memory_space<vmem>> -> memref<1024xi32, #tpu.memory_space<vmem>>
      %dma_wait3A_1821 = tpu.memref_slice %arg2[%multiple_of3A_911] : memref<327680xi32, #tpu.memory_space<hbm>> -> memref<1024xi32, #tpu.memory_space<hbm>>
      %dma_wait3A_1822 = arith.constant 0 : i32
      %dma_wait3A_1823 = tpu.memref_slice %arg9[%run_scoped3A_955, %dma_wait3A_1822] : memref<2x1024xi32, #tpu.memory_space<vmem>> -> memref<1x1024xi32, #tpu.memory_space<vmem>>
      %dma_wait3A_1824 = tpu.memref_squeeze %dma_wait3A_1823 : memref<1x1024xi32, #tpu.memory_space<vmem>> -> memref<1024xi32, #tpu.memory_space<vmem>>
      %dma_wait3A_1825 = tpu.memref_slice %arg2[%multiple_of3A_911] : memref<327680xi32, #tpu.memory_space<hbm>> -> memref<1024xi32, #tpu.memory_space<hbm>>
      tpu.wait_dma2 semaphore(%run_scoped3A_1809 : memref<!tpu.dma_semaphore, #tpu.memory_space<semaphore_mem>>) src(%dma_wait3A_1825 : memref<1024xi32, #tpu.memory_space<hbm>>) dst(%dma_wait3A_1824 : memref<1024xi32, #tpu.memory_space<vmem>>)
      tpu.yield
    }) : () -> ()
    %dma_start3A_956 = arith.constant 0 : i32
    %dma_start3A_957 = arith.constant 0 : i32
    %dma_start3A_958 = arith.constant 0 : i32
    %dma_start3A_959 = arith.constant 0 : i32
    %dma_start3A_960 = arith.constant 0 : i32
    %dma_start3A_961 = arith.constant 0 : i32
    %dma_start3A_962 = tpu.memref_slice %arg10[%dma_start3A_957, %dma_start3A_960, %dma_start3A_961] : memref<2x1024x64xi8, #tpu.memory_space<vmem>> -> memref<1x1024x64xi8, #tpu.memory_space<vmem>>
    %dma_start3A_963 = tpu.memref_squeeze %dma_start3A_962 : memref<1x1024x64xi8, #tpu.memory_space<vmem>> -> memref<1024x64xi8, #tpu.memory_space<vmem>>
    %dma_start3A_964 = arith.constant 0 : i32
    %dma_start3A_965 = tpu.memref_slice %arg9[%dma_start3A_956, %dma_start3A_964] : memref<2x1024xi32, #tpu.memory_space<vmem>> -> memref<1x1024xi32, #tpu.memory_space<vmem>>
    %dma_start3A_966 = tpu.memref_squeeze %dma_start3A_965 : memref<1x1024xi32, #tpu.memory_space<vmem>> -> memref<1024xi32, #tpu.memory_space<vmem>>
    %dma_start3A_967 = arith.constant 0 : i32
    %dma_start3A_968 = arith.constant 0 : i32
    %dma_start3A_969 = tpu.memref_slice %arg3[%dma_start3A_967, %dma_start3A_968] : memref<1000000x64xi8, #tpu.memory_space<hbm>> -> memref<1000000x64xi8, #tpu.memory_space<hbm>>
    %dma_start3A_970 = tpu.memref_slice %arg13[%dma_start3A_958, %dma_start3A_959] : memref<2x3x!tpu.dma_semaphore, #tpu.memory_space<semaphore_mem>> -> memref<1x1x!tpu.dma_semaphore, #tpu.memory_space<semaphore_mem>>
    %dma_start3A_971 = tpu.memref_squeeze %dma_start3A_970 : memref<1x1x!tpu.dma_semaphore, #tpu.memory_space<semaphore_mem>> -> memref<!tpu.dma_semaphore, #tpu.memory_space<semaphore_mem>>
    tpu.enqueue_indirect_dma source(%dma_start3A_969 : memref<1000000x64xi8, #tpu.memory_space<hbm>>) target(%dma_start3A_963 : memref<1024x64xi8, #tpu.memory_space<vmem>>) offsets(%dma_start3A_966 : memref<1024xi32, #tpu.memory_space<vmem>>) semaphore(%dma_start3A_971 : memref<!tpu.dma_semaphore, #tpu.memory_space<semaphore_mem>>)
    %dma_start3A_972 = arith.constant 0 : i32
    %dma_start3A_973 = arith.constant 0 : i32
    %dma_start3A_974 = arith.constant 0 : i32
    %dma_start3A_975 = arith.constant 1 : i32
    %dma_start3A_976 = arith.constant 0 : i32
    %dma_start3A_977 = tpu.memref_slice %arg11[%dma_start3A_973, %dma_start3A_976] : memref<2x1024xf32, #tpu.memory_space<vmem>> -> memref<1x1024xf32, #tpu.memory_space<vmem>>
    %dma_start3A_978 = tpu.memref_squeeze %dma_start3A_977 : memref<1x1024xf32, #tpu.memory_space<vmem>> -> memref<1024xf32, #tpu.memory_space<vmem>>
    %dma_start3A_979 = arith.constant 0 : i32
    %dma_start3A_980 = tpu.memref_slice %arg9[%dma_start3A_972, %dma_start3A_979] : memref<2x1024xi32, #tpu.memory_space<vmem>> -> memref<1x1024xi32, #tpu.memory_space<vmem>>
    %dma_start3A_981 = tpu.memref_squeeze %dma_start3A_980 : memref<1x1024xi32, #tpu.memory_space<vmem>> -> memref<1024xi32, #tpu.memory_space<vmem>>
    %dma_start3A_982 = arith.constant 0 : i32
    %dma_start3A_983 = tpu.memref_slice %arg4[%dma_start3A_982] : memref<1000000xf32, #tpu.memory_space<hbm>> -> memref<1000000xf32, #tpu.memory_space<hbm>>
    %dma_start3A_984 = tpu.memref_slice %arg13[%dma_start3A_974, %dma_start3A_975] : memref<2x3x!tpu.dma_semaphore, #tpu.memory_space<semaphore_mem>> -> memref<1x1x!tpu.dma_semaphore, #tpu.memory_space<semaphore_mem>>
    %dma_start3A_985 = tpu.memref_squeeze %dma_start3A_984 : memref<1x1x!tpu.dma_semaphore, #tpu.memory_space<semaphore_mem>> -> memref<!tpu.dma_semaphore, #tpu.memory_space<semaphore_mem>>
    tpu.enqueue_indirect_dma source(%dma_start3A_983 : memref<1000000xf32, #tpu.memory_space<hbm>>) target(%dma_start3A_978 : memref<1024xf32, #tpu.memory_space<vmem>>) offsets(%dma_start3A_981 : memref<1024xi32, #tpu.memory_space<vmem>>) semaphore(%dma_start3A_985 : memref<!tpu.dma_semaphore, #tpu.memory_space<semaphore_mem>>)
    %dma_start3A_986 = arith.constant 0 : i32
    %dma_start3A_987 = arith.constant 0 : i32
    %dma_start3A_988 = arith.constant 0 : i32
    %dma_start3A_989 = arith.constant 2 : i32
    %dma_start3A_990 = arith.constant 0 : i32
    %dma_start3A_991 = tpu.memref_slice %arg12[%dma_start3A_987, %dma_start3A_990] : memref<2x1024xf32, #tpu.memory_space<vmem>> -> memref<1x1024xf32, #tpu.memory_space<vmem>>
    %dma_start3A_992 = tpu.memref_squeeze %dma_start3A_991 : memref<1x1024xf32, #tpu.memory_space<vmem>> -> memref<1024xf32, #tpu.memory_space<vmem>>
    %dma_start3A_993 = arith.constant 0 : i32
    %dma_start3A_994 = tpu.memref_slice %arg9[%dma_start3A_986, %dma_start3A_993] : memref<2x1024xi32, #tpu.memory_space<vmem>> -> memref<1x1024xi32, #tpu.memory_space<vmem>>
    %dma_start3A_995 = tpu.memref_squeeze %dma_start3A_994 : memref<1x1024xi32, #tpu.memory_space<vmem>> -> memref<1024xi32, #tpu.memory_space<vmem>>
    %dma_start3A_996 = arith.constant 0 : i32
    %dma_start3A_997 = tpu.memref_slice %arg5[%dma_start3A_996] : memref<1000000xf32, #tpu.memory_space<hbm>> -> memref<1000000xf32, #tpu.memory_space<hbm>>
    %dma_start3A_998 = tpu.memref_slice %arg13[%dma_start3A_988, %dma_start3A_989] : memref<2x3x!tpu.dma_semaphore, #tpu.memory_space<semaphore_mem>> -> memref<1x1x!tpu.dma_semaphore, #tpu.memory_space<semaphore_mem>>
    %dma_start3A_999 = tpu.memref_squeeze %dma_start3A_998 : memref<1x1x!tpu.dma_semaphore, #tpu.memory_space<semaphore_mem>> -> memref<!tpu.dma_semaphore, #tpu.memory_space<semaphore_mem>>
    tpu.enqueue_indirect_dma source(%dma_start3A_997 : memref<1000000xf32, #tpu.memory_space<hbm>>) target(%dma_start3A_992 : memref<1024xf32, #tpu.memory_space<vmem>>) offsets(%dma_start3A_995 : memref<1024xi32, #tpu.memory_space<vmem>>) semaphore(%dma_start3A_999 : memref<!tpu.dma_semaphore, #tpu.memory_space<semaphore_mem>>)
    %add3A_1000 = arith.constant 5120 : i32
    %add3A_1001 = arith.addi %mul3A_2, %add3A_1000 : i32
    %multiple_of3A_1002 = tpu.assume_multiple %add3A_1001, 1024 : i32
    %dma_wait3A_1003 = arith.constant 1 : i32
    %dma_wait3A_1004 = arith.constant 1 : i32
    %dma_wait3A_1005 = arith.constant 1 : i32
    %dma_wait3A_1006 = arith.constant 0 : i32
    %dma_wait3A_1007 = arith.constant 0 : i32
    %dma_wait3A_1008 = arith.constant 0 : i32
    %dma_wait3A_1009 = tpu.memref_slice %arg10[%dma_wait3A_1004, %dma_wait3A_1007, %dma_wait3A_1008] : memref<2x1024x64xi8, #tpu.memory_space<vmem>> -> memref<1x1024x64xi8, #tpu.memory_space<vmem>>
    %dma_wait3A_1010 = tpu.memref_squeeze %dma_wait3A_1009 : memref<1x1024x64xi8, #tpu.memory_space<vmem>> -> memref<1024x64xi8, #tpu.memory_space<vmem>>
    %dma_wait3A_1011 = arith.constant 0 : i32
    %dma_wait3A_1012 = tpu.memref_slice %arg9[%dma_wait3A_1003, %dma_wait3A_1011] : memref<2x1024xi32, #tpu.memory_space<vmem>> -> memref<1x1024xi32, #tpu.memory_space<vmem>>
    %dma_wait3A_1013 = tpu.memref_squeeze %dma_wait3A_1012 : memref<1x1024xi32, #tpu.memory_space<vmem>> -> memref<1024xi32, #tpu.memory_space<vmem>>
    %dma_wait3A_1014 = arith.constant 0 : i32
    %dma_wait3A_1015 = arith.constant 0 : i32
    %dma_wait3A_1016 = tpu.memref_slice %arg3[%dma_wait3A_1014, %dma_wait3A_1015] : memref<1000000x64xi8, #tpu.memory_space<hbm>> -> memref<1000000x64xi8, #tpu.memory_space<hbm>>
    %dma_wait3A_1017 = tpu.memref_slice %arg13[%dma_wait3A_1005, %dma_wait3A_1006] : memref<2x3x!tpu.dma_semaphore, #tpu.memory_space<semaphore_mem>> -> memref<1x1x!tpu.dma_semaphore, #tpu.memory_space<semaphore_mem>>
    %dma_wait3A_1018 = tpu.memref_squeeze %dma_wait3A_1017 : memref<1x1x!tpu.dma_semaphore, #tpu.memory_space<semaphore_mem>> -> memref<!tpu.dma_semaphore, #tpu.memory_space<semaphore_mem>>
    tpu.wait_indirect_dma semaphore(%dma_wait3A_1018 : memref<!tpu.dma_semaphore, #tpu.memory_space<semaphore_mem>>) src(%dma_wait3A_1016 : memref<1000000x64xi8, #tpu.memory_space<hbm>>) dst(%dma_wait3A_1010 : memref<1024x64xi8, #tpu.memory_space<vmem>>)
    %dma_wait3A_1019 = arith.constant 1 : i32
    %dma_wait3A_1020 = arith.constant 1 : i32
    %dma_wait3A_1021 = arith.constant 1 : i32
    %dma_wait3A_1022 = arith.constant 1 : i32
    %dma_wait3A_1023 = arith.constant 0 : i32
    %dma_wait3A_1024 = tpu.memref_slice %arg11[%dma_wait3A_1020, %dma_wait3A_1023] : memref<2x1024xf32, #tpu.memory_space<vmem>> -> memref<1x1024xf32, #tpu.memory_space<vmem>>
    %dma_wait3A_1025 = tpu.memref_squeeze %dma_wait3A_1024 : memref<1x1024xf32, #tpu.memory_space<vmem>> -> memref<1024xf32, #tpu.memory_space<vmem>>
    %dma_wait3A_1026 = arith.constant 0 : i32
    %dma_wait3A_1027 = tpu.memref_slice %arg9[%dma_wait3A_1019, %dma_wait3A_1026] : memref<2x1024xi32, #tpu.memory_space<vmem>> -> memref<1x1024xi32, #tpu.memory_space<vmem>>
    %dma_wait3A_1028 = tpu.memref_squeeze %dma_wait3A_1027 : memref<1x1024xi32, #tpu.memory_space<vmem>> -> memref<1024xi32, #tpu.memory_space<vmem>>
    %dma_wait3A_1029 = arith.constant 0 : i32
    %dma_wait3A_1030 = tpu.memref_slice %arg4[%dma_wait3A_1029] : memref<1000000xf32, #tpu.memory_space<hbm>> -> memref<1000000xf32, #tpu.memory_space<hbm>>
    %dma_wait3A_1031 = tpu.memref_slice %arg13[%dma_wait3A_1021, %dma_wait3A_1022] : memref<2x3x!tpu.dma_semaphore, #tpu.memory_space<semaphore_mem>> -> memref<1x1x!tpu.dma_semaphore, #tpu.memory_space<semaphore_mem>>
    %dma_wait3A_1032 = tpu.memref_squeeze %dma_wait3A_1031 : memref<1x1x!tpu.dma_semaphore, #tpu.memory_space<semaphore_mem>> -> memref<!tpu.dma_semaphore, #tpu.memory_space<semaphore_mem>>
    tpu.wait_indirect_dma semaphore(%dma_wait3A_1032 : memref<!tpu.dma_semaphore, #tpu.memory_space<semaphore_mem>>) src(%dma_wait3A_1030 : memref<1000000xf32, #tpu.memory_space<hbm>>) dst(%dma_wait3A_1025 : memref<1024xf32, #tpu.memory_space<vmem>>)
    %dma_wait3A_1033 = arith.constant 1 : i32
    %dma_wait3A_1034 = arith.constant 1 : i32
    %dma_wait3A_1035 = arith.constant 1 : i32
    %dma_wait3A_1036 = arith.constant 2 : i32
    %dma_wait3A_1037 = arith.constant 0 : i32
    %dma_wait3A_1038 = tpu.memref_slice %arg12[%dma_wait3A_1034, %dma_wait3A_1037] : memref<2x1024xf32, #tpu.memory_space<vmem>> -> memref<1x1024xf32, #tpu.memory_space<vmem>>
    %dma_wait3A_1039 = tpu.memref_squeeze %dma_wait3A_1038 : memref<1x1024xf32, #tpu.memory_space<vmem>> -> memref<1024xf32, #tpu.memory_space<vmem>>
    %dma_wait3A_1040 = arith.constant 0 : i32
    %dma_wait3A_1041 = tpu.memref_slice %arg9[%dma_wait3A_1033, %dma_wait3A_1040] : memref<2x1024xi32, #tpu.memory_space<vmem>> -> memref<1x1024xi32, #tpu.memory_space<vmem>>
    %dma_wait3A_1042 = tpu.memref_squeeze %dma_wait3A_1041 : memref<1x1024xi32, #tpu.memory_space<vmem>> -> memref<1024xi32, #tpu.memory_space<vmem>>
    %dma_wait3A_1043 = arith.constant 0 : i32
    %dma_wait3A_1044 = tpu.memref_slice %arg5[%dma_wait3A_1043] : memref<1000000xf32, #tpu.memory_space<hbm>> -> memref<1000000xf32, #tpu.memory_space<hbm>>
    %dma_wait3A_1045 = tpu.memref_slice %arg13[%dma_wait3A_1035, %dma_wait3A_1036] : memref<2x3x!tpu.dma_semaphore, #tpu.memory_space<semaphore_mem>> -> memref<1x1x!tpu.dma_semaphore, #tpu.memory_space<semaphore_mem>>
    %dma_wait3A_1046 = tpu.memref_squeeze %dma_wait3A_1045 : memref<1x1x!tpu.dma_semaphore, #tpu.memory_space<semaphore_mem>> -> memref<!tpu.dma_semaphore, #tpu.memory_space<semaphore_mem>>
    tpu.wait_indirect_dma semaphore(%dma_wait3A_1046 : memref<!tpu.dma_semaphore, #tpu.memory_space<semaphore_mem>>) src(%dma_wait3A_1044 : memref<1000000xf32, #tpu.memory_space<hbm>>) dst(%dma_wait3A_1039 : memref<1024xf32, #tpu.memory_space<vmem>>)
    %dma_start3A_1047 = arith.constant 1 : i32
    %dma_start3A_1048 = arith.constant 1 : i32
    %dma_start3A_1049 = arith.constant 0 : i32
    %dma_start3A_1050 = arith.constant 0 : i32
    %dma_start3A_1051 = arith.constant 0 : i32
    %dma_start3A_1052 = tpu.memref_slice %arg10[%dma_start3A_1047, %dma_start3A_1050, %dma_start3A_1051] : memref<2x1024x64xi8, #tpu.memory_space<vmem>> -> memref<1x1024x64xi8, #tpu.memory_space<vmem>>
    %dma_start3A_1053 = tpu.memref_squeeze %dma_start3A_1052 : memref<1x1024x64xi8, #tpu.memory_space<vmem>> -> memref<1024x64xi8, #tpu.memory_space<vmem>>
    %dma_start3A_1054 = arith.constant 0 : i32
    %dma_start3A_1055 = tpu.memref_slice %arg6[%multiple_of3A_1002, %dma_start3A_1054] : memref<327680x64xi8, #tpu.memory_space<hbm>> -> memref<1024x64xi8, #tpu.memory_space<hbm>>
    %dma_start3A_1056 = tpu.memref_slice %arg14[%dma_start3A_1048, %dma_start3A_1049] : memref<2x3x!tpu.dma_semaphore, #tpu.memory_space<semaphore_mem>> -> memref<1x1x!tpu.dma_semaphore, #tpu.memory_space<semaphore_mem>>
    %dma_start3A_1057 = tpu.memref_squeeze %dma_start3A_1056 : memref<1x1x!tpu.dma_semaphore, #tpu.memory_space<semaphore_mem>> -> memref<!tpu.dma_semaphore, #tpu.memory_space<semaphore_mem>>
    %dma_start3A_1058 = arith.constant 0 : i32
    %dma_start3A_1059 = tpu.memref_slice %arg6[%multiple_of3A_1002, %dma_start3A_1058] : memref<327680x64xi8, #tpu.memory_space<hbm>> -> memref<1024x64xi8, #tpu.memory_space<hbm>>
    %dma_start3A_1060 = arith.constant 0 : i32
    %dma_start3A_1061 = arith.constant 0 : i32
    %dma_start3A_1062 = tpu.memref_slice %arg10[%dma_start3A_1047, %dma_start3A_1060, %dma_start3A_1061] : memref<2x1024x64xi8, #tpu.memory_space<vmem>> -> memref<1x1024x64xi8, #tpu.memory_space<vmem>>
    %dma_start3A_1063 = tpu.memref_squeeze %dma_start3A_1062 : memref<1x1024x64xi8, #tpu.memory_space<vmem>> -> memref<1024x64xi8, #tpu.memory_space<vmem>>
    tpu.enqueue_dma source(%dma_start3A_1063 : memref<1024x64xi8, #tpu.memory_space<vmem>>) target(%dma_start3A_1059 : memref<1024x64xi8, #tpu.memory_space<hbm>>) target_semaphore(%dma_start3A_1057 : memref<!tpu.dma_semaphore, #tpu.memory_space<semaphore_mem>>)
    %dma_start3A_1064 = arith.constant 1 : i32
    %dma_start3A_1065 = arith.constant 1 : i32
    %dma_start3A_1066 = arith.constant 1 : i32
    %dma_start3A_1067 = arith.constant 0 : i32
    %dma_start3A_1068 = tpu.memref_slice %arg11[%dma_start3A_1064, %dma_start3A_1067] : memref<2x1024xf32, #tpu.memory_space<vmem>> -> memref<1x1024xf32, #tpu.memory_space<vmem>>
    %dma_start3A_1069 = tpu.memref_squeeze %dma_start3A_1068 : memref<1x1024xf32, #tpu.memory_space<vmem>> -> memref<1024xf32, #tpu.memory_space<vmem>>
    %dma_start3A_1070 = tpu.memref_slice %arg7[%multiple_of3A_1002] : memref<327680xf32, #tpu.memory_space<hbm>> -> memref<1024xf32, #tpu.memory_space<hbm>>
    %dma_start3A_1071 = tpu.memref_slice %arg14[%dma_start3A_1065, %dma_start3A_1066] : memref<2x3x!tpu.dma_semaphore, #tpu.memory_space<semaphore_mem>> -> memref<1x1x!tpu.dma_semaphore, #tpu.memory_space<semaphore_mem>>
    %dma_start3A_1072 = tpu.memref_squeeze %dma_start3A_1071 : memref<1x1x!tpu.dma_semaphore, #tpu.memory_space<semaphore_mem>> -> memref<!tpu.dma_semaphore, #tpu.memory_space<semaphore_mem>>
    %dma_start3A_1073 = tpu.memref_slice %arg7[%multiple_of3A_1002] : memref<327680xf32, #tpu.memory_space<hbm>> -> memref<1024xf32, #tpu.memory_space<hbm>>
    %dma_start3A_1074 = arith.constant 0 : i32
    %dma_start3A_1075 = tpu.memref_slice %arg11[%dma_start3A_1064, %dma_start3A_1074] : memref<2x1024xf32, #tpu.memory_space<vmem>> -> memref<1x1024xf32, #tpu.memory_space<vmem>>
    %dma_start3A_1076 = tpu.memref_squeeze %dma_start3A_1075 : memref<1x1024xf32, #tpu.memory_space<vmem>> -> memref<1024xf32, #tpu.memory_space<vmem>>
    tpu.enqueue_dma source(%dma_start3A_1076 : memref<1024xf32, #tpu.memory_space<vmem>>) target(%dma_start3A_1073 : memref<1024xf32, #tpu.memory_space<hbm>>) target_semaphore(%dma_start3A_1072 : memref<!tpu.dma_semaphore, #tpu.memory_space<semaphore_mem>>)
    %dma_start3A_1077 = arith.constant 1 : i32
    %dma_start3A_1078 = arith.constant 1 : i32
    %dma_start3A_1079 = arith.constant 2 : i32
    %dma_start3A_1080 = arith.constant 0 : i32
    %dma_start3A_1081 = tpu.memref_slice %arg12[%dma_start3A_1077, %dma_start3A_1080] : memref<2x1024xf32, #tpu.memory_space<vmem>> -> memref<1x1024xf32, #tpu.memory_space<vmem>>
    %dma_start3A_1082 = tpu.memref_squeeze %dma_start3A_1081 : memref<1x1024xf32, #tpu.memory_space<vmem>> -> memref<1024xf32, #tpu.memory_space<vmem>>
    %dma_start3A_1083 = tpu.memref_slice %arg8[%multiple_of3A_1002] : memref<327680xf32, #tpu.memory_space<hbm>> -> memref<1024xf32, #tpu.memory_space<hbm>>
    %dma_start3A_1084 = tpu.memref_slice %arg14[%dma_start3A_1078, %dma_start3A_1079] : memref<2x3x!tpu.dma_semaphore, #tpu.memory_space<semaphore_mem>> -> memref<1x1x!tpu.dma_semaphore, #tpu.memory_space<semaphore_mem>>
    %dma_start3A_1085 = tpu.memref_squeeze %dma_start3A_1084 : memref<1x1x!tpu.dma_semaphore, #tpu.memory_space<semaphore_mem>> -> memref<!tpu.dma_semaphore, #tpu.memory_space<semaphore_mem>>
    %dma_start3A_1086 = tpu.memref_slice %arg8[%multiple_of3A_1002] : memref<327680xf32, #tpu.memory_space<hbm>> -> memref<1024xf32, #tpu.memory_space<hbm>>
    %dma_start3A_1087 = arith.constant 0 : i32
    %dma_start3A_1088 = tpu.memref_slice %arg12[%dma_start3A_1077, %dma_start3A_1087] : memref<2x1024xf32, #tpu.memory_space<vmem>> -> memref<1x1024xf32, #tpu.memory_space<vmem>>
    %dma_start3A_1089 = tpu.memref_squeeze %dma_start3A_1088 : memref<1x1024xf32, #tpu.memory_space<vmem>> -> memref<1024xf32, #tpu.memory_space<vmem>>
    tpu.enqueue_dma source(%dma_start3A_1089 : memref<1024xf32, #tpu.memory_space<vmem>>) target(%dma_start3A_1086 : memref<1024xf32, #tpu.memory_space<hbm>>) target_semaphore(%dma_start3A_1085 : memref<!tpu.dma_semaphore, #tpu.memory_space<semaphore_mem>>)
    %add3A_1090 = arith.constant 7168 : i32
    %add3A_1091 = arith.addi %mul3A_2, %add3A_1090 : i32
    %multiple_of3A_1092 = tpu.assume_multiple %add3A_1091, 1024 : i32
    %dma_wait3A_1093 = arith.constant 1 : i32
    %dma_wait3A_1094 = arith.constant 1 : i32
    %dma_wait3A_1095 = arith.constant 0 : i32
    %dma_wait3A_1096 = arith.constant 0 : i32
    %dma_wait3A_1097 = arith.constant 0 : i32
    %dma_wait3A_1098 = tpu.memref_slice %arg10[%dma_wait3A_1093, %dma_wait3A_1096, %dma_wait3A_1097] : memref<2x1024x64xi8, #tpu.memory_space<vmem>> -> memref<1x1024x64xi8, #tpu.memory_space<vmem>>
    %dma_wait3A_1099 = tpu.memref_squeeze %dma_wait3A_1098 : memref<1x1024x64xi8, #tpu.memory_space<vmem>> -> memref<1024x64xi8, #tpu.memory_space<vmem>>
    %dma_wait3A_1100 = arith.constant 0 : i32
    %dma_wait3A_1101 = tpu.memref_slice %arg6[%multiple_of3A_1002, %dma_wait3A_1100] : memref<327680x64xi8, #tpu.memory_space<hbm>> -> memref<1024x64xi8, #tpu.memory_space<hbm>>
    %dma_wait3A_1102 = tpu.memref_slice %arg14[%dma_wait3A_1094, %dma_wait3A_1095] : memref<2x3x!tpu.dma_semaphore, #tpu.memory_space<semaphore_mem>> -> memref<1x1x!tpu.dma_semaphore, #tpu.memory_space<semaphore_mem>>
    %dma_wait3A_1103 = tpu.memref_squeeze %dma_wait3A_1102 : memref<1x1x!tpu.dma_semaphore, #tpu.memory_space<semaphore_mem>> -> memref<!tpu.dma_semaphore, #tpu.memory_space<semaphore_mem>>
    %dma_wait3A_1104 = arith.constant 0 : i32
    %dma_wait3A_1105 = tpu.memref_slice %arg6[%multiple_of3A_1002, %dma_wait3A_1104] : memref<327680x64xi8, #tpu.memory_space<hbm>> -> memref<1024x64xi8, #tpu.memory_space<hbm>>
    %dma_wait3A_1106 = arith.constant 0 : i32
    %dma_wait3A_1107 = arith.constant 0 : i32
    %dma_wait3A_1108 = tpu.memref_slice %arg10[%dma_wait3A_1093, %dma_wait3A_1106, %dma_wait3A_1107] : memref<2x1024x64xi8, #tpu.memory_space<vmem>> -> memref<1x1024x64xi8, #tpu.memory_space<vmem>>
    %dma_wait3A_1109 = tpu.memref_squeeze %dma_wait3A_1108 : memref<1x1024x64xi8, #tpu.memory_space<vmem>> -> memref<1024x64xi8, #tpu.memory_space<vmem>>
    tpu.wait_dma2 semaphore(%dma_wait3A_1103 : memref<!tpu.dma_semaphore, #tpu.memory_space<semaphore_mem>>) src(%dma_wait3A_1109 : memref<1024x64xi8, #tpu.memory_space<vmem>>) dst(%dma_wait3A_1105 : memref<1024x64xi8, #tpu.memory_space<hbm>>)
    %dma_wait3A_1110 = arith.constant 1 : i32
    %dma_wait3A_1111 = arith.constant 1 : i32
    %dma_wait3A_1112 = arith.constant 1 : i32
    %dma_wait3A_1113 = arith.constant 0 : i32
    %dma_wait3A_1114 = tpu.memref_slice %arg11[%dma_wait3A_1110, %dma_wait3A_1113] : memref<2x1024xf32, #tpu.memory_space<vmem>> -> memref<1x1024xf32, #tpu.memory_space<vmem>>
    %dma_wait3A_1115 = tpu.memref_squeeze %dma_wait3A_1114 : memref<1x1024xf32, #tpu.memory_space<vmem>> -> memref<1024xf32, #tpu.memory_space<vmem>>
    %dma_wait3A_1116 = tpu.memref_slice %arg7[%multiple_of3A_1002] : memref<327680xf32, #tpu.memory_space<hbm>> -> memref<1024xf32, #tpu.memory_space<hbm>>
    %dma_wait3A_1117 = tpu.memref_slice %arg14[%dma_wait3A_1111, %dma_wait3A_1112] : memref<2x3x!tpu.dma_semaphore, #tpu.memory_space<semaphore_mem>> -> memref<1x1x!tpu.dma_semaphore, #tpu.memory_space<semaphore_mem>>
    %dma_wait3A_1118 = tpu.memref_squeeze %dma_wait3A_1117 : memref<1x1x!tpu.dma_semaphore, #tpu.memory_space<semaphore_mem>> -> memref<!tpu.dma_semaphore, #tpu.memory_space<semaphore_mem>>
    %dma_wait3A_1119 = tpu.memref_slice %arg7[%multiple_of3A_1002] : memref<327680xf32, #tpu.memory_space<hbm>> -> memref<1024xf32, #tpu.memory_space<hbm>>
    %dma_wait3A_1120 = arith.constant 0 : i32
    %dma_wait3A_1121 = tpu.memref_slice %arg11[%dma_wait3A_1110, %dma_wait3A_1120] : memref<2x1024xf32, #tpu.memory_space<vmem>> -> memref<1x1024xf32, #tpu.memory_space<vmem>>
    %dma_wait3A_1122 = tpu.memref_squeeze %dma_wait3A_1121 : memref<1x1024xf32, #tpu.memory_space<vmem>> -> memref<1024xf32, #tpu.memory_space<vmem>>
    tpu.wait_dma2 semaphore(%dma_wait3A_1118 : memref<!tpu.dma_semaphore, #tpu.memory_space<semaphore_mem>>) src(%dma_wait3A_1122 : memref<1024xf32, #tpu.memory_space<vmem>>) dst(%dma_wait3A_1119 : memref<1024xf32, #tpu.memory_space<hbm>>)
    %dma_wait3A_1123 = arith.constant 1 : i32
    %dma_wait3A_1124 = arith.constant 1 : i32
    %dma_wait3A_1125 = arith.constant 2 : i32
    %dma_wait3A_1126 = arith.constant 0 : i32
    %dma_wait3A_1127 = tpu.memref_slice %arg12[%dma_wait3A_1123, %dma_wait3A_1126] : memref<2x1024xf32, #tpu.memory_space<vmem>> -> memref<1x1024xf32, #tpu.memory_space<vmem>>
    %dma_wait3A_1128 = tpu.memref_squeeze %dma_wait3A_1127 : memref<1x1024xf32, #tpu.memory_space<vmem>> -> memref<1024xf32, #tpu.memory_space<vmem>>
    %dma_wait3A_1129 = tpu.memref_slice %arg8[%multiple_of3A_1002] : memref<327680xf32, #tpu.memory_space<hbm>> -> memref<1024xf32, #tpu.memory_space<hbm>>
    %dma_wait3A_1130 = tpu.memref_slice %arg14[%dma_wait3A_1124, %dma_wait3A_1125] : memref<2x3x!tpu.dma_semaphore, #tpu.memory_space<semaphore_mem>> -> memref<1x1x!tpu.dma_semaphore, #tpu.memory_space<semaphore_mem>>
    %dma_wait3A_1131 = tpu.memref_squeeze %dma_wait3A_1130 : memref<1x1x!tpu.dma_semaphore, #tpu.memory_space<semaphore_mem>> -> memref<!tpu.dma_semaphore, #tpu.memory_space<semaphore_mem>>
    %dma_wait3A_1132 = tpu.memref_slice %arg8[%multiple_of3A_1002] : memref<327680xf32, #tpu.memory_space<hbm>> -> memref<1024xf32, #tpu.memory_space<hbm>>
    %dma_wait3A_1133 = arith.constant 0 : i32
    %dma_wait3A_1134 = tpu.memref_slice %arg12[%dma_wait3A_1123, %dma_wait3A_1133] : memref<2x1024xf32, #tpu.memory_space<vmem>> -> memref<1x1024xf32, #tpu.memory_space<vmem>>
    %dma_wait3A_1135 = tpu.memref_squeeze %dma_wait3A_1134 : memref<1x1024xf32, #tpu.memory_space<vmem>> -> memref<1024xf32, #tpu.memory_space<vmem>>
    tpu.wait_dma2 semaphore(%dma_wait3A_1131 : memref<!tpu.dma_semaphore, #tpu.memory_space<semaphore_mem>>) src(%dma_wait3A_1135 : memref<1024xf32, #tpu.memory_space<vmem>>) dst(%dma_wait3A_1132 : memref<1024xf32, #tpu.memory_space<hbm>>)
    %run_scoped3A_1136 = arith.constant 1 : i32
    "tpu.region"() ({
      %run_scoped3A_1809 = tpu.sem_alloc : memref<!tpu.dma_semaphore, #tpu.memory_space<semaphore_mem>>
      %dma_start3A_1810 = arith.constant 0 : i32
      %dma_start3A_1811 = tpu.memref_slice %arg9[%run_scoped3A_1136, %dma_start3A_1810] : memref<2x1024xi32, #tpu.memory_space<vmem>> -> memref<1x1024xi32, #tpu.memory_space<vmem>>
      %dma_start3A_1812 = tpu.memref_squeeze %dma_start3A_1811 : memref<1x1024xi32, #tpu.memory_space<vmem>> -> memref<1024xi32, #tpu.memory_space<vmem>>
      %dma_start3A_1813 = tpu.memref_slice %arg2[%multiple_of3A_1092] : memref<327680xi32, #tpu.memory_space<hbm>> -> memref<1024xi32, #tpu.memory_space<hbm>>
      %dma_start3A_1814 = arith.constant 0 : i32
      %dma_start3A_1815 = tpu.memref_slice %arg9[%run_scoped3A_1136, %dma_start3A_1814] : memref<2x1024xi32, #tpu.memory_space<vmem>> -> memref<1x1024xi32, #tpu.memory_space<vmem>>
      %dma_start3A_1816 = tpu.memref_squeeze %dma_start3A_1815 : memref<1x1024xi32, #tpu.memory_space<vmem>> -> memref<1024xi32, #tpu.memory_space<vmem>>
      %dma_start3A_1817 = tpu.memref_slice %arg2[%multiple_of3A_1092] : memref<327680xi32, #tpu.memory_space<hbm>> -> memref<1024xi32, #tpu.memory_space<hbm>>
      tpu.enqueue_dma source(%dma_start3A_1817 : memref<1024xi32, #tpu.memory_space<hbm>>) target(%dma_start3A_1816 : memref<1024xi32, #tpu.memory_space<vmem>>) target_semaphore(%run_scoped3A_1809 : memref<!tpu.dma_semaphore, #tpu.memory_space<semaphore_mem>>)
      %dma_wait3A_1818 = arith.constant 0 : i32
      %dma_wait3A_1819 = tpu.memref_slice %arg9[%run_scoped3A_1136, %dma_wait3A_1818] : memref<2x1024xi32, #tpu.memory_space<vmem>> -> memref<1x1024xi32, #tpu.memory_space<vmem>>
      %dma_wait3A_1820 = tpu.memref_squeeze %dma_wait3A_1819 : memref<1x1024xi32, #tpu.memory_space<vmem>> -> memref<1024xi32, #tpu.memory_space<vmem>>
      %dma_wait3A_1821 = tpu.memref_slice %arg2[%multiple_of3A_1092] : memref<327680xi32, #tpu.memory_space<hbm>> -> memref<1024xi32, #tpu.memory_space<hbm>>
      %dma_wait3A_1822 = arith.constant 0 : i32
      %dma_wait3A_1823 = tpu.memref_slice %arg9[%run_scoped3A_1136, %dma_wait3A_1822] : memref<2x1024xi32, #tpu.memory_space<vmem>> -> memref<1x1024xi32, #tpu.memory_space<vmem>>
      %dma_wait3A_1824 = tpu.memref_squeeze %dma_wait3A_1823 : memref<1x1024xi32, #tpu.memory_space<vmem>> -> memref<1024xi32, #tpu.memory_space<vmem>>
      %dma_wait3A_1825 = tpu.memref_slice %arg2[%multiple_of3A_1092] : memref<327680xi32, #tpu.memory_space<hbm>> -> memref<1024xi32, #tpu.memory_space<hbm>>
      tpu.wait_dma2 semaphore(%run_scoped3A_1809 : memref<!tpu.dma_semaphore, #tpu.memory_space<semaphore_mem>>) src(%dma_wait3A_1825 : memref<1024xi32, #tpu.memory_space<hbm>>) dst(%dma_wait3A_1824 : memref<1024xi32, #tpu.memory_space<vmem>>)
      tpu.yield
    }) : () -> ()
    %dma_start3A_1137 = arith.constant 1 : i32
    %dma_start3A_1138 = arith.constant 1 : i32
    %dma_start3A_1139 = arith.constant 1 : i32
    %dma_start3A_1140 = arith.constant 0 : i32
    %dma_start3A_1141 = arith.constant 0 : i32
    %dma_start3A_1142 = arith.constant 0 : i32
    %dma_start3A_1143 = tpu.memref_slice %arg10[%dma_start3A_1138, %dma_start3A_1141, %dma_start3A_1142] : memref<2x1024x64xi8, #tpu.memory_space<vmem>> -> memref<1x1024x64xi8, #tpu.memory_space<vmem>>
    %dma_start3A_1144 = tpu.memref_squeeze %dma_start3A_1143 : memref<1x1024x64xi8, #tpu.memory_space<vmem>> -> memref<1024x64xi8, #tpu.memory_space<vmem>>
    %dma_start3A_1145 = arith.constant 0 : i32
    %dma_start3A_1146 = tpu.memref_slice %arg9[%dma_start3A_1137, %dma_start3A_1145] : memref<2x1024xi32, #tpu.memory_space<vmem>> -> memref<1x1024xi32, #tpu.memory_space<vmem>>
    %dma_start3A_1147 = tpu.memref_squeeze %dma_start3A_1146 : memref<1x1024xi32, #tpu.memory_space<vmem>> -> memref<1024xi32, #tpu.memory_space<vmem>>
    %dma_start3A_1148 = arith.constant 0 : i32
    %dma_start3A_1149 = arith.constant 0 : i32
    %dma_start3A_1150 = tpu.memref_slice %arg3[%dma_start3A_1148, %dma_start3A_1149] : memref<1000000x64xi8, #tpu.memory_space<hbm>> -> memref<1000000x64xi8, #tpu.memory_space<hbm>>
    %dma_start3A_1151 = tpu.memref_slice %arg13[%dma_start3A_1139, %dma_start3A_1140] : memref<2x3x!tpu.dma_semaphore, #tpu.memory_space<semaphore_mem>> -> memref<1x1x!tpu.dma_semaphore, #tpu.memory_space<semaphore_mem>>
    %dma_start3A_1152 = tpu.memref_squeeze %dma_start3A_1151 : memref<1x1x!tpu.dma_semaphore, #tpu.memory_space<semaphore_mem>> -> memref<!tpu.dma_semaphore, #tpu.memory_space<semaphore_mem>>
    tpu.enqueue_indirect_dma source(%dma_start3A_1150 : memref<1000000x64xi8, #tpu.memory_space<hbm>>) target(%dma_start3A_1144 : memref<1024x64xi8, #tpu.memory_space<vmem>>) offsets(%dma_start3A_1147 : memref<1024xi32, #tpu.memory_space<vmem>>) semaphore(%dma_start3A_1152 : memref<!tpu.dma_semaphore, #tpu.memory_space<semaphore_mem>>)
    %dma_start3A_1153 = arith.constant 1 : i32
    %dma_start3A_1154 = arith.constant 1 : i32
    %dma_start3A_1155 = arith.constant 1 : i32
    %dma_start3A_1156 = arith.constant 1 : i32
    %dma_start3A_1157 = arith.constant 0 : i32
    %dma_start3A_1158 = tpu.memref_slice %arg11[%dma_start3A_1154, %dma_start3A_1157] : memref<2x1024xf32, #tpu.memory_space<vmem>> -> memref<1x1024xf32, #tpu.memory_space<vmem>>
    %dma_start3A_1159 = tpu.memref_squeeze %dma_start3A_1158 : memref<1x1024xf32, #tpu.memory_space<vmem>> -> memref<1024xf32, #tpu.memory_space<vmem>>
    %dma_start3A_1160 = arith.constant 0 : i32
    %dma_start3A_1161 = tpu.memref_slice %arg9[%dma_start3A_1153, %dma_start3A_1160] : memref<2x1024xi32, #tpu.memory_space<vmem>> -> memref<1x1024xi32, #tpu.memory_space<vmem>>
    %dma_start3A_1162 = tpu.memref_squeeze %dma_start3A_1161 : memref<1x1024xi32, #tpu.memory_space<vmem>> -> memref<1024xi32, #tpu.memory_space<vmem>>
    %dma_start3A_1163 = arith.constant 0 : i32
    %dma_start3A_1164 = tpu.memref_slice %arg4[%dma_start3A_1163] : memref<1000000xf32, #tpu.memory_space<hbm>> -> memref<1000000xf32, #tpu.memory_space<hbm>>
    %dma_start3A_1165 = tpu.memref_slice %arg13[%dma_start3A_1155, %dma_start3A_1156] : memref<2x3x!tpu.dma_semaphore, #tpu.memory_space<semaphore_mem>> -> memref<1x1x!tpu.dma_semaphore, #tpu.memory_space<semaphore_mem>>
    %dma_start3A_1166 = tpu.memref_squeeze %dma_start3A_1165 : memref<1x1x!tpu.dma_semaphore, #tpu.memory_space<semaphore_mem>> -> memref<!tpu.dma_semaphore, #tpu.memory_space<semaphore_mem>>
    tpu.enqueue_indirect_dma source(%dma_start3A_1164 : memref<1000000xf32, #tpu.memory_space<hbm>>) target(%dma_start3A_1159 : memref<1024xf32, #tpu.memory_space<vmem>>) offsets(%dma_start3A_1162 : memref<1024xi32, #tpu.memory_space<vmem>>) semaphore(%dma_start3A_1166 : memref<!tpu.dma_semaphore, #tpu.memory_space<semaphore_mem>>)
    %dma_start3A_1167 = arith.constant 1 : i32
    %dma_start3A_1168 = arith.constant 1 : i32
    %dma_start3A_1169 = arith.constant 1 : i32
    %dma_start3A_1170 = arith.constant 2 : i32
    %dma_start3A_1171 = arith.constant 0 : i32
    %dma_start3A_1172 = tpu.memref_slice %arg12[%dma_start3A_1168, %dma_start3A_1171] : memref<2x1024xf32, #tpu.memory_space<vmem>> -> memref<1x1024xf32, #tpu.memory_space<vmem>>
    %dma_start3A_1173 = tpu.memref_squeeze %dma_start3A_1172 : memref<1x1024xf32, #tpu.memory_space<vmem>> -> memref<1024xf32, #tpu.memory_space<vmem>>
    %dma_start3A_1174 = arith.constant 0 : i32
    %dma_start3A_1175 = tpu.memref_slice %arg9[%dma_start3A_1167, %dma_start3A_1174] : memref<2x1024xi32, #tpu.memory_space<vmem>> -> memref<1x1024xi32, #tpu.memory_space<vmem>>
    %dma_start3A_1176 = tpu.memref_squeeze %dma_start3A_1175 : memref<1x1024xi32, #tpu.memory_space<vmem>> -> memref<1024xi32, #tpu.memory_space<vmem>>
    %dma_start3A_1177 = arith.constant 0 : i32
    %dma_start3A_1178 = tpu.memref_slice %arg5[%dma_start3A_1177] : memref<1000000xf32, #tpu.memory_space<hbm>> -> memref<1000000xf32, #tpu.memory_space<hbm>>
    %dma_start3A_1179 = tpu.memref_slice %arg13[%dma_start3A_1169, %dma_start3A_1170] : memref<2x3x!tpu.dma_semaphore, #tpu.memory_space<semaphore_mem>> -> memref<1x1x!tpu.dma_semaphore, #tpu.memory_space<semaphore_mem>>
    %dma_start3A_1180 = tpu.memref_squeeze %dma_start3A_1179 : memref<1x1x!tpu.dma_semaphore, #tpu.memory_space<semaphore_mem>> -> memref<!tpu.dma_semaphore, #tpu.memory_space<semaphore_mem>>
    tpu.enqueue_indirect_dma source(%dma_start3A_1178 : memref<1000000xf32, #tpu.memory_space<hbm>>) target(%dma_start3A_1173 : memref<1024xf32, #tpu.memory_space<vmem>>) offsets(%dma_start3A_1176 : memref<1024xi32, #tpu.memory_space<vmem>>) semaphore(%dma_start3A_1180 : memref<!tpu.dma_semaphore, #tpu.memory_space<semaphore_mem>>)
    %add3A_1181 = arith.constant 6144 : i32
    %add3A_1182 = arith.addi %mul3A_2, %add3A_1181 : i32
    %multiple_of3A_1183 = tpu.assume_multiple %add3A_1182, 1024 : i32
    %dma_wait3A_1184 = arith.constant 0 : i32
    %dma_wait3A_1185 = arith.constant 0 : i32
    %dma_wait3A_1186 = arith.constant 0 : i32
    %dma_wait3A_1187 = arith.constant 0 : i32
    %dma_wait3A_1188 = arith.constant 0 : i32
    %dma_wait3A_1189 = arith.constant 0 : i32
    %dma_wait3A_1190 = tpu.memref_slice %arg10[%dma_wait3A_1185, %dma_wait3A_1188, %dma_wait3A_1189] : memref<2x1024x64xi8, #tpu.memory_space<vmem>> -> memref<1x1024x64xi8, #tpu.memory_space<vmem>>
    %dma_wait3A_1191 = tpu.memref_squeeze %dma_wait3A_1190 : memref<1x1024x64xi8, #tpu.memory_space<vmem>> -> memref<1024x64xi8, #tpu.memory_space<vmem>>
    %dma_wait3A_1192 = arith.constant 0 : i32
    %dma_wait3A_1193 = tpu.memref_slice %arg9[%dma_wait3A_1184, %dma_wait3A_1192] : memref<2x1024xi32, #tpu.memory_space<vmem>> -> memref<1x1024xi32, #tpu.memory_space<vmem>>
    %dma_wait3A_1194 = tpu.memref_squeeze %dma_wait3A_1193 : memref<1x1024xi32, #tpu.memory_space<vmem>> -> memref<1024xi32, #tpu.memory_space<vmem>>
    %dma_wait3A_1195 = arith.constant 0 : i32
    %dma_wait3A_1196 = arith.constant 0 : i32
    %dma_wait3A_1197 = tpu.memref_slice %arg3[%dma_wait3A_1195, %dma_wait3A_1196] : memref<1000000x64xi8, #tpu.memory_space<hbm>> -> memref<1000000x64xi8, #tpu.memory_space<hbm>>
    %dma_wait3A_1198 = tpu.memref_slice %arg13[%dma_wait3A_1186, %dma_wait3A_1187] : memref<2x3x!tpu.dma_semaphore, #tpu.memory_space<semaphore_mem>> -> memref<1x1x!tpu.dma_semaphore, #tpu.memory_space<semaphore_mem>>
    %dma_wait3A_1199 = tpu.memref_squeeze %dma_wait3A_1198 : memref<1x1x!tpu.dma_semaphore, #tpu.memory_space<semaphore_mem>> -> memref<!tpu.dma_semaphore, #tpu.memory_space<semaphore_mem>>
    tpu.wait_indirect_dma semaphore(%dma_wait3A_1199 : memref<!tpu.dma_semaphore, #tpu.memory_space<semaphore_mem>>) src(%dma_wait3A_1197 : memref<1000000x64xi8, #tpu.memory_space<hbm>>) dst(%dma_wait3A_1191 : memref<1024x64xi8, #tpu.memory_space<vmem>>)
    %dma_wait3A_1200 = arith.constant 0 : i32
    %dma_wait3A_1201 = arith.constant 0 : i32
    %dma_wait3A_1202 = arith.constant 0 : i32
    %dma_wait3A_1203 = arith.constant 1 : i32
    %dma_wait3A_1204 = arith.constant 0 : i32
    %dma_wait3A_1205 = tpu.memref_slice %arg11[%dma_wait3A_1201, %dma_wait3A_1204] : memref<2x1024xf32, #tpu.memory_space<vmem>> -> memref<1x1024xf32, #tpu.memory_space<vmem>>
    %dma_wait3A_1206 = tpu.memref_squeeze %dma_wait3A_1205 : memref<1x1024xf32, #tpu.memory_space<vmem>> -> memref<1024xf32, #tpu.memory_space<vmem>>
    %dma_wait3A_1207 = arith.constant 0 : i32
    %dma_wait3A_1208 = tpu.memref_slice %arg9[%dma_wait3A_1200, %dma_wait3A_1207] : memref<2x1024xi32, #tpu.memory_space<vmem>> -> memref<1x1024xi32, #tpu.memory_space<vmem>>
    %dma_wait3A_1209 = tpu.memref_squeeze %dma_wait3A_1208 : memref<1x1024xi32, #tpu.memory_space<vmem>> -> memref<1024xi32, #tpu.memory_space<vmem>>
    %dma_wait3A_1210 = arith.constant 0 : i32
    %dma_wait3A_1211 = tpu.memref_slice %arg4[%dma_wait3A_1210] : memref<1000000xf32, #tpu.memory_space<hbm>> -> memref<1000000xf32, #tpu.memory_space<hbm>>
    %dma_wait3A_1212 = tpu.memref_slice %arg13[%dma_wait3A_1202, %dma_wait3A_1203] : memref<2x3x!tpu.dma_semaphore, #tpu.memory_space<semaphore_mem>> -> memref<1x1x!tpu.dma_semaphore, #tpu.memory_space<semaphore_mem>>
    %dma_wait3A_1213 = tpu.memref_squeeze %dma_wait3A_1212 : memref<1x1x!tpu.dma_semaphore, #tpu.memory_space<semaphore_mem>> -> memref<!tpu.dma_semaphore, #tpu.memory_space<semaphore_mem>>
    tpu.wait_indirect_dma semaphore(%dma_wait3A_1213 : memref<!tpu.dma_semaphore, #tpu.memory_space<semaphore_mem>>) src(%dma_wait3A_1211 : memref<1000000xf32, #tpu.memory_space<hbm>>) dst(%dma_wait3A_1206 : memref<1024xf32, #tpu.memory_space<vmem>>)
    %dma_wait3A_1214 = arith.constant 0 : i32
    %dma_wait3A_1215 = arith.constant 0 : i32
    %dma_wait3A_1216 = arith.constant 0 : i32
    %dma_wait3A_1217 = arith.constant 2 : i32
    %dma_wait3A_1218 = arith.constant 0 : i32
    %dma_wait3A_1219 = tpu.memref_slice %arg12[%dma_wait3A_1215, %dma_wait3A_1218] : memref<2x1024xf32, #tpu.memory_space<vmem>> -> memref<1x1024xf32, #tpu.memory_space<vmem>>
    %dma_wait3A_1220 = tpu.memref_squeeze %dma_wait3A_1219 : memref<1x1024xf32, #tpu.memory_space<vmem>> -> memref<1024xf32, #tpu.memory_space<vmem>>
    %dma_wait3A_1221 = arith.constant 0 : i32
    %dma_wait3A_1222 = tpu.memref_slice %arg9[%dma_wait3A_1214, %dma_wait3A_1221] : memref<2x1024xi32, #tpu.memory_space<vmem>> -> memref<1x1024xi32, #tpu.memory_space<vmem>>
    %dma_wait3A_1223 = tpu.memref_squeeze %dma_wait3A_1222 : memref<1x1024xi32, #tpu.memory_space<vmem>> -> memref<1024xi32, #tpu.memory_space<vmem>>
    %dma_wait3A_1224 = arith.constant 0 : i32
    %dma_wait3A_1225 = tpu.memref_slice %arg5[%dma_wait3A_1224] : memref<1000000xf32, #tpu.memory_space<hbm>> -> memref<1000000xf32, #tpu.memory_space<hbm>>
    %dma_wait3A_1226 = tpu.memref_slice %arg13[%dma_wait3A_1216, %dma_wait3A_1217] : memref<2x3x!tpu.dma_semaphore, #tpu.memory_space<semaphore_mem>> -> memref<1x1x!tpu.dma_semaphore, #tpu.memory_space<semaphore_mem>>
    %dma_wait3A_1227 = tpu.memref_squeeze %dma_wait3A_1226 : memref<1x1x!tpu.dma_semaphore, #tpu.memory_space<semaphore_mem>> -> memref<!tpu.dma_semaphore, #tpu.memory_space<semaphore_mem>>
    tpu.wait_indirect_dma semaphore(%dma_wait3A_1227 : memref<!tpu.dma_semaphore, #tpu.memory_space<semaphore_mem>>) src(%dma_wait3A_1225 : memref<1000000xf32, #tpu.memory_space<hbm>>) dst(%dma_wait3A_1220 : memref<1024xf32, #tpu.memory_space<vmem>>)
    %dma_start3A_1228 = arith.constant 0 : i32
    %dma_start3A_1229 = arith.constant 0 : i32
    %dma_start3A_1230 = arith.constant 0 : i32
    %dma_start3A_1231 = arith.constant 0 : i32
    %dma_start3A_1232 = arith.constant 0 : i32
    %dma_start3A_1233 = tpu.memref_slice %arg10[%dma_start3A_1228, %dma_start3A_1231, %dma_start3A_1232] : memref<2x1024x64xi8, #tpu.memory_space<vmem>> -> memref<1x1024x64xi8, #tpu.memory_space<vmem>>
    %dma_start3A_1234 = tpu.memref_squeeze %dma_start3A_1233 : memref<1x1024x64xi8, #tpu.memory_space<vmem>> -> memref<1024x64xi8, #tpu.memory_space<vmem>>
    %dma_start3A_1235 = arith.constant 0 : i32
    %dma_start3A_1236 = tpu.memref_slice %arg6[%multiple_of3A_1183, %dma_start3A_1235] : memref<327680x64xi8, #tpu.memory_space<hbm>> -> memref<1024x64xi8, #tpu.memory_space<hbm>>
    %dma_start3A_1237 = tpu.memref_slice %arg14[%dma_start3A_1229, %dma_start3A_1230] : memref<2x3x!tpu.dma_semaphore, #tpu.memory_space<semaphore_mem>> -> memref<1x1x!tpu.dma_semaphore, #tpu.memory_space<semaphore_mem>>
    %dma_start3A_1238 = tpu.memref_squeeze %dma_start3A_1237 : memref<1x1x!tpu.dma_semaphore, #tpu.memory_space<semaphore_mem>> -> memref<!tpu.dma_semaphore, #tpu.memory_space<semaphore_mem>>
    %dma_start3A_1239 = arith.constant 0 : i32
    %dma_start3A_1240 = tpu.memref_slice %arg6[%multiple_of3A_1183, %dma_start3A_1239] : memref<327680x64xi8, #tpu.memory_space<hbm>> -> memref<1024x64xi8, #tpu.memory_space<hbm>>
    %dma_start3A_1241 = arith.constant 0 : i32
    %dma_start3A_1242 = arith.constant 0 : i32
    %dma_start3A_1243 = tpu.memref_slice %arg10[%dma_start3A_1228, %dma_start3A_1241, %dma_start3A_1242] : memref<2x1024x64xi8, #tpu.memory_space<vmem>> -> memref<1x1024x64xi8, #tpu.memory_space<vmem>>
    %dma_start3A_1244 = tpu.memref_squeeze %dma_start3A_1243 : memref<1x1024x64xi8, #tpu.memory_space<vmem>> -> memref<1024x64xi8, #tpu.memory_space<vmem>>
    tpu.enqueue_dma source(%dma_start3A_1244 : memref<1024x64xi8, #tpu.memory_space<vmem>>) target(%dma_start3A_1240 : memref<1024x64xi8, #tpu.memory_space<hbm>>) target_semaphore(%dma_start3A_1238 : memref<!tpu.dma_semaphore, #tpu.memory_space<semaphore_mem>>)
    %dma_start3A_1245 = arith.constant 0 : i32
    %dma_start3A_1246 = arith.constant 0 : i32
    %dma_start3A_1247 = arith.constant 1 : i32
    %dma_start3A_1248 = arith.constant 0 : i32
    %dma_start3A_1249 = tpu.memref_slice %arg11[%dma_start3A_1245, %dma_start3A_1248] : memref<2x1024xf32, #tpu.memory_space<vmem>> -> memref<1x1024xf32, #tpu.memory_space<vmem>>
    %dma_start3A_1250 = tpu.memref_squeeze %dma_start3A_1249 : memref<1x1024xf32, #tpu.memory_space<vmem>> -> memref<1024xf32, #tpu.memory_space<vmem>>
    %dma_start3A_1251 = tpu.memref_slice %arg7[%multiple_of3A_1183] : memref<327680xf32, #tpu.memory_space<hbm>> -> memref<1024xf32, #tpu.memory_space<hbm>>
    %dma_start3A_1252 = tpu.memref_slice %arg14[%dma_start3A_1246, %dma_start3A_1247] : memref<2x3x!tpu.dma_semaphore, #tpu.memory_space<semaphore_mem>> -> memref<1x1x!tpu.dma_semaphore, #tpu.memory_space<semaphore_mem>>
    %dma_start3A_1253 = tpu.memref_squeeze %dma_start3A_1252 : memref<1x1x!tpu.dma_semaphore, #tpu.memory_space<semaphore_mem>> -> memref<!tpu.dma_semaphore, #tpu.memory_space<semaphore_mem>>
    %dma_start3A_1254 = tpu.memref_slice %arg7[%multiple_of3A_1183] : memref<327680xf32, #tpu.memory_space<hbm>> -> memref<1024xf32, #tpu.memory_space<hbm>>
    %dma_start3A_1255 = arith.constant 0 : i32
    %dma_start3A_1256 = tpu.memref_slice %arg11[%dma_start3A_1245, %dma_start3A_1255] : memref<2x1024xf32, #tpu.memory_space<vmem>> -> memref<1x1024xf32, #tpu.memory_space<vmem>>
    %dma_start3A_1257 = tpu.memref_squeeze %dma_start3A_1256 : memref<1x1024xf32, #tpu.memory_space<vmem>> -> memref<1024xf32, #tpu.memory_space<vmem>>
    tpu.enqueue_dma source(%dma_start3A_1257 : memref<1024xf32, #tpu.memory_space<vmem>>) target(%dma_start3A_1254 : memref<1024xf32, #tpu.memory_space<hbm>>) target_semaphore(%dma_start3A_1253 : memref<!tpu.dma_semaphore, #tpu.memory_space<semaphore_mem>>)
    %dma_start3A_1258 = arith.constant 0 : i32
    %dma_start3A_1259 = arith.constant 0 : i32
    %dma_start3A_1260 = arith.constant 2 : i32
    %dma_start3A_1261 = arith.constant 0 : i32
    %dma_start3A_1262 = tpu.memref_slice %arg12[%dma_start3A_1258, %dma_start3A_1261] : memref<2x1024xf32, #tpu.memory_space<vmem>> -> memref<1x1024xf32, #tpu.memory_space<vmem>>
    %dma_start3A_1263 = tpu.memref_squeeze %dma_start3A_1262 : memref<1x1024xf32, #tpu.memory_space<vmem>> -> memref<1024xf32, #tpu.memory_space<vmem>>
    %dma_start3A_1264 = tpu.memref_slice %arg8[%multiple_of3A_1183] : memref<327680xf32, #tpu.memory_space<hbm>> -> memref<1024xf32, #tpu.memory_space<hbm>>
    %dma_start3A_1265 = tpu.memref_slice %arg14[%dma_start3A_1259, %dma_start3A_1260] : memref<2x3x!tpu.dma_semaphore, #tpu.memory_space<semaphore_mem>> -> memref<1x1x!tpu.dma_semaphore, #tpu.memory_space<semaphore_mem>>
    %dma_start3A_1266 = tpu.memref_squeeze %dma_start3A_1265 : memref<1x1x!tpu.dma_semaphore, #tpu.memory_space<semaphore_mem>> -> memref<!tpu.dma_semaphore, #tpu.memory_space<semaphore_mem>>
    %dma_start3A_1267 = tpu.memref_slice %arg8[%multiple_of3A_1183] : memref<327680xf32, #tpu.memory_space<hbm>> -> memref<1024xf32, #tpu.memory_space<hbm>>
    %dma_start3A_1268 = arith.constant 0 : i32
    %dma_start3A_1269 = tpu.memref_slice %arg12[%dma_start3A_1258, %dma_start3A_1268] : memref<2x1024xf32, #tpu.memory_space<vmem>> -> memref<1x1024xf32, #tpu.memory_space<vmem>>
    %dma_start3A_1270 = tpu.memref_squeeze %dma_start3A_1269 : memref<1x1024xf32, #tpu.memory_space<vmem>> -> memref<1024xf32, #tpu.memory_space<vmem>>
    tpu.enqueue_dma source(%dma_start3A_1270 : memref<1024xf32, #tpu.memory_space<vmem>>) target(%dma_start3A_1267 : memref<1024xf32, #tpu.memory_space<hbm>>) target_semaphore(%dma_start3A_1266 : memref<!tpu.dma_semaphore, #tpu.memory_space<semaphore_mem>>)
    %add3A_1271 = arith.constant 8192 : i32
    %add3A_1272 = arith.addi %mul3A_2, %add3A_1271 : i32
    %multiple_of3A_1273 = tpu.assume_multiple %add3A_1272, 1024 : i32
    %dma_wait3A_1274 = arith.constant 0 : i32
    %dma_wait3A_1275 = arith.constant 0 : i32
    %dma_wait3A_1276 = arith.constant 0 : i32
    %dma_wait3A_1277 = arith.constant 0 : i32
    %dma_wait3A_1278 = arith.constant 0 : i32
    %dma_wait3A_1279 = tpu.memref_slice %arg10[%dma_wait3A_1274, %dma_wait3A_1277, %dma_wait3A_1278] : memref<2x1024x64xi8, #tpu.memory_space<vmem>> -> memref<1x1024x64xi8, #tpu.memory_space<vmem>>
    %dma_wait3A_1280 = tpu.memref_squeeze %dma_wait3A_1279 : memref<1x1024x64xi8, #tpu.memory_space<vmem>> -> memref<1024x64xi8, #tpu.memory_space<vmem>>
    %dma_wait3A_1281 = arith.constant 0 : i32
    %dma_wait3A_1282 = tpu.memref_slice %arg6[%multiple_of3A_1183, %dma_wait3A_1281] : memref<327680x64xi8, #tpu.memory_space<hbm>> -> memref<1024x64xi8, #tpu.memory_space<hbm>>
    %dma_wait3A_1283 = tpu.memref_slice %arg14[%dma_wait3A_1275, %dma_wait3A_1276] : memref<2x3x!tpu.dma_semaphore, #tpu.memory_space<semaphore_mem>> -> memref<1x1x!tpu.dma_semaphore, #tpu.memory_space<semaphore_mem>>
    %dma_wait3A_1284 = tpu.memref_squeeze %dma_wait3A_1283 : memref<1x1x!tpu.dma_semaphore, #tpu.memory_space<semaphore_mem>> -> memref<!tpu.dma_semaphore, #tpu.memory_space<semaphore_mem>>
    %dma_wait3A_1285 = arith.constant 0 : i32
    %dma_wait3A_1286 = tpu.memref_slice %arg6[%multiple_of3A_1183, %dma_wait3A_1285] : memref<327680x64xi8, #tpu.memory_space<hbm>> -> memref<1024x64xi8, #tpu.memory_space<hbm>>
    %dma_wait3A_1287 = arith.constant 0 : i32
    %dma_wait3A_1288 = arith.constant 0 : i32
    %dma_wait3A_1289 = tpu.memref_slice %arg10[%dma_wait3A_1274, %dma_wait3A_1287, %dma_wait3A_1288] : memref<2x1024x64xi8, #tpu.memory_space<vmem>> -> memref<1x1024x64xi8, #tpu.memory_space<vmem>>
    %dma_wait3A_1290 = tpu.memref_squeeze %dma_wait3A_1289 : memref<1x1024x64xi8, #tpu.memory_space<vmem>> -> memref<1024x64xi8, #tpu.memory_space<vmem>>
    tpu.wait_dma2 semaphore(%dma_wait3A_1284 : memref<!tpu.dma_semaphore, #tpu.memory_space<semaphore_mem>>) src(%dma_wait3A_1290 : memref<1024x64xi8, #tpu.memory_space<vmem>>) dst(%dma_wait3A_1286 : memref<1024x64xi8, #tpu.memory_space<hbm>>)
    %dma_wait3A_1291 = arith.constant 0 : i32
    %dma_wait3A_1292 = arith.constant 0 : i32
    %dma_wait3A_1293 = arith.constant 1 : i32
    %dma_wait3A_1294 = arith.constant 0 : i32
    %dma_wait3A_1295 = tpu.memref_slice %arg11[%dma_wait3A_1291, %dma_wait3A_1294] : memref<2x1024xf32, #tpu.memory_space<vmem>> -> memref<1x1024xf32, #tpu.memory_space<vmem>>
    %dma_wait3A_1296 = tpu.memref_squeeze %dma_wait3A_1295 : memref<1x1024xf32, #tpu.memory_space<vmem>> -> memref<1024xf32, #tpu.memory_space<vmem>>
    %dma_wait3A_1297 = tpu.memref_slice %arg7[%multiple_of3A_1183] : memref<327680xf32, #tpu.memory_space<hbm>> -> memref<1024xf32, #tpu.memory_space<hbm>>
    %dma_wait3A_1298 = tpu.memref_slice %arg14[%dma_wait3A_1292, %dma_wait3A_1293] : memref<2x3x!tpu.dma_semaphore, #tpu.memory_space<semaphore_mem>> -> memref<1x1x!tpu.dma_semaphore, #tpu.memory_space<semaphore_mem>>
    %dma_wait3A_1299 = tpu.memref_squeeze %dma_wait3A_1298 : memref<1x1x!tpu.dma_semaphore, #tpu.memory_space<semaphore_mem>> -> memref<!tpu.dma_semaphore, #tpu.memory_space<semaphore_mem>>
    %dma_wait3A_1300 = tpu.memref_slice %arg7[%multiple_of3A_1183] : memref<327680xf32, #tpu.memory_space<hbm>> -> memref<1024xf32, #tpu.memory_space<hbm>>
    %dma_wait3A_1301 = arith.constant 0 : i32
    %dma_wait3A_1302 = tpu.memref_slice %arg11[%dma_wait3A_1291, %dma_wait3A_1301] : memref<2x1024xf32, #tpu.memory_space<vmem>> -> memref<1x1024xf32, #tpu.memory_space<vmem>>
    %dma_wait3A_1303 = tpu.memref_squeeze %dma_wait3A_1302 : memref<1x1024xf32, #tpu.memory_space<vmem>> -> memref<1024xf32, #tpu.memory_space<vmem>>
    tpu.wait_dma2 semaphore(%dma_wait3A_1299 : memref<!tpu.dma_semaphore, #tpu.memory_space<semaphore_mem>>) src(%dma_wait3A_1303 : memref<1024xf32, #tpu.memory_space<vmem>>) dst(%dma_wait3A_1300 : memref<1024xf32, #tpu.memory_space<hbm>>)
    %dma_wait3A_1304 = arith.constant 0 : i32
    %dma_wait3A_1305 = arith.constant 0 : i32
    %dma_wait3A_1306 = arith.constant 2 : i32
    %dma_wait3A_1307 = arith.constant 0 : i32
    %dma_wait3A_1308 = tpu.memref_slice %arg12[%dma_wait3A_1304, %dma_wait3A_1307] : memref<2x1024xf32, #tpu.memory_space<vmem>> -> memref<1x1024xf32, #tpu.memory_space<vmem>>
    %dma_wait3A_1309 = tpu.memref_squeeze %dma_wait3A_1308 : memref<1x1024xf32, #tpu.memory_space<vmem>> -> memref<1024xf32, #tpu.memory_space<vmem>>
    %dma_wait3A_1310 = tpu.memref_slice %arg8[%multiple_of3A_1183] : memref<327680xf32, #tpu.memory_space<hbm>> -> memref<1024xf32, #tpu.memory_space<hbm>>
    %dma_wait3A_1311 = tpu.memref_slice %arg14[%dma_wait3A_1305, %dma_wait3A_1306] : memref<2x3x!tpu.dma_semaphore, #tpu.memory_space<semaphore_mem>> -> memref<1x1x!tpu.dma_semaphore, #tpu.memory_space<semaphore_mem>>
    %dma_wait3A_1312 = tpu.memref_squeeze %dma_wait3A_1311 : memref<1x1x!tpu.dma_semaphore, #tpu.memory_space<semaphore_mem>> -> memref<!tpu.dma_semaphore, #tpu.memory_space<semaphore_mem>>
    %dma_wait3A_1313 = tpu.memref_slice %arg8[%multiple_of3A_1183] : memref<327680xf32, #tpu.memory_space<hbm>> -> memref<1024xf32, #tpu.memory_space<hbm>>
    %dma_wait3A_1314 = arith.constant 0 : i32
    %dma_wait3A_1315 = tpu.memref_slice %arg12[%dma_wait3A_1304, %dma_wait3A_1314] : memref<2x1024xf32, #tpu.memory_space<vmem>> -> memref<1x1024xf32, #tpu.memory_space<vmem>>
    %dma_wait3A_1316 = tpu.memref_squeeze %dma_wait3A_1315 : memref<1x1024xf32, #tpu.memory_space<vmem>> -> memref<1024xf32, #tpu.memory_space<vmem>>
    tpu.wait_dma2 semaphore(%dma_wait3A_1312 : memref<!tpu.dma_semaphore, #tpu.memory_space<semaphore_mem>>) src(%dma_wait3A_1316 : memref<1024xf32, #tpu.memory_space<vmem>>) dst(%dma_wait3A_1313 : memref<1024xf32, #tpu.memory_space<hbm>>)
    %run_scoped3A_1317 = arith.constant 0 : i32
    "tpu.region"() ({
      %run_scoped3A_1809 = tpu.sem_alloc : memref<!tpu.dma_semaphore, #tpu.memory_space<semaphore_mem>>
      %dma_start3A_1810 = arith.constant 0 : i32
      %dma_start3A_1811 = tpu.memref_slice %arg9[%run_scoped3A_1317, %dma_start3A_1810] : memref<2x1024xi32, #tpu.memory_space<vmem>> -> memref<1x1024xi32, #tpu.memory_space<vmem>>
      %dma_start3A_1812 = tpu.memref_squeeze %dma_start3A_1811 : memref<1x1024xi32, #tpu.memory_space<vmem>> -> memref<1024xi32, #tpu.memory_space<vmem>>
      %dma_start3A_1813 = tpu.memref_slice %arg2[%multiple_of3A_1273] : memref<327680xi32, #tpu.memory_space<hbm>> -> memref<1024xi32, #tpu.memory_space<hbm>>
      %dma_start3A_1814 = arith.constant 0 : i32
      %dma_start3A_1815 = tpu.memref_slice %arg9[%run_scoped3A_1317, %dma_start3A_1814] : memref<2x1024xi32, #tpu.memory_space<vmem>> -> memref<1x1024xi32, #tpu.memory_space<vmem>>
      %dma_start3A_1816 = tpu.memref_squeeze %dma_start3A_1815 : memref<1x1024xi32, #tpu.memory_space<vmem>> -> memref<1024xi32, #tpu.memory_space<vmem>>
      %dma_start3A_1817 = tpu.memref_slice %arg2[%multiple_of3A_1273] : memref<327680xi32, #tpu.memory_space<hbm>> -> memref<1024xi32, #tpu.memory_space<hbm>>
      tpu.enqueue_dma source(%dma_start3A_1817 : memref<1024xi32, #tpu.memory_space<hbm>>) target(%dma_start3A_1816 : memref<1024xi32, #tpu.memory_space<vmem>>) target_semaphore(%run_scoped3A_1809 : memref<!tpu.dma_semaphore, #tpu.memory_space<semaphore_mem>>)
      %dma_wait3A_1818 = arith.constant 0 : i32
      %dma_wait3A_1819 = tpu.memref_slice %arg9[%run_scoped3A_1317, %dma_wait3A_1818] : memref<2x1024xi32, #tpu.memory_space<vmem>> -> memref<1x1024xi32, #tpu.memory_space<vmem>>
      %dma_wait3A_1820 = tpu.memref_squeeze %dma_wait3A_1819 : memref<1x1024xi32, #tpu.memory_space<vmem>> -> memref<1024xi32, #tpu.memory_space<vmem>>
      %dma_wait3A_1821 = tpu.memref_slice %arg2[%multiple_of3A_1273] : memref<327680xi32, #tpu.memory_space<hbm>> -> memref<1024xi32, #tpu.memory_space<hbm>>
      %dma_wait3A_1822 = arith.constant 0 : i32
      %dma_wait3A_1823 = tpu.memref_slice %arg9[%run_scoped3A_1317, %dma_wait3A_1822] : memref<2x1024xi32, #tpu.memory_space<vmem>> -> memref<1x1024xi32, #tpu.memory_space<vmem>>
      %dma_wait3A_1824 = tpu.memref_squeeze %dma_wait3A_1823 : memref<1x1024xi32, #tpu.memory_space<vmem>> -> memref<1024xi32, #tpu.memory_space<vmem>>
      %dma_wait3A_1825 = tpu.memref_slice %arg2[%multiple_of3A_1273] : memref<327680xi32, #tpu.memory_space<hbm>> -> memref<1024xi32, #tpu.memory_space<hbm>>
      tpu.wait_dma2 semaphore(%run_scoped3A_1809 : memref<!tpu.dma_semaphore, #tpu.memory_space<semaphore_mem>>) src(%dma_wait3A_1825 : memref<1024xi32, #tpu.memory_space<hbm>>) dst(%dma_wait3A_1824 : memref<1024xi32, #tpu.memory_space<vmem>>)
      tpu.yield
    }) : () -> ()
    %dma_start3A_1318 = arith.constant 0 : i32
    %dma_start3A_1319 = arith.constant 0 : i32
    %dma_start3A_1320 = arith.constant 0 : i32
    %dma_start3A_1321 = arith.constant 0 : i32
    %dma_start3A_1322 = arith.constant 0 : i32
    %dma_start3A_1323 = arith.constant 0 : i32
    %dma_start3A_1324 = tpu.memref_slice %arg10[%dma_start3A_1319, %dma_start3A_1322, %dma_start3A_1323] : memref<2x1024x64xi8, #tpu.memory_space<vmem>> -> memref<1x1024x64xi8, #tpu.memory_space<vmem>>
    %dma_start3A_1325 = tpu.memref_squeeze %dma_start3A_1324 : memref<1x1024x64xi8, #tpu.memory_space<vmem>> -> memref<1024x64xi8, #tpu.memory_space<vmem>>
    %dma_start3A_1326 = arith.constant 0 : i32
    %dma_start3A_1327 = tpu.memref_slice %arg9[%dma_start3A_1318, %dma_start3A_1326] : memref<2x1024xi32, #tpu.memory_space<vmem>> -> memref<1x1024xi32, #tpu.memory_space<vmem>>
    %dma_start3A_1328 = tpu.memref_squeeze %dma_start3A_1327 : memref<1x1024xi32, #tpu.memory_space<vmem>> -> memref<1024xi32, #tpu.memory_space<vmem>>
    %dma_start3A_1329 = arith.constant 0 : i32
    %dma_start3A_1330 = arith.constant 0 : i32
    %dma_start3A_1331 = tpu.memref_slice %arg3[%dma_start3A_1329, %dma_start3A_1330] : memref<1000000x64xi8, #tpu.memory_space<hbm>> -> memref<1000000x64xi8, #tpu.memory_space<hbm>>
    %dma_start3A_1332 = tpu.memref_slice %arg13[%dma_start3A_1320, %dma_start3A_1321] : memref<2x3x!tpu.dma_semaphore, #tpu.memory_space<semaphore_mem>> -> memref<1x1x!tpu.dma_semaphore, #tpu.memory_space<semaphore_mem>>
    %dma_start3A_1333 = tpu.memref_squeeze %dma_start3A_1332 : memref<1x1x!tpu.dma_semaphore, #tpu.memory_space<semaphore_mem>> -> memref<!tpu.dma_semaphore, #tpu.memory_space<semaphore_mem>>
    tpu.enqueue_indirect_dma source(%dma_start3A_1331 : memref<1000000x64xi8, #tpu.memory_space<hbm>>) target(%dma_start3A_1325 : memref<1024x64xi8, #tpu.memory_space<vmem>>) offsets(%dma_start3A_1328 : memref<1024xi32, #tpu.memory_space<vmem>>) semaphore(%dma_start3A_1333 : memref<!tpu.dma_semaphore, #tpu.memory_space<semaphore_mem>>)
    %dma_start3A_1334 = arith.constant 0 : i32
    %dma_start3A_1335 = arith.constant 0 : i32
    %dma_start3A_1336 = arith.constant 0 : i32
    %dma_start3A_1337 = arith.constant 1 : i32
    %dma_start3A_1338 = arith.constant 0 : i32
    %dma_start3A_1339 = tpu.memref_slice %arg11[%dma_start3A_1335, %dma_start3A_1338] : memref<2x1024xf32, #tpu.memory_space<vmem>> -> memref<1x1024xf32, #tpu.memory_space<vmem>>
    %dma_start3A_1340 = tpu.memref_squeeze %dma_start3A_1339 : memref<1x1024xf32, #tpu.memory_space<vmem>> -> memref<1024xf32, #tpu.memory_space<vmem>>
    %dma_start3A_1341 = arith.constant 0 : i32
    %dma_start3A_1342 = tpu.memref_slice %arg9[%dma_start3A_1334, %dma_start3A_1341] : memref<2x1024xi32, #tpu.memory_space<vmem>> -> memref<1x1024xi32, #tpu.memory_space<vmem>>
    %dma_start3A_1343 = tpu.memref_squeeze %dma_start3A_1342 : memref<1x1024xi32, #tpu.memory_space<vmem>> -> memref<1024xi32, #tpu.memory_space<vmem>>
    %dma_start3A_1344 = arith.constant 0 : i32
    %dma_start3A_1345 = tpu.memref_slice %arg4[%dma_start3A_1344] : memref<1000000xf32, #tpu.memory_space<hbm>> -> memref<1000000xf32, #tpu.memory_space<hbm>>
    %dma_start3A_1346 = tpu.memref_slice %arg13[%dma_start3A_1336, %dma_start3A_1337] : memref<2x3x!tpu.dma_semaphore, #tpu.memory_space<semaphore_mem>> -> memref<1x1x!tpu.dma_semaphore, #tpu.memory_space<semaphore_mem>>
    %dma_start3A_1347 = tpu.memref_squeeze %dma_start3A_1346 : memref<1x1x!tpu.dma_semaphore, #tpu.memory_space<semaphore_mem>> -> memref<!tpu.dma_semaphore, #tpu.memory_space<semaphore_mem>>
    tpu.enqueue_indirect_dma source(%dma_start3A_1345 : memref<1000000xf32, #tpu.memory_space<hbm>>) target(%dma_start3A_1340 : memref<1024xf32, #tpu.memory_space<vmem>>) offsets(%dma_start3A_1343 : memref<1024xi32, #tpu.memory_space<vmem>>) semaphore(%dma_start3A_1347 : memref<!tpu.dma_semaphore, #tpu.memory_space<semaphore_mem>>)
    %dma_start3A_1348 = arith.constant 0 : i32
    %dma_start3A_1349 = arith.constant 0 : i32
    %dma_start3A_1350 = arith.constant 0 : i32
    %dma_start3A_1351 = arith.constant 2 : i32
    %dma_start3A_1352 = arith.constant 0 : i32
    %dma_start3A_1353 = tpu.memref_slice %arg12[%dma_start3A_1349, %dma_start3A_1352] : memref<2x1024xf32, #tpu.memory_space<vmem>> -> memref<1x1024xf32, #tpu.memory_space<vmem>>
    %dma_start3A_1354 = tpu.memref_squeeze %dma_start3A_1353 : memref<1x1024xf32, #tpu.memory_space<vmem>> -> memref<1024xf32, #tpu.memory_space<vmem>>
    %dma_start3A_1355 = arith.constant 0 : i32
    %dma_start3A_1356 = tpu.memref_slice %arg9[%dma_start3A_1348, %dma_start3A_1355] : memref<2x1024xi32, #tpu.memory_space<vmem>> -> memref<1x1024xi32, #tpu.memory_space<vmem>>
    %dma_start3A_1357 = tpu.memref_squeeze %dma_start3A_1356 : memref<1x1024xi32, #tpu.memory_space<vmem>> -> memref<1024xi32, #tpu.memory_space<vmem>>
    %dma_start3A_1358 = arith.constant 0 : i32
    %dma_start3A_1359 = tpu.memref_slice %arg5[%dma_start3A_1358] : memref<1000000xf32, #tpu.memory_space<hbm>> -> memref<1000000xf32, #tpu.memory_space<hbm>>
    %dma_start3A_1360 = tpu.memref_slice %arg13[%dma_start3A_1350, %dma_start3A_1351] : memref<2x3x!tpu.dma_semaphore, #tpu.memory_space<semaphore_mem>> -> memref<1x1x!tpu.dma_semaphore, #tpu.memory_space<semaphore_mem>>
    %dma_start3A_1361 = tpu.memref_squeeze %dma_start3A_1360 : memref<1x1x!tpu.dma_semaphore, #tpu.memory_space<semaphore_mem>> -> memref<!tpu.dma_semaphore, #tpu.memory_space<semaphore_mem>>
    tpu.enqueue_indirect_dma source(%dma_start3A_1359 : memref<1000000xf32, #tpu.memory_space<hbm>>) target(%dma_start3A_1354 : memref<1024xf32, #tpu.memory_space<vmem>>) offsets(%dma_start3A_1357 : memref<1024xi32, #tpu.memory_space<vmem>>) semaphore(%dma_start3A_1361 : memref<!tpu.dma_semaphore, #tpu.memory_space<semaphore_mem>>)
    %add3A_1362 = arith.constant 7168 : i32
    %add3A_1363 = arith.addi %mul3A_2, %add3A_1362 : i32
    %multiple_of3A_1364 = tpu.assume_multiple %add3A_1363, 1024 : i32
    %dma_wait3A_1365 = arith.constant 1 : i32
    %dma_wait3A_1366 = arith.constant 1 : i32
    %dma_wait3A_1367 = arith.constant 1 : i32
    %dma_wait3A_1368 = arith.constant 0 : i32
    %dma_wait3A_1369 = arith.constant 0 : i32
    %dma_wait3A_1370 = arith.constant 0 : i32
    %dma_wait3A_1371 = tpu.memref_slice %arg10[%dma_wait3A_1366, %dma_wait3A_1369, %dma_wait3A_1370] : memref<2x1024x64xi8, #tpu.memory_space<vmem>> -> memref<1x1024x64xi8, #tpu.memory_space<vmem>>
    %dma_wait3A_1372 = tpu.memref_squeeze %dma_wait3A_1371 : memref<1x1024x64xi8, #tpu.memory_space<vmem>> -> memref<1024x64xi8, #tpu.memory_space<vmem>>
    %dma_wait3A_1373 = arith.constant 0 : i32
    %dma_wait3A_1374 = tpu.memref_slice %arg9[%dma_wait3A_1365, %dma_wait3A_1373] : memref<2x1024xi32, #tpu.memory_space<vmem>> -> memref<1x1024xi32, #tpu.memory_space<vmem>>
    %dma_wait3A_1375 = tpu.memref_squeeze %dma_wait3A_1374 : memref<1x1024xi32, #tpu.memory_space<vmem>> -> memref<1024xi32, #tpu.memory_space<vmem>>
    %dma_wait3A_1376 = arith.constant 0 : i32
    %dma_wait3A_1377 = arith.constant 0 : i32
    %dma_wait3A_1378 = tpu.memref_slice %arg3[%dma_wait3A_1376, %dma_wait3A_1377] : memref<1000000x64xi8, #tpu.memory_space<hbm>> -> memref<1000000x64xi8, #tpu.memory_space<hbm>>
    %dma_wait3A_1379 = tpu.memref_slice %arg13[%dma_wait3A_1367, %dma_wait3A_1368] : memref<2x3x!tpu.dma_semaphore, #tpu.memory_space<semaphore_mem>> -> memref<1x1x!tpu.dma_semaphore, #tpu.memory_space<semaphore_mem>>
    %dma_wait3A_1380 = tpu.memref_squeeze %dma_wait3A_1379 : memref<1x1x!tpu.dma_semaphore, #tpu.memory_space<semaphore_mem>> -> memref<!tpu.dma_semaphore, #tpu.memory_space<semaphore_mem>>
    tpu.wait_indirect_dma semaphore(%dma_wait3A_1380 : memref<!tpu.dma_semaphore, #tpu.memory_space<semaphore_mem>>) src(%dma_wait3A_1378 : memref<1000000x64xi8, #tpu.memory_space<hbm>>) dst(%dma_wait3A_1372 : memref<1024x64xi8, #tpu.memory_space<vmem>>)
    %dma_wait3A_1381 = arith.constant 1 : i32
    %dma_wait3A_1382 = arith.constant 1 : i32
    %dma_wait3A_1383 = arith.constant 1 : i32
    %dma_wait3A_1384 = arith.constant 1 : i32
    %dma_wait3A_1385 = arith.constant 0 : i32
    %dma_wait3A_1386 = tpu.memref_slice %arg11[%dma_wait3A_1382, %dma_wait3A_1385] : memref<2x1024xf32, #tpu.memory_space<vmem>> -> memref<1x1024xf32, #tpu.memory_space<vmem>>
    %dma_wait3A_1387 = tpu.memref_squeeze %dma_wait3A_1386 : memref<1x1024xf32, #tpu.memory_space<vmem>> -> memref<1024xf32, #tpu.memory_space<vmem>>
    %dma_wait3A_1388 = arith.constant 0 : i32
    %dma_wait3A_1389 = tpu.memref_slice %arg9[%dma_wait3A_1381, %dma_wait3A_1388] : memref<2x1024xi32, #tpu.memory_space<vmem>> -> memref<1x1024xi32, #tpu.memory_space<vmem>>
    %dma_wait3A_1390 = tpu.memref_squeeze %dma_wait3A_1389 : memref<1x1024xi32, #tpu.memory_space<vmem>> -> memref<1024xi32, #tpu.memory_space<vmem>>
    %dma_wait3A_1391 = arith.constant 0 : i32
    %dma_wait3A_1392 = tpu.memref_slice %arg4[%dma_wait3A_1391] : memref<1000000xf32, #tpu.memory_space<hbm>> -> memref<1000000xf32, #tpu.memory_space<hbm>>
    %dma_wait3A_1393 = tpu.memref_slice %arg13[%dma_wait3A_1383, %dma_wait3A_1384] : memref<2x3x!tpu.dma_semaphore, #tpu.memory_space<semaphore_mem>> -> memref<1x1x!tpu.dma_semaphore, #tpu.memory_space<semaphore_mem>>
    %dma_wait3A_1394 = tpu.memref_squeeze %dma_wait3A_1393 : memref<1x1x!tpu.dma_semaphore, #tpu.memory_space<semaphore_mem>> -> memref<!tpu.dma_semaphore, #tpu.memory_space<semaphore_mem>>
    tpu.wait_indirect_dma semaphore(%dma_wait3A_1394 : memref<!tpu.dma_semaphore, #tpu.memory_space<semaphore_mem>>) src(%dma_wait3A_1392 : memref<1000000xf32, #tpu.memory_space<hbm>>) dst(%dma_wait3A_1387 : memref<1024xf32, #tpu.memory_space<vmem>>)
    %dma_wait3A_1395 = arith.constant 1 : i32
    %dma_wait3A_1396 = arith.constant 1 : i32
    %dma_wait3A_1397 = arith.constant 1 : i32
    %dma_wait3A_1398 = arith.constant 2 : i32
    %dma_wait3A_1399 = arith.constant 0 : i32
    %dma_wait3A_1400 = tpu.memref_slice %arg12[%dma_wait3A_1396, %dma_wait3A_1399] : memref<2x1024xf32, #tpu.memory_space<vmem>> -> memref<1x1024xf32, #tpu.memory_space<vmem>>
    %dma_wait3A_1401 = tpu.memref_squeeze %dma_wait3A_1400 : memref<1x1024xf32, #tpu.memory_space<vmem>> -> memref<1024xf32, #tpu.memory_space<vmem>>
    %dma_wait3A_1402 = arith.constant 0 : i32
    %dma_wait3A_1403 = tpu.memref_slice %arg9[%dma_wait3A_1395, %dma_wait3A_1402] : memref<2x1024xi32, #tpu.memory_space<vmem>> -> memref<1x1024xi32, #tpu.memory_space<vmem>>
    %dma_wait3A_1404 = tpu.memref_squeeze %dma_wait3A_1403 : memref<1x1024xi32, #tpu.memory_space<vmem>> -> memref<1024xi32, #tpu.memory_space<vmem>>
    %dma_wait3A_1405 = arith.constant 0 : i32
    %dma_wait3A_1406 = tpu.memref_slice %arg5[%dma_wait3A_1405] : memref<1000000xf32, #tpu.memory_space<hbm>> -> memref<1000000xf32, #tpu.memory_space<hbm>>
    %dma_wait3A_1407 = tpu.memref_slice %arg13[%dma_wait3A_1397, %dma_wait3A_1398] : memref<2x3x!tpu.dma_semaphore, #tpu.memory_space<semaphore_mem>> -> memref<1x1x!tpu.dma_semaphore, #tpu.memory_space<semaphore_mem>>
    %dma_wait3A_1408 = tpu.memref_squeeze %dma_wait3A_1407 : memref<1x1x!tpu.dma_semaphore, #tpu.memory_space<semaphore_mem>> -> memref<!tpu.dma_semaphore, #tpu.memory_space<semaphore_mem>>
    tpu.wait_indirect_dma semaphore(%dma_wait3A_1408 : memref<!tpu.dma_semaphore, #tpu.memory_space<semaphore_mem>>) src(%dma_wait3A_1406 : memref<1000000xf32, #tpu.memory_space<hbm>>) dst(%dma_wait3A_1401 : memref<1024xf32, #tpu.memory_space<vmem>>)
    %dma_start3A_1409 = arith.constant 1 : i32
    %dma_start3A_1410 = arith.constant 1 : i32
    %dma_start3A_1411 = arith.constant 0 : i32
    %dma_start3A_1412 = arith.constant 0 : i32
    %dma_start3A_1413 = arith.constant 0 : i32
    %dma_start3A_1414 = tpu.memref_slice %arg10[%dma_start3A_1409, %dma_start3A_1412, %dma_start3A_1413] : memref<2x1024x64xi8, #tpu.memory_space<vmem>> -> memref<1x1024x64xi8, #tpu.memory_space<vmem>>
    %dma_start3A_1415 = tpu.memref_squeeze %dma_start3A_1414 : memref<1x1024x64xi8, #tpu.memory_space<vmem>> -> memref<1024x64xi8, #tpu.memory_space<vmem>>
    %dma_start3A_1416 = arith.constant 0 : i32
    %dma_start3A_1417 = tpu.memref_slice %arg6[%multiple_of3A_1364, %dma_start3A_1416] : memref<327680x64xi8, #tpu.memory_space<hbm>> -> memref<1024x64xi8, #tpu.memory_space<hbm>>
    %dma_start3A_1418 = tpu.memref_slice %arg14[%dma_start3A_1410, %dma_start3A_1411] : memref<2x3x!tpu.dma_semaphore, #tpu.memory_space<semaphore_mem>> -> memref<1x1x!tpu.dma_semaphore, #tpu.memory_space<semaphore_mem>>
    %dma_start3A_1419 = tpu.memref_squeeze %dma_start3A_1418 : memref<1x1x!tpu.dma_semaphore, #tpu.memory_space<semaphore_mem>> -> memref<!tpu.dma_semaphore, #tpu.memory_space<semaphore_mem>>
    %dma_start3A_1420 = arith.constant 0 : i32
    %dma_start3A_1421 = tpu.memref_slice %arg6[%multiple_of3A_1364, %dma_start3A_1420] : memref<327680x64xi8, #tpu.memory_space<hbm>> -> memref<1024x64xi8, #tpu.memory_space<hbm>>
    %dma_start3A_1422 = arith.constant 0 : i32
    %dma_start3A_1423 = arith.constant 0 : i32
    %dma_start3A_1424 = tpu.memref_slice %arg10[%dma_start3A_1409, %dma_start3A_1422, %dma_start3A_1423] : memref<2x1024x64xi8, #tpu.memory_space<vmem>> -> memref<1x1024x64xi8, #tpu.memory_space<vmem>>
    %dma_start3A_1425 = tpu.memref_squeeze %dma_start3A_1424 : memref<1x1024x64xi8, #tpu.memory_space<vmem>> -> memref<1024x64xi8, #tpu.memory_space<vmem>>
    tpu.enqueue_dma source(%dma_start3A_1425 : memref<1024x64xi8, #tpu.memory_space<vmem>>) target(%dma_start3A_1421 : memref<1024x64xi8, #tpu.memory_space<hbm>>) target_semaphore(%dma_start3A_1419 : memref<!tpu.dma_semaphore, #tpu.memory_space<semaphore_mem>>)
    %dma_start3A_1426 = arith.constant 1 : i32
    %dma_start3A_1427 = arith.constant 1 : i32
    %dma_start3A_1428 = arith.constant 1 : i32
    %dma_start3A_1429 = arith.constant 0 : i32
    %dma_start3A_1430 = tpu.memref_slice %arg11[%dma_start3A_1426, %dma_start3A_1429] : memref<2x1024xf32, #tpu.memory_space<vmem>> -> memref<1x1024xf32, #tpu.memory_space<vmem>>
    %dma_start3A_1431 = tpu.memref_squeeze %dma_start3A_1430 : memref<1x1024xf32, #tpu.memory_space<vmem>> -> memref<1024xf32, #tpu.memory_space<vmem>>
    %dma_start3A_1432 = tpu.memref_slice %arg7[%multiple_of3A_1364] : memref<327680xf32, #tpu.memory_space<hbm>> -> memref<1024xf32, #tpu.memory_space<hbm>>
    %dma_start3A_1433 = tpu.memref_slice %arg14[%dma_start3A_1427, %dma_start3A_1428] : memref<2x3x!tpu.dma_semaphore, #tpu.memory_space<semaphore_mem>> -> memref<1x1x!tpu.dma_semaphore, #tpu.memory_space<semaphore_mem>>
    %dma_start3A_1434 = tpu.memref_squeeze %dma_start3A_1433 : memref<1x1x!tpu.dma_semaphore, #tpu.memory_space<semaphore_mem>> -> memref<!tpu.dma_semaphore, #tpu.memory_space<semaphore_mem>>
    %dma_start3A_1435 = tpu.memref_slice %arg7[%multiple_of3A_1364] : memref<327680xf32, #tpu.memory_space<hbm>> -> memref<1024xf32, #tpu.memory_space<hbm>>
    %dma_start3A_1436 = arith.constant 0 : i32
    %dma_start3A_1437 = tpu.memref_slice %arg11[%dma_start3A_1426, %dma_start3A_1436] : memref<2x1024xf32, #tpu.memory_space<vmem>> -> memref<1x1024xf32, #tpu.memory_space<vmem>>
    %dma_start3A_1438 = tpu.memref_squeeze %dma_start3A_1437 : memref<1x1024xf32, #tpu.memory_space<vmem>> -> memref<1024xf32, #tpu.memory_space<vmem>>
    tpu.enqueue_dma source(%dma_start3A_1438 : memref<1024xf32, #tpu.memory_space<vmem>>) target(%dma_start3A_1435 : memref<1024xf32, #tpu.memory_space<hbm>>) target_semaphore(%dma_start3A_1434 : memref<!tpu.dma_semaphore, #tpu.memory_space<semaphore_mem>>)
    %dma_start3A_1439 = arith.constant 1 : i32
    %dma_start3A_1440 = arith.constant 1 : i32
    %dma_start3A_1441 = arith.constant 2 : i32
    %dma_start3A_1442 = arith.constant 0 : i32
    %dma_start3A_1443 = tpu.memref_slice %arg12[%dma_start3A_1439, %dma_start3A_1442] : memref<2x1024xf32, #tpu.memory_space<vmem>> -> memref<1x1024xf32, #tpu.memory_space<vmem>>
    %dma_start3A_1444 = tpu.memref_squeeze %dma_start3A_1443 : memref<1x1024xf32, #tpu.memory_space<vmem>> -> memref<1024xf32, #tpu.memory_space<vmem>>
    %dma_start3A_1445 = tpu.memref_slice %arg8[%multiple_of3A_1364] : memref<327680xf32, #tpu.memory_space<hbm>> -> memref<1024xf32, #tpu.memory_space<hbm>>
    %dma_start3A_1446 = tpu.memref_slice %arg14[%dma_start3A_1440, %dma_start3A_1441] : memref<2x3x!tpu.dma_semaphore, #tpu.memory_space<semaphore_mem>> -> memref<1x1x!tpu.dma_semaphore, #tpu.memory_space<semaphore_mem>>
    %dma_start3A_1447 = tpu.memref_squeeze %dma_start3A_1446 : memref<1x1x!tpu.dma_semaphore, #tpu.memory_space<semaphore_mem>> -> memref<!tpu.dma_semaphore, #tpu.memory_space<semaphore_mem>>
    %dma_start3A_1448 = tpu.memref_slice %arg8[%multiple_of3A_1364] : memref<327680xf32, #tpu.memory_space<hbm>> -> memref<1024xf32, #tpu.memory_space<hbm>>
    %dma_start3A_1449 = arith.constant 0 : i32
    %dma_start3A_1450 = tpu.memref_slice %arg12[%dma_start3A_1439, %dma_start3A_1449] : memref<2x1024xf32, #tpu.memory_space<vmem>> -> memref<1x1024xf32, #tpu.memory_space<vmem>>
    %dma_start3A_1451 = tpu.memref_squeeze %dma_start3A_1450 : memref<1x1024xf32, #tpu.memory_space<vmem>> -> memref<1024xf32, #tpu.memory_space<vmem>>
    tpu.enqueue_dma source(%dma_start3A_1451 : memref<1024xf32, #tpu.memory_space<vmem>>) target(%dma_start3A_1448 : memref<1024xf32, #tpu.memory_space<hbm>>) target_semaphore(%dma_start3A_1447 : memref<!tpu.dma_semaphore, #tpu.memory_space<semaphore_mem>>)
    %add3A_1452 = arith.constant 9216 : i32
    %add3A_1453 = arith.addi %mul3A_2, %add3A_1452 : i32
    %multiple_of3A_1454 = tpu.assume_multiple %add3A_1453, 1024 : i32
    %dma_wait3A_1455 = arith.constant 1 : i32
    %dma_wait3A_1456 = arith.constant 1 : i32
    %dma_wait3A_1457 = arith.constant 0 : i32
    %dma_wait3A_1458 = arith.constant 0 : i32
    %dma_wait3A_1459 = arith.constant 0 : i32
    %dma_wait3A_1460 = tpu.memref_slice %arg10[%dma_wait3A_1455, %dma_wait3A_1458, %dma_wait3A_1459] : memref<2x1024x64xi8, #tpu.memory_space<vmem>> -> memref<1x1024x64xi8, #tpu.memory_space<vmem>>
    %dma_wait3A_1461 = tpu.memref_squeeze %dma_wait3A_1460 : memref<1x1024x64xi8, #tpu.memory_space<vmem>> -> memref<1024x64xi8, #tpu.memory_space<vmem>>
    %dma_wait3A_1462 = arith.constant 0 : i32
    %dma_wait3A_1463 = tpu.memref_slice %arg6[%multiple_of3A_1364, %dma_wait3A_1462] : memref<327680x64xi8, #tpu.memory_space<hbm>> -> memref<1024x64xi8, #tpu.memory_space<hbm>>
    %dma_wait3A_1464 = tpu.memref_slice %arg14[%dma_wait3A_1456, %dma_wait3A_1457] : memref<2x3x!tpu.dma_semaphore, #tpu.memory_space<semaphore_mem>> -> memref<1x1x!tpu.dma_semaphore, #tpu.memory_space<semaphore_mem>>
    %dma_wait3A_1465 = tpu.memref_squeeze %dma_wait3A_1464 : memref<1x1x!tpu.dma_semaphore, #tpu.memory_space<semaphore_mem>> -> memref<!tpu.dma_semaphore, #tpu.memory_space<semaphore_mem>>
    %dma_wait3A_1466 = arith.constant 0 : i32
    %dma_wait3A_1467 = tpu.memref_slice %arg6[%multiple_of3A_1364, %dma_wait3A_1466] : memref<327680x64xi8, #tpu.memory_space<hbm>> -> memref<1024x64xi8, #tpu.memory_space<hbm>>
    %dma_wait3A_1468 = arith.constant 0 : i32
    %dma_wait3A_1469 = arith.constant 0 : i32
    %dma_wait3A_1470 = tpu.memref_slice %arg10[%dma_wait3A_1455, %dma_wait3A_1468, %dma_wait3A_1469] : memref<2x1024x64xi8, #tpu.memory_space<vmem>> -> memref<1x1024x64xi8, #tpu.memory_space<vmem>>
    %dma_wait3A_1471 = tpu.memref_squeeze %dma_wait3A_1470 : memref<1x1024x64xi8, #tpu.memory_space<vmem>> -> memref<1024x64xi8, #tpu.memory_space<vmem>>
    tpu.wait_dma2 semaphore(%dma_wait3A_1465 : memref<!tpu.dma_semaphore, #tpu.memory_space<semaphore_mem>>) src(%dma_wait3A_1471 : memref<1024x64xi8, #tpu.memory_space<vmem>>) dst(%dma_wait3A_1467 : memref<1024x64xi8, #tpu.memory_space<hbm>>)
    %dma_wait3A_1472 = arith.constant 1 : i32
    %dma_wait3A_1473 = arith.constant 1 : i32
    %dma_wait3A_1474 = arith.constant 1 : i32
    %dma_wait3A_1475 = arith.constant 0 : i32
    %dma_wait3A_1476 = tpu.memref_slice %arg11[%dma_wait3A_1472, %dma_wait3A_1475] : memref<2x1024xf32, #tpu.memory_space<vmem>> -> memref<1x1024xf32, #tpu.memory_space<vmem>>
    %dma_wait3A_1477 = tpu.memref_squeeze %dma_wait3A_1476 : memref<1x1024xf32, #tpu.memory_space<vmem>> -> memref<1024xf32, #tpu.memory_space<vmem>>
    %dma_wait3A_1478 = tpu.memref_slice %arg7[%multiple_of3A_1364] : memref<327680xf32, #tpu.memory_space<hbm>> -> memref<1024xf32, #tpu.memory_space<hbm>>
    %dma_wait3A_1479 = tpu.memref_slice %arg14[%dma_wait3A_1473, %dma_wait3A_1474] : memref<2x3x!tpu.dma_semaphore, #tpu.memory_space<semaphore_mem>> -> memref<1x1x!tpu.dma_semaphore, #tpu.memory_space<semaphore_mem>>
    %dma_wait3A_1480 = tpu.memref_squeeze %dma_wait3A_1479 : memref<1x1x!tpu.dma_semaphore, #tpu.memory_space<semaphore_mem>> -> memref<!tpu.dma_semaphore, #tpu.memory_space<semaphore_mem>>
    %dma_wait3A_1481 = tpu.memref_slice %arg7[%multiple_of3A_1364] : memref<327680xf32, #tpu.memory_space<hbm>> -> memref<1024xf32, #tpu.memory_space<hbm>>
    %dma_wait3A_1482 = arith.constant 0 : i32
    %dma_wait3A_1483 = tpu.memref_slice %arg11[%dma_wait3A_1472, %dma_wait3A_1482] : memref<2x1024xf32, #tpu.memory_space<vmem>> -> memref<1x1024xf32, #tpu.memory_space<vmem>>
    %dma_wait3A_1484 = tpu.memref_squeeze %dma_wait3A_1483 : memref<1x1024xf32, #tpu.memory_space<vmem>> -> memref<1024xf32, #tpu.memory_space<vmem>>
    tpu.wait_dma2 semaphore(%dma_wait3A_1480 : memref<!tpu.dma_semaphore, #tpu.memory_space<semaphore_mem>>) src(%dma_wait3A_1484 : memref<1024xf32, #tpu.memory_space<vmem>>) dst(%dma_wait3A_1481 : memref<1024xf32, #tpu.memory_space<hbm>>)
    %dma_wait3A_1485 = arith.constant 1 : i32
    %dma_wait3A_1486 = arith.constant 1 : i32
    %dma_wait3A_1487 = arith.constant 2 : i32
    %dma_wait3A_1488 = arith.constant 0 : i32
    %dma_wait3A_1489 = tpu.memref_slice %arg12[%dma_wait3A_1485, %dma_wait3A_1488] : memref<2x1024xf32, #tpu.memory_space<vmem>> -> memref<1x1024xf32, #tpu.memory_space<vmem>>
    %dma_wait3A_1490 = tpu.memref_squeeze %dma_wait3A_1489 : memref<1x1024xf32, #tpu.memory_space<vmem>> -> memref<1024xf32, #tpu.memory_space<vmem>>
    %dma_wait3A_1491 = tpu.memref_slice %arg8[%multiple_of3A_1364] : memref<327680xf32, #tpu.memory_space<hbm>> -> memref<1024xf32, #tpu.memory_space<hbm>>
    %dma_wait3A_1492 = tpu.memref_slice %arg14[%dma_wait3A_1486, %dma_wait3A_1487] : memref<2x3x!tpu.dma_semaphore, #tpu.memory_space<semaphore_mem>> -> memref<1x1x!tpu.dma_semaphore, #tpu.memory_space<semaphore_mem>>
    %dma_wait3A_1493 = tpu.memref_squeeze %dma_wait3A_1492 : memref<1x1x!tpu.dma_semaphore, #tpu.memory_space<semaphore_mem>> -> memref<!tpu.dma_semaphore, #tpu.memory_space<semaphore_mem>>
    %dma_wait3A_1494 = tpu.memref_slice %arg8[%multiple_of3A_1364] : memref<327680xf32, #tpu.memory_space<hbm>> -> memref<1024xf32, #tpu.memory_space<hbm>>
    %dma_wait3A_1495 = arith.constant 0 : i32
    %dma_wait3A_1496 = tpu.memref_slice %arg12[%dma_wait3A_1485, %dma_wait3A_1495] : memref<2x1024xf32, #tpu.memory_space<vmem>> -> memref<1x1024xf32, #tpu.memory_space<vmem>>
    %dma_wait3A_1497 = tpu.memref_squeeze %dma_wait3A_1496 : memref<1x1024xf32, #tpu.memory_space<vmem>> -> memref<1024xf32, #tpu.memory_space<vmem>>
    tpu.wait_dma2 semaphore(%dma_wait3A_1493 : memref<!tpu.dma_semaphore, #tpu.memory_space<semaphore_mem>>) src(%dma_wait3A_1497 : memref<1024xf32, #tpu.memory_space<vmem>>) dst(%dma_wait3A_1494 : memref<1024xf32, #tpu.memory_space<hbm>>)
    %run_scoped3A_1498 = arith.constant 1 : i32
    "tpu.region"() ({
      %run_scoped3A_1809 = tpu.sem_alloc : memref<!tpu.dma_semaphore, #tpu.memory_space<semaphore_mem>>
      %dma_start3A_1810 = arith.constant 0 : i32
      %dma_start3A_1811 = tpu.memref_slice %arg9[%run_scoped3A_1498, %dma_start3A_1810] : memref<2x1024xi32, #tpu.memory_space<vmem>> -> memref<1x1024xi32, #tpu.memory_space<vmem>>
      %dma_start3A_1812 = tpu.memref_squeeze %dma_start3A_1811 : memref<1x1024xi32, #tpu.memory_space<vmem>> -> memref<1024xi32, #tpu.memory_space<vmem>>
      %dma_start3A_1813 = tpu.memref_slice %arg2[%multiple_of3A_1454] : memref<327680xi32, #tpu.memory_space<hbm>> -> memref<1024xi32, #tpu.memory_space<hbm>>
      %dma_start3A_1814 = arith.constant 0 : i32
      %dma_start3A_1815 = tpu.memref_slice %arg9[%run_scoped3A_1498, %dma_start3A_1814] : memref<2x1024xi32, #tpu.memory_space<vmem>> -> memref<1x1024xi32, #tpu.memory_space<vmem>>
      %dma_start3A_1816 = tpu.memref_squeeze %dma_start3A_1815 : memref<1x1024xi32, #tpu.memory_space<vmem>> -> memref<1024xi32, #tpu.memory_space<vmem>>
      %dma_start3A_1817 = tpu.memref_slice %arg2[%multiple_of3A_1454] : memref<327680xi32, #tpu.memory_space<hbm>> -> memref<1024xi32, #tpu.memory_space<hbm>>
      tpu.enqueue_dma source(%dma_start3A_1817 : memref<1024xi32, #tpu.memory_space<hbm>>) target(%dma_start3A_1816 : memref<1024xi32, #tpu.memory_space<vmem>>) target_semaphore(%run_scoped3A_1809 : memref<!tpu.dma_semaphore, #tpu.memory_space<semaphore_mem>>)
      %dma_wait3A_1818 = arith.constant 0 : i32
      %dma_wait3A_1819 = tpu.memref_slice %arg9[%run_scoped3A_1498, %dma_wait3A_1818] : memref<2x1024xi32, #tpu.memory_space<vmem>> -> memref<1x1024xi32, #tpu.memory_space<vmem>>
      %dma_wait3A_1820 = tpu.memref_squeeze %dma_wait3A_1819 : memref<1x1024xi32, #tpu.memory_space<vmem>> -> memref<1024xi32, #tpu.memory_space<vmem>>
      %dma_wait3A_1821 = tpu.memref_slice %arg2[%multiple_of3A_1454] : memref<327680xi32, #tpu.memory_space<hbm>> -> memref<1024xi32, #tpu.memory_space<hbm>>
      %dma_wait3A_1822 = arith.constant 0 : i32
      %dma_wait3A_1823 = tpu.memref_slice %arg9[%run_scoped3A_1498, %dma_wait3A_1822] : memref<2x1024xi32, #tpu.memory_space<vmem>> -> memref<1x1024xi32, #tpu.memory_space<vmem>>
      %dma_wait3A_1824 = tpu.memref_squeeze %dma_wait3A_1823 : memref<1x1024xi32, #tpu.memory_space<vmem>> -> memref<1024xi32, #tpu.memory_space<vmem>>
      %dma_wait3A_1825 = tpu.memref_slice %arg2[%multiple_of3A_1454] : memref<327680xi32, #tpu.memory_space<hbm>> -> memref<1024xi32, #tpu.memory_space<hbm>>
      tpu.wait_dma2 semaphore(%run_scoped3A_1809 : memref<!tpu.dma_semaphore, #tpu.memory_space<semaphore_mem>>) src(%dma_wait3A_1825 : memref<1024xi32, #tpu.memory_space<hbm>>) dst(%dma_wait3A_1824 : memref<1024xi32, #tpu.memory_space<vmem>>)
      tpu.yield
    }) : () -> ()
    %dma_start3A_1499 = arith.constant 1 : i32
    %dma_start3A_1500 = arith.constant 1 : i32
    %dma_start3A_1501 = arith.constant 1 : i32
    %dma_start3A_1502 = arith.constant 0 : i32
    %dma_start3A_1503 = arith.constant 0 : i32
    %dma_start3A_1504 = arith.constant 0 : i32
    %dma_start3A_1505 = tpu.memref_slice %arg10[%dma_start3A_1500, %dma_start3A_1503, %dma_start3A_1504] : memref<2x1024x64xi8, #tpu.memory_space<vmem>> -> memref<1x1024x64xi8, #tpu.memory_space<vmem>>
    %dma_start3A_1506 = tpu.memref_squeeze %dma_start3A_1505 : memref<1x1024x64xi8, #tpu.memory_space<vmem>> -> memref<1024x64xi8, #tpu.memory_space<vmem>>
    %dma_start3A_1507 = arith.constant 0 : i32
    %dma_start3A_1508 = tpu.memref_slice %arg9[%dma_start3A_1499, %dma_start3A_1507] : memref<2x1024xi32, #tpu.memory_space<vmem>> -> memref<1x1024xi32, #tpu.memory_space<vmem>>
    %dma_start3A_1509 = tpu.memref_squeeze %dma_start3A_1508 : memref<1x1024xi32, #tpu.memory_space<vmem>> -> memref<1024xi32, #tpu.memory_space<vmem>>
    %dma_start3A_1510 = arith.constant 0 : i32
    %dma_start3A_1511 = arith.constant 0 : i32
    %dma_start3A_1512 = tpu.memref_slice %arg3[%dma_start3A_1510, %dma_start3A_1511] : memref<1000000x64xi8, #tpu.memory_space<hbm>> -> memref<1000000x64xi8, #tpu.memory_space<hbm>>
    %dma_start3A_1513 = tpu.memref_slice %arg13[%dma_start3A_1501, %dma_start3A_1502] : memref<2x3x!tpu.dma_semaphore, #tpu.memory_space<semaphore_mem>> -> memref<1x1x!tpu.dma_semaphore, #tpu.memory_space<semaphore_mem>>
    %dma_start3A_1514 = tpu.memref_squeeze %dma_start3A_1513 : memref<1x1x!tpu.dma_semaphore, #tpu.memory_space<semaphore_mem>> -> memref<!tpu.dma_semaphore, #tpu.memory_space<semaphore_mem>>
    tpu.enqueue_indirect_dma source(%dma_start3A_1512 : memref<1000000x64xi8, #tpu.memory_space<hbm>>) target(%dma_start3A_1506 : memref<1024x64xi8, #tpu.memory_space<vmem>>) offsets(%dma_start3A_1509 : memref<1024xi32, #tpu.memory_space<vmem>>) semaphore(%dma_start3A_1514 : memref<!tpu.dma_semaphore, #tpu.memory_space<semaphore_mem>>)
    %dma_start3A_1515 = arith.constant 1 : i32
    %dma_start3A_1516 = arith.constant 1 : i32
    %dma_start3A_1517 = arith.constant 1 : i32
    %dma_start3A_1518 = arith.constant 1 : i32
    %dma_start3A_1519 = arith.constant 0 : i32
    %dma_start3A_1520 = tpu.memref_slice %arg11[%dma_start3A_1516, %dma_start3A_1519] : memref<2x1024xf32, #tpu.memory_space<vmem>> -> memref<1x1024xf32, #tpu.memory_space<vmem>>
    %dma_start3A_1521 = tpu.memref_squeeze %dma_start3A_1520 : memref<1x1024xf32, #tpu.memory_space<vmem>> -> memref<1024xf32, #tpu.memory_space<vmem>>
    %dma_start3A_1522 = arith.constant 0 : i32
    %dma_start3A_1523 = tpu.memref_slice %arg9[%dma_start3A_1515, %dma_start3A_1522] : memref<2x1024xi32, #tpu.memory_space<vmem>> -> memref<1x1024xi32, #tpu.memory_space<vmem>>
    %dma_start3A_1524 = tpu.memref_squeeze %dma_start3A_1523 : memref<1x1024xi32, #tpu.memory_space<vmem>> -> memref<1024xi32, #tpu.memory_space<vmem>>
    %dma_start3A_1525 = arith.constant 0 : i32
    %dma_start3A_1526 = tpu.memref_slice %arg4[%dma_start3A_1525] : memref<1000000xf32, #tpu.memory_space<hbm>> -> memref<1000000xf32, #tpu.memory_space<hbm>>
    %dma_start3A_1527 = tpu.memref_slice %arg13[%dma_start3A_1517, %dma_start3A_1518] : memref<2x3x!tpu.dma_semaphore, #tpu.memory_space<semaphore_mem>> -> memref<1x1x!tpu.dma_semaphore, #tpu.memory_space<semaphore_mem>>
    %dma_start3A_1528 = tpu.memref_squeeze %dma_start3A_1527 : memref<1x1x!tpu.dma_semaphore, #tpu.memory_space<semaphore_mem>> -> memref<!tpu.dma_semaphore, #tpu.memory_space<semaphore_mem>>
    tpu.enqueue_indirect_dma source(%dma_start3A_1526 : memref<1000000xf32, #tpu.memory_space<hbm>>) target(%dma_start3A_1521 : memref<1024xf32, #tpu.memory_space<vmem>>) offsets(%dma_start3A_1524 : memref<1024xi32, #tpu.memory_space<vmem>>) semaphore(%dma_start3A_1528 : memref<!tpu.dma_semaphore, #tpu.memory_space<semaphore_mem>>)
    %dma_start3A_1529 = arith.constant 1 : i32
    %dma_start3A_1530 = arith.constant 1 : i32
    %dma_start3A_1531 = arith.constant 1 : i32
    %dma_start3A_1532 = arith.constant 2 : i32
    %dma_start3A_1533 = arith.constant 0 : i32
    %dma_start3A_1534 = tpu.memref_slice %arg12[%dma_start3A_1530, %dma_start3A_1533] : memref<2x1024xf32, #tpu.memory_space<vmem>> -> memref<1x1024xf32, #tpu.memory_space<vmem>>
    %dma_start3A_1535 = tpu.memref_squeeze %dma_start3A_1534 : memref<1x1024xf32, #tpu.memory_space<vmem>> -> memref<1024xf32, #tpu.memory_space<vmem>>
    %dma_start3A_1536 = arith.constant 0 : i32
    %dma_start3A_1537 = tpu.memref_slice %arg9[%dma_start3A_1529, %dma_start3A_1536] : memref<2x1024xi32, #tpu.memory_space<vmem>> -> memref<1x1024xi32, #tpu.memory_space<vmem>>
    %dma_start3A_1538 = tpu.memref_squeeze %dma_start3A_1537 : memref<1x1024xi32, #tpu.memory_space<vmem>> -> memref<1024xi32, #tpu.memory_space<vmem>>
    %dma_start3A_1539 = arith.constant 0 : i32
    %dma_start3A_1540 = tpu.memref_slice %arg5[%dma_start3A_1539] : memref<1000000xf32, #tpu.memory_space<hbm>> -> memref<1000000xf32, #tpu.memory_space<hbm>>
    %dma_start3A_1541 = tpu.memref_slice %arg13[%dma_start3A_1531, %dma_start3A_1532] : memref<2x3x!tpu.dma_semaphore, #tpu.memory_space<semaphore_mem>> -> memref<1x1x!tpu.dma_semaphore, #tpu.memory_space<semaphore_mem>>
    %dma_start3A_1542 = tpu.memref_squeeze %dma_start3A_1541 : memref<1x1x!tpu.dma_semaphore, #tpu.memory_space<semaphore_mem>> -> memref<!tpu.dma_semaphore, #tpu.memory_space<semaphore_mem>>
    tpu.enqueue_indirect_dma source(%dma_start3A_1540 : memref<1000000xf32, #tpu.memory_space<hbm>>) target(%dma_start3A_1535 : memref<1024xf32, #tpu.memory_space<vmem>>) offsets(%dma_start3A_1538 : memref<1024xi32, #tpu.memory_space<vmem>>) semaphore(%dma_start3A_1542 : memref<!tpu.dma_semaphore, #tpu.memory_space<semaphore_mem>>)
    %add3A_1543 = arith.constant 8192 : i32
    %add3A_1544 = arith.addi %mul3A_2, %add3A_1543 : i32
    %multiple_of3A_1545 = tpu.assume_multiple %add3A_1544, 1024 : i32
    %dma_wait3A_1546 = arith.constant 0 : i32
    %dma_wait3A_1547 = arith.constant 0 : i32
    %dma_wait3A_1548 = arith.constant 0 : i32
    %dma_wait3A_1549 = arith.constant 0 : i32
    %dma_wait3A_1550 = arith.constant 0 : i32
    %dma_wait3A_1551 = arith.constant 0 : i32
    %dma_wait3A_1552 = tpu.memref_slice %arg10[%dma_wait3A_1547, %dma_wait3A_1550, %dma_wait3A_1551] : memref<2x1024x64xi8, #tpu.memory_space<vmem>> -> memref<1x1024x64xi8, #tpu.memory_space<vmem>>
    %dma_wait3A_1553 = tpu.memref_squeeze %dma_wait3A_1552 : memref<1x1024x64xi8, #tpu.memory_space<vmem>> -> memref<1024x64xi8, #tpu.memory_space<vmem>>
    %dma_wait3A_1554 = arith.constant 0 : i32
    %dma_wait3A_1555 = tpu.memref_slice %arg9[%dma_wait3A_1546, %dma_wait3A_1554] : memref<2x1024xi32, #tpu.memory_space<vmem>> -> memref<1x1024xi32, #tpu.memory_space<vmem>>
    %dma_wait3A_1556 = tpu.memref_squeeze %dma_wait3A_1555 : memref<1x1024xi32, #tpu.memory_space<vmem>> -> memref<1024xi32, #tpu.memory_space<vmem>>
    %dma_wait3A_1557 = arith.constant 0 : i32
    %dma_wait3A_1558 = arith.constant 0 : i32
    %dma_wait3A_1559 = tpu.memref_slice %arg3[%dma_wait3A_1557, %dma_wait3A_1558] : memref<1000000x64xi8, #tpu.memory_space<hbm>> -> memref<1000000x64xi8, #tpu.memory_space<hbm>>
    %dma_wait3A_1560 = tpu.memref_slice %arg13[%dma_wait3A_1548, %dma_wait3A_1549] : memref<2x3x!tpu.dma_semaphore, #tpu.memory_space<semaphore_mem>> -> memref<1x1x!tpu.dma_semaphore, #tpu.memory_space<semaphore_mem>>
    %dma_wait3A_1561 = tpu.memref_squeeze %dma_wait3A_1560 : memref<1x1x!tpu.dma_semaphore, #tpu.memory_space<semaphore_mem>> -> memref<!tpu.dma_semaphore, #tpu.memory_space<semaphore_mem>>
    tpu.wait_indirect_dma semaphore(%dma_wait3A_1561 : memref<!tpu.dma_semaphore, #tpu.memory_space<semaphore_mem>>) src(%dma_wait3A_1559 : memref<1000000x64xi8, #tpu.memory_space<hbm>>) dst(%dma_wait3A_1553 : memref<1024x64xi8, #tpu.memory_space<vmem>>)
    %dma_wait3A_1562 = arith.constant 0 : i32
    %dma_wait3A_1563 = arith.constant 0 : i32
    %dma_wait3A_1564 = arith.constant 0 : i32
    %dma_wait3A_1565 = arith.constant 1 : i32
    %dma_wait3A_1566 = arith.constant 0 : i32
    %dma_wait3A_1567 = tpu.memref_slice %arg11[%dma_wait3A_1563, %dma_wait3A_1566] : memref<2x1024xf32, #tpu.memory_space<vmem>> -> memref<1x1024xf32, #tpu.memory_space<vmem>>
    %dma_wait3A_1568 = tpu.memref_squeeze %dma_wait3A_1567 : memref<1x1024xf32, #tpu.memory_space<vmem>> -> memref<1024xf32, #tpu.memory_space<vmem>>
    %dma_wait3A_1569 = arith.constant 0 : i32
    %dma_wait3A_1570 = tpu.memref_slice %arg9[%dma_wait3A_1562, %dma_wait3A_1569] : memref<2x1024xi32, #tpu.memory_space<vmem>> -> memref<1x1024xi32, #tpu.memory_space<vmem>>
    %dma_wait3A_1571 = tpu.memref_squeeze %dma_wait3A_1570 : memref<1x1024xi32, #tpu.memory_space<vmem>> -> memref<1024xi32, #tpu.memory_space<vmem>>
    %dma_wait3A_1572 = arith.constant 0 : i32
    %dma_wait3A_1573 = tpu.memref_slice %arg4[%dma_wait3A_1572] : memref<1000000xf32, #tpu.memory_space<hbm>> -> memref<1000000xf32, #tpu.memory_space<hbm>>
    %dma_wait3A_1574 = tpu.memref_slice %arg13[%dma_wait3A_1564, %dma_wait3A_1565] : memref<2x3x!tpu.dma_semaphore, #tpu.memory_space<semaphore_mem>> -> memref<1x1x!tpu.dma_semaphore, #tpu.memory_space<semaphore_mem>>
    %dma_wait3A_1575 = tpu.memref_squeeze %dma_wait3A_1574 : memref<1x1x!tpu.dma_semaphore, #tpu.memory_space<semaphore_mem>> -> memref<!tpu.dma_semaphore, #tpu.memory_space<semaphore_mem>>
    tpu.wait_indirect_dma semaphore(%dma_wait3A_1575 : memref<!tpu.dma_semaphore, #tpu.memory_space<semaphore_mem>>) src(%dma_wait3A_1573 : memref<1000000xf32, #tpu.memory_space<hbm>>) dst(%dma_wait3A_1568 : memref<1024xf32, #tpu.memory_space<vmem>>)
    %dma_wait3A_1576 = arith.constant 0 : i32
    %dma_wait3A_1577 = arith.constant 0 : i32
    %dma_wait3A_1578 = arith.constant 0 : i32
    %dma_wait3A_1579 = arith.constant 2 : i32
    %dma_wait3A_1580 = arith.constant 0 : i32
    %dma_wait3A_1581 = tpu.memref_slice %arg12[%dma_wait3A_1577, %dma_wait3A_1580] : memref<2x1024xf32, #tpu.memory_space<vmem>> -> memref<1x1024xf32, #tpu.memory_space<vmem>>
    %dma_wait3A_1582 = tpu.memref_squeeze %dma_wait3A_1581 : memref<1x1024xf32, #tpu.memory_space<vmem>> -> memref<1024xf32, #tpu.memory_space<vmem>>
    %dma_wait3A_1583 = arith.constant 0 : i32
    %dma_wait3A_1584 = tpu.memref_slice %arg9[%dma_wait3A_1576, %dma_wait3A_1583] : memref<2x1024xi32, #tpu.memory_space<vmem>> -> memref<1x1024xi32, #tpu.memory_space<vmem>>
    %dma_wait3A_1585 = tpu.memref_squeeze %dma_wait3A_1584 : memref<1x1024xi32, #tpu.memory_space<vmem>> -> memref<1024xi32, #tpu.memory_space<vmem>>
    %dma_wait3A_1586 = arith.constant 0 : i32
    %dma_wait3A_1587 = tpu.memref_slice %arg5[%dma_wait3A_1586] : memref<1000000xf32, #tpu.memory_space<hbm>> -> memref<1000000xf32, #tpu.memory_space<hbm>>
    %dma_wait3A_1588 = tpu.memref_slice %arg13[%dma_wait3A_1578, %dma_wait3A_1579] : memref<2x3x!tpu.dma_semaphore, #tpu.memory_space<semaphore_mem>> -> memref<1x1x!tpu.dma_semaphore, #tpu.memory_space<semaphore_mem>>
    %dma_wait3A_1589 = tpu.memref_squeeze %dma_wait3A_1588 : memref<1x1x!tpu.dma_semaphore, #tpu.memory_space<semaphore_mem>> -> memref<!tpu.dma_semaphore, #tpu.memory_space<semaphore_mem>>
    tpu.wait_indirect_dma semaphore(%dma_wait3A_1589 : memref<!tpu.dma_semaphore, #tpu.memory_space<semaphore_mem>>) src(%dma_wait3A_1587 : memref<1000000xf32, #tpu.memory_space<hbm>>) dst(%dma_wait3A_1582 : memref<1024xf32, #tpu.memory_space<vmem>>)
    %dma_start3A_1590 = arith.constant 0 : i32
    %dma_start3A_1591 = arith.constant 0 : i32
    %dma_start3A_1592 = arith.constant 0 : i32
    %dma_start3A_1593 = arith.constant 0 : i32
    %dma_start3A_1594 = arith.constant 0 : i32
    %dma_start3A_1595 = tpu.memref_slice %arg10[%dma_start3A_1590, %dma_start3A_1593, %dma_start3A_1594] : memref<2x1024x64xi8, #tpu.memory_space<vmem>> -> memref<1x1024x64xi8, #tpu.memory_space<vmem>>
    %dma_start3A_1596 = tpu.memref_squeeze %dma_start3A_1595 : memref<1x1024x64xi8, #tpu.memory_space<vmem>> -> memref<1024x64xi8, #tpu.memory_space<vmem>>
    %dma_start3A_1597 = arith.constant 0 : i32
    %dma_start3A_1598 = tpu.memref_slice %arg6[%multiple_of3A_1545, %dma_start3A_1597] : memref<327680x64xi8, #tpu.memory_space<hbm>> -> memref<1024x64xi8, #tpu.memory_space<hbm>>
    %dma_start3A_1599 = tpu.memref_slice %arg14[%dma_start3A_1591, %dma_start3A_1592] : memref<2x3x!tpu.dma_semaphore, #tpu.memory_space<semaphore_mem>> -> memref<1x1x!tpu.dma_semaphore, #tpu.memory_space<semaphore_mem>>
    %dma_start3A_1600 = tpu.memref_squeeze %dma_start3A_1599 : memref<1x1x!tpu.dma_semaphore, #tpu.memory_space<semaphore_mem>> -> memref<!tpu.dma_semaphore, #tpu.memory_space<semaphore_mem>>
    %dma_start3A_1601 = arith.constant 0 : i32
    %dma_start3A_1602 = tpu.memref_slice %arg6[%multiple_of3A_1545, %dma_start3A_1601] : memref<327680x64xi8, #tpu.memory_space<hbm>> -> memref<1024x64xi8, #tpu.memory_space<hbm>>
    %dma_start3A_1603 = arith.constant 0 : i32
    %dma_start3A_1604 = arith.constant 0 : i32
    %dma_start3A_1605 = tpu.memref_slice %arg10[%dma_start3A_1590, %dma_start3A_1603, %dma_start3A_1604] : memref<2x1024x64xi8, #tpu.memory_space<vmem>> -> memref<1x1024x64xi8, #tpu.memory_space<vmem>>
    %dma_start3A_1606 = tpu.memref_squeeze %dma_start3A_1605 : memref<1x1024x64xi8, #tpu.memory_space<vmem>> -> memref<1024x64xi8, #tpu.memory_space<vmem>>
    tpu.enqueue_dma source(%dma_start3A_1606 : memref<1024x64xi8, #tpu.memory_space<vmem>>) target(%dma_start3A_1602 : memref<1024x64xi8, #tpu.memory_space<hbm>>) target_semaphore(%dma_start3A_1600 : memref<!tpu.dma_semaphore, #tpu.memory_space<semaphore_mem>>)
    %dma_start3A_1607 = arith.constant 0 : i32
    %dma_start3A_1608 = arith.constant 0 : i32
    %dma_start3A_1609 = arith.constant 1 : i32
    %dma_start3A_1610 = arith.constant 0 : i32
    %dma_start3A_1611 = tpu.memref_slice %arg11[%dma_start3A_1607, %dma_start3A_1610] : memref<2x1024xf32, #tpu.memory_space<vmem>> -> memref<1x1024xf32, #tpu.memory_space<vmem>>
    %dma_start3A_1612 = tpu.memref_squeeze %dma_start3A_1611 : memref<1x1024xf32, #tpu.memory_space<vmem>> -> memref<1024xf32, #tpu.memory_space<vmem>>
    %dma_start3A_1613 = tpu.memref_slice %arg7[%multiple_of3A_1545] : memref<327680xf32, #tpu.memory_space<hbm>> -> memref<1024xf32, #tpu.memory_space<hbm>>
    %dma_start3A_1614 = tpu.memref_slice %arg14[%dma_start3A_1608, %dma_start3A_1609] : memref<2x3x!tpu.dma_semaphore, #tpu.memory_space<semaphore_mem>> -> memref<1x1x!tpu.dma_semaphore, #tpu.memory_space<semaphore_mem>>
    %dma_start3A_1615 = tpu.memref_squeeze %dma_start3A_1614 : memref<1x1x!tpu.dma_semaphore, #tpu.memory_space<semaphore_mem>> -> memref<!tpu.dma_semaphore, #tpu.memory_space<semaphore_mem>>
    %dma_start3A_1616 = tpu.memref_slice %arg7[%multiple_of3A_1545] : memref<327680xf32, #tpu.memory_space<hbm>> -> memref<1024xf32, #tpu.memory_space<hbm>>
    %dma_start3A_1617 = arith.constant 0 : i32
    %dma_start3A_1618 = tpu.memref_slice %arg11[%dma_start3A_1607, %dma_start3A_1617] : memref<2x1024xf32, #tpu.memory_space<vmem>> -> memref<1x1024xf32, #tpu.memory_space<vmem>>
    %dma_start3A_1619 = tpu.memref_squeeze %dma_start3A_1618 : memref<1x1024xf32, #tpu.memory_space<vmem>> -> memref<1024xf32, #tpu.memory_space<vmem>>
    tpu.enqueue_dma source(%dma_start3A_1619 : memref<1024xf32, #tpu.memory_space<vmem>>) target(%dma_start3A_1616 : memref<1024xf32, #tpu.memory_space<hbm>>) target_semaphore(%dma_start3A_1615 : memref<!tpu.dma_semaphore, #tpu.memory_space<semaphore_mem>>)
    %dma_start3A_1620 = arith.constant 0 : i32
    %dma_start3A_1621 = arith.constant 0 : i32
    %dma_start3A_1622 = arith.constant 2 : i32
    %dma_start3A_1623 = arith.constant 0 : i32
    %dma_start3A_1624 = tpu.memref_slice %arg12[%dma_start3A_1620, %dma_start3A_1623] : memref<2x1024xf32, #tpu.memory_space<vmem>> -> memref<1x1024xf32, #tpu.memory_space<vmem>>
    %dma_start3A_1625 = tpu.memref_squeeze %dma_start3A_1624 : memref<1x1024xf32, #tpu.memory_space<vmem>> -> memref<1024xf32, #tpu.memory_space<vmem>>
    %dma_start3A_1626 = tpu.memref_slice %arg8[%multiple_of3A_1545] : memref<327680xf32, #tpu.memory_space<hbm>> -> memref<1024xf32, #tpu.memory_space<hbm>>
    %dma_start3A_1627 = tpu.memref_slice %arg14[%dma_start3A_1621, %dma_start3A_1622] : memref<2x3x!tpu.dma_semaphore, #tpu.memory_space<semaphore_mem>> -> memref<1x1x!tpu.dma_semaphore, #tpu.memory_space<semaphore_mem>>
    %dma_start3A_1628 = tpu.memref_squeeze %dma_start3A_1627 : memref<1x1x!tpu.dma_semaphore, #tpu.memory_space<semaphore_mem>> -> memref<!tpu.dma_semaphore, #tpu.memory_space<semaphore_mem>>
    %dma_start3A_1629 = tpu.memref_slice %arg8[%multiple_of3A_1545] : memref<327680xf32, #tpu.memory_space<hbm>> -> memref<1024xf32, #tpu.memory_space<hbm>>
    %dma_start3A_1630 = arith.constant 0 : i32
    %dma_start3A_1631 = tpu.memref_slice %arg12[%dma_start3A_1620, %dma_start3A_1630] : memref<2x1024xf32, #tpu.memory_space<vmem>> -> memref<1x1024xf32, #tpu.memory_space<vmem>>
    %dma_start3A_1632 = tpu.memref_squeeze %dma_start3A_1631 : memref<1x1024xf32, #tpu.memory_space<vmem>> -> memref<1024xf32, #tpu.memory_space<vmem>>
    tpu.enqueue_dma source(%dma_start3A_1632 : memref<1024xf32, #tpu.memory_space<vmem>>) target(%dma_start3A_1629 : memref<1024xf32, #tpu.memory_space<hbm>>) target_semaphore(%dma_start3A_1628 : memref<!tpu.dma_semaphore, #tpu.memory_space<semaphore_mem>>)
    %add3A_1633 = arith.constant 9216 : i32
    %add3A_1634 = arith.addi %mul3A_2, %add3A_1633 : i32
    %multiple_of3A_1635 = tpu.assume_multiple %add3A_1634, 1024 : i32
    %dma_wait3A_1636 = arith.constant 1 : i32
    %dma_wait3A_1637 = arith.constant 1 : i32
    %dma_wait3A_1638 = arith.constant 1 : i32
    %dma_wait3A_1639 = arith.constant 0 : i32
    %dma_wait3A_1640 = arith.constant 0 : i32
    %dma_wait3A_1641 = arith.constant 0 : i32
    %dma_wait3A_1642 = tpu.memref_slice %arg10[%dma_wait3A_1637, %dma_wait3A_1640, %dma_wait3A_1641] : memref<2x1024x64xi8, #tpu.memory_space<vmem>> -> memref<1x1024x64xi8, #tpu.memory_space<vmem>>
    %dma_wait3A_1643 = tpu.memref_squeeze %dma_wait3A_1642 : memref<1x1024x64xi8, #tpu.memory_space<vmem>> -> memref<1024x64xi8, #tpu.memory_space<vmem>>
    %dma_wait3A_1644 = arith.constant 0 : i32
    %dma_wait3A_1645 = tpu.memref_slice %arg9[%dma_wait3A_1636, %dma_wait3A_1644] : memref<2x1024xi32, #tpu.memory_space<vmem>> -> memref<1x1024xi32, #tpu.memory_space<vmem>>
    %dma_wait3A_1646 = tpu.memref_squeeze %dma_wait3A_1645 : memref<1x1024xi32, #tpu.memory_space<vmem>> -> memref<1024xi32, #tpu.memory_space<vmem>>
    %dma_wait3A_1647 = arith.constant 0 : i32
    %dma_wait3A_1648 = arith.constant 0 : i32
    %dma_wait3A_1649 = tpu.memref_slice %arg3[%dma_wait3A_1647, %dma_wait3A_1648] : memref<1000000x64xi8, #tpu.memory_space<hbm>> -> memref<1000000x64xi8, #tpu.memory_space<hbm>>
    %dma_wait3A_1650 = tpu.memref_slice %arg13[%dma_wait3A_1638, %dma_wait3A_1639] : memref<2x3x!tpu.dma_semaphore, #tpu.memory_space<semaphore_mem>> -> memref<1x1x!tpu.dma_semaphore, #tpu.memory_space<semaphore_mem>>
    %dma_wait3A_1651 = tpu.memref_squeeze %dma_wait3A_1650 : memref<1x1x!tpu.dma_semaphore, #tpu.memory_space<semaphore_mem>> -> memref<!tpu.dma_semaphore, #tpu.memory_space<semaphore_mem>>
    tpu.wait_indirect_dma semaphore(%dma_wait3A_1651 : memref<!tpu.dma_semaphore, #tpu.memory_space<semaphore_mem>>) src(%dma_wait3A_1649 : memref<1000000x64xi8, #tpu.memory_space<hbm>>) dst(%dma_wait3A_1643 : memref<1024x64xi8, #tpu.memory_space<vmem>>)
    %dma_wait3A_1652 = arith.constant 1 : i32
    %dma_wait3A_1653 = arith.constant 1 : i32
    %dma_wait3A_1654 = arith.constant 1 : i32
    %dma_wait3A_1655 = arith.constant 1 : i32
    %dma_wait3A_1656 = arith.constant 0 : i32
    %dma_wait3A_1657 = tpu.memref_slice %arg11[%dma_wait3A_1653, %dma_wait3A_1656] : memref<2x1024xf32, #tpu.memory_space<vmem>> -> memref<1x1024xf32, #tpu.memory_space<vmem>>
    %dma_wait3A_1658 = tpu.memref_squeeze %dma_wait3A_1657 : memref<1x1024xf32, #tpu.memory_space<vmem>> -> memref<1024xf32, #tpu.memory_space<vmem>>
    %dma_wait3A_1659 = arith.constant 0 : i32
    %dma_wait3A_1660 = tpu.memref_slice %arg9[%dma_wait3A_1652, %dma_wait3A_1659] : memref<2x1024xi32, #tpu.memory_space<vmem>> -> memref<1x1024xi32, #tpu.memory_space<vmem>>
    %dma_wait3A_1661 = tpu.memref_squeeze %dma_wait3A_1660 : memref<1x1024xi32, #tpu.memory_space<vmem>> -> memref<1024xi32, #tpu.memory_space<vmem>>
    %dma_wait3A_1662 = arith.constant 0 : i32
    %dma_wait3A_1663 = tpu.memref_slice %arg4[%dma_wait3A_1662] : memref<1000000xf32, #tpu.memory_space<hbm>> -> memref<1000000xf32, #tpu.memory_space<hbm>>
    %dma_wait3A_1664 = tpu.memref_slice %arg13[%dma_wait3A_1654, %dma_wait3A_1655] : memref<2x3x!tpu.dma_semaphore, #tpu.memory_space<semaphore_mem>> -> memref<1x1x!tpu.dma_semaphore, #tpu.memory_space<semaphore_mem>>
    %dma_wait3A_1665 = tpu.memref_squeeze %dma_wait3A_1664 : memref<1x1x!tpu.dma_semaphore, #tpu.memory_space<semaphore_mem>> -> memref<!tpu.dma_semaphore, #tpu.memory_space<semaphore_mem>>
    tpu.wait_indirect_dma semaphore(%dma_wait3A_1665 : memref<!tpu.dma_semaphore, #tpu.memory_space<semaphore_mem>>) src(%dma_wait3A_1663 : memref<1000000xf32, #tpu.memory_space<hbm>>) dst(%dma_wait3A_1658 : memref<1024xf32, #tpu.memory_space<vmem>>)
    %dma_wait3A_1666 = arith.constant 1 : i32
    %dma_wait3A_1667 = arith.constant 1 : i32
    %dma_wait3A_1668 = arith.constant 1 : i32
    %dma_wait3A_1669 = arith.constant 2 : i32
    %dma_wait3A_1670 = arith.constant 0 : i32
    %dma_wait3A_1671 = tpu.memref_slice %arg12[%dma_wait3A_1667, %dma_wait3A_1670] : memref<2x1024xf32, #tpu.memory_space<vmem>> -> memref<1x1024xf32, #tpu.memory_space<vmem>>
    %dma_wait3A_1672 = tpu.memref_squeeze %dma_wait3A_1671 : memref<1x1024xf32, #tpu.memory_space<vmem>> -> memref<1024xf32, #tpu.memory_space<vmem>>
    %dma_wait3A_1673 = arith.constant 0 : i32
    %dma_wait3A_1674 = tpu.memref_slice %arg9[%dma_wait3A_1666, %dma_wait3A_1673] : memref<2x1024xi32, #tpu.memory_space<vmem>> -> memref<1x1024xi32, #tpu.memory_space<vmem>>
    %dma_wait3A_1675 = tpu.memref_squeeze %dma_wait3A_1674 : memref<1x1024xi32, #tpu.memory_space<vmem>> -> memref<1024xi32, #tpu.memory_space<vmem>>
    %dma_wait3A_1676 = arith.constant 0 : i32
    %dma_wait3A_1677 = tpu.memref_slice %arg5[%dma_wait3A_1676] : memref<1000000xf32, #tpu.memory_space<hbm>> -> memref<1000000xf32, #tpu.memory_space<hbm>>
    %dma_wait3A_1678 = tpu.memref_slice %arg13[%dma_wait3A_1668, %dma_wait3A_1669] : memref<2x3x!tpu.dma_semaphore, #tpu.memory_space<semaphore_mem>> -> memref<1x1x!tpu.dma_semaphore, #tpu.memory_space<semaphore_mem>>
    %dma_wait3A_1679 = tpu.memref_squeeze %dma_wait3A_1678 : memref<1x1x!tpu.dma_semaphore, #tpu.memory_space<semaphore_mem>> -> memref<!tpu.dma_semaphore, #tpu.memory_space<semaphore_mem>>
    tpu.wait_indirect_dma semaphore(%dma_wait3A_1679 : memref<!tpu.dma_semaphore, #tpu.memory_space<semaphore_mem>>) src(%dma_wait3A_1677 : memref<1000000xf32, #tpu.memory_space<hbm>>) dst(%dma_wait3A_1672 : memref<1024xf32, #tpu.memory_space<vmem>>)
    %dma_start3A_1680 = arith.constant 1 : i32
    %dma_start3A_1681 = arith.constant 1 : i32
    %dma_start3A_1682 = arith.constant 0 : i32
    %dma_start3A_1683 = arith.constant 0 : i32
    %dma_start3A_1684 = arith.constant 0 : i32
    %dma_start3A_1685 = tpu.memref_slice %arg10[%dma_start3A_1680, %dma_start3A_1683, %dma_start3A_1684] : memref<2x1024x64xi8, #tpu.memory_space<vmem>> -> memref<1x1024x64xi8, #tpu.memory_space<vmem>>
    %dma_start3A_1686 = tpu.memref_squeeze %dma_start3A_1685 : memref<1x1024x64xi8, #tpu.memory_space<vmem>> -> memref<1024x64xi8, #tpu.memory_space<vmem>>
    %dma_start3A_1687 = arith.constant 0 : i32
    %dma_start3A_1688 = tpu.memref_slice %arg6[%multiple_of3A_1635, %dma_start3A_1687] : memref<327680x64xi8, #tpu.memory_space<hbm>> -> memref<1024x64xi8, #tpu.memory_space<hbm>>
    %dma_start3A_1689 = tpu.memref_slice %arg14[%dma_start3A_1681, %dma_start3A_1682] : memref<2x3x!tpu.dma_semaphore, #tpu.memory_space<semaphore_mem>> -> memref<1x1x!tpu.dma_semaphore, #tpu.memory_space<semaphore_mem>>
    %dma_start3A_1690 = tpu.memref_squeeze %dma_start3A_1689 : memref<1x1x!tpu.dma_semaphore, #tpu.memory_space<semaphore_mem>> -> memref<!tpu.dma_semaphore, #tpu.memory_space<semaphore_mem>>
    %dma_start3A_1691 = arith.constant 0 : i32
    %dma_start3A_1692 = tpu.memref_slice %arg6[%multiple_of3A_1635, %dma_start3A_1691] : memref<327680x64xi8, #tpu.memory_space<hbm>> -> memref<1024x64xi8, #tpu.memory_space<hbm>>
    %dma_start3A_1693 = arith.constant 0 : i32
    %dma_start3A_1694 = arith.constant 0 : i32
    %dma_start3A_1695 = tpu.memref_slice %arg10[%dma_start3A_1680, %dma_start3A_1693, %dma_start3A_1694] : memref<2x1024x64xi8, #tpu.memory_space<vmem>> -> memref<1x1024x64xi8, #tpu.memory_space<vmem>>
    %dma_start3A_1696 = tpu.memref_squeeze %dma_start3A_1695 : memref<1x1024x64xi8, #tpu.memory_space<vmem>> -> memref<1024x64xi8, #tpu.memory_space<vmem>>
    tpu.enqueue_dma source(%dma_start3A_1696 : memref<1024x64xi8, #tpu.memory_space<vmem>>) target(%dma_start3A_1692 : memref<1024x64xi8, #tpu.memory_space<hbm>>) target_semaphore(%dma_start3A_1690 : memref<!tpu.dma_semaphore, #tpu.memory_space<semaphore_mem>>)
    %dma_start3A_1697 = arith.constant 1 : i32
    %dma_start3A_1698 = arith.constant 1 : i32
    %dma_start3A_1699 = arith.constant 1 : i32
    %dma_start3A_1700 = arith.constant 0 : i32
    %dma_start3A_1701 = tpu.memref_slice %arg11[%dma_start3A_1697, %dma_start3A_1700] : memref<2x1024xf32, #tpu.memory_space<vmem>> -> memref<1x1024xf32, #tpu.memory_space<vmem>>
    %dma_start3A_1702 = tpu.memref_squeeze %dma_start3A_1701 : memref<1x1024xf32, #tpu.memory_space<vmem>> -> memref<1024xf32, #tpu.memory_space<vmem>>
    %dma_start3A_1703 = tpu.memref_slice %arg7[%multiple_of3A_1635] : memref<327680xf32, #tpu.memory_space<hbm>> -> memref<1024xf32, #tpu.memory_space<hbm>>
    %dma_start3A_1704 = tpu.memref_slice %arg14[%dma_start3A_1698, %dma_start3A_1699] : memref<2x3x!tpu.dma_semaphore, #tpu.memory_space<semaphore_mem>> -> memref<1x1x!tpu.dma_semaphore, #tpu.memory_space<semaphore_mem>>
    %dma_start3A_1705 = tpu.memref_squeeze %dma_start3A_1704 : memref<1x1x!tpu.dma_semaphore, #tpu.memory_space<semaphore_mem>> -> memref<!tpu.dma_semaphore, #tpu.memory_space<semaphore_mem>>
    %dma_start3A_1706 = tpu.memref_slice %arg7[%multiple_of3A_1635] : memref<327680xf32, #tpu.memory_space<hbm>> -> memref<1024xf32, #tpu.memory_space<hbm>>
    %dma_start3A_1707 = arith.constant 0 : i32
    %dma_start3A_1708 = tpu.memref_slice %arg11[%dma_start3A_1697, %dma_start3A_1707] : memref<2x1024xf32, #tpu.memory_space<vmem>> -> memref<1x1024xf32, #tpu.memory_space<vmem>>
    %dma_start3A_1709 = tpu.memref_squeeze %dma_start3A_1708 : memref<1x1024xf32, #tpu.memory_space<vmem>> -> memref<1024xf32, #tpu.memory_space<vmem>>
    tpu.enqueue_dma source(%dma_start3A_1709 : memref<1024xf32, #tpu.memory_space<vmem>>) target(%dma_start3A_1706 : memref<1024xf32, #tpu.memory_space<hbm>>) target_semaphore(%dma_start3A_1705 : memref<!tpu.dma_semaphore, #tpu.memory_space<semaphore_mem>>)
    %dma_start3A_1710 = arith.constant 1 : i32
    %dma_start3A_1711 = arith.constant 1 : i32
    %dma_start3A_1712 = arith.constant 2 : i32
    %dma_start3A_1713 = arith.constant 0 : i32
    %dma_start3A_1714 = tpu.memref_slice %arg12[%dma_start3A_1710, %dma_start3A_1713] : memref<2x1024xf32, #tpu.memory_space<vmem>> -> memref<1x1024xf32, #tpu.memory_space<vmem>>
    %dma_start3A_1715 = tpu.memref_squeeze %dma_start3A_1714 : memref<1x1024xf32, #tpu.memory_space<vmem>> -> memref<1024xf32, #tpu.memory_space<vmem>>
    %dma_start3A_1716 = tpu.memref_slice %arg8[%multiple_of3A_1635] : memref<327680xf32, #tpu.memory_space<hbm>> -> memref<1024xf32, #tpu.memory_space<hbm>>
    %dma_start3A_1717 = tpu.memref_slice %arg14[%dma_start3A_1711, %dma_start3A_1712] : memref<2x3x!tpu.dma_semaphore, #tpu.memory_space<semaphore_mem>> -> memref<1x1x!tpu.dma_semaphore, #tpu.memory_space<semaphore_mem>>
    %dma_start3A_1718 = tpu.memref_squeeze %dma_start3A_1717 : memref<1x1x!tpu.dma_semaphore, #tpu.memory_space<semaphore_mem>> -> memref<!tpu.dma_semaphore, #tpu.memory_space<semaphore_mem>>
    %dma_start3A_1719 = tpu.memref_slice %arg8[%multiple_of3A_1635] : memref<327680xf32, #tpu.memory_space<hbm>> -> memref<1024xf32, #tpu.memory_space<hbm>>
    %dma_start3A_1720 = arith.constant 0 : i32
    %dma_start3A_1721 = tpu.memref_slice %arg12[%dma_start3A_1710, %dma_start3A_1720] : memref<2x1024xf32, #tpu.memory_space<vmem>> -> memref<1x1024xf32, #tpu.memory_space<vmem>>
    %dma_start3A_1722 = tpu.memref_squeeze %dma_start3A_1721 : memref<1x1024xf32, #tpu.memory_space<vmem>> -> memref<1024xf32, #tpu.memory_space<vmem>>
    tpu.enqueue_dma source(%dma_start3A_1722 : memref<1024xf32, #tpu.memory_space<vmem>>) target(%dma_start3A_1719 : memref<1024xf32, #tpu.memory_space<hbm>>) target_semaphore(%dma_start3A_1718 : memref<!tpu.dma_semaphore, #tpu.memory_space<semaphore_mem>>)
    %dma_wait3A_1723 = arith.constant 0 : i32
    %dma_wait3A_1724 = arith.constant 0 : i32
    %dma_wait3A_1725 = arith.constant 0 : i32
    %dma_wait3A_1726 = arith.constant 0 : i32
    %dma_wait3A_1727 = arith.constant 0 : i32
    %dma_wait3A_1728 = tpu.memref_slice %arg10[%dma_wait3A_1723, %dma_wait3A_1726, %dma_wait3A_1727] : memref<2x1024x64xi8, #tpu.memory_space<vmem>> -> memref<1x1024x64xi8, #tpu.memory_space<vmem>>
    %dma_wait3A_1729 = tpu.memref_squeeze %dma_wait3A_1728 : memref<1x1024x64xi8, #tpu.memory_space<vmem>> -> memref<1024x64xi8, #tpu.memory_space<vmem>>
    %dma_wait3A_1730 = arith.constant 0 : i32
    %dma_wait3A_1731 = tpu.memref_slice %arg6[%multiple_of3A_1545, %dma_wait3A_1730] : memref<327680x64xi8, #tpu.memory_space<hbm>> -> memref<1024x64xi8, #tpu.memory_space<hbm>>
    %dma_wait3A_1732 = tpu.memref_slice %arg14[%dma_wait3A_1724, %dma_wait3A_1725] : memref<2x3x!tpu.dma_semaphore, #tpu.memory_space<semaphore_mem>> -> memref<1x1x!tpu.dma_semaphore, #tpu.memory_space<semaphore_mem>>
    %dma_wait3A_1733 = tpu.memref_squeeze %dma_wait3A_1732 : memref<1x1x!tpu.dma_semaphore, #tpu.memory_space<semaphore_mem>> -> memref<!tpu.dma_semaphore, #tpu.memory_space<semaphore_mem>>
    %dma_wait3A_1734 = arith.constant 0 : i32
    %dma_wait3A_1735 = tpu.memref_slice %arg6[%multiple_of3A_1545, %dma_wait3A_1734] : memref<327680x64xi8, #tpu.memory_space<hbm>> -> memref<1024x64xi8, #tpu.memory_space<hbm>>
    %dma_wait3A_1736 = arith.constant 0 : i32
    %dma_wait3A_1737 = arith.constant 0 : i32
    %dma_wait3A_1738 = tpu.memref_slice %arg10[%dma_wait3A_1723, %dma_wait3A_1736, %dma_wait3A_1737] : memref<2x1024x64xi8, #tpu.memory_space<vmem>> -> memref<1x1024x64xi8, #tpu.memory_space<vmem>>
    %dma_wait3A_1739 = tpu.memref_squeeze %dma_wait3A_1738 : memref<1x1024x64xi8, #tpu.memory_space<vmem>> -> memref<1024x64xi8, #tpu.memory_space<vmem>>
    tpu.wait_dma2 semaphore(%dma_wait3A_1733 : memref<!tpu.dma_semaphore, #tpu.memory_space<semaphore_mem>>) src(%dma_wait3A_1739 : memref<1024x64xi8, #tpu.memory_space<vmem>>) dst(%dma_wait3A_1735 : memref<1024x64xi8, #tpu.memory_space<hbm>>)
    %dma_wait3A_1740 = arith.constant 0 : i32
    %dma_wait3A_1741 = arith.constant 0 : i32
    %dma_wait3A_1742 = arith.constant 1 : i32
    %dma_wait3A_1743 = arith.constant 0 : i32
    %dma_wait3A_1744 = tpu.memref_slice %arg11[%dma_wait3A_1740, %dma_wait3A_1743] : memref<2x1024xf32, #tpu.memory_space<vmem>> -> memref<1x1024xf32, #tpu.memory_space<vmem>>
    %dma_wait3A_1745 = tpu.memref_squeeze %dma_wait3A_1744 : memref<1x1024xf32, #tpu.memory_space<vmem>> -> memref<1024xf32, #tpu.memory_space<vmem>>
    %dma_wait3A_1746 = tpu.memref_slice %arg7[%multiple_of3A_1545] : memref<327680xf32, #tpu.memory_space<hbm>> -> memref<1024xf32, #tpu.memory_space<hbm>>
    %dma_wait3A_1747 = tpu.memref_slice %arg14[%dma_wait3A_1741, %dma_wait3A_1742] : memref<2x3x!tpu.dma_semaphore, #tpu.memory_space<semaphore_mem>> -> memref<1x1x!tpu.dma_semaphore, #tpu.memory_space<semaphore_mem>>
    %dma_wait3A_1748 = tpu.memref_squeeze %dma_wait3A_1747 : memref<1x1x!tpu.dma_semaphore, #tpu.memory_space<semaphore_mem>> -> memref<!tpu.dma_semaphore, #tpu.memory_space<semaphore_mem>>
    %dma_wait3A_1749 = tpu.memref_slice %arg7[%multiple_of3A_1545] : memref<327680xf32, #tpu.memory_space<hbm>> -> memref<1024xf32, #tpu.memory_space<hbm>>
    %dma_wait3A_1750 = arith.constant 0 : i32
    %dma_wait3A_1751 = tpu.memref_slice %arg11[%dma_wait3A_1740, %dma_wait3A_1750] : memref<2x1024xf32, #tpu.memory_space<vmem>> -> memref<1x1024xf32, #tpu.memory_space<vmem>>
    %dma_wait3A_1752 = tpu.memref_squeeze %dma_wait3A_1751 : memref<1x1024xf32, #tpu.memory_space<vmem>> -> memref<1024xf32, #tpu.memory_space<vmem>>
    tpu.wait_dma2 semaphore(%dma_wait3A_1748 : memref<!tpu.dma_semaphore, #tpu.memory_space<semaphore_mem>>) src(%dma_wait3A_1752 : memref<1024xf32, #tpu.memory_space<vmem>>) dst(%dma_wait3A_1749 : memref<1024xf32, #tpu.memory_space<hbm>>)
    %dma_wait3A_1753 = arith.constant 0 : i32
    %dma_wait3A_1754 = arith.constant 0 : i32
    %dma_wait3A_1755 = arith.constant 2 : i32
    %dma_wait3A_1756 = arith.constant 0 : i32
    %dma_wait3A_1757 = tpu.memref_slice %arg12[%dma_wait3A_1753, %dma_wait3A_1756] : memref<2x1024xf32, #tpu.memory_space<vmem>> -> memref<1x1024xf32, #tpu.memory_space<vmem>>
    %dma_wait3A_1758 = tpu.memref_squeeze %dma_wait3A_1757 : memref<1x1024xf32, #tpu.memory_space<vmem>> -> memref<1024xf32, #tpu.memory_space<vmem>>
    %dma_wait3A_1759 = tpu.memref_slice %arg8[%multiple_of3A_1545] : memref<327680xf32, #tpu.memory_space<hbm>> -> memref<1024xf32, #tpu.memory_space<hbm>>
    %dma_wait3A_1760 = tpu.memref_slice %arg14[%dma_wait3A_1754, %dma_wait3A_1755] : memref<2x3x!tpu.dma_semaphore, #tpu.memory_space<semaphore_mem>> -> memref<1x1x!tpu.dma_semaphore, #tpu.memory_space<semaphore_mem>>
    %dma_wait3A_1761 = tpu.memref_squeeze %dma_wait3A_1760 : memref<1x1x!tpu.dma_semaphore, #tpu.memory_space<semaphore_mem>> -> memref<!tpu.dma_semaphore, #tpu.memory_space<semaphore_mem>>
    %dma_wait3A_1762 = tpu.memref_slice %arg8[%multiple_of3A_1545] : memref<327680xf32, #tpu.memory_space<hbm>> -> memref<1024xf32, #tpu.memory_space<hbm>>
    %dma_wait3A_1763 = arith.constant 0 : i32
    %dma_wait3A_1764 = tpu.memref_slice %arg12[%dma_wait3A_1753, %dma_wait3A_1763] : memref<2x1024xf32, #tpu.memory_space<vmem>> -> memref<1x1024xf32, #tpu.memory_space<vmem>>
    %dma_wait3A_1765 = tpu.memref_squeeze %dma_wait3A_1764 : memref<1x1024xf32, #tpu.memory_space<vmem>> -> memref<1024xf32, #tpu.memory_space<vmem>>
    tpu.wait_dma2 semaphore(%dma_wait3A_1761 : memref<!tpu.dma_semaphore, #tpu.memory_space<semaphore_mem>>) src(%dma_wait3A_1765 : memref<1024xf32, #tpu.memory_space<vmem>>) dst(%dma_wait3A_1762 : memref<1024xf32, #tpu.memory_space<hbm>>)
    %dma_wait3A_1766 = arith.constant 1 : i32
    %dma_wait3A_1767 = arith.constant 1 : i32
    %dma_wait3A_1768 = arith.constant 0 : i32
    %dma_wait3A_1769 = arith.constant 0 : i32
    %dma_wait3A_1770 = arith.constant 0 : i32
    %dma_wait3A_1771 = tpu.memref_slice %arg10[%dma_wait3A_1766, %dma_wait3A_1769, %dma_wait3A_1770] : memref<2x1024x64xi8, #tpu.memory_space<vmem>> -> memref<1x1024x64xi8, #tpu.memory_space<vmem>>
    %dma_wait3A_1772 = tpu.memref_squeeze %dma_wait3A_1771 : memref<1x1024x64xi8, #tpu.memory_space<vmem>> -> memref<1024x64xi8, #tpu.memory_space<vmem>>
    %dma_wait3A_1773 = arith.constant 0 : i32
    %dma_wait3A_1774 = tpu.memref_slice %arg6[%multiple_of3A_1635, %dma_wait3A_1773] : memref<327680x64xi8, #tpu.memory_space<hbm>> -> memref<1024x64xi8, #tpu.memory_space<hbm>>
    %dma_wait3A_1775 = tpu.memref_slice %arg14[%dma_wait3A_1767, %dma_wait3A_1768] : memref<2x3x!tpu.dma_semaphore, #tpu.memory_space<semaphore_mem>> -> memref<1x1x!tpu.dma_semaphore, #tpu.memory_space<semaphore_mem>>
    %dma_wait3A_1776 = tpu.memref_squeeze %dma_wait3A_1775 : memref<1x1x!tpu.dma_semaphore, #tpu.memory_space<semaphore_mem>> -> memref<!tpu.dma_semaphore, #tpu.memory_space<semaphore_mem>>
    %dma_wait3A_1777 = arith.constant 0 : i32
    %dma_wait3A_1778 = tpu.memref_slice %arg6[%multiple_of3A_1635, %dma_wait3A_1777] : memref<327680x64xi8, #tpu.memory_space<hbm>> -> memref<1024x64xi8, #tpu.memory_space<hbm>>
    %dma_wait3A_1779 = arith.constant 0 : i32
    %dma_wait3A_1780 = arith.constant 0 : i32
    %dma_wait3A_1781 = tpu.memref_slice %arg10[%dma_wait3A_1766, %dma_wait3A_1779, %dma_wait3A_1780] : memref<2x1024x64xi8, #tpu.memory_space<vmem>> -> memref<1x1024x64xi8, #tpu.memory_space<vmem>>
    %dma_wait3A_1782 = tpu.memref_squeeze %dma_wait3A_1781 : memref<1x1024x64xi8, #tpu.memory_space<vmem>> -> memref<1024x64xi8, #tpu.memory_space<vmem>>
    tpu.wait_dma2 semaphore(%dma_wait3A_1776 : memref<!tpu.dma_semaphore, #tpu.memory_space<semaphore_mem>>) src(%dma_wait3A_1782 : memref<1024x64xi8, #tpu.memory_space<vmem>>) dst(%dma_wait3A_1778 : memref<1024x64xi8, #tpu.memory_space<hbm>>)
    %dma_wait3A_1783 = arith.constant 1 : i32
    %dma_wait3A_1784 = arith.constant 1 : i32
    %dma_wait3A_1785 = arith.constant 1 : i32
    %dma_wait3A_1786 = arith.constant 0 : i32
    %dma_wait3A_1787 = tpu.memref_slice %arg11[%dma_wait3A_1783, %dma_wait3A_1786] : memref<2x1024xf32, #tpu.memory_space<vmem>> -> memref<1x1024xf32, #tpu.memory_space<vmem>>
    %dma_wait3A_1788 = tpu.memref_squeeze %dma_wait3A_1787 : memref<1x1024xf32, #tpu.memory_space<vmem>> -> memref<1024xf32, #tpu.memory_space<vmem>>
    %dma_wait3A_1789 = tpu.memref_slice %arg7[%multiple_of3A_1635] : memref<327680xf32, #tpu.memory_space<hbm>> -> memref<1024xf32, #tpu.memory_space<hbm>>
    %dma_wait3A_1790 = tpu.memref_slice %arg14[%dma_wait3A_1784, %dma_wait3A_1785] : memref<2x3x!tpu.dma_semaphore, #tpu.memory_space<semaphore_mem>> -> memref<1x1x!tpu.dma_semaphore, #tpu.memory_space<semaphore_mem>>
    %dma_wait3A_1791 = tpu.memref_squeeze %dma_wait3A_1790 : memref<1x1x!tpu.dma_semaphore, #tpu.memory_space<semaphore_mem>> -> memref<!tpu.dma_semaphore, #tpu.memory_space<semaphore_mem>>
    %dma_wait3A_1792 = tpu.memref_slice %arg7[%multiple_of3A_1635] : memref<327680xf32, #tpu.memory_space<hbm>> -> memref<1024xf32, #tpu.memory_space<hbm>>
    %dma_wait3A_1793 = arith.constant 0 : i32
    %dma_wait3A_1794 = tpu.memref_slice %arg11[%dma_wait3A_1783, %dma_wait3A_1793] : memref<2x1024xf32, #tpu.memory_space<vmem>> -> memref<1x1024xf32, #tpu.memory_space<vmem>>
    %dma_wait3A_1795 = tpu.memref_squeeze %dma_wait3A_1794 : memref<1x1024xf32, #tpu.memory_space<vmem>> -> memref<1024xf32, #tpu.memory_space<vmem>>
    tpu.wait_dma2 semaphore(%dma_wait3A_1791 : memref<!tpu.dma_semaphore, #tpu.memory_space<semaphore_mem>>) src(%dma_wait3A_1795 : memref<1024xf32, #tpu.memory_space<vmem>>) dst(%dma_wait3A_1792 : memref<1024xf32, #tpu.memory_space<hbm>>)
    %dma_wait3A_1796 = arith.constant 1 : i32
    %dma_wait3A_1797 = arith.constant 1 : i32
    %dma_wait3A_1798 = arith.constant 2 : i32
    %dma_wait3A_1799 = arith.constant 0 : i32
    %dma_wait3A_1800 = tpu.memref_slice %arg12[%dma_wait3A_1796, %dma_wait3A_1799] : memref<2x1024xf32, #tpu.memory_space<vmem>> -> memref<1x1024xf32, #tpu.memory_space<vmem>>
    %dma_wait3A_1801 = tpu.memref_squeeze %dma_wait3A_1800 : memref<1x1024xf32, #tpu.memory_space<vmem>> -> memref<1024xf32, #tpu.memory_space<vmem>>
    %dma_wait3A_1802 = tpu.memref_slice %arg8[%multiple_of3A_1635] : memref<327680xf32, #tpu.memory_space<hbm>> -> memref<1024xf32, #tpu.memory_space<hbm>>
    %dma_wait3A_1803 = tpu.memref_slice %arg14[%dma_wait3A_1797, %dma_wait3A_1798] : memref<2x3x!tpu.dma_semaphore, #tpu.memory_space<semaphore_mem>> -> memref<1x1x!tpu.dma_semaphore, #tpu.memory_space<semaphore_mem>>
    %dma_wait3A_1804 = tpu.memref_squeeze %dma_wait3A_1803 : memref<1x1x!tpu.dma_semaphore, #tpu.memory_space<semaphore_mem>> -> memref<!tpu.dma_semaphore, #tpu.memory_space<semaphore_mem>>
    %dma_wait3A_1805 = tpu.memref_slice %arg8[%multiple_of3A_1635] : memref<327680xf32, #tpu.memory_space<hbm>> -> memref<1024xf32, #tpu.memory_space<hbm>>
    %dma_wait3A_1806 = arith.constant 0 : i32
    %dma_wait3A_1807 = tpu.memref_slice %arg12[%dma_wait3A_1796, %dma_wait3A_1806] : memref<2x1024xf32, #tpu.memory_space<vmem>> -> memref<1x1024xf32, #tpu.memory_space<vmem>>
    %dma_wait3A_1808 = tpu.memref_squeeze %dma_wait3A_1807 : memref<1x1024xf32, #tpu.memory_space<vmem>> -> memref<1024xf32, #tpu.memory_space<vmem>>
    tpu.wait_dma2 semaphore(%dma_wait3A_1804 : memref<!tpu.dma_semaphore, #tpu.memory_space<semaphore_mem>>) src(%dma_wait3A_1808 : memref<1024xf32, #tpu.memory_space<vmem>>) dst(%dma_wait3A_1805 : memref<1024xf32, #tpu.memory_space<hbm>>)
    return
  }
}

module attributes {stable_mosaic.version = 14 : i64} {
  func.func @_dequant_body(%arg0: i32, %arg1: memref<4096x64xi8, #tpu.memory_space<vmem>>, %arg2: memref<4096x1xf32, #tpu.memory_space<vmem>>, %arg3: memref<4096x1xf32, #tpu.memory_space<vmem>>, %arg4: memref<4096x64xbf16, #tpu.memory_space<vmem>>) attributes {dimension_semantics = [#tpu.dimension_semantics<arbitrary>], iteration_bounds = array<i64: 80>, scalar_prefetch = 0 : i64, scratch_operands = 0 : i64, tpu.core_type = #tpu.core_type<tc>, window_params = [{transform_indices = @transform_0, window_bounds = array<i64: 4096, 64>}, {transform_indices = @transform_1, window_bounds = array<i64: 4096, 1>}, {transform_indices = @transform_2, window_bounds = array<i64: 4096, 1>}, {transform_indices = @transform_3, window_bounds = array<i64: 4096, 64>}]} {
    %get3A = arith.constant 0 : index
    %get3A_0 = arith.constant 0 : index
    %get3A_1 = vector.load %arg1[%get3A, %get3A_0] : memref<4096x64xi8, #tpu.memory_space<vmem>>, vector<4096x64xi8>
    %convert_element_type3A = arith.sitofp %get3A_1 : vector<4096x64xi8> to vector<4096x64xf32>
    %get3A_2 = arith.constant 0 : index
    %get3A_3 = arith.constant 0 : index
    %get3A_4 = vector.load %arg2[%get3A_2, %get3A_3] : memref<4096x1xf32, #tpu.memory_space<vmem>>, vector<4096x1xf32>
    %get3A_5 = arith.constant 0 : index
    %get3A_6 = arith.constant 0 : index
    %get3A_7 = vector.load %arg3[%get3A_5, %get3A_6] : memref<4096x1xf32, #tpu.memory_space<vmem>>, vector<4096x1xf32>
    %add3A = vector.broadcast %get3A_7 : vector<4096x1xf32> to vector<4096x64xf32>
    %add3A_8 = arith.addf %convert_element_type3A, %add3A : vector<4096x64xf32>
    %mul3A = vector.broadcast %get3A_4 : vector<4096x1xf32> to vector<4096x64xf32>
    %mul3A_9 = arith.mulf %mul3A, %add3A_8 : vector<4096x64xf32>
    %convert_element_type3A_10 = arith.truncf %mul3A_9 : vector<4096x64xf32> to vector<4096x64xbf16>
    %swap3A = arith.constant 0 : index
    %swap3A_11 = arith.constant 0 : index
    %swap3A_12 = vector.load %arg4[%swap3A, %swap3A_11] : memref<4096x64xbf16, #tpu.memory_space<vmem>>, vector<4096x64xbf16>
    tpu.vector_store %arg4[%swap3A, %swap3A_11], %convert_element_type3A_10 {strides = array<i32>} : memref<4096x64xbf16, #tpu.memory_space<vmem>>, vector<4096x64xbf16>,
    return
  }
  func.func @transform_0(%arg0: i32) -> (i32, i32) {
    %c0_i32 = arith.constant 0 : i32
    %c0_i32_0 = arith.constant 0 : i32
    return %arg0, %c0_i32 : i32, i32
  }
  func.func @transform_1(%arg0: i32) -> (i32, i32) {
    %c0_i32 = arith.constant 0 : i32
    %c0_i32_0 = arith.constant 0 : i32
    return %arg0, %c0_i32 : i32, i32
  }
  func.func @transform_2(%arg0: i32) -> (i32, i32) {
    %c0_i32 = arith.constant 0 : i32
    %c0_i32_0 = arith.constant 0 : i32
    return %arg0, %c0_i32 : i32, i32
  }
  func.func @transform_3(%arg0: i32) -> (i32, i32) {
    %c0_i32 = arith.constant 0 : i32
    %c0_i32_0 = arith.constant 0 : i32
    return %arg0, %c0_i32 : i32, i32
  }
}

</mosaic_0001>

<sc_bundles>
// kernel: kernel.4.cloned.1.call-start
scs
__scs_entry_jumppad:
0x0: {  	(pc) =	sbr.rel $0x88, $3  }
0x1: {  	(tag) =	ssettag $0x0;
	lr =	simm.s32 $0x1  }
0x2: {  	[smem:$0x3F9D] =	sst lr;
	_ =	strace $0xD0000000  }
0x3: {  	_ = 	snop  }
0x4: {  	_ = 	snop  }
0x5: {  	_ = 	snop  }
0x6: {  	_ = 	snop  }
0x7: {  	_ = 	snop  }
__scs_overlays_trampoline_lowered:
0x8: {  	[smem:$0x3FAC] =	sst s0  }
0x9: {  	[smem:$0x3FAD] =	sst s1  }
0xa: {  	[smem:$0x3FAE] =	sst s2  }
0xb: {  	[smem:$0x3FAF] =	sst s3  }
0xc: {  	[smem:$0x3FB0] =	sst s4  }
0xd: {  	[smem:$0x3FB1] =	sst s5  }
0xe: {  	[smem:$0x3FB2] =	sst s6  }
0xf: {  	[smem:$0x3FB3] =	sst s7  }
0x10: {  	[smem:$0x3FB4] =	sst s8  }
0x11: {  	[smem:$0x3FB5] =	sst s9;
	s0 =	simm.s32 @!p0 $0x0  }
0x12: {  	s1 =	sld [smem:$0x3F9B];
	s0 =	simm.s32 @p0 $0x1  }
0x13: {  	[smem:$0x3FB6] =	sst s0;
	s0 =	simm.s32 @!p1 $0x0  }
0x14: {  	s2 =	sld [smem:$0x3F9A];
	s0 =	simm.s32 @p1 $0x1  }
0x15: {  	[smem:$0x3FB7] =	sst s0;
	s0 =	simm.s32 @!p2 $0x0  }
0x16: {  	s3 =	sld [smem:$0x3FDB];
	s0 =	simm.s32 @p2 $0x1  }
0x17: {  	s4 =	simm.s32 $0x1BF5;
	[smem:$0x3FB9] =	sst s0  }
0x18: {  	s0 =	sld [smem:$0x3F9C];
	_ =	swait.ge [sflag:s4], $0x0  }
0x19: {  	s7 =	sld [smem:$0x3F9D]  }
0x1a: {  	s8 =	sadd.s32 $0xFFFFE003, lr  }
0x1b: {  	s9 =	sadd.s32 $0xFFFFFEF7, lr;
	s5 =	simm.s32 $0xFFFFFFFF;
	p2 =	slt.u32 s8, $0xFFFFF086  }
0x1c: {  	p1 =	slt.u32 s9, $0xF7A;
	s5 =	simm.s32 @!p2 $0x0  }
0x1d: {  	s5 =	simm.s32 @p1 $0x1;
	p0 =	seq.s32 s7, s2  }
0x1e: {  	s7 =	smul.u32 @!p0 $0xF7A, s2;
	p2 =	seq.s32 @!p0 s5, $0x0  }
0x1f: {  	s9 =	smul.u32 $0xF7A, s1;
	s8 =	simm.s32 @!p0 $0x1BF5;
	p2 =	por !p2, p0  }
0x20: {  	[sflag:s8] =	ssyncset.s32 @!p0 $0xFFFFF086;
	s6 =	sadd.s32 @!p0 s3, s7;
	s7 =	simm.s32 @!p0 $0x108  }
0x21: {  	s3 =	sadd.s32 s3, s9;
	s6 =	sadd.s32 @!p0 $0x88, s6;
	s7 =	simm.s32 @p2 $0x1082  }
0x22: {  	[simem:s7], [sflag:s8] =	dma.local @!p0 [hbm:s6], $0xF7A  }
0x23: {  	s9 =	sor.u32 $0xD0000000, s2;
	s6 =	simm.s32 $0x108;
	_ =	swait.ge @!p0 [sflag:s8], $0x0  }
0x24: {  	s3 =	sadd.s32 $0x88, s3;
	s6 =	simm.s32 @!p1 $0x1082;
	[sflag:s4] =	ssyncset.s32 $0xFFFFF086  }
0x25: {  	[simem:s6], [sflag:s4] =	dma.local [hbm:s3], $0xF7A  }
0x26: {  	[smem:$0x3F9D] =	sst s1;
	(tag) =	ssettag s2;
	_ =	strace s9  }
0x27: {  	s1 =	sld [smem:$0x3FAD]  }
0x28: {  	s2 =	sld [smem:$0x3FAE]  }
0x29: {  	s4 =	sld [smem:$0x3FB0]  }
0x2a: {  	p0 =	seq.s32 s5, $0x0;
	s5 =	sld [smem:$0x3FB1]  }
0x2b: {  	s6 =	sld [smem:$0x3FB2]  }
0x2c: {  	s7 =	sld [smem:$0x3FB3]  }
0x2d: {  	s3 =	simm.s32 $0x108;
	s8 =	sld [smem:$0x3FB4]  }
0x2e: {  	s3 =	simm.s32 @!p0 $0x1082;
	s9 =	sld [smem:$0x3FB5]  }
0x2f: {  	lr =	sadd.s32 s0, s3;
	s0 =	sld [smem:$0x3FAC]  }
0x30: {  	s3 =	sld [smem:$0x3FAF]  }
0x31: {  	[smem:$0x3FB8] =	sst s10  }
0x32: {  	s10 =	sld [smem:$0x3FB6];
	_ =	sdelay $0x3  }
0x33: {  	p0 =	seq.s32 s10, $0x1;
	s10 =	sld [smem:$0x3FB8];
	_ =	sdelay $0x3  }
0x34: {  	[smem:$0x3FB8] =	sst s10  }
0x35: {  	s10 =	sld [smem:$0x3FB7];
	_ =	sdelay $0x3  }
0x36: {  	p1 =	seq.s32 s10, $0x1;
	s10 =	sld [smem:$0x3FB8];
	_ =	sdelay $0x3  }
0x37: {  	[smem:$0x3FB8] =	sst s10  }
0x38: {  	s10 =	sld [smem:$0x3FB9]  }
0x39: {  	_ = 	snop;
	(pc) =	sbr.ind lr, $3  }
0x3a: {  	_ = 	snop  }
0x3b: {  	_ = 	snop  }
0x3c: {  	p2 =	seq.s32 s10, $0x1;
	s10 =	sld [smem:$0x3FB8]  }
0x3d: {  	_ =	shalt  }
0x3e: {  	_ =	shalt  }
0x3f: {  	_ =	shalt  }
0x40: {  	_ =	shalt  }
0x41: {  	_ =	shalt  }
0x42: {  	_ =	shalt  }
0x43: {  	_ =	shalt  }
0x44: {  	_ =	shalt  }
0x45: {  	_ =	shalt  }
0x46: {  	_ =	shalt  }
0x47: {  	_ =	shalt  }
0x48: {  	_ =	shalt  }
0x49: {  	_ =	shalt  }
0x4a: {  	_ =	shalt  }
0x4b: {  	_ =	shalt  }
0x4c: {  	_ =	shalt  }
0x4d: {  	_ =	shalt  }
0x4e: {  	_ =	shalt  }
0x4f: {  	_ =	shalt  }
0x50: {  	_ =	shalt  }
0x51: {  	_ =	shalt  }
0x52: {  	_ =	shalt  }
0x53: {  	_ =	shalt  }
0x54: {  	_ =	shalt  }
0x55: {  	_ =	shalt  }
0x56: {  	_ =	shalt  }
0x57: {  	_ =	shalt  }
0x58: {  	_ =	shalt  }
0x59: {  	_ =	shalt  }
0x5a: {  	_ =	shalt  }
0x5b: {  	_ =	shalt  }
0x5c: {  	_ =	shalt  }
0x5d: {  	_ =	shalt  }
0x5e: {  	_ =	shalt  }
0x5f: {  	_ =	shalt  }
0x60: {  	_ =	shalt  }
0x61: {  	_ =	shalt  }
0x62: {  	_ =	shalt  }
0x63: {  	_ =	shalt  }
0x64: {  	_ =	shalt  }
0x65: {  	_ =	shalt  }
0x66: {  	_ =	shalt  }
0x67: {  	_ =	shalt  }
0x68: {  	_ =	shalt  }
0x69: {  	_ =	shalt  }
0x6a: {  	_ =	shalt  }
0x6b: {  	_ =	shalt  }
0x6c: {  	_ =	shalt  }
0x6d: {  	_ =	shalt  }
0x6e: {  	_ =	shalt  }
0x6f: {  	_ =	shalt  }
0x70: {  	_ =	shalt  }
0x71: {  	_ =	shalt  }
0x72: {  	_ =	shalt  }
0x73: {  	_ =	shalt  }
0x74: {  	_ =	shalt  }
0x75: {  	_ =	shalt  }
0x76: {  	_ =	shalt  }
0x77: {  	_ =	shalt  }
0x78: {  	_ =	shalt  }
0x79: {  	_ =	shalt  }
0x7a: {  	_ =	shalt  }
0x7b: {  	_ =	shalt  }
0x7c: {  	_ =	shalt  }
0x7d: {  	_ =	shalt  }
0x7e: {  	_ =	shalt  }
0x7f: {  	_ =	shalt  }
0x80: {  	_ =	shalt  }
0x81: {  	_ =	shalt  }
0x82: {  	_ =	shalt  }
0x83: {  	_ =	shalt  }
0x84: {  	_ =	shalt  }
0x85: {  	_ =	shalt  }
0x86: {  	_ =	shalt  }
0x87: {  	_ =	shalt  }
.Lfunc_end0:
.L_simem_size_0:
called_computation.2_lowered:
.L_overlay_start_0:
0x88: {  	s2 =	sld [smem:$0x3FD9]  }
0x89: {  	s3 =	sld [smem:$0x3FFE];
	_ =	sdelay $0x1  }
0x8a: {  	s1 =	srdreg.scid  }
0x8b: {  	s0 =	sand.u32 $0x1, s1  }
0x8c: {  	s17 =	sshll.u32 s0, $0xA;
	s2 =	sadd.s32 s3, s2  }
0x8d: {  	s2 =	sadd.s32 s2, s17  }
0x8e: {  	[smem:$0x3FC4] =	sst s2  }
0x8f: {  	_ = 	snop  }
0x90: {  	s2 =	sld [smem:$0x3FD0];
	(tm) =	ssettm $0x1  }
0x91: {  	s18 =	sld [smem:$0x3FFB];
	_ =	sdelay $0x3  }
0x92: {  	_ =	strace s18  }
0x93: {  	s3 =	sld [smem:$0x3FFC];
	_ =	sdelay $0x3  }
0x94: {  	_ =	strace s3  }
0x95: {  	s3 =	sld [smem:$0x3FFD];
	_ =	sdelay $0x3  }
0x96: {  	_ =	strace s3  }
0x97: {  	_ =	strace $0x8FFFFFFF  }
0x98: {  	s19 =	sld [smem:$0x3FDB];
	_ =	sdelay $0x1  }
0x99: {  	s4 =	simm.s32 $_scs_section_size  }
0x9a: {  	s5 =	simm.s32 $_size__tile_overlayer_lowered;
	s6 =	simm.s32 $_tile_overlayer_lowered  }
0x9b: {  	s22 =	simm.s32 $0x1BFF;
	s21 =	sshll.u32 s6, $0x1;
	s3 =	sadd.s32 s4, s19  }
0x9c: {  	s7 =	simm.s32 $0x0;
	s20 =	sshll.u32 s5, $0x1;
	s5 =	sadd.s32 s21, s3  }
0x9d: {  	[timem:s7], [sflag:s22] =	dma.local [hbm:s5], s20  }
0x9e: {  	_ =	swait.ge [sflag:s22], s20  }
0x9f: {  	s4 =	ssub.s32 $0x0, s20;
	[sflag:s22] =	ssyncset.done $0x0  }
0xa0: {  	[sflag:s22] =	ssyncadd.s32 s4;
	_ =	sdelay $0x1  }
0xa1: {  	s23 =	simm.s32 $0x1B8B  }
0xa2: {  	_ =	swait.ge [sflag:s23], $0x1  }
0xa3: {  	[sflag:s23] =	ssyncset.done $0x0  }
0xa4: {  	s25 =	simm.s32 $0x1B8E;
	s24 =	sld [smem:$0x3FFE];
	[sflag:s23] =	ssyncadd.s32 $0xFFFFFFFF  }
0xa5: {  	s26 =	simm.s32 $execute0_lowered;
	[smem:$0x3FD2] =	sst s25  }
0xa6: {  	s5 =	sshll.u32 s26, $0x1;
	_ =	strace $0x80000049;
	[dreg:$0x1] =	wrdreg $0xFFFFFFFF  }
0xa7: {  	s28 =	simm.s32 $_size_execute0_lowered;
	s3 =	sadd.s32 s3, s5;
	[dreg:$0x0] =	wrdreg $0x0  }
0xa8: {  	s5 =	sshll.u32 s28, $0x1;
	[dreg:$0x2] =	wrdreg s3  }
0xa9: {  	[dreg:$0x3] =	wrdreg s5  }
0xaa: {  	[dreg:$0x4] =	wrdreg $0xC0  }
0xab: {  	_ =	task [dreg:s7], $0x5FFFF  }
0xac: {  	[dreg:$0x1] =	wrdreg $0xFFFFFFFF  }
0xad: {  	[dreg:$0x0] =	wrdreg $0x60  }
0xae: {  	[dreg:$0x2] =	wrdreg s24  }
0xaf: {  	[dreg:$0x3] =	wrdreg s2  }
0xb0: {  	[dreg:$0x4] =	wrdreg $0x9  }
0xb1: {  	_ =	task.clear_ibuf [dreg:s7], $0x5FFFF;
	_ =	strace $0x90000049  }
0xb2: {  	s29 =	simm.s32 $0x9;
	_ =	strace $0x8000004B  }
0xb3: {  	_ =	swait.ge [sflag:s29], $0x1  }
0xb4: {  	[sflag:s29] =	ssyncadd.s32 $0xFFFFFFFF  }
0xb5: {  	_ =	strace $0x9000004B  }
0xb6: {  	_ =	sfence  }
0xb7: {  	s30 =	sld [smem:$0x0];
	_ =	sdelay $0x2  }
0xb8: {  	s31 =	sshll.u32 s1, $0xD;
	s1 =	sshrl.u32 s1, $0x2  }
0xb9: {  	s3 =	sand.u32 $0x4000, s31;
	s1 =	sadd.s32 s1, s30  }
0xba: {  	s0 =	sor.u32 s3, s0;
	s1 =	sshll.u32 s1, $0x11  }
0xbb: {  	s0 =	sor.u32 s1, s0  }
0xbc: {  	s0 =	sadd.s32 $0x8F2B, s0  }
0xbd: {  	[sflag:s0] =	ssyncadd.remote.s32 $0x1  }
0xbe: {  	_ =	sfence.sel $0xFFFF  }
0xbf: {  	[dreg:$0x0] =	wrdreg $0xFFFFFFFF;
	(pc) =	sbr.abs _section_cstart, $3  }
0xc0: {  	[dreg:$0x1] =	wrdreg $0xFFFFFFFF  }
0xc1: {  	_ =	task.clear_ibuf [dreg:s7], $0x2FFFF;
	_ =	strace $0x9FFFFFFF  }
0xc2: {  	(tm) =	ssettm $0x7FFFFFFF  }
0xc3: {  	_ =	shalt  }
tec
execute0_lowered:
.L_overlay_start_1:
0x0: {  	(tag) =	ssettag $0x1  }
0x1: {  	s5 =	rddreg [dreg:$0x0]  }
0x2: {  	s0 =	srdreg.scid;
	s2 =	stileid.u32  }
0x3: {  	s1 =	rddreg [dreg:$0x1];
	s9 =	sand.u32 $0x1, s0;
	s11 =	sshll.u32 s2, $0x1  }
0x4: {  	s29 =	simm.s32 $0xD;
	s31 =	simm.s32 $0x1;
	s0 =	sor.u32 s9, s11  }
0x5: {  	s30 =	simm.s32 $0x2;
	s2 =	simm.s32 $0x0;
	s10 =	smul.u32 $0x2800, s0  }
0x6: {  	s6 =	sadd.s32 $0x40F000, s5;
	[smem:$0x7FF] =	sst s2;
	s0 =	smul.u32 $0x5000, s0  }
0x7: {  	s7 =	sadd.s32 $0x1E9600, s5;
	_ =	strace $0x8000004A;
	s3 =	sshrl.u32 s10, $0x3  }
0x8: {  	s4 =	sor.u32 $0x400, s10;
	s0 =	sadd.s32 s1, s0;
	s13 =	sadd.s32 $0x800, s10  }
0x9: {  	s8 =	sadd.s32 s6, s3;
	s11 =	sshrl.u32 s4, $0x3;
	[dreg:$0x5] =	wrdreg s0  }
0xa: {  	s15 =	sshrl.u32 s13, $0x3;
	[dreg:$0x3] =	wrdreg s8;
	s12 =	sadd.s32 s6, s11  }
0xb: {  	s4 =	sshll.u32 s4, $0x1;
	s16 =	sadd.s32 s6, s15;
	[dreg:$0x4] =	wrdreg s12  }
0xc: {  	s19 =	sadd.s32 $0xC00, s10;
	s17 =	sadd.s32 s1, s4;
	[dreg:$0x8] =	wrdreg s16  }
0xd: {  	s21 =	sshrl.u32 s19, $0x3;
	s18 =	sadd.s32 s7, s11;
	[dreg:$0x9] =	wrdreg s17  }
0xe: {  	p0 =	por $0x0, $0x0;
	s22 =	sadd.s32 s6, s21;
	[dreg:$0xa] =	wrdreg s18  }
0xf: {  	s28 =	simm.s32 $0x4;
	s24 =	sadd.s32 s7, s15;
	[dreg:$0xc] =	wrdreg s22  }
0x10: {  	s9 =	ssub.s32 $0x2, s9;
	s25 =	sadd.s32 $0x1000, s10;
	[dreg:$0xe] =	wrdreg s24  }
0x11: {  	s8 =	sadd.s32 $0x1F3600, s5;
	s12 =	sadd.s32 s7, s3;
	s0 =	rddreg [dreg:$0x3]  }
0x12: {  	s4 =	sadd.s32 $0x3D1C00, s5;
	s14 =	sadd.s32 s8, s3;
	[dreg:$0x6] =	wrdreg s12  }
0x13: {  	s20 =	sadd.s32 s8, s11;
	s26 =	sadd.s32 s8, s15;
	[dreg:$0x7] =	wrdreg s14  }
0x14: {  	s16 =	sadd.s32 s7, s21;
	s17 =	sadd.s32 $0x1400, s10;
	[dreg:$0xb] =	wrdreg s20  }
0x15: {  	s18 =	sadd.s32 s8, s21;
	s11 =	simm.s32 $0x8;
	[dreg:$0xf] =	wrdreg s26  }
0x16: {  	s12 =	sshll.u32 s13, $0x1;
	s13 =	sshrl.u32 s25, $0x3;
	[dreg:$0x12] =	wrdreg s16  }
0x17: {  	s14 =	sshll.u32 s19, $0x1;
	[dreg:$0x13] =	wrdreg s18;
	s23 =	sadd.s32 s1, s12  }
0x18: {  	s19 =	sshrl.u32 s17, $0x3;
	s3 =	sadd.s32 s6, s13;
	[dreg:$0xd] =	wrdreg s23  }
0x19: {  	s15 =	sadd.s32 s1, s14;
	s20 =	sadd.s32 s6, s19;
	[dreg:$0x10] =	wrdreg s3  }
0x1a: {  	s12 =	sshll.u32 s25, $0x1;
	s22 =	sadd.s32 s7, s13;
	[dreg:$0x11] =	wrdreg s15  }
0x1b: {  	s24 =	sadd.s32 s8, s13;
	s14 =	sshll.u32 s17, $0x1;
	[dreg:$0x14] =	wrdreg s20  }
0x1c: {  	s16 =	sadd.s32 s7, s19;
	s17 =	sadd.s32 $0x1C00, s10;
	[dreg:$0x16] =	wrdreg s22  }
0x1d: {  	s18 =	sadd.s32 s8, s19;
	s3 =	sadd.s32 $0x1000, s5;
	[dreg:$0x17] =	wrdreg s24  }
0x1e: {  	s21 =	sadd.s32 s1, s12;
	s23 =	sadd.s32 $0x1800, s10;
	[dreg:$0x1a] =	wrdreg s16  }
0x1f: {  	s15 =	sadd.s32 s1, s14;
	s19 =	sshrl.u32 s17, $0x3;
	[dreg:$0x1b] =	wrdreg s18  }
0x20: {  	s5 =	sadd.s32 $0x3F0600, s5;
	[dreg:$0x15] =	wrdreg s21;
	s25 =	sshrl.u32 s23, $0x3  }
0x21: {  	[dreg:$0x19] =	wrdreg s15;
	s20 =	sadd.s32 s6, s19;
	s12 =	sshll.u32 s23, $0x1  }
0x22: {  	s23 =	sadd.s32 $0x2000, s10;
	s16 =	sadd.s32 s7, s19;
	s10 =	sadd.s32 $0x2400, s10  }
0x23: {  	s26 =	sadd.s32 s6, s25;
	[dreg:$0x1c] =	wrdreg s20;
	s21 =	sadd.s32 s1, s12  }
0x24: {  	s22 =	sadd.s32 s7, s25;
	s24 =	sadd.s32 s8, s25;
	[smem:$0x7FA] =	sst s16  }
0x25: {  	s15 =	sshrl.u32 s23, $0x3;
	s18 =	sshrl.u32 s10, $0x3;
	[dreg:$0x18] =	wrdreg s26  }
0x26: {  	s20 =	sshll.u32 s23, $0x1;
	s23 =	sshll.u32 s10, $0x1;
	[dreg:$0x1d] =	wrdreg s21  }
0x27: {  	s16 =	simm.s32 $0x8C00;
	s12 =	simm.s32 $0xB;
	[dreg:$0x1e] =	wrdreg s22  }
0x28: {  	s10 =	simm.s32 $0xC;
	[dreg:$0x1f] =	wrdreg s24;
	s25 =	sadd.s32 s6, s15  }
0x29: {  	s26 =	sshll.u32 s17, $0x1;
	s17 =	sadd.s32 s8, s19;
	s19 =	sadd.s32 s6, s18  }
0x2a: {  	s21 =	sshrl.u32 s9, $0x1;
	s22 =	sadd.s32 s1, s20;
	s13 =	sadd.s32 s7, s15  }
0x2b: {  	s6 =	sadd.s32 s1, s23;
	s7 =	sadd.s32 s7, s18;
	[smem:$0x7F8] =	sst s25  }
0x2c: {  	s20 =	simm.s32 $0x800;
	[smem:$0x7FB] =	sst s17;
	s9 =	ssub.s32 s9, s21  }
0x2d: {  	s23 =	simm.s32 $0x6;
	[smem:$0x7FC] =	sst s19;
	s24 =	smax.u32 s9, $0x1  }
0x2e: {  	s14 =	sadd.s32 s1, s26;
	[smem:$0x7FD] =	sst s22;
	p1 =	sne.s32 s24, $0x1  }
.Ltmp0:
0x2f: {  	s26 =	simm.s32 $0x400;
	s21 =	simm.s32 $0x8800;
	(pc) =	sbr.rel @!p1 .LBB2_3-.Ltmp0, $4  }
0x30: {  	s22 =	simm.s32 $0x9000;
	s17 =	simm.s32 $0x9400;
	s25 =	simm.s32 $0x3  }
0x31: {  	s19 =	simm.s32 $0xA;
	[smem:$0x7F9] =	sst s14;
	s14 =	sadd.s32 s8, s15  }
0x32: {  	s8 =	sadd.s32 s8, s18;
	s15 =	simm.s32 $0x4800;
	s18 =	simm.s32 $0x7  }
0x33: {  	s9 =	simm.s32 $0x9;
	s1 =	sadd.s32 $0xFFFFFFFF, s24;
	s24 =	simm.s32 $0x5  }
0x34: {  	[tilespmem:s2], [sflag:$0xD] =	stream.linear.gather [hbm4b:s0+s2], $0x400, $0x38;
	[tilespmem:$0x9800] =	vst v63  }
0x35: {  	_ =	swait.ge [sflag:s29], $0x400  }
0x36: {  	[sflag:s29] =	ssyncset.done $0x0  }
0x37: {  	[sflag:s29] =	ssyncadd.s32 $0xFFFFFC00  }
0x38: {  	[tilespmem:s20], [sflag:$0x1] =	stream.indirect.gather [hbm4b:s3+s26], $0x10, s2, s26, $0xb8;
	[tilespmem:$0x9800] =	vst v63  }
0x39: {  	_ = 	snop  }
0x3a: {  	[tilespmem:s21], [sflag:$0x2] =	stream.indirect.gather [hbm4b:s4+s26], $0x1, s2, s26, $0xb8;
	[tilespmem:$0x9800] =	vst v63  }
0x3b: {  	_ = 	snop  }
0x3c: {  	[tilespmem:s22], [sflag:$0x3] =	stream.indirect.gather [hbm4b:s5+s26], $0x1, s2, s26, $0xb8;
	[tilespmem:$0x9800] =	vst v63  }
0x3d: {  	s0 =	rddreg [dreg:$0x4]  }
0x3e: {  	[tilespmem:s26], [sflag:$0xD] =	stream.linear.gather [hbm4b:s0+s2], $0x400, $0x38;
	[tilespmem:$0x9800] =	vst v63  }
0x3f: {  	_ =	swait.ge [sflag:s29], $0x400  }
0x40: {  	[sflag:s29] =	ssyncset.done $0x0  }
0x41: {  	[sflag:s29] =	ssyncadd.s32 $0xFFFFFC00  }
0x42: {  	[tilespmem:s15], [sflag:$0x4] =	stream.indirect.gather [hbm4b:s3+s26], $0x10, s26, s26, $0xb8;
	[tilespmem:$0x9800] =	vst v63  }
0x43: {  	_ = 	snop  }
0x44: {  	[tilespmem:s16], [sflag:$0x5] =	stream.indirect.gather [hbm4b:s4+s26], $0x1, s26, s26, $0xb8;
	[tilespmem:$0x9800] =	vst v63  }
0x45: {  	_ = 	snop  }
0x46: {  	[tilespmem:s17], [sflag:$0x6] =	stream.indirect.gather [hbm4b:s5+s26], $0x1, s26, s26, $0xb8;
	[tilespmem:$0x9800] =	vst v63  }
0x47: {  	_ =	swait.ge [sflag:s31], $0x4000  }
0x48: {  	[sflag:s31] =	ssyncset.done $0x0  }
0x49: {  	[sflag:s31] =	ssyncadd.s32 $0xFFFFC000  }
0x4a: {  	_ =	swait.ge [sflag:s30], $0x400  }
0x4b: {  	[sflag:s30] =	ssyncset.done $0x0  }
0x4c: {  	[sflag:s30] =	ssyncadd.s32 $0xFFFFFC00  }
0x4d: {  	_ =	swait.ge [sflag:s25], $0x400  }
0x4e: {  	s0 =	rddreg [dreg:$0x5];
	[sflag:s25] =	ssyncset.done $0x0  }
0x4f: {  	[smem:$0x7F7] =	sst s1;
	[sflag:s25] =	ssyncadd.s32 $0xFFFFFC00  }
0x50: {  	[hbm4b:s0+s2] =	stream.linear.scatter [tilespmem:s20], [sflag:$0x7], $0x4000, $0x38;
	[tilespmem:$0x9800] =	vst v63  }
0x51: {  	s1 =	rddreg [dreg:$0x6]  }
0x52: {  	[hbm4b:s1+s2] =	stream.linear.scatter [tilespmem:s21], [sflag:$0x8], $0x400, $0x38;
	[tilespmem:$0x9800] =	vst v63  }
0x53: {  	s0 =	rddreg [dreg:$0x7]  }
0x54: {  	[hbm4b:s0+s2] =	stream.linear.scatter [tilespmem:s22], [sflag:$0x9], $0x400, $0x38;
	[tilespmem:$0x9800] =	vst v63  }
0x55: {  	_ =	swait.ge [sflag:s18], $0x4000  }
0x56: {  	[sflag:s18] =	ssyncset.done $0x0  }
0x57: {  	[sflag:s18] =	ssyncadd.s32 $0xFFFFC000  }
0x58: {  	_ =	swait.ge [sflag:s11], $0x400  }
0x59: {  	[sflag:s11] =	ssyncset.done $0x0  }
0x5a: {  	[sflag:s11] =	ssyncadd.s32 $0xFFFFFC00  }
0x5b: {  	_ =	swait.ge [sflag:s9], $0x400  }
0x5c: {  	[sflag:s9] =	ssyncset.done $0x0  }
0x5d: {  	s1 =	rddreg [dreg:$0x8];
	[sflag:s9] =	ssyncadd.s32 $0xFFFFFC00  }
0x5e: {  	[tilespmem:s2], [sflag:$0xD] =	stream.linear.gather [hbm4b:s1+s2], $0x400, $0x38;
	[tilespmem:$0x9800] =	vst v63  }
0x5f: {  	_ =	swait.ge [sflag:s29], $0x400  }
0x60: {  	[sflag:s29] =	ssyncset.done $0x0  }
0x61: {  	[sflag:s29] =	ssyncadd.s32 $0xFFFFFC00  }
0x62: {  	[tilespmem:s20], [sflag:$0x1] =	stream.indirect.gather [hbm4b:s3+s26], $0x10, s2, s26, $0xb8;
	[tilespmem:$0x9800] =	vst v63  }
0x63: {  	_ = 	snop  }
0x64: {  	[tilespmem:s21], [sflag:$0x2] =	stream.indirect.gather [hbm4b:s4+s26], $0x1, s2, s26, $0xb8;
	[tilespmem:$0x9800] =	vst v63  }
0x65: {  	_ = 	snop  }
0x66: {  	[tilespmem:s22], [sflag:$0x3] =	stream.indirect.gather [hbm4b:s5+s26], $0x1, s2, s26, $0xb8;
	[tilespmem:$0x9800] =	vst v63  }
0x67: {  	_ =	swait.ge [sflag:s28], $0x4000  }
0x68: {  	[sflag:s28] =	ssyncset.done $0x0  }
0x69: {  	[sflag:s28] =	ssyncadd.s32 $0xFFFFC000  }
0x6a: {  	_ =	swait.ge [sflag:s24], $0x400  }
0x6b: {  	[sflag:s24] =	ssyncset.done $0x0  }
0x6c: {  	[sflag:s24] =	ssyncadd.s32 $0xFFFFFC00  }
0x6d: {  	_ =	swait.ge [sflag:s23], $0x400  }
0x6e: {  	[sflag:s23] =	ssyncset.done $0x0  }
0x6f: {  	s0 =	rddreg [dreg:$0x9];
	[sflag:s23] =	ssyncadd.s32 $0xFFFFFC00  }
0x70: {  	[hbm4b:s0+s2] =	stream.linear.scatter [tilespmem:s15], [sflag:$0xA], $0x4000, $0x38;
	[tilespmem:$0x9800] =	vst v63  }
0x71: {  	s1 =	rddreg [dreg:$0xa]  }
0x72: {  	[hbm4b:s1+s2] =	stream.linear.scatter [tilespmem:s16], [sflag:$0xB], $0x400, $0x38;
	[tilespmem:$0x9800] =	vst v63  }
0x73: {  	s0 =	rddreg [dreg:$0xb]  }
0x74: {  	[hbm4b:s0+s2] =	stream.linear.scatter [tilespmem:s17], [sflag:$0xC], $0x400, $0x38;
	[tilespmem:$0x9800] =	vst v63  }
0x75: {  	_ =	swait.ge [sflag:s19], $0x4000  }
0x76: {  	[sflag:s19] =	ssyncset.done $0x0  }
0x77: {  	[sflag:s19] =	ssyncadd.s32 $0xFFFFC000  }
0x78: {  	_ =	swait.ge [sflag:s12], $0x400  }
0x79: {  	[sflag:s12] =	ssyncset.done $0x0  }
0x7a: {  	[sflag:s12] =	ssyncadd.s32 $0xFFFFFC00  }
0x7b: {  	_ =	swait.ge [sflag:s10], $0x400  }
0x7c: {  	[sflag:s10] =	ssyncset.done $0x0  }
0x7d: {  	s1 =	rddreg [dreg:$0xc];
	[sflag:s10] =	ssyncadd.s32 $0xFFFFFC00  }
0x7e: {  	[tilespmem:s26], [sflag:$0xD] =	stream.linear.gather [hbm4b:s1+s2], $0x400, $0x38;
	[tilespmem:$0x9800] =	vst v63  }
0x7f: {  	_ =	swait.ge [sflag:s29], $0x400  }
0x80: {  	[sflag:s29] =	ssyncset.done $0x0  }
0x81: {  	[sflag:s29] =	ssyncadd.s32 $0xFFFFFC00  }
0x82: {  	[tilespmem:s15], [sflag:$0x4] =	stream.indirect.gather [hbm4b:s3+s26], $0x10, s26, s26, $0xb8;
	[tilespmem:$0x9800] =	vst v63  }
0x83: {  	_ = 	snop  }
0x84: {  	[tilespmem:s16], [sflag:$0x5] =	stream.indirect.gather [hbm4b:s4+s26], $0x1, s26, s26, $0xb8;
	[tilespmem:$0x9800] =	vst v63  }
0x85: {  	_ = 	snop  }
0x86: {  	[tilespmem:s17], [sflag:$0x6] =	stream.indirect.gather [hbm4b:s5+s26], $0x1, s26, s26, $0xb8;
	[tilespmem:$0x9800] =	vst v63  }
0x87: {  	_ =	swait.ge [sflag:s31], $0x4000  }
0x88: {  	[sflag:s31] =	ssyncset.done $0x0  }
0x89: {  	[sflag:s31] =	ssyncadd.s32 $0xFFFFC000  }
0x8a: {  	_ =	swait.ge [sflag:s30], $0x400  }
0x8b: {  	[sflag:s30] =	ssyncset.done $0x0  }
0x8c: {  	[sflag:s30] =	ssyncadd.s32 $0xFFFFFC00  }
0x8d: {  	_ =	swait.ge [sflag:s25], $0x400  }
0x8e: {  	[sflag:s25] =	ssyncset.done $0x0  }
0x8f: {  	s0 =	rddreg [dreg:$0xd];
	[sflag:s25] =	ssyncadd.s32 $0xFFFFFC00  }
0x90: {  	[hbm4b:s0+s2] =	stream.linear.scatter [tilespmem:s20], [sflag:$0x7], $0x4000, $0x38;
	[tilespmem:$0x9800] =	vst v63  }
0x91: {  	s1 =	rddreg [dreg:$0xe]  }
0x92: {  	[hbm4b:s1+s2] =	stream.linear.scatter [tilespmem:s21], [sflag:$0x8], $0x400, $0x38;
	[tilespmem:$0x9800] =	vst v63  }
0x93: {  	s0 =	rddreg [dreg:$0xf]  }
0x94: {  	[hbm4b:s0+s2] =	stream.linear.scatter [tilespmem:s22], [sflag:$0x9], $0x400, $0x38;
	[tilespmem:$0x9800] =	vst v63  }
0x95: {  	_ =	swait.ge [sflag:s18], $0x4000  }
0x96: {  	[sflag:s18] =	ssyncset.done $0x0  }
0x97: {  	[sflag:s18] =	ssyncadd.s32 $0xFFFFC000  }
0x98: {  	_ =	swait.ge [sflag:s11], $0x400  }
0x99: {  	[sflag:s11] =	ssyncset.done $0x0  }
0x9a: {  	[sflag:s11] =	ssyncadd.s32 $0xFFFFFC00  }
0x9b: {  	_ =	swait.ge [sflag:s9], $0x400  }
0x9c: {  	[sflag:s9] =	ssyncset.done $0x0  }
0x9d: {  	s1 =	rddreg [dreg:$0x10];
	[sflag:s9] =	ssyncadd.s32 $0xFFFFFC00  }
0x9e: {  	[tilespmem:s2], [sflag:$0xD] =	stream.linear.gather [hbm4b:s1+s2], $0x400, $0x38;
	[tilespmem:$0x9800] =	vst v63  }
0x9f: {  	_ =	swait.ge [sflag:s29], $0x400  }
0xa0: {  	[sflag:s29] =	ssyncset.done $0x0  }
0xa1: {  	[sflag:s29] =	ssyncadd.s32 $0xFFFFFC00  }
0xa2: {  	[tilespmem:s20], [sflag:$0x1] =	stream.indirect.gather [hbm4b:s3+s26], $0x10, s2, s26, $0xb8;
	[tilespmem:$0x9800] =	vst v63  }
0xa3: {  	_ = 	snop  }
0xa4: {  	[tilespmem:s21], [sflag:$0x2] =	stream.indirect.gather [hbm4b:s4+s26], $0x1, s2, s26, $0xb8;
	[tilespmem:$0x9800] =	vst v63  }
0xa5: {  	_ = 	snop  }
0xa6: {  	[tilespmem:s22], [sflag:$0x3] =	stream.indirect.gather [hbm4b:s5+s26], $0x1, s2, s26, $0xb8;
	[tilespmem:$0x9800] =	vst v63  }
0xa7: {  	_ =	swait.ge [sflag:s28], $0x4000  }
0xa8: {  	[sflag:s28] =	ssyncset.done $0x0  }
0xa9: {  	[sflag:s28] =	ssyncadd.s32 $0xFFFFC000  }
0xaa: {  	_ =	swait.ge [sflag:s24], $0x400  }
0xab: {  	[sflag:s24] =	ssyncset.done $0x0  }
0xac: {  	[sflag:s24] =	ssyncadd.s32 $0xFFFFFC00  }
0xad: {  	_ =	swait.ge [sflag:s23], $0x400  }
0xae: {  	[sflag:s23] =	ssyncset.done $0x0  }
0xaf: {  	s0 =	rddreg [dreg:$0x11];
	[sflag:s23] =	ssyncadd.s32 $0xFFFFFC00  }
0xb0: {  	[hbm4b:s0+s2] =	stream.linear.scatter [tilespmem:s15], [sflag:$0xA], $0x4000, $0x38;
	[tilespmem:$0x9800] =	vst v63  }
0xb1: {  	s1 =	rddreg [dreg:$0x12]  }
0xb2: {  	[hbm4b:s1+s2] =	stream.linear.scatter [tilespmem:s16], [sflag:$0xB], $0x400, $0x38;
	[tilespmem:$0x9800] =	vst v63  }
0xb3: {  	s0 =	rddreg [dreg:$0x13]  }
0xb4: {  	[hbm4b:s0+s2] =	stream.linear.scatter [tilespmem:s17], [sflag:$0xC], $0x400, $0x38;
	[tilespmem:$0x9800] =	vst v63  }
0xb5: {  	_ =	swait.ge [sflag:s19], $0x4000  }
0xb6: {  	[sflag:s19] =	ssyncset.done $0x0  }
0xb7: {  	[sflag:s19] =	ssyncadd.s32 $0xFFFFC000  }
0xb8: {  	_ =	swait.ge [sflag:s12], $0x400  }
0xb9: {  	[sflag:s12] =	ssyncset.done $0x0  }
0xba: {  	[sflag:s12] =	ssyncadd.s32 $0xFFFFFC00  }
0xbb: {  	_ =	swait.ge [sflag:s10], $0x400  }
0xbc: {  	[sflag:s10] =	ssyncset.done $0x0  }
0xbd: {  	s1 =	rddreg [dreg:$0x14];
	[sflag:s10] =	ssyncadd.s32 $0xFFFFFC00  }
0xbe: {  	[tilespmem:s26], [sflag:$0xD] =	stream.linear.gather [hbm4b:s1+s2], $0x400, $0x38;
	[tilespmem:$0x9800] =	vst v63  }
0xbf: {  	_ =	swait.ge [sflag:s29], $0x400  }
0xc0: {  	[sflag:s29] =	ssyncset.done $0x0  }
0xc1: {  	[sflag:s29] =	ssyncadd.s32 $0xFFFFFC00  }
0xc2: {  	[tilespmem:s15], [sflag:$0x4] =	stream.indirect.gather [hbm4b:s3+s26], $0x10, s26, s26, $0xb8;
	[tilespmem:$0x9800] =	vst v63  }
0xc3: {  	_ = 	snop  }
0xc4: {  	[tilespmem:s16], [sflag:$0x5] =	stream.indirect.gather [hbm4b:s4+s26], $0x1, s26, s26, $0xb8;
	[tilespmem:$0x9800] =	vst v63  }
0xc5: {  	_ = 	snop  }
0xc6: {  	[tilespmem:s17], [sflag:$0x6] =	stream.indirect.gather [hbm4b:s5+s26], $0x1, s26, s26, $0xb8;
	[tilespmem:$0x9800] =	vst v63  }
0xc7: {  	_ =	swait.ge [sflag:s31], $0x4000  }
0xc8: {  	[sflag:s31] =	ssyncset.done $0x0  }
0xc9: {  	[sflag:s31] =	ssyncadd.s32 $0xFFFFC000  }
0xca: {  	_ =	swait.ge [sflag:s30], $0x400  }
0xcb: {  	[sflag:s30] =	ssyncset.done $0x0  }
0xcc: {  	[sflag:s30] =	ssyncadd.s32 $0xFFFFFC00  }
0xcd: {  	_ =	swait.ge [sflag:s25], $0x400  }
0xce: {  	[sflag:s25] =	ssyncset.done $0x0  }
0xcf: {  	s0 =	rddreg [dreg:$0x15];
	[sflag:s25] =	ssyncadd.s32 $0xFFFFFC00  }
0xd0: {  	[hbm4b:s0+s2] =	stream.linear.scatter [tilespmem:s20], [sflag:$0x7], $0x4000, $0x38;
	[tilespmem:$0x9800] =	vst v63  }
0xd1: {  	s1 =	rddreg [dreg:$0x16]  }
0xd2: {  	[hbm4b:s1+s2] =	stream.linear.scatter [tilespmem:s21], [sflag:$0x8], $0x400, $0x38;
	[tilespmem:$0x9800] =	vst v63  }
0xd3: {  	s0 =	rddreg [dreg:$0x17]  }
0xd4: {  	[hbm4b:s0+s2] =	stream.linear.scatter [tilespmem:s22], [sflag:$0x9], $0x400, $0x38;
	[tilespmem:$0x9800] =	vst v63  }
0xd5: {  	_ =	swait.ge [sflag:s18], $0x4000  }
0xd6: {  	[sflag:s18] =	ssyncset.done $0x0  }
0xd7: {  	[sflag:s18] =	ssyncadd.s32 $0xFFFFC000  }
0xd8: {  	_ =	swait.ge [sflag:s11], $0x400  }
0xd9: {  	[sflag:s11] =	ssyncset.done $0x0  }
0xda: {  	[sflag:s11] =	ssyncadd.s32 $0xFFFFFC00  }
0xdb: {  	_ =	swait.ge [sflag:s9], $0x400  }
0xdc: {  	[sflag:s9] =	ssyncset.done $0x0  }
0xdd: {  	s1 =	rddreg [dreg:$0x18];
	[sflag:s9] =	ssyncadd.s32 $0xFFFFFC00  }
0xde: {  	[tilespmem:s2], [sflag:$0xD] =	stream.linear.gather [hbm4b:s1+s2], $0x400, $0x38;
	[tilespmem:$0x9800] =	vst v63  }
0xdf: {  	_ =	swait.ge [sflag:s29], $0x400  }
0xe0: {  	[sflag:s29] =	ssyncset.done $0x0  }
0xe1: {  	[sflag:s29] =	ssyncadd.s32 $0xFFFFFC00  }
0xe2: {  	[tilespmem:s20], [sflag:$0x1] =	stream.indirect.gather [hbm4b:s3+s26], $0x10, s2, s26, $0xb8;
	[tilespmem:$0x9800] =	vst v63  }
0xe3: {  	_ = 	snop  }
0xe4: {  	[tilespmem:s21], [sflag:$0x2] =	stream.indirect.gather [hbm4b:s4+s26], $0x1, s2, s26, $0xb8;
	[tilespmem:$0x9800] =	vst v63  }
0xe5: {  	_ = 	snop  }
0xe6: {  	[tilespmem:s22], [sflag:$0x3] =	stream.indirect.gather [hbm4b:s5+s26], $0x1, s2, s26, $0xb8;
	[tilespmem:$0x9800] =	vst v63  }
0xe7: {  	_ =	swait.ge [sflag:s28], $0x4000  }
0xe8: {  	[sflag:s28] =	ssyncset.done $0x0  }
0xe9: {  	[sflag:s28] =	ssyncadd.s32 $0xFFFFC000  }
0xea: {  	_ =	swait.ge [sflag:s24], $0x400  }
0xeb: {  	[sflag:s24] =	ssyncset.done $0x0  }
0xec: {  	[sflag:s24] =	ssyncadd.s32 $0xFFFFFC00  }
0xed: {  	_ =	swait.ge [sflag:s23], $0x400  }
0xee: {  	[sflag:s23] =	ssyncset.done $0x0  }
0xef: {  	s0 =	rddreg [dreg:$0x19];
	[sflag:s23] =	ssyncadd.s32 $0xFFFFFC00  }
0xf0: {  	[hbm4b:s0+s2] =	stream.linear.scatter [tilespmem:s15], [sflag:$0xA], $0x4000, $0x38;
	[tilespmem:$0x9800] =	vst v63  }
0xf1: {  	s1 =	rddreg [dreg:$0x1a]  }
0xf2: {  	[hbm4b:s1+s2] =	stream.linear.scatter [tilespmem:s16], [sflag:$0xB], $0x400, $0x38;
	[tilespmem:$0x9800] =	vst v63  }
0xf3: {  	s0 =	rddreg [dreg:$0x1b]  }
0xf4: {  	[hbm4b:s0+s2] =	stream.linear.scatter [tilespmem:s17], [sflag:$0xC], $0x400, $0x38;
	[tilespmem:$0x9800] =	vst v63  }
0xf5: {  	_ =	swait.ge [sflag:s19], $0x4000  }
0xf6: {  	[sflag:s19] =	ssyncset.done $0x0  }
0xf7: {  	[sflag:s19] =	ssyncadd.s32 $0xFFFFC000  }
0xf8: {  	_ =	swait.ge [sflag:s12], $0x400  }
0xf9: {  	[sflag:s12] =	ssyncset.done $0x0  }
0xfa: {  	[sflag:s12] =	ssyncadd.s32 $0xFFFFFC00  }
0xfb: {  	_ =	swait.ge [sflag:s10], $0x400  }
0xfc: {  	[sflag:s10] =	ssyncset.done $0x0  }
0xfd: {  	s1 =	rddreg [dreg:$0x1c];
	[sflag:s10] =	ssyncadd.s32 $0xFFFFFC00  }
0xfe: {  	[tilespmem:s26], [sflag:$0xD] =	stream.linear.gather [hbm4b:s1+s2], $0x400, $0x38;
	[tilespmem:$0x9800] =	vst v63  }
0xff: {  	_ =	swait.ge [sflag:s29], $0x400  }
0x100: {  	[sflag:s29] =	ssyncset.done $0x0  }
0x101: {  	[sflag:s29] =	ssyncadd.s32 $0xFFFFFC00  }
0x102: {  	[tilespmem:s15], [sflag:$0x4] =	stream.indirect.gather [hbm4b:s3+s26], $0x10, s26, s26, $0xb8;
	[tilespmem:$0x9800] =	vst v63  }
0x103: {  	_ = 	snop  }
0x104: {  	[tilespmem:s16], [sflag:$0x5] =	stream.indirect.gather [hbm4b:s4+s26], $0x1, s26, s26, $0xb8;
	[tilespmem:$0x9800] =	vst v63  }
0x105: {  	_ = 	snop  }
0x106: {  	[tilespmem:s17], [sflag:$0x6] =	stream.indirect.gather [hbm4b:s5+s26], $0x1, s26, s26, $0xb8;
	[tilespmem:$0x9800] =	vst v63  }
0x107: {  	_ =	swait.ge [sflag:s31], $0x4000  }
0x108: {  	[sflag:s31] =	ssyncset.done $0x0  }
0x109: {  	[sflag:s31] =	ssyncadd.s32 $0xFFFFC000  }
0x10a: {  	_ =	swait.ge [sflag:s30], $0x400  }
0x10b: {  	[sflag:s30] =	ssyncset.done $0x0  }
0x10c: {  	[sflag:s30] =	ssyncadd.s32 $0xFFFFFC00  }
0x10d: {  	_ =	swait.ge [sflag:s25], $0x400  }
0x10e: {  	[sflag:s25] =	ssyncset.done $0x0  }
0x10f: {  	s0 =	rddreg [dreg:$0x1d];
	[sflag:s25] =	ssyncadd.s32 $0xFFFFFC00  }
0x110: {  	[hbm4b:s0+s2] =	stream.linear.scatter [tilespmem:s20], [sflag:$0x7], $0x4000, $0x38;
	[tilespmem:$0x9800] =	vst v63  }
0x111: {  	s1 =	rddreg [dreg:$0x1e]  }
0x112: {  	[hbm4b:s1+s2] =	stream.linear.scatter [tilespmem:s21], [sflag:$0x8], $0x400, $0x38;
	[tilespmem:$0x9800] =	vst v63  }
0x113: {  	s0 =	rddreg [dreg:$0x1f]  }
0x114: {  	[hbm4b:s0+s2] =	stream.linear.scatter [tilespmem:s22], [sflag:$0x9], $0x400, $0x38;
	[tilespmem:$0x9800] =	vst v63  }
0x115: {  	_ =	swait.ge [sflag:s18], $0x4000  }
0x116: {  	[sflag:s18] =	ssyncset.done $0x0  }
0x117: {  	[sflag:s18] =	ssyncadd.s32 $0xFFFFC000  }
0x118: {  	_ =	swait.ge [sflag:s11], $0x400  }
0x119: {  	[sflag:s11] =	ssyncset.done $0x0  }
0x11a: {  	[sflag:s11] =	ssyncadd.s32 $0xFFFFFC00  }
0x11b: {  	_ =	swait.ge [sflag:s9], $0x400  }
0x11c: {  	s1 =	sld [smem:$0x7F8]  }
0x11d: {  	[sflag:s9] =	ssyncset.done $0x0  }
0x11e: {  	[sflag:s9] =	ssyncadd.s32 $0xFFFFFC00  }
0x11f: {  	[tilespmem:s2], [sflag:$0xD] =	stream.linear.gather [hbm4b:s1+s2], $0x400, $0x38;
	[tilespmem:$0x9800] =	vst v63  }
0x120: {  	_ =	swait.ge [sflag:s29], $0x400  }
0x121: {  	[sflag:s29] =	ssyncset.done $0x0  }
0x122: {  	[sflag:s29] =	ssyncadd.s32 $0xFFFFFC00  }
0x123: {  	[tilespmem:s20], [sflag:$0x1] =	stream.indirect.gather [hbm4b:s3+s26], $0x10, s2, s26, $0xb8;
	[tilespmem:$0x9800] =	vst v63  }
0x124: {  	_ = 	snop  }
0x125: {  	[tilespmem:s21], [sflag:$0x2] =	stream.indirect.gather [hbm4b:s4+s26], $0x1, s2, s26, $0xb8;
	[tilespmem:$0x9800] =	vst v63  }
0x126: {  	_ = 	snop  }
0x127: {  	[tilespmem:s22], [sflag:$0x3] =	stream.indirect.gather [hbm4b:s5+s26], $0x1, s2, s26, $0xb8;
	[tilespmem:$0x9800] =	vst v63  }
0x128: {  	_ =	swait.ge [sflag:s28], $0x4000  }
0x129: {  	[sflag:s28] =	ssyncset.done $0x0  }
0x12a: {  	[sflag:s28] =	ssyncadd.s32 $0xFFFFC000  }
0x12b: {  	_ =	swait.ge [sflag:s24], $0x400  }
0x12c: {  	[sflag:s24] =	ssyncset.done $0x0  }
0x12d: {  	[sflag:s24] =	ssyncadd.s32 $0xFFFFFC00  }
0x12e: {  	_ =	swait.ge [sflag:s23], $0x400  }
0x12f: {  	s0 =	sld [smem:$0x7F9]  }
0x130: {  	[sflag:s23] =	ssyncset.done $0x0  }
0x131: {  	s1 =	sld [smem:$0x7FA];
	[sflag:s23] =	ssyncadd.s32 $0xFFFFFC00  }
0x132: {  	[hbm4b:s0+s2] =	stream.linear.scatter [tilespmem:s15], [sflag:$0xA], $0x4000, $0x38;
	[tilespmem:$0x9800] =	vst v63  }
0x133: {  	s0 =	sld [smem:$0x7FB]  }
0x134: {  	[hbm4b:s1+s2] =	stream.linear.scatter [tilespmem:s16], [sflag:$0xB], $0x400, $0x38;
	[tilespmem:$0x9800] =	vst v63  }
0x135: {  	_ = 	snop  }
0x136: {  	[hbm4b:s0+s2] =	stream.linear.scatter [tilespmem:s17], [sflag:$0xC], $0x400, $0x38;
	[tilespmem:$0x9800] =	vst v63  }
0x137: {  	_ =	swait.ge [sflag:s19], $0x4000  }
0x138: {  	[sflag:s19] =	ssyncset.done $0x0  }
0x139: {  	[sflag:s19] =	ssyncadd.s32 $0xFFFFC000  }
0x13a: {  	_ =	swait.ge [sflag:s12], $0x400  }
0x13b: {  	[sflag:s12] =	ssyncset.done $0x0  }
0x13c: {  	[sflag:s12] =	ssyncadd.s32 $0xFFFFFC00  }
0x13d: {  	_ =	swait.ge [sflag:s10], $0x400  }
0x13e: {  	s1 =	sld [smem:$0x7FC]  }
0x13f: {  	[sflag:s10] =	ssyncset.done $0x0  }
0x140: {  	[sflag:s10] =	ssyncadd.s32 $0xFFFFFC00  }
0x141: {  	[tilespmem:s26], [sflag:$0xD] =	stream.linear.gather [hbm4b:s1+s2], $0x400, $0x38;
	[tilespmem:$0x9800] =	vst v63  }
0x142: {  	_ =	swait.ge [sflag:s29], $0x400  }
0x143: {  	[sflag:s29] =	ssyncset.done $0x0  }
0x144: {  	[sflag:s29] =	ssyncadd.s32 $0xFFFFFC00  }
0x145: {  	[tilespmem:s15], [sflag:$0x4] =	stream.indirect.gather [hbm4b:s3+s26], $0x10, s26, s26, $0xb8;
	[tilespmem:$0x9800] =	vst v63  }
0x146: {  	_ = 	snop  }
0x147: {  	[tilespmem:s16], [sflag:$0x5] =	stream.indirect.gather [hbm4b:s4+s26], $0x1, s26, s26, $0xb8;
	[tilespmem:$0x9800] =	vst v63  }
0x148: {  	_ = 	snop  }
0x149: {  	[tilespmem:s17], [sflag:$0x6] =	stream.indirect.gather [hbm4b:s5+s26], $0x1, s26, s26, $0xb8;
	[tilespmem:$0x9800] =	vst v63  }
0x14a: {  	_ =	swait.ge [sflag:s31], $0x4000  }
0x14b: {  	[sflag:s31] =	ssyncset.done $0x0  }
0x14c: {  	[sflag:s31] =	ssyncadd.s32 $0xFFFFC000  }
0x14d: {  	_ =	swait.ge [sflag:s30], $0x400  }
0x14e: {  	[sflag:s30] =	ssyncset.done $0x0  }
0x14f: {  	[sflag:s30] =	ssyncadd.s32 $0xFFFFFC00  }
0x150: {  	_ =	swait.ge [sflag:s25], $0x400  }
0x151: {  	s1 =	sld [smem:$0x7FD]  }
0x152: {  	[sflag:s25] =	ssyncset.done $0x0  }
0x153: {  	[sflag:s25] =	ssyncadd.s32 $0xFFFFFC00  }
0x154: {  	[hbm4b:s1+s2] =	stream.linear.scatter [tilespmem:s20], [sflag:$0x7], $0x4000, $0x38;
	[tilespmem:$0x9800] =	vst v63  }
0x155: {  	_ = 	snop  }
0x156: {  	[hbm4b:s13+s2] =	stream.linear.scatter [tilespmem:s21], [sflag:$0x8], $0x400, $0x38;
	[tilespmem:$0x9800] =	vst v63  }
0x157: {  	_ = 	snop  }
0x158: {  	[hbm4b:s14+s2] =	stream.linear.scatter [tilespmem:s22], [sflag:$0x9], $0x400, $0x38;
	[tilespmem:$0x9800] =	vst v63  }
0x159: {  	_ =	swait.ge [sflag:s28], $0x4000  }
0x15a: {  	[sflag:s28] =	ssyncset.done $0x0  }
0x15b: {  	[sflag:s28] =	ssyncadd.s32 $0xFFFFC000  }
0x15c: {  	_ =	swait.ge [sflag:s24], $0x400  }
0x15d: {  	[sflag:s24] =	ssyncset.done $0x0  }
0x15e: {  	[sflag:s24] =	ssyncadd.s32 $0xFFFFFC00  }
0x15f: {  	_ =	swait.ge [sflag:s23], $0x400  }
0x160: {  	[sflag:s23] =	ssyncset.done $0x0  }
0x161: {  	[sflag:s23] =	ssyncadd.s32 $0xFFFFFC00  }
0x162: {  	[hbm4b:s6+s2] =	stream.linear.scatter [tilespmem:s15], [sflag:$0xA], $0x4000, $0x38;
	[tilespmem:$0x9800] =	vst v63  }
0x163: {  	_ = 	snop  }
0x164: {  	[hbm4b:s7+s2] =	stream.linear.scatter [tilespmem:s16], [sflag:$0xB], $0x400, $0x38;
	[tilespmem:$0x9800] =	vst v63  }
0x165: {  	_ = 	snop  }
0x166: {  	[hbm4b:s8+s2] =	stream.linear.scatter [tilespmem:s17], [sflag:$0xC], $0x400, $0x38;
	[tilespmem:$0x9800] =	vst v63  }
0x167: {  	_ =	swait.ge [sflag:s18], $0x4000  }
0x168: {  	[sflag:s18] =	ssyncset.done $0x0  }
0x169: {  	[sflag:s18] =	ssyncadd.s32 $0xFFFFC000  }
0x16a: {  	_ =	swait.ge [sflag:s11], $0x400  }
0x16b: {  	[sflag:s11] =	ssyncset.done $0x0  }
0x16c: {  	[sflag:s11] =	ssyncadd.s32 $0xFFFFFC00  }
0x16d: {  	_ =	swait.ge [sflag:s9], $0x400  }
0x16e: {  	[sflag:s9] =	ssyncset.done $0x0  }
0x16f: {  	[sflag:s9] =	ssyncadd.s32 $0xFFFFFC00  }
0x170: {  	_ =	swait.ge [sflag:s19], $0x4000  }
0x171: {  	[sflag:s19] =	ssyncset.done $0x0  }
0x172: {  	[sflag:s19] =	ssyncadd.s32 $0xFFFFC000  }
0x173: {  	_ =	swait.ge [sflag:s12], $0x400  }
0x174: {  	s1 =	sld [smem:$0x7F7];
	_ =	sdelay $0x2  }
0x175: {  	p1 =	sne.s32 s1, $0x1  }
.Ltmp1:
0x176: {  	_ = 	snop;
	(pc) =	sbr.rel @!p1 .LBB2_3-.Ltmp1, $4  }
0x177: {  	[sflag:s12] =	ssyncset.done $0x0  }
0x178: {  	[sflag:s12] =	ssyncadd.s32 $0xFFFFFC00  }
0x179: {  	p0 =	por $0x1, $0x1;
	_ =	swait.ge [sflag:s10], $0x400  }
0x17a: {  	s1 =	sadd.s32 $0xFFFFFFFF, s1;
	s0 =	rddreg [dreg:$0x3];
	[sflag:s10] =	ssyncset.done $0x0  }
.LBB2_2:
0x17b: {  	[sflag:s10] =	ssyncadd.s32 $0xFFFFFC00  }
0x17c: {  	[tilespmem:s2], [sflag:$0xD] =	stream.linear.gather [hbm4b:s0+s2], $0x400, $0x38;
	[tilespmem:$0x9800] =	vst v63  }
0x17d: {  	_ =	swait.ge [sflag:s29], $0x400  }
0x17e: {  	[sflag:s29] =	ssyncset.done $0x0  }
0x17f: {  	[sflag:s29] =	ssyncadd.s32 $0xFFFFFC00  }
0x180: {  	[tilespmem:s20], [sflag:$0x1] =	stream.indirect.gather [hbm4b:s3+s26], $0x10, s2, s26, $0xb8;
	[tilespmem:$0x9800] =	vst v63  }
0x181: {  	_ = 	snop  }
0x182: {  	[tilespmem:s21], [sflag:$0x2] =	stream.indirect.gather [hbm4b:s4+s26], $0x1, s2, s26, $0xb8;
	[tilespmem:$0x9800] =	vst v63  }
0x183: {  	_ = 	snop  }
0x184: {  	[tilespmem:s22], [sflag:$0x3] =	stream.indirect.gather [hbm4b:s5+s26], $0x1, s2, s26, $0xb8;
	[tilespmem:$0x9800] =	vst v63  }
0x185: {  	s21 =	rddreg [dreg:$0x4]  }
0x186: {  	[tilespmem:s26], [sflag:$0xD] =	stream.linear.gather [hbm4b:s21+s2], $0x400, $0x38;
	[tilespmem:$0x9800] =	vst v63  }
0x187: {  	_ =	swait.ge [sflag:s29], $0x400  }
0x188: {  	[sflag:s29] =	ssyncset.done $0x0  }
0x189: {  	[sflag:s29] =	ssyncadd.s32 $0xFFFFFC00  }
0x18a: {  	[tilespmem:s15], [sflag:$0x4] =	stream.indirect.gather [hbm4b:s3+s26], $0x10, s26, s26, $0xb8;
	[tilespmem:$0x9800] =	vst v63  }
0x18b: {  	_ = 	snop  }
0x18c: {  	[tilespmem:s16], [sflag:$0x5] =	stream.indirect.gather [hbm4b:s4+s26], $0x1, s26, s26, $0xb8;
	[tilespmem:$0x9800] =	vst v63  }
0x18d: {  	_ = 	snop  }
0x18e: {  	[tilespmem:s17], [sflag:$0x6] =	stream.indirect.gather [hbm4b:s5+s26], $0x1, s26, s26, $0xb8;
	[tilespmem:$0x9800] =	vst v63  }
0x18f: {  	_ =	swait.ge [sflag:s31], $0x4000  }
0x190: {  	[sflag:s31] =	ssyncset.done $0x0  }
0x191: {  	[sflag:s31] =	ssyncadd.s32 $0xFFFFC000  }
0x192: {  	_ =	swait.ge [sflag:s30], $0x400  }
0x193: {  	[sflag:s30] =	ssyncset.done $0x0  }
0x194: {  	[sflag:s30] =	ssyncadd.s32 $0xFFFFFC00  }
0x195: {  	s22 =	simm.s32 $0x8800;
	s21 =	simm.s32 $0x800;
	_ =	swait.ge [sflag:s25], $0x400  }
0x196: {  	s15 =	smov.u32 s14;
	s14 =	smov.u32 s13;
	[sflag:s25] =	ssyncset.done $0x0  }
0x197: {  	s13 =	smov.u32 s8;
	s0 =	rddreg [dreg:$0x5];
	[sflag:s25] =	ssyncadd.s32 $0xFFFFFC00  }
0x198: {  	[hbm4b:s0+s2] =	stream.linear.scatter [tilespmem:s21], [sflag:$0x7], $0x4000, $0x38;
	[tilespmem:$0x9800] =	vst v63  }
0x199: {  	s8 =	smov.u32 s7;
	s7 =	smov.u32 s6;
	s6 =	rddreg [dreg:$0x6]  }
0x19a: {  	[hbm4b:s6+s2] =	stream.linear.scatter [tilespmem:s22], [sflag:$0x8], $0x400, $0x38;
	[tilespmem:$0x9800] =	vst v63  }
0x19b: {  	s9 =	simm.s32 $0x9000;
	s0 =	rddreg [dreg:$0x7]  }
0x19c: {  	[hbm4b:s0+s2] =	stream.linear.scatter [tilespmem:s9], [sflag:$0x9], $0x400, $0x38;
	[tilespmem:$0x9800] =	vst v63  }
0x19d: {  	_ =	swait.ge [sflag:s18], $0x4000  }
0x19e: {  	[sflag:s18] =	ssyncset.done $0x0  }
0x19f: {  	s12 =	simm.s32 $0x8;
	[sflag:s18] =	ssyncadd.s32 $0xFFFFC000  }
0x1a0: {  	_ =	swait.ge [sflag:s12], $0x400  }
0x1a1: {  	[sflag:s12] =	ssyncset.done $0x0  }
0x1a2: {  	s10 =	simm.s32 $0x9;
	[sflag:s12] =	ssyncadd.s32 $0xFFFFFC00  }
0x1a3: {  	_ =	swait.ge [sflag:s10], $0x400  }
0x1a4: {  	[sflag:s10] =	ssyncset.done $0x0  }
0x1a5: {  	s6 =	rddreg [dreg:$0x8];
	[sflag:s10] =	ssyncadd.s32 $0xFFFFFC00  }
0x1a6: {  	[tilespmem:s2], [sflag:$0xD] =	stream.linear.gather [hbm4b:s6+s2], $0x400, $0x38;
	[tilespmem:$0x9800] =	vst v63  }
0x1a7: {  	_ =	swait.ge [sflag:s29], $0x400  }
0x1a8: {  	[sflag:s29] =	ssyncset.done $0x0  }
0x1a9: {  	[sflag:s29] =	ssyncadd.s32 $0xFFFFFC00  }
0x1aa: {  	[tilespmem:s21], [sflag:$0x1] =	stream.indirect.gather [hbm4b:s3+s26], $0x10, s2, s26, $0xb8;
	[tilespmem:$0x9800] =	vst v63  }
0x1ab: {  	_ = 	snop  }
0x1ac: {  	[tilespmem:s22], [sflag:$0x2] =	stream.indirect.gather [hbm4b:s4+s26], $0x1, s2, s26, $0xb8;
	[tilespmem:$0x9800] =	vst v63  }
0x1ad: {  	_ = 	snop  }
0x1ae: {  	[tilespmem:s9], [sflag:$0x3] =	stream.indirect.gather [hbm4b:s5+s26], $0x1, s2, s26, $0xb8;
	[tilespmem:$0x9800] =	vst v63  }
0x1af: {  	_ =	swait.ge [sflag:s28], $0x4000  }
0x1b0: {  	[sflag:s28] =	ssyncset.done $0x0  }
0x1b1: {  	[sflag:s28] =	ssyncadd.s32 $0xFFFFC000  }
0x1b2: {  	_ =	swait.ge [sflag:s24], $0x400  }
0x1b3: {  	[sflag:s24] =	ssyncset.done $0x0  }
0x1b4: {  	[sflag:s24] =	ssyncadd.s32 $0xFFFFFC00  }
0x1b5: {  	_ =	swait.ge [sflag:s23], $0x400  }
0x1b6: {  	[sflag:s23] =	ssyncset.done $0x0  }
0x1b7: {  	s16 =	simm.s32 $0x4800;
	s0 =	rddreg [dreg:$0x9];
	[sflag:s23] =	ssyncadd.s32 $0xFFFFFC00  }
0x1b8: {  	[hbm4b:s0+s2] =	stream.linear.scatter [tilespmem:s16], [sflag:$0xA], $0x4000, $0x38;
	[tilespmem:$0x9800] =	vst v63  }
0x1b9: {  	s17 =	simm.s32 $0x8C00;
	s6 =	rddreg [dreg:$0xa]  }
0x1ba: {  	[hbm4b:s6+s2] =	stream.linear.scatter [tilespmem:s17], [sflag:$0xB], $0x400, $0x38;
	[tilespmem:$0x9800] =	vst v63  }
0x1bb: {  	s20 =	simm.s32 $0x9400;
	s0 =	rddreg [dreg:$0xb]  }
0x1bc: {  	[hbm4b:s0+s2] =	stream.linear.scatter [tilespmem:s20], [sflag:$0xC], $0x400, $0x38;
	[tilespmem:$0x9800] =	vst v63  }
0x1bd: {  	_ =	swait.ge [sflag:s19], $0x4000  }
0x1be: {  	[sflag:s19] =	ssyncset.done $0x0  }
0x1bf: {  	s12 =	simm.s32 $0xB;
	[sflag:s19] =	ssyncadd.s32 $0xFFFFC000  }
0x1c0: {  	_ =	swait.ge [sflag:s12], $0x400  }
0x1c1: {  	[sflag:s12] =	ssyncset.done $0x0  }
0x1c2: {  	s11 =	simm.s32 $0xC;
	[sflag:s12] =	ssyncadd.s32 $0xFFFFFC00  }
0x1c3: {  	_ =	swait.ge [sflag:s11], $0x400  }
0x1c4: {  	[sflag:s11] =	ssyncset.done $0x0  }
0x1c5: {  	s6 =	rddreg [dreg:$0xc];
	[sflag:s11] =	ssyncadd.s32 $0xFFFFFC00  }
0x1c6: {  	[tilespmem:s26], [sflag:$0xD] =	stream.linear.gather [hbm4b:s6+s2], $0x400, $0x38;
	[tilespmem:$0x9800] =	vst v63  }
0x1c7: {  	_ =	swait.ge [sflag:s29], $0x400  }
0x1c8: {  	[sflag:s29] =	ssyncset.done $0x0  }
0x1c9: {  	[sflag:s29] =	ssyncadd.s32 $0xFFFFFC00  }
0x1ca: {  	[tilespmem:s16], [sflag:$0x4] =	stream.indirect.gather [hbm4b:s3+s26], $0x10, s26, s26, $0xb8;
	[tilespmem:$0x9800] =	vst v63  }
0x1cb: {  	_ = 	snop  }
0x1cc: {  	[tilespmem:s17], [sflag:$0x5] =	stream.indirect.gather [hbm4b:s4+s26], $0x1, s26, s26, $0xb8;
	[tilespmem:$0x9800] =	vst v63  }
0x1cd: {  	_ = 	snop  }
0x1ce: {  	[tilespmem:s20], [sflag:$0x6] =	stream.indirect.gather [hbm4b:s5+s26], $0x1, s26, s26, $0xb8;
	[tilespmem:$0x9800] =	vst v63  }
0x1cf: {  	_ =	swait.ge [sflag:s31], $0x4000  }
0x1d0: {  	[sflag:s31] =	ssyncset.done $0x0  }
0x1d1: {  	[sflag:s31] =	ssyncadd.s32 $0xFFFFC000  }
0x1d2: {  	_ =	swait.ge [sflag:s30], $0x400  }
0x1d3: {  	[sflag:s30] =	ssyncset.done $0x0  }
0x1d4: {  	[sflag:s30] =	ssyncadd.s32 $0xFFFFFC00  }
0x1d5: {  	_ =	swait.ge [sflag:s25], $0x400  }
0x1d6: {  	[sflag:s25] =	ssyncset.done $0x0  }
0x1d7: {  	s0 =	rddreg [dreg:$0xd];
	[sflag:s25] =	ssyncadd.s32 $0xFFFFFC00  }
0x1d8: {  	[hbm4b:s0+s2] =	stream.linear.scatter [tilespmem:s21], [sflag:$0x7], $0x4000, $0x38;
	[tilespmem:$0x9800] =	vst v63  }
0x1d9: {  	s6 =	rddreg [dreg:$0xe]  }
0x1da: {  	[hbm4b:s6+s2] =	stream.linear.scatter [tilespmem:s22], [sflag:$0x8], $0x400, $0x38;
	[tilespmem:$0x9800] =	vst v63  }
0x1db: {  	s0 =	rddreg [dreg:$0xf]  }
0x1dc: {  	[hbm4b:s0+s2] =	stream.linear.scatter [tilespmem:s9], [sflag:$0x9], $0x400, $0x38;
	[tilespmem:$0x9800] =	vst v63  }
0x1dd: {  	_ =	swait.ge [sflag:s18], $0x4000  }
0x1de: {  	[sflag:s18] =	ssyncset.done $0x0  }
0x1df: {  	s11 =	simm.s32 $0x8;
	[sflag:s18] =	ssyncadd.s32 $0xFFFFC000  }
0x1e0: {  	_ =	swait.ge [sflag:s11], $0x400  }
0x1e1: {  	[sflag:s11] =	ssyncset.done $0x0  }
0x1e2: {  	[sflag:s11] =	ssyncadd.s32 $0xFFFFFC00  }
0x1e3: {  	_ =	swait.ge [sflag:s10], $0x400  }
0x1e4: {  	[sflag:s10] =	ssyncset.done $0x0  }
0x1e5: {  	s6 =	rddreg [dreg:$0x10];
	[sflag:s10] =	ssyncadd.s32 $0xFFFFFC00  }
0x1e6: {  	[tilespmem:s2], [sflag:$0xD] =	stream.linear.gather [hbm4b:s6+s2], $0x400, $0x38;
	[tilespmem:$0x9800] =	vst v63  }
0x1e7: {  	_ =	swait.ge [sflag:s29], $0x400  }
0x1e8: {  	[sflag:s29] =	ssyncset.done $0x0  }
0x1e9: {  	[sflag:s29] =	ssyncadd.s32 $0xFFFFFC00  }
0x1ea: {  	[tilespmem:s21], [sflag:$0x1] =	stream.indirect.gather [hbm4b:s3+s26], $0x10, s2, s26, $0xb8;
	[tilespmem:$0x9800] =	vst v63  }
0x1eb: {  	_ = 	snop  }
0x1ec: {  	[tilespmem:s22], [sflag:$0x2] =	stream.indirect.gather [hbm4b:s4+s26], $0x1, s2, s26, $0xb8;
	[tilespmem:$0x9800] =	vst v63  }
0x1ed: {  	_ = 	snop  }
0x1ee: {  	[tilespmem:s9], [sflag:$0x3] =	stream.indirect.gather [hbm4b:s5+s26], $0x1, s2, s26, $0xb8;
	[tilespmem:$0x9800] =	vst v63  }
0x1ef: {  	_ =	swait.ge [sflag:s28], $0x4000  }
0x1f0: {  	[sflag:s28] =	ssyncset.done $0x0  }
0x1f1: {  	[sflag:s28] =	ssyncadd.s32 $0xFFFFC000  }
0x1f2: {  	_ =	swait.ge [sflag:s24], $0x400  }
0x1f3: {  	[sflag:s24] =	ssyncset.done $0x0  }
0x1f4: {  	[sflag:s24] =	ssyncadd.s32 $0xFFFFFC00  }
0x1f5: {  	_ =	swait.ge [sflag:s23], $0x400  }
0x1f6: {  	[sflag:s23] =	ssyncset.done $0x0  }
0x1f7: {  	s0 =	rddreg [dreg:$0x11];
	[sflag:s23] =	ssyncadd.s32 $0xFFFFFC00  }
0x1f8: {  	[hbm4b:s0+s2] =	stream.linear.scatter [tilespmem:s16], [sflag:$0xA], $0x4000, $0x38;
	[tilespmem:$0x9800] =	vst v63  }
0x1f9: {  	s6 =	rddreg [dreg:$0x12]  }
0x1fa: {  	[hbm4b:s6+s2] =	stream.linear.scatter [tilespmem:s17], [sflag:$0xB], $0x400, $0x38;
	[tilespmem:$0x9800] =	vst v63  }
0x1fb: {  	s0 =	rddreg [dreg:$0x13]  }
0x1fc: {  	[hbm4b:s0+s2] =	stream.linear.scatter [tilespmem:s20], [sflag:$0xC], $0x400, $0x38;
	[tilespmem:$0x9800] =	vst v63  }
0x1fd: {  	_ =	swait.ge [sflag:s19], $0x4000  }
0x1fe: {  	[sflag:s19] =	ssyncset.done $0x0  }
0x1ff: {  	[sflag:s19] =	ssyncadd.s32 $0xFFFFC000  }
0x200: {  	_ =	swait.ge [sflag:s12], $0x400  }
0x201: {  	[sflag:s12] =	ssyncset.done $0x0  }
0x202: {  	s10 =	simm.s32 $0xC;
	[sflag:s12] =	ssyncadd.s32 $0xFFFFFC00  }
0x203: {  	_ =	swait.ge [sflag:s10], $0x400  }
0x204: {  	[sflag:s10] =	ssyncset.done $0x0  }
0x205: {  	s6 =	rddreg [dreg:$0x14];
	[sflag:s10] =	ssyncadd.s32 $0xFFFFFC00  }
0x206: {  	[tilespmem:s26], [sflag:$0xD] =	stream.linear.gather [hbm4b:s6+s2], $0x400, $0x38;
	[tilespmem:$0x9800] =	vst v63  }
0x207: {  	_ =	swait.ge [sflag:s29], $0x400  }
0x208: {  	[sflag:s29] =	ssyncset.done $0x0  }
0x209: {  	[sflag:s29] =	ssyncadd.s32 $0xFFFFFC00  }
0x20a: {  	[tilespmem:s16], [sflag:$0x4] =	stream.indirect.gather [hbm4b:s3+s26], $0x10, s26, s26, $0xb8;
	[tilespmem:$0x9800] =	vst v63  }
0x20b: {  	_ = 	snop  }
0x20c: {  	[tilespmem:s17], [sflag:$0x5] =	stream.indirect.gather [hbm4b:s4+s26], $0x1, s26, s26, $0xb8;
	[tilespmem:$0x9800] =	vst v63  }
0x20d: {  	_ = 	snop  }
0x20e: {  	[tilespmem:s20], [sflag:$0x6] =	stream.indirect.gather [hbm4b:s5+s26], $0x1, s26, s26, $0xb8;
	[tilespmem:$0x9800] =	vst v63  }
0x20f: {  	_ =	swait.ge [sflag:s31], $0x4000  }
0x210: {  	[sflag:s31] =	ssyncset.done $0x0  }
0x211: {  	[sflag:s31] =	ssyncadd.s32 $0xFFFFC000  }
0x212: {  	_ =	swait.ge [sflag:s30], $0x400  }
0x213: {  	[sflag:s30] =	ssyncset.done $0x0  }
0x214: {  	[sflag:s30] =	ssyncadd.s32 $0xFFFFFC00  }
0x215: {  	_ =	swait.ge [sflag:s25], $0x400  }
0x216: {  	[sflag:s25] =	ssyncset.done $0x0  }
0x217: {  	s0 =	rddreg [dreg:$0x15];
	[sflag:s25] =	ssyncadd.s32 $0xFFFFFC00  }
0x218: {  	[hbm4b:s0+s2] =	stream.linear.scatter [tilespmem:s21], [sflag:$0x7], $0x4000, $0x38;
	[tilespmem:$0x9800] =	vst v63  }
0x219: {  	s6 =	rddreg [dreg:$0x16]  }
0x21a: {  	[hbm4b:s6+s2] =	stream.linear.scatter [tilespmem:s22], [sflag:$0x8], $0x400, $0x38;
	[tilespmem:$0x9800] =	vst v63  }
0x21b: {  	s0 =	rddreg [dreg:$0x17];
	s22 =	simm.s32 $0x9000  }
0x21c: {  	[hbm4b:s0+s2] =	stream.linear.scatter [tilespmem:s22], [sflag:$0x9], $0x400, $0x38;
	[tilespmem:$0x9800] =	vst v63  }
0x21d: {  	_ =	swait.ge [sflag:s18], $0x4000  }
0x21e: {  	[sflag:s18] =	ssyncset.done $0x0  }
0x21f: {  	[sflag:s18] =	ssyncadd.s32 $0xFFFFC000  }
0x220: {  	_ =	swait.ge [sflag:s11], $0x400  }
0x221: {  	[sflag:s11] =	ssyncset.done $0x0  }
0x222: {  	s9 =	simm.s32 $0x9;
	[sflag:s11] =	ssyncadd.s32 $0xFFFFFC00  }
0x223: {  	_ =	swait.ge [sflag:s9], $0x400  }
0x224: {  	[sflag:s9] =	ssyncset.done $0x0  }
0x225: {  	s6 =	rddreg [dreg:$0x18];
	[sflag:s9] =	ssyncadd.s32 $0xFFFFFC00  }
0x226: {  	[tilespmem:s2], [sflag:$0xD] =	stream.linear.gather [hbm4b:s6+s2], $0x400, $0x38;
	[tilespmem:$0x9800] =	vst v63  }
0x227: {  	_ =	swait.ge [sflag:s29], $0x400  }
0x228: {  	[sflag:s29] =	ssyncset.done $0x0  }
0x229: {  	[sflag:s29] =	ssyncadd.s32 $0xFFFFFC00  }
0x22a: {  	[tilespmem:s21], [sflag:$0x1] =	stream.indirect.gather [hbm4b:s3+s26], $0x10, s2, s26, $0xb8;
	[tilespmem:$0x9800] =	vst v63  }
0x22b: {  	s21 =	simm.s32 $0x8800  }
0x22c: {  	[tilespmem:s21], [sflag:$0x2] =	stream.indirect.gather [hbm4b:s4+s26], $0x1, s2, s26, $0xb8;
	[tilespmem:$0x9800] =	vst v63  }
0x22d: {  	_ = 	snop  }
0x22e: {  	[tilespmem:s22], [sflag:$0x3] =	stream.indirect.gather [hbm4b:s5+s26], $0x1, s2, s26, $0xb8;
	[tilespmem:$0x9800] =	vst v63  }
0x22f: {  	_ =	swait.ge [sflag:s28], $0x4000  }
0x230: {  	[sflag:s28] =	ssyncset.done $0x0  }
0x231: {  	[sflag:s28] =	ssyncadd.s32 $0xFFFFC000  }
0x232: {  	_ =	swait.ge [sflag:s24], $0x400  }
0x233: {  	[sflag:s24] =	ssyncset.done $0x0  }
0x234: {  	[sflag:s24] =	ssyncadd.s32 $0xFFFFFC00  }
0x235: {  	_ =	swait.ge [sflag:s23], $0x400  }
0x236: {  	[sflag:s23] =	ssyncset.done $0x0  }
0x237: {  	s0 =	rddreg [dreg:$0x19];
	[sflag:s23] =	ssyncadd.s32 $0xFFFFFC00  }
0x238: {  	[hbm4b:s0+s2] =	stream.linear.scatter [tilespmem:s16], [sflag:$0xA], $0x4000, $0x38;
	[tilespmem:$0x9800] =	vst v63  }
0x239: {  	s6 =	rddreg [dreg:$0x1a]  }
0x23a: {  	[hbm4b:s6+s2] =	stream.linear.scatter [tilespmem:s17], [sflag:$0xB], $0x400, $0x38;
	[tilespmem:$0x9800] =	vst v63  }
0x23b: {  	s0 =	rddreg [dreg:$0x1b]  }
0x23c: {  	[hbm4b:s0+s2] =	stream.linear.scatter [tilespmem:s20], [sflag:$0xC], $0x400, $0x38;
	[tilespmem:$0x9800] =	vst v63  }
0x23d: {  	_ =	swait.ge [sflag:s19], $0x4000  }
0x23e: {  	[sflag:s19] =	ssyncset.done $0x0  }
0x23f: {  	[sflag:s19] =	ssyncadd.s32 $0xFFFFC000  }
0x240: {  	_ =	swait.ge [sflag:s12], $0x400  }
0x241: {  	[sflag:s12] =	ssyncset.done $0x0  }
0x242: {  	[sflag:s12] =	ssyncadd.s32 $0xFFFFFC00  }
0x243: {  	_ =	swait.ge [sflag:s10], $0x400  }
0x244: {  	[sflag:s10] =	ssyncset.done $0x0  }
0x245: {  	s6 =	rddreg [dreg:$0x1c];
	[sflag:s10] =	ssyncadd.s32 $0xFFFFFC00  }
0x246: {  	[tilespmem:s26], [sflag:$0xD] =	stream.linear.gather [hbm4b:s6+s2], $0x400, $0x38;
	[tilespmem:$0x9800] =	vst v63  }
0x247: {  	_ =	swait.ge [sflag:s29], $0x400  }
0x248: {  	[sflag:s29] =	ssyncset.done $0x0  }
0x249: {  	[sflag:s29] =	ssyncadd.s32 $0xFFFFFC00  }
0x24a: {  	[tilespmem:s16], [sflag:$0x4] =	stream.indirect.gather [hbm4b:s3+s26], $0x10, s26, s26, $0xb8;
	[tilespmem:$0x9800] =	vst v63  }
0x24b: {  	_ = 	snop  }
0x24c: {  	[tilespmem:s17], [sflag:$0x5] =	stream.indirect.gather [hbm4b:s4+s26], $0x1, s26, s26, $0xb8;
	[tilespmem:$0x9800] =	vst v63  }
0x24d: {  	s17 =	simm.s32 $0x9400  }
0x24e: {  	[tilespmem:s17], [sflag:$0x6] =	stream.indirect.gather [hbm4b:s5+s26], $0x1, s26, s26, $0xb8;
	[tilespmem:$0x9800] =	vst v63  }
0x24f: {  	_ =	swait.ge [sflag:s31], $0x4000  }
0x250: {  	[sflag:s31] =	ssyncset.done $0x0  }
0x251: {  	[sflag:s31] =	ssyncadd.s32 $0xFFFFC000  }
0x252: {  	_ =	swait.ge [sflag:s30], $0x400  }
0x253: {  	[sflag:s30] =	ssyncset.done $0x0  }
0x254: {  	[sflag:s30] =	ssyncadd.s32 $0xFFFFFC00  }
0x255: {  	_ =	swait.ge [sflag:s25], $0x400  }
0x256: {  	[sflag:s25] =	ssyncset.done $0x0  }
0x257: {  	s20 =	simm.s32 $0x800;
	s0 =	rddreg [dreg:$0x1d];
	[sflag:s25] =	ssyncadd.s32 $0xFFFFFC00  }
0x258: {  	[hbm4b:s0+s2] =	stream.linear.scatter [tilespmem:s20], [sflag:$0x7], $0x4000, $0x38;
	[tilespmem:$0x9800] =	vst v63  }
0x259: {  	s6 =	rddreg [dreg:$0x1e]  }
0x25a: {  	[hbm4b:s6+s2] =	stream.linear.scatter [tilespmem:s21], [sflag:$0x8], $0x400, $0x38;
	[tilespmem:$0x9800] =	vst v63  }
0x25b: {  	s0 =	rddreg [dreg:$0x1f]  }
0x25c: {  	[hbm4b:s0+s2] =	stream.linear.scatter [tilespmem:s22], [sflag:$0x9], $0x400, $0x38;
	[tilespmem:$0x9800] =	vst v63  }
0x25d: {  	_ =	swait.ge [sflag:s18], $0x4000  }
0x25e: {  	[sflag:s18] =	ssyncset.done $0x0  }
0x25f: {  	[sflag:s18] =	ssyncadd.s32 $0xFFFFC000  }
0x260: {  	_ =	swait.ge [sflag:s11], $0x400  }
0x261: {  	[sflag:s11] =	ssyncset.done $0x0  }
0x262: {  	[sflag:s11] =	ssyncadd.s32 $0xFFFFFC00  }
0x263: {  	_ =	swait.ge [sflag:s9], $0x400  }
0x264: {  	s6 =	sld [smem:$0x7F8]  }
0x265: {  	[sflag:s9] =	ssyncset.done $0x0  }
0x266: {  	[sflag:s9] =	ssyncadd.s32 $0xFFFFFC00  }
0x267: {  	[tilespmem:s2], [sflag:$0xD] =	stream.linear.gather [hbm4b:s6+s2], $0x400, $0x38;
	[tilespmem:$0x9800] =	vst v63  }
0x268: {  	_ =	swait.ge [sflag:s29], $0x400  }
0x269: {  	[sflag:s29] =	ssyncset.done $0x0  }
0x26a: {  	[sflag:s29] =	ssyncadd.s32 $0xFFFFFC00  }
0x26b: {  	[tilespmem:s20], [sflag:$0x1] =	stream.indirect.gather [hbm4b:s3+s26], $0x10, s2, s26, $0xb8;
	[tilespmem:$0x9800] =	vst v63  }
0x26c: {  	_ = 	snop  }
0x26d: {  	[tilespmem:s21], [sflag:$0x2] =	stream.indirect.gather [hbm4b:s4+s26], $0x1, s2, s26, $0xb8;
	[tilespmem:$0x9800] =	vst v63  }
0x26e: {  	_ = 	snop  }
0x26f: {  	[tilespmem:s22], [sflag:$0x3] =	stream.indirect.gather [hbm4b:s5+s26], $0x1, s2, s26, $0xb8;
	[tilespmem:$0x9800] =	vst v63  }
0x270: {  	_ =	swait.ge [sflag:s28], $0x4000  }
0x271: {  	[sflag:s28] =	ssyncset.done $0x0  }
0x272: {  	[sflag:s28] =	ssyncadd.s32 $0xFFFFC000  }
0x273: {  	_ =	swait.ge [sflag:s24], $0x400  }
0x274: {  	[sflag:s24] =	ssyncset.done $0x0  }
0x275: {  	[sflag:s24] =	ssyncadd.s32 $0xFFFFFC00  }
0x276: {  	_ =	swait.ge [sflag:s23], $0x400  }
0x277: {  	s0 =	sld [smem:$0x7F9]  }
0x278: {  	[sflag:s23] =	ssyncset.done $0x0  }
0x279: {  	s6 =	sld [smem:$0x7FA];
	[sflag:s23] =	ssyncadd.s32 $0xFFFFFC00  }
0x27a: {  	[hbm4b:s0+s2] =	stream.linear.scatter [tilespmem:s16], [sflag:$0xA], $0x4000, $0x38;
	[tilespmem:$0x9800] =	vst v63  }
0x27b: {  	s16 =	simm.s32 $0x8C00;
	s0 =	sld [smem:$0x7FB]  }
0x27c: {  	[hbm4b:s6+s2] =	stream.linear.scatter [tilespmem:s16], [sflag:$0xB], $0x400, $0x38;
	[tilespmem:$0x9800] =	vst v63  }
0x27d: {  	_ = 	snop  }
0x27e: {  	[hbm4b:s0+s2] =	stream.linear.scatter [tilespmem:s17], [sflag:$0xC], $0x400, $0x38;
	[tilespmem:$0x9800] =	vst v63  }
0x27f: {  	_ =	swait.ge [sflag:s19], $0x4000  }
0x280: {  	[sflag:s19] =	ssyncset.done $0x0  }
0x281: {  	[sflag:s19] =	ssyncadd.s32 $0xFFFFC000  }
0x282: {  	_ =	swait.ge [sflag:s12], $0x400  }
0x283: {  	[sflag:s12] =	ssyncset.done $0x0  }
0x284: {  	[sflag:s12] =	ssyncadd.s32 $0xFFFFFC00  }
0x285: {  	_ =	swait.ge [sflag:s10], $0x400  }
0x286: {  	s0 =	sld [smem:$0x7FC]  }
0x287: {  	[sflag:s10] =	ssyncset.done $0x0  }
0x288: {  	[sflag:s10] =	ssyncadd.s32 $0xFFFFFC00  }
0x289: {  	[tilespmem:s26], [sflag:$0xD] =	stream.linear.gather [hbm4b:s0+s2], $0x400, $0x38;
	[tilespmem:$0x9800] =	vst v63  }
0x28a: {  	s6 =	smov.u32 s7;
	s7 =	smov.u32 s8;
	_ =	swait.ge [sflag:s29], $0x400  }
0x28b: {  	s8 =	smov.u32 s13;
	s13 =	smov.u32 s14;
	[sflag:s29] =	ssyncset.done $0x0  }
0x28c: {  	s14 =	smov.u32 s15;
	s15 =	simm.s32 $0x4800;
	[sflag:s29] =	ssyncadd.s32 $0xFFFFFC00  }
0x28d: {  	[tilespmem:s15], [sflag:$0x4] =	stream.indirect.gather [hbm4b:s3+s26], $0x10, s26, s26, $0xb8;
	[tilespmem:$0x9800] =	vst v63  }
0x28e: {  	_ = 	snop  }
0x28f: {  	[tilespmem:s16], [sflag:$0x5] =	stream.indirect.gather [hbm4b:s4+s26], $0x1, s26, s26, $0xb8;
	[tilespmem:$0x9800] =	vst v63  }
0x290: {  	_ = 	snop  }
0x291: {  	[tilespmem:s17], [sflag:$0x6] =	stream.indirect.gather [hbm4b:s5+s26], $0x1, s26, s26, $0xb8;
	[tilespmem:$0x9800] =	vst v63  }
0x292: {  	_ =	swait.ge [sflag:s31], $0x4000  }
0x293: {  	[sflag:s31] =	ssyncset.done $0x0  }
0x294: {  	[sflag:s31] =	ssyncadd.s32 $0xFFFFC000  }
0x295: {  	_ =	swait.ge [sflag:s30], $0x400  }
0x296: {  	[sflag:s30] =	ssyncset.done $0x0  }
0x297: {  	[sflag:s30] =	ssyncadd.s32 $0xFFFFFC00  }
0x298: {  	_ =	swait.ge [sflag:s25], $0x400  }
0x299: {  	s0 =	sld [smem:$0x7FD]  }
0x29a: {  	[sflag:s25] =	ssyncset.done $0x0  }
0x29b: {  	[sflag:s25] =	ssyncadd.s32 $0xFFFFFC00  }
0x29c: {  	[hbm4b:s0+s2] =	stream.linear.scatter [tilespmem:s20], [sflag:$0x7], $0x4000, $0x38;
	[tilespmem:$0x9800] =	vst v63  }
0x29d: {  	_ = 	snop  }
0x29e: {  	[hbm4b:s13+s2] =	stream.linear.scatter [tilespmem:s21], [sflag:$0x8], $0x400, $0x38;
	[tilespmem:$0x9800] =	vst v63  }
0x29f: {  	_ = 	snop  }
0x2a0: {  	[hbm4b:s14+s2] =	stream.linear.scatter [tilespmem:s22], [sflag:$0x9], $0x400, $0x38;
	[tilespmem:$0x9800] =	vst v63  }
0x2a1: {  	_ =	swait.ge [sflag:s28], $0x4000  }
0x2a2: {  	[sflag:s28] =	ssyncset.done $0x0  }
0x2a3: {  	[sflag:s28] =	ssyncadd.s32 $0xFFFFC000  }
0x2a4: {  	_ =	swait.ge [sflag:s24], $0x400  }
0x2a5: {  	[sflag:s24] =	ssyncset.done $0x0  }
0x2a6: {  	[sflag:s24] =	ssyncadd.s32 $0xFFFFFC00  }
0x2a7: {  	_ =	swait.ge [sflag:s23], $0x400  }
0x2a8: {  	[sflag:s23] =	ssyncset.done $0x0  }
0x2a9: {  	[sflag:s23] =	ssyncadd.s32 $0xFFFFFC00  }
0x2aa: {  	[hbm4b:s6+s2] =	stream.linear.scatter [tilespmem:s15], [sflag:$0xA], $0x4000, $0x38;
	[tilespmem:$0x9800] =	vst v63  }
0x2ab: {  	_ = 	snop  }
0x2ac: {  	[hbm4b:s7+s2] =	stream.linear.scatter [tilespmem:s16], [sflag:$0xB], $0x400, $0x38;
	[tilespmem:$0x9800] =	vst v63  }
0x2ad: {  	_ = 	snop  }
0x2ae: {  	[hbm4b:s8+s2] =	stream.linear.scatter [tilespmem:s17], [sflag:$0xC], $0x400, $0x38;
	[tilespmem:$0x9800] =	vst v63  }
0x2af: {  	_ =	swait.ge [sflag:s18], $0x4000  }
0x2b0: {  	[sflag:s18] =	ssyncset.done $0x0  }
0x2b1: {  	[sflag:s18] =	ssyncadd.s32 $0xFFFFC000  }
0x2b2: {  	_ =	swait.ge [sflag:s11], $0x400  }
0x2b3: {  	[sflag:s11] =	ssyncset.done $0x0  }
0x2b4: {  	[sflag:s11] =	ssyncadd.s32 $0xFFFFFC00  }
0x2b5: {  	_ =	swait.ge [sflag:s9], $0x400  }
0x2b6: {  	[sflag:s9] =	ssyncset.done $0x0  }
0x2b7: {  	[sflag:s9] =	ssyncadd.s32 $0xFFFFFC00  }
0x2b8: {  	_ =	swait.ge [sflag:s19], $0x4000  }
0x2b9: {  	[sflag:s19] =	ssyncset.done $0x0  }
0x2ba: {  	p1 =	sne.s32 s1, $0x1;
	[sflag:s19] =	ssyncadd.s32 $0xFFFFC000  }
.Ltmp2:
0x2bb: {  	_ =	swait.ge [sflag:s12], $0x400;
	(pc) =	sbr.rel @p1 .LBB2_2-.Ltmp2, $4  }
0x2bc: {  	[sflag:s12] =	ssyncset.done $0x0  }
0x2bd: {  	[sflag:s12] =	ssyncadd.s32 $0xFFFFFC00  }
0x2be: {  	_ =	swait.ge [sflag:s10], $0x400  }
0x2bf: {  	s1 =	sadd.s32 $0xFFFFFFFF, s1;
	s0 =	rddreg [dreg:$0x3];
	[sflag:s10] =	ssyncset.done $0x0  }
.LBB2_3:
0x2c0: {  	[sflag:s10] =	ssyncadd.s32 @p0 $0xFFFFFC00  }
0x2c1: {  	[tilespmem:s2], [sflag:$0xD] =	stream.linear.gather [hbm4b:s0+s2], $0x400, $0x38;
	[tilespmem:$0x9800] =	vst v63  }
0x2c2: {  	_ =	swait.ge [sflag:s29], $0x400  }
0x2c3: {  	[sflag:s29] =	ssyncset.done $0x0  }
0x2c4: {  	[sflag:s29] =	ssyncadd.s32 $0xFFFFFC00  }
0x2c5: {  	[tilespmem:s20], [sflag:$0x1] =	stream.indirect.gather [hbm4b:s3+s26], $0x10, s2, s26, $0xb8;
	[tilespmem:$0x9800] =	vst v63  }
0x2c6: {  	_ = 	snop  }
0x2c7: {  	[tilespmem:s21], [sflag:$0x2] =	stream.indirect.gather [hbm4b:s4+s26], $0x1, s2, s26, $0xb8;
	[tilespmem:$0x9800] =	vst v63  }
0x2c8: {  	_ = 	snop  }
0x2c9: {  	[tilespmem:s22], [sflag:$0x3] =	stream.indirect.gather [hbm4b:s5+s26], $0x1, s2, s26, $0xb8;
	[tilespmem:$0x9800] =	vst v63  }
0x2ca: {  	s1 =	rddreg [dreg:$0x4]  }
0x2cb: {  	[tilespmem:s26], [sflag:$0xD] =	stream.linear.gather [hbm4b:s1+s2], $0x400, $0x38;
	[tilespmem:$0x9800] =	vst v63  }
0x2cc: {  	_ =	swait.ge [sflag:s29], $0x400  }
0x2cd: {  	[sflag:s29] =	ssyncset.done $0x0  }
0x2ce: {  	[sflag:s29] =	ssyncadd.s32 $0xFFFFFC00  }
0x2cf: {  	[tilespmem:s15], [sflag:$0x4] =	stream.indirect.gather [hbm4b:s3+s26], $0x10, s26, s26, $0xb8;
	[tilespmem:$0x9800] =	vst v63  }
0x2d0: {  	_ = 	snop  }
0x2d1: {  	[tilespmem:s16], [sflag:$0x5] =	stream.indirect.gather [hbm4b:s4+s26], $0x1, s26, s26, $0xb8;
	[tilespmem:$0x9800] =	vst v63  }
0x2d2: {  	_ = 	snop  }
0x2d3: {  	[tilespmem:s17], [sflag:$0x6] =	stream.indirect.gather [hbm4b:s5+s26], $0x1, s26, s26, $0xb8;
	[tilespmem:$0x9800] =	vst v63  }
0x2d4: {  	_ =	swait.ge [sflag:s31], $0x4000  }
0x2d5: {  	[sflag:s31] =	ssyncset.done $0x0  }
0x2d6: {  	[sflag:s31] =	ssyncadd.s32 $0xFFFFC000  }
0x2d7: {  	_ =	swait.ge [sflag:s30], $0x400  }
0x2d8: {  	[sflag:s30] =	ssyncset.done $0x0  }
0x2d9: {  	[sflag:s30] =	ssyncadd.s32 $0xFFFFFC00  }
0x2da: {  	_ =	swait.ge [sflag:s25], $0x400  }
0x2db: {  	[sflag:s25] =	ssyncset.done $0x0  }
0x2dc: {  	s0 =	rddreg [dreg:$0x5];
	[sflag:s25] =	ssyncadd.s32 $0xFFFFFC00  }
0x2dd: {  	[hbm4b:s0+s2] =	stream.linear.scatter [tilespmem:s20], [sflag:$0x7], $0x4000, $0x38;
	[tilespmem:$0x9800] =	vst v63  }
0x2de: {  	s1 =	rddreg [dreg:$0x6]  }
0x2df: {  	[hbm4b:s1+s2] =	stream.linear.scatter [tilespmem:s21], [sflag:$0x8], $0x400, $0x38;
	[tilespmem:$0x9800] =	vst v63  }
0x2e0: {  	s0 =	rddreg [dreg:$0x7]  }
0x2e1: {  	[hbm4b:s0+s2] =	stream.linear.scatter [tilespmem:s22], [sflag:$0x9], $0x400, $0x38;
	[tilespmem:$0x9800] =	vst v63  }
0x2e2: {  	_ =	swait.ge [sflag:s18], $0x4000  }
0x2e3: {  	[sflag:s18] =	ssyncset.done $0x0  }
0x2e4: {  	[sflag:s18] =	ssyncadd.s32 $0xFFFFC000  }
0x2e5: {  	_ =	swait.ge [sflag:s11], $0x400  }
0x2e6: {  	[sflag:s11] =	ssyncset.done $0x0  }
0x2e7: {  	[sflag:s11] =	ssyncadd.s32 $0xFFFFFC00  }
0x2e8: {  	_ =	swait.ge [sflag:s9], $0x400  }
0x2e9: {  	[sflag:s9] =	ssyncset.done $0x0  }
0x2ea: {  	s1 =	rddreg [dreg:$0x8];
	[sflag:s9] =	ssyncadd.s32 $0xFFFFFC00  }
0x2eb: {  	[tilespmem:s2], [sflag:$0xD] =	stream.linear.gather [hbm4b:s1+s2], $0x400, $0x38;
	[tilespmem:$0x9800] =	vst v63  }
0x2ec: {  	_ =	swait.ge [sflag:s29], $0x400  }
0x2ed: {  	[sflag:s29] =	ssyncset.done $0x0  }
0x2ee: {  	[sflag:s29] =	ssyncadd.s32 $0xFFFFFC00  }
0x2ef: {  	[tilespmem:s20], [sflag:$0x1] =	stream.indirect.gather [hbm4b:s3+s26], $0x10, s2, s26, $0xb8;
	[tilespmem:$0x9800] =	vst v63  }
0x2f0: {  	_ = 	snop  }
0x2f1: {  	[tilespmem:s21], [sflag:$0x2] =	stream.indirect.gather [hbm4b:s4+s26], $0x1, s2, s26, $0xb8;
	[tilespmem:$0x9800] =	vst v63  }
0x2f2: {  	_ = 	snop  }
0x2f3: {  	[tilespmem:s22], [sflag:$0x3] =	stream.indirect.gather [hbm4b:s5+s26], $0x1, s2, s26, $0xb8;
	[tilespmem:$0x9800] =	vst v63  }
0x2f4: {  	_ =	swait.ge [sflag:s28], $0x4000  }
0x2f5: {  	[sflag:s28] =	ssyncset.done $0x0  }
0x2f6: {  	[sflag:s28] =	ssyncadd.s32 $0xFFFFC000  }
0x2f7: {  	_ =	swait.ge [sflag:s24], $0x400  }
0x2f8: {  	[sflag:s24] =	ssyncset.done $0x0  }
0x2f9: {  	[sflag:s24] =	ssyncadd.s32 $0xFFFFFC00  }
0x2fa: {  	_ =	swait.ge [sflag:s23], $0x400  }
0x2fb: {  	[sflag:s23] =	ssyncset.done $0x0  }
0x2fc: {  	s0 =	rddreg [dreg:$0x9];
	[sflag:s23] =	ssyncadd.s32 $0xFFFFFC00  }
0x2fd: {  	[hbm4b:s0+s2] =	stream.linear.scatter [tilespmem:s15], [sflag:$0xA], $0x4000, $0x38;
	[tilespmem:$0x9800] =	vst v63  }
0x2fe: {  	s1 =	rddreg [dreg:$0xa]  }
0x2ff: {  	[hbm4b:s1+s2] =	stream.linear.scatter [tilespmem:s16], [sflag:$0xB], $0x400, $0x38;
	[tilespmem:$0x9800] =	vst v63  }
0x300: {  	s0 =	rddreg [dreg:$0xb]  }
0x301: {  	[hbm4b:s0+s2] =	stream.linear.scatter [tilespmem:s17], [sflag:$0xC], $0x400, $0x38;
	[tilespmem:$0x9800] =	vst v63  }
0x302: {  	_ =	swait.ge [sflag:s19], $0x4000  }
0x303: {  	[sflag:s19] =	ssyncset.done $0x0  }
0x304: {  	[sflag:s19] =	ssyncadd.s32 $0xFFFFC000  }
0x305: {  	_ =	swait.ge [sflag:s12], $0x400  }
0x306: {  	[sflag:s12] =	ssyncset.done $0x0  }
0x307: {  	[sflag:s12] =	ssyncadd.s32 $0xFFFFFC00  }
0x308: {  	_ =	swait.ge [sflag:s10], $0x400  }
0x309: {  	[sflag:s10] =	ssyncset.done $0x0  }
0x30a: {  	s1 =	rddreg [dreg:$0xc];
	[sflag:s10] =	ssyncadd.s32 $0xFFFFFC00  }
0x30b: {  	[tilespmem:s26], [sflag:$0xD] =	stream.linear.gather [hbm4b:s1+s2], $0x400, $0x38;
	[tilespmem:$0x9800] =	vst v63  }
0x30c: {  	_ =	swait.ge [sflag:s29], $0x400  }
0x30d: {  	[sflag:s29] =	ssyncset.done $0x0  }
0x30e: {  	[sflag:s29] =	ssyncadd.s32 $0xFFFFFC00  }
0x30f: {  	[tilespmem:s15], [sflag:$0x4] =	stream.indirect.gather [hbm4b:s3+s26], $0x10, s26, s26, $0xb8;
	[tilespmem:$0x9800] =	vst v63  }
0x310: {  	_ = 	snop  }
0x311: {  	[tilespmem:s16], [sflag:$0x5] =	stream.indirect.gather [hbm4b:s4+s26], $0x1, s26, s26, $0xb8;
	[tilespmem:$0x9800] =	vst v63  }
0x312: {  	_ = 	snop  }
0x313: {  	[tilespmem:s17], [sflag:$0x6] =	stream.indirect.gather [hbm4b:s5+s26], $0x1, s26, s26, $0xb8;
	[tilespmem:$0x9800] =	vst v63  }
0x314: {  	_ =	swait.ge [sflag:s31], $0x4000  }
0x315: {  	[sflag:s31] =	ssyncset.done $0x0  }
0x316: {  	[sflag:s31] =	ssyncadd.s32 $0xFFFFC000  }
0x317: {  	_ =	swait.ge [sflag:s30], $0x400  }
0x318: {  	[sflag:s30] =	ssyncset.done $0x0  }
0x319: {  	[sflag:s30] =	ssyncadd.s32 $0xFFFFFC00  }
0x31a: {  	_ =	swait.ge [sflag:s25], $0x400  }
0x31b: {  	[sflag:s25] =	ssyncset.done $0x0  }
0x31c: {  	s0 =	rddreg [dreg:$0xd];
	[sflag:s25] =	ssyncadd.s32 $0xFFFFFC00  }
0x31d: {  	[hbm4b:s0+s2] =	stream.linear.scatter [tilespmem:s20], [sflag:$0x7], $0x4000, $0x38;
	[tilespmem:$0x9800] =	vst v63  }
0x31e: {  	s1 =	rddreg [dreg:$0xe]  }
0x31f: {  	[hbm4b:s1+s2] =	stream.linear.scatter [tilespmem:s21], [sflag:$0x8], $0x400, $0x38;
	[tilespmem:$0x9800] =	vst v63  }
0x320: {  	s0 =	rddreg [dreg:$0xf]  }
0x321: {  	[hbm4b:s0+s2] =	stream.linear.scatter [tilespmem:s22], [sflag:$0x9], $0x400, $0x38;
	[tilespmem:$0x9800] =	vst v63  }
0x322: {  	_ =	swait.ge [sflag:s18], $0x4000  }
0x323: {  	[sflag:s18] =	ssyncset.done $0x0  }
0x324: {  	[sflag:s18] =	ssyncadd.s32 $0xFFFFC000  }
0x325: {  	_ =	swait.ge [sflag:s11], $0x400  }
0x326: {  	[sflag:s11] =	ssyncset.done $0x0  }
0x327: {  	[sflag:s11] =	ssyncadd.s32 $0xFFFFFC00  }
0x328: {  	_ =	swait.ge [sflag:s9], $0x400  }
0x329: {  	[sflag:s9] =	ssyncset.done $0x0  }
0x32a: {  	s1 =	rddreg [dreg:$0x10];
	[sflag:s9] =	ssyncadd.s32 $0xFFFFFC00  }
0x32b: {  	[tilespmem:s2], [sflag:$0xD] =	stream.linear.gather [hbm4b:s1+s2], $0x400, $0x38;
	[tilespmem:$0x9800] =	vst v63  }
0x32c: {  	_ =	swait.ge [sflag:s29], $0x400  }
0x32d: {  	[sflag:s29] =	ssyncset.done $0x0  }
0x32e: {  	[sflag:s29] =	ssyncadd.s32 $0xFFFFFC00  }
0x32f: {  	[tilespmem:s20], [sflag:$0x1] =	stream.indirect.gather [hbm4b:s3+s26], $0x10, s2, s26, $0xb8;
	[tilespmem:$0x9800] =	vst v63  }
0x330: {  	_ = 	snop  }
0x331: {  	[tilespmem:s21], [sflag:$0x2] =	stream.indirect.gather [hbm4b:s4+s26], $0x1, s2, s26, $0xb8;
	[tilespmem:$0x9800] =	vst v63  }
0x332: {  	_ = 	snop  }
0x333: {  	[tilespmem:s22], [sflag:$0x3] =	stream.indirect.gather [hbm4b:s5+s26], $0x1, s2, s26, $0xb8;
	[tilespmem:$0x9800] =	vst v63  }
0x334: {  	_ =	swait.ge [sflag:s28], $0x4000  }
0x335: {  	[sflag:s28] =	ssyncset.done $0x0  }
0x336: {  	[sflag:s28] =	ssyncadd.s32 $0xFFFFC000  }
0x337: {  	_ =	swait.ge [sflag:s24], $0x400  }
0x338: {  	[sflag:s24] =	ssyncset.done $0x0  }
0x339: {  	[sflag:s24] =	ssyncadd.s32 $0xFFFFFC00  }
0x33a: {  	_ =	swait.ge [sflag:s23], $0x400  }
0x33b: {  	[sflag:s23] =	ssyncset.done $0x0  }
0x33c: {  	s0 =	rddreg [dreg:$0x11];
	[sflag:s23] =	ssyncadd.s32 $0xFFFFFC00  }
0x33d: {  	[hbm4b:s0+s2] =	stream.linear.scatter [tilespmem:s15], [sflag:$0xA], $0x4000, $0x38;
	[tilespmem:$0x9800] =	vst v63  }
0x33e: {  	s1 =	rddreg [dreg:$0x12]  }
0x33f: {  	[hbm4b:s1+s2] =	stream.linear.scatter [tilespmem:s16], [sflag:$0xB], $0x400, $0x38;
	[tilespmem:$0x9800] =	vst v63  }
0x340: {  	s0 =	rddreg [dreg:$0x13]  }
0x341: {  	[hbm4b:s0+s2] =	stream.linear.scatter [tilespmem:s17], [sflag:$0xC], $0x400, $0x38;
	[tilespmem:$0x9800] =	vst v63  }
0x342: {  	_ =	swait.ge [sflag:s19], $0x4000  }
0x343: {  	[sflag:s19] =	ssyncset.done $0x0  }
0x344: {  	[sflag:s19] =	ssyncadd.s32 $0xFFFFC000  }
0x345: {  	_ =	swait.ge [sflag:s12], $0x400  }
0x346: {  	[sflag:s12] =	ssyncset.done $0x0  }
0x347: {  	[sflag:s12] =	ssyncadd.s32 $0xFFFFFC00  }
0x348: {  	_ =	swait.ge [sflag:s10], $0x400  }
0x349: {  	[sflag:s10] =	ssyncset.done $0x0  }
0x34a: {  	s1 =	rddreg [dreg:$0x14];
	[sflag:s10] =	ssyncadd.s32 $0xFFFFFC00  }
0x34b: {  	[tilespmem:s26], [sflag:$0xD] =	stream.linear.gather [hbm4b:s1+s2], $0x400, $0x38;
	[tilespmem:$0x9800] =	vst v63  }
0x34c: {  	_ =	swait.ge [sflag:s29], $0x400  }
0x34d: {  	[sflag:s29] =	ssyncset.done $0x0  }
0x34e: {  	[sflag:s29] =	ssyncadd.s32 $0xFFFFFC00  }
0x34f: {  	[tilespmem:s15], [sflag:$0x4] =	stream.indirect.gather [hbm4b:s3+s26], $0x10, s26, s26, $0xb8;
	[tilespmem:$0x9800] =	vst v63  }
0x350: {  	_ = 	snop  }
0x351: {  	[tilespmem:s16], [sflag:$0x5] =	stream.indirect.gather [hbm4b:s4+s26], $0x1, s26, s26, $0xb8;
	[tilespmem:$0x9800] =	vst v63  }
0x352: {  	_ = 	snop  }
0x353: {  	[tilespmem:s17], [sflag:$0x6] =	stream.indirect.gather [hbm4b:s5+s26], $0x1, s26, s26, $0xb8;
	[tilespmem:$0x9800] =	vst v63  }
0x354: {  	_ =	swait.ge [sflag:s31], $0x4000  }
0x355: {  	[sflag:s31] =	ssyncset.done $0x0  }
0x356: {  	[sflag:s31] =	ssyncadd.s32 $0xFFFFC000  }
0x357: {  	_ =	swait.ge [sflag:s30], $0x400  }
0x358: {  	[sflag:s30] =	ssyncset.done $0x0  }
0x359: {  	[sflag:s30] =	ssyncadd.s32 $0xFFFFFC00  }
0x35a: {  	_ =	swait.ge [sflag:s25], $0x400  }
0x35b: {  	[sflag:s25] =	ssyncset.done $0x0  }
0x35c: {  	s0 =	rddreg [dreg:$0x15];
	[sflag:s25] =	ssyncadd.s32 $0xFFFFFC00  }
0x35d: {  	[hbm4b:s0+s2] =	stream.linear.scatter [tilespmem:s20], [sflag:$0x7], $0x4000, $0x38;
	[tilespmem:$0x9800] =	vst v63  }
0x35e: {  	s1 =	rddreg [dreg:$0x16]  }
0x35f: {  	[hbm4b:s1+s2] =	stream.linear.scatter [tilespmem:s21], [sflag:$0x8], $0x400, $0x38;
	[tilespmem:$0x9800] =	vst v63  }
0x360: {  	s0 =	rddreg [dreg:$0x17]  }
0x361: {  	[hbm4b:s0+s2] =	stream.linear.scatter [tilespmem:s22], [sflag:$0x9], $0x400, $0x38;
	[tilespmem:$0x9800] =	vst v63  }
0x362: {  	_ =	swait.ge [sflag:s18], $0x4000  }
0x363: {  	[sflag:s18] =	ssyncset.done $0x0  }
0x364: {  	[sflag:s18] =	ssyncadd.s32 $0xFFFFC000  }
0x365: {  	_ =	swait.ge [sflag:s11], $0x400  }
0x366: {  	[sflag:s11] =	ssyncset.done $0x0  }
0x367: {  	[sflag:s11] =	ssyncadd.s32 $0xFFFFFC00  }
0x368: {  	_ =	swait.ge [sflag:s9], $0x400  }
0x369: {  	[sflag:s9] =	ssyncset.done $0x0  }
0x36a: {  	s1 =	rddreg [dreg:$0x18];
	[sflag:s9] =	ssyncadd.s32 $0xFFFFFC00  }
0x36b: {  	[tilespmem:s2], [sflag:$0xD] =	stream.linear.gather [hbm4b:s1+s2], $0x400, $0x38;
	[tilespmem:$0x9800] =	vst v63  }
0x36c: {  	_ =	swait.ge [sflag:s29], $0x400  }
0x36d: {  	[sflag:s29] =	ssyncset.done $0x0  }
0x36e: {  	[sflag:s29] =	ssyncadd.s32 $0xFFFFFC00  }
0x36f: {  	[tilespmem:s20], [sflag:$0x1] =	stream.indirect.gather [hbm4b:s3+s26], $0x10, s2, s26, $0xb8;
	[tilespmem:$0x9800] =	vst v63  }
0x370: {  	_ = 	snop  }
0x371: {  	[tilespmem:s21], [sflag:$0x2] =	stream.indirect.gather [hbm4b:s4+s26], $0x1, s2, s26, $0xb8;
	[tilespmem:$0x9800] =	vst v63  }
0x372: {  	_ = 	snop  }
0x373: {  	[tilespmem:s22], [sflag:$0x3] =	stream.indirect.gather [hbm4b:s5+s26], $0x1, s2, s26, $0xb8;
	[tilespmem:$0x9800] =	vst v63  }
0x374: {  	_ =	swait.ge [sflag:s28], $0x4000  }
0x375: {  	[sflag:s28] =	ssyncset.done $0x0  }
0x376: {  	[sflag:s28] =	ssyncadd.s32 $0xFFFFC000  }
0x377: {  	_ =	swait.ge [sflag:s24], $0x400  }
0x378: {  	[sflag:s24] =	ssyncset.done $0x0  }
0x379: {  	[sflag:s24] =	ssyncadd.s32 $0xFFFFFC00  }
0x37a: {  	_ =	swait.ge [sflag:s23], $0x400  }
0x37b: {  	[sflag:s23] =	ssyncset.done $0x0  }
0x37c: {  	s0 =	rddreg [dreg:$0x19];
	[sflag:s23] =	ssyncadd.s32 $0xFFFFFC00  }
0x37d: {  	[hbm4b:s0+s2] =	stream.linear.scatter [tilespmem:s15], [sflag:$0xA], $0x4000, $0x38;
	[tilespmem:$0x9800] =	vst v63  }
0x37e: {  	s1 =	rddreg [dreg:$0x1a]  }
0x37f: {  	[hbm4b:s1+s2] =	stream.linear.scatter [tilespmem:s16], [sflag:$0xB], $0x400, $0x38;
	[tilespmem:$0x9800] =	vst v63  }
0x380: {  	s0 =	rddreg [dreg:$0x1b]  }
0x381: {  	[hbm4b:s0+s2] =	stream.linear.scatter [tilespmem:s17], [sflag:$0xC], $0x400, $0x38;
	[tilespmem:$0x9800] =	vst v63  }
0x382: {  	_ =	swait.ge [sflag:s19], $0x4000  }
0x383: {  	[sflag:s19] =	ssyncset.done $0x0  }
0x384: {  	[sflag:s19] =	ssyncadd.s32 $0xFFFFC000  }
0x385: {  	_ =	swait.ge [sflag:s12], $0x400  }
0x386: {  	[sflag:s12] =	ssyncset.done $0x0  }
0x387: {  	[sflag:s12] =	ssyncadd.s32 $0xFFFFFC00  }
0x388: {  	_ =	swait.ge [sflag:s10], $0x400  }
0x389: {  	[sflag:s10] =	ssyncset.done $0x0  }
0x38a: {  	s1 =	rddreg [dreg:$0x1c];
	[sflag:s10] =	ssyncadd.s32 $0xFFFFFC00  }
0x38b: {  	[tilespmem:s26], [sflag:$0xD] =	stream.linear.gather [hbm4b:s1+s2], $0x400, $0x38;
	[tilespmem:$0x9800] =	vst v63  }
0x38c: {  	_ =	swait.ge [sflag:s29], $0x400  }
0x38d: {  	[sflag:s29] =	ssyncset.done $0x0  }
0x38e: {  	[sflag:s29] =	ssyncadd.s32 $0xFFFFFC00  }
0x38f: {  	[tilespmem:s15], [sflag:$0x4] =	stream.indirect.gather [hbm4b:s3+s26], $0x10, s26, s26, $0xb8;
	[tilespmem:$0x9800] =	vst v63  }
0x390: {  	_ = 	snop  }
0x391: {  	[tilespmem:s16], [sflag:$0x5] =	stream.indirect.gather [hbm4b:s4+s26], $0x1, s26, s26, $0xb8;
	[tilespmem:$0x9800] =	vst v63  }
0x392: {  	_ = 	snop  }
0x393: {  	[tilespmem:s17], [sflag:$0x6] =	stream.indirect.gather [hbm4b:s5+s26], $0x1, s26, s26, $0xb8;
	[tilespmem:$0x9800] =	vst v63  }
0x394: {  	_ =	swait.ge [sflag:s31], $0x4000  }
0x395: {  	[sflag:s31] =	ssyncset.done $0x0  }
0x396: {  	[sflag:s31] =	ssyncadd.s32 $0xFFFFC000  }
0x397: {  	_ =	swait.ge [sflag:s30], $0x400  }
0x398: {  	[sflag:s30] =	ssyncset.done $0x0  }
0x399: {  	[sflag:s30] =	ssyncadd.s32 $0xFFFFFC00  }
0x39a: {  	_ =	swait.ge [sflag:s25], $0x400  }
0x39b: {  	[sflag:s25] =	ssyncset.done $0x0  }
0x39c: {  	s0 =	rddreg [dreg:$0x1d];
	[sflag:s25] =	ssyncadd.s32 $0xFFFFFC00  }
0x39d: {  	[hbm4b:s0+s2] =	stream.linear.scatter [tilespmem:s20], [sflag:$0x7], $0x4000, $0x38;
	[tilespmem:$0x9800] =	vst v63  }
0x39e: {  	s1 =	rddreg [dreg:$0x1e]  }
0x39f: {  	[hbm4b:s1+s2] =	stream.linear.scatter [tilespmem:s21], [sflag:$0x8], $0x400, $0x38;
	[tilespmem:$0x9800] =	vst v63  }
0x3a0: {  	s0 =	rddreg [dreg:$0x1f]  }
0x3a1: {  	[hbm4b:s0+s2] =	stream.linear.scatter [tilespmem:s22], [sflag:$0x9], $0x400, $0x38;
	[tilespmem:$0x9800] =	vst v63  }
0x3a2: {  	_ =	swait.ge [sflag:s18], $0x4000  }
0x3a3: {  	[sflag:s18] =	ssyncset.done $0x0  }
0x3a4: {  	[sflag:s18] =	ssyncadd.s32 $0xFFFFC000  }
0x3a5: {  	_ =	swait.ge [sflag:s11], $0x400  }
0x3a6: {  	[sflag:s11] =	ssyncset.done $0x0  }
0x3a7: {  	[sflag:s11] =	ssyncadd.s32 $0xFFFFFC00  }
0x3a8: {  	_ =	swait.ge [sflag:s9], $0x400  }
0x3a9: {  	s1 =	sld [smem:$0x7F8]  }
0x3aa: {  	[sflag:s9] =	ssyncset.done $0x0  }
0x3ab: {  	[sflag:s9] =	ssyncadd.s32 $0xFFFFFC00  }
0x3ac: {  	[tilespmem:s2], [sflag:$0xD] =	stream.linear.gather [hbm4b:s1+s2], $0x400, $0x38;
	[tilespmem:$0x9800] =	vst v63  }
0x3ad: {  	_ =	swait.ge [sflag:s29], $0x400  }
0x3ae: {  	[sflag:s29] =	ssyncset.done $0x0  }
0x3af: {  	[sflag:s29] =	ssyncadd.s32 $0xFFFFFC00  }
0x3b0: {  	[tilespmem:s20], [sflag:$0x1] =	stream.indirect.gather [hbm4b:s3+s26], $0x10, s2, s26, $0xb8;
	[tilespmem:$0x9800] =	vst v63  }
0x3b1: {  	_ = 	snop  }
0x3b2: {  	[tilespmem:s21], [sflag:$0x2] =	stream.indirect.gather [hbm4b:s4+s26], $0x1, s2, s26, $0xb8;
	[tilespmem:$0x9800] =	vst v63  }
0x3b3: {  	_ = 	snop  }
0x3b4: {  	[tilespmem:s22], [sflag:$0x3] =	stream.indirect.gather [hbm4b:s5+s26], $0x1, s2, s26, $0xb8;
	[tilespmem:$0x9800] =	vst v63  }
0x3b5: {  	_ =	swait.ge [sflag:s28], $0x4000  }
0x3b6: {  	[sflag:s28] =	ssyncset.done $0x0  }
0x3b7: {  	[sflag:s28] =	ssyncadd.s32 $0xFFFFC000  }
0x3b8: {  	_ =	swait.ge [sflag:s24], $0x400  }
0x3b9: {  	[sflag:s24] =	ssyncset.done $0x0  }
0x3ba: {  	[sflag:s24] =	ssyncadd.s32 $0xFFFFFC00  }
0x3bb: {  	_ =	swait.ge [sflag:s23], $0x400  }
0x3bc: {  	s0 =	sld [smem:$0x7F9]  }
0x3bd: {  	[sflag:s23] =	ssyncset.done $0x0  }
0x3be: {  	s1 =	sld [smem:$0x7FA];
	[sflag:s23] =	ssyncadd.s32 $0xFFFFFC00  }
0x3bf: {  	[hbm4b:s0+s2] =	stream.linear.scatter [tilespmem:s15], [sflag:$0xA], $0x4000, $0x38;
	[tilespmem:$0x9800] =	vst v63  }
0x3c0: {  	s0 =	sld [smem:$0x7FB]  }
0x3c1: {  	[hbm4b:s1+s2] =	stream.linear.scatter [tilespmem:s16], [sflag:$0xB], $0x400, $0x38;
	[tilespmem:$0x9800] =	vst v63  }
0x3c2: {  	_ = 	snop  }
0x3c3: {  	[hbm4b:s0+s2] =	stream.linear.scatter [tilespmem:s17], [sflag:$0xC], $0x400, $0x38;
	[tilespmem:$0x9800] =	vst v63  }
0x3c4: {  	_ =	swait.ge [sflag:s19], $0x4000  }
0x3c5: {  	[sflag:s19] =	ssyncset.done $0x0  }
0x3c6: {  	[sflag:s19] =	ssyncadd.s32 $0xFFFFC000  }
0x3c7: {  	_ =	swait.ge [sflag:s12], $0x400  }
0x3c8: {  	[sflag:s12] =	ssyncset.done $0x0  }
0x3c9: {  	[sflag:s12] =	ssyncadd.s32 $0xFFFFFC00  }
0x3ca: {  	_ =	swait.ge [sflag:s10], $0x400  }
0x3cb: {  	s1 =	sld [smem:$0x7FC]  }
0x3cc: {  	[sflag:s10] =	ssyncset.done $0x0  }
0x3cd: {  	[sflag:s10] =	ssyncadd.s32 $0xFFFFFC00  }
0x3ce: {  	[tilespmem:s26], [sflag:$0xD] =	stream.linear.gather [hbm4b:s1+s2], $0x400, $0x38;
	[tilespmem:$0x9800] =	vst v63  }
0x3cf: {  	_ =	swait.ge [sflag:s29], $0x400  }
0x3d0: {  	[sflag:s29] =	ssyncset.done $0x0  }
0x3d1: {  	[sflag:s29] =	ssyncadd.s32 $0xFFFFFC00  }
0x3d2: {  	[tilespmem:s15], [sflag:$0x4] =	stream.indirect.gather [hbm4b:s3+s26], $0x10, s26, s26, $0xb8;
	[tilespmem:$0x9800] =	vst v63  }
0x3d3: {  	_ = 	snop  }
0x3d4: {  	[tilespmem:s16], [sflag:$0x5] =	stream.indirect.gather [hbm4b:s4+s26], $0x1, s26, s26, $0xb8;
	[tilespmem:$0x9800] =	vst v63  }
0x3d5: {  	_ = 	snop  }
0x3d6: {  	[tilespmem:s17], [sflag:$0x6] =	stream.indirect.gather [hbm4b:s5+s26], $0x1, s26, s26, $0xb8;
	[tilespmem:$0x9800] =	vst v63  }
0x3d7: {  	_ =	swait.ge [sflag:s31], $0x4000  }
0x3d8: {  	[sflag:s31] =	ssyncset.done $0x0  }
0x3d9: {  	[sflag:s31] =	ssyncadd.s32 $0xFFFFC000  }
0x3da: {  	_ =	swait.ge [sflag:s30], $0x400  }
0x3db: {  	[sflag:s30] =	ssyncset.done $0x0  }
0x3dc: {  	[sflag:s30] =	ssyncadd.s32 $0xFFFFFC00  }
0x3dd: {  	_ =	swait.ge [sflag:s25], $0x400  }
0x3de: {  	s30 =	sld [smem:$0x7FD]  }
0x3df: {  	[sflag:s25] =	ssyncset.done $0x0  }
0x3e0: {  	[sflag:s25] =	ssyncadd.s32 $0xFFFFFC00  }
0x3e1: {  	[hbm4b:s30+s2] =	stream.linear.scatter [tilespmem:s20], [sflag:$0x7], $0x4000, $0x38;
	[tilespmem:$0x9800] =	vst v63  }
0x3e2: {  	_ = 	snop  }
0x3e3: {  	[hbm4b:s13+s2] =	stream.linear.scatter [tilespmem:s21], [sflag:$0x8], $0x400, $0x38;
	[tilespmem:$0x9800] =	vst v63  }
0x3e4: {  	_ = 	snop  }
0x3e5: {  	[hbm4b:s14+s2] =	stream.linear.scatter [tilespmem:s22], [sflag:$0x9], $0x400, $0x38;
	[tilespmem:$0x9800] =	vst v63  }
0x3e6: {  	_ =	swait.ge [sflag:s28], $0x4000  }
0x3e7: {  	[sflag:s28] =	ssyncset.done $0x0  }
0x3e8: {  	[sflag:s28] =	ssyncadd.s32 $0xFFFFC000  }
0x3e9: {  	_ =	swait.ge [sflag:s24], $0x400  }
0x3ea: {  	[sflag:s24] =	ssyncset.done $0x0  }
0x3eb: {  	[sflag:s24] =	ssyncadd.s32 $0xFFFFFC00  }
0x3ec: {  	_ =	swait.ge [sflag:s23], $0x400  }
0x3ed: {  	[sflag:s23] =	ssyncset.done $0x0  }
0x3ee: {  	[sflag:s23] =	ssyncadd.s32 $0xFFFFFC00  }
0x3ef: {  	[hbm4b:s6+s2] =	stream.linear.scatter [tilespmem:s15], [sflag:$0xA], $0x4000, $0x38;
	[tilespmem:$0x9800] =	vst v63  }
0x3f0: {  	_ = 	snop  }
0x3f1: {  	[hbm4b:s7+s2] =	stream.linear.scatter [tilespmem:s16], [sflag:$0xB], $0x400, $0x38;
	[tilespmem:$0x9800] =	vst v63  }
0x3f2: {  	_ = 	snop  }
0x3f3: {  	[hbm4b:s8+s2] =	stream.linear.scatter [tilespmem:s17], [sflag:$0xC], $0x400, $0x38;
	[tilespmem:$0x9800] =	vst v63  }
0x3f4: {  	_ =	swait.ge [sflag:s18], $0x4000  }
0x3f5: {  	[sflag:s18] =	ssyncset.done $0x0  }
0x3f6: {  	[sflag:s18] =	ssyncadd.s32 $0xFFFFC000  }
0x3f7: {  	_ =	swait.ge [sflag:s11], $0x400  }
0x3f8: {  	[sflag:s11] =	ssyncset.done $0x0  }
0x3f9: {  	[sflag:s11] =	ssyncadd.s32 $0xFFFFFC00  }
0x3fa: {  	_ =	swait.ge [sflag:s9], $0x400  }
0x3fb: {  	[sflag:s9] =	ssyncset.done $0x0  }
0x3fc: {  	[sflag:s9] =	ssyncadd.s32 $0xFFFFFC00  }
0x3fd: {  	_ =	swait.ge [sflag:s19], $0x4000  }
0x3fe: {  	[sflag:s19] =	ssyncset.done $0x0  }
0x3ff: {  	[sflag:s19] =	ssyncadd.s32 $0xFFFFC000  }
0x400: {  	_ =	swait.ge [sflag:s12], $0x400  }
0x401: {  	[sflag:s12] =	ssyncset.done $0x0  }
0x402: {  	[sflag:s12] =	ssyncadd.s32 $0xFFFFFC00  }
0x403: {  	_ =	swait.ge [sflag:s10], $0x400  }
0x404: {  	[sflag:s10] =	ssyncset.done $0x0  }
0x405: {  	[sflag:s10] =	ssyncadd.s32 $0xFFFFFC00  }
0x406: {  	_ =	sfence.sel $0x180000  }
0x407: {  	[bflag:$0x0] =	sbarrier.arrive $0xFFFF  }
0x408: {  	_ =	strace $0x9000004A  }
0x409: {  	s31 =	stileid.u32;
	[bflag:$0x2] =	sbarrier.arrive $0xFFFF  }
0x40a: {  	p0 =	sne.s32 s31, $0x0;
	s0 =	rddreg [dreg:$0x2]  }
0x40b: {  	s0 =	sadd.s32 @!p0 $0x100000, s0  }
0x40c: {  	[sflag:s0] =	ssyncadd.tile.s32 @!p0 $0x1;
	_ =	shalt  }
.Lfunc_end2:
_tile_overlayer_lowered:
.L_overlay_start_2:
0x40d: {  	(tag) =	ssettag $0x2  }
0x40e: {  	s0 =	rddreg [dreg:$0x0];
	s2 =	stileid.u32  }
0x40f: {  	s1 =	rddreg [dreg:$0x1];
	p0 =	sne.s32 s2, $0x0  }
0x410: {  	s3 =	rddreg [dreg:$0x2];
	[bflag:$0x3] =	sbarrier.arrive $0xFFFF;
	s2 =	simm.s32 @!p0 $0x1C0D  }
0x411: {  	[timem:s3], [sflag:s2] =	dma.local @!p0 [hbm:s0], s1  }
0x412: {  	s0 =	simm.s32 @!p0 $0xD  }
0x413: {  	_ =	swait.ge @!p0 [sflag:s0], s1  }
0x414: {  	s1 =	ssub.s32 @!p0 $0x0, s1;
	[sflag:s0] =	ssyncset.done @!p0 $0x0  }
0x415: {  	[sflag:s0] =	ssyncadd.s32 @!p0 s1  }
0x416: {  	[bflag:$0x3] =	sbarrier.arrive $0xFFFF  }
0x417: {  	_ =	shalt  }

// kernel: sparse-core-data-format-call.1.cloned.1.call-start
scs
called_computation.1_lowered:
.L_overlay_start_0:
0x0: {  	s1 =	sld [smem:$0x3FD9]  }
0x1: {  	s2 =	sld [smem:$0x3FFE];
	_ =	sdelay $0x1  }
0x2: {  	s3 =	srdreg.scid  }
0x3: {  	s0 =	sand.u32 $0x1, s3  }
0x4: {  	s17 =	sshll.u32 s0, $0xA;
	s1 =	sadd.s32 s2, s1  }
0x5: {  	s1 =	sadd.s32 s1, s17  }
0x6: {  	[smem:$0x3FC4] =	sst s1  }
0x7: {  	_ = 	snop  }
0x8: {  	(tm) =	ssettm $0x1  }
0x9: {  	s18 =	sld [smem:$0x3FFB];
	_ =	sdelay $0x3  }
0xa: {  	_ =	strace s18  }
0xb: {  	s1 =	sld [smem:$0x3FFC];
	_ =	sdelay $0x3  }
0xc: {  	_ =	strace s1  }
0xd: {  	s1 =	sld [smem:$0x3FFD];
	_ =	sdelay $0x3  }
0xe: {  	_ =	strace s1  }
0xf: {  	_ =	strace $0x8FFFFFFF  }
0x10: {  	s19 =	sld [smem:$0x3FDB];
	_ =	sdelay $0x1  }
0x11: {  	s20 =	simm.s32 $_scs_section_size  }
0x12: {  	s4 =	simm.s32 $_size__tile_overlayer_lowered;
	s5 =	simm.s32 $_tile_overlayer_lowered  }
0x13: {  	s23 =	simm.s32 $0x1BFF;
	s22 =	sshll.u32 s5, $0x1;
	s1 =	sadd.s32 s20, s19  }
0x14: {  	s6 =	simm.s32 $0x0;
	s21 =	sshll.u32 s4, $0x1;
	s4 =	sadd.s32 s22, s1  }
0x15: {  	[timem:s6], [sflag:s23] =	dma.local [hbm:s4], s21  }
0x16: {  	_ =	swait.ge [sflag:s23], s21  }
0x17: {  	s2 =	ssub.s32 $0x0, s21;
	[sflag:s23] =	ssyncset.done $0x0  }
0x18: {  	[sflag:s23] =	ssyncadd.s32 s2;
	_ =	sdelay $0x1  }
0x19: {  	s24 =	simm.s32 $0x1B8B  }
0x1a: {  	_ =	swait.ge [sflag:s24], $0x1  }
0x1b: {  	[sflag:s24] =	ssyncset.done $0x0  }
0x1c: {  	s26 =	simm.s32 $0x1B8E;
	s25 =	sld [smem:$0x3FFE];
	[sflag:s24] =	ssyncadd.s32 $0xFFFFFFFF  }
0x1d: {  	s27 =	simm.s32 $execute0_lowered;
	[smem:$0x3FD2] =	sst s26  }
0x1e: {  	s4 =	sshll.u32 s27, $0x1;
	_ =	strace $0x80000046;
	[dreg:$0x1] =	wrdreg $0xFFFFFFFF  }
0x1f: {  	s28 =	simm.s32 $_size_execute0_lowered;
	s1 =	sadd.s32 s1, s4;
	[dreg:$0x0] =	wrdreg $0x0  }
0x20: {  	s4 =	sshll.u32 s28, $0x1;
	[dreg:$0x2] =	wrdreg s1  }
0x21: {  	[dreg:$0x3] =	wrdreg s4  }
0x22: {  	[dreg:$0x4] =	wrdreg $0xC0  }
0x23: {  	_ =	task [dreg:s6], $0x5FFFF  }
0x24: {  	[dreg:$0x1] =	wrdreg $0xFFFFFFFF  }
0x25: {  	[dreg:$0x0] =	wrdreg $0x60  }
0x26: {  	[dreg:$0x2] =	wrdreg s25  }
0x27: {  	[dreg:$0x3] =	wrdreg $0x9  }
0x28: {  	_ =	task.clear_ibuf [dreg:s6], $0x4FFFF;
	_ =	strace $0x90000046  }
0x29: {  	s29 =	simm.s32 $0x9;
	_ =	strace $0x80000048  }
0x2a: {  	_ =	swait.ge [sflag:s29], $0x1  }
0x2b: {  	[sflag:s29] =	ssyncadd.s32 $0xFFFFFFFF  }
0x2c: {  	_ =	strace $0x90000048  }
0x2d: {  	_ =	sfence  }
0x2e: {  	s30 =	sld [smem:$0x0];
	_ =	sdelay $0x2  }
0x2f: {  	s31 =	sshll.u32 s3, $0xD;
	s3 =	sshrl.u32 s3, $0x2  }
0x30: {  	s2 =	sand.u32 $0x4000, s31;
	s1 =	sadd.s32 s3, s30  }
0x31: {  	s0 =	sor.u32 s2, s0;
	s1 =	sshll.u32 s1, $0x11  }
0x32: {  	s0 =	sor.u32 s1, s0  }
0x33: {  	s0 =	sadd.s32 $0x8F2B, s0  }
0x34: {  	[sflag:s0] =	ssyncadd.remote.s32 $0x1  }
0x35: {  	_ =	sfence.sel $0xFFFF  }
0x36: {  	[dreg:$0x0] =	wrdreg $0xFFFFFFFF;
	(pc) =	sbr.abs _section_cstart, $3  }
0x37: {  	[dreg:$0x1] =	wrdreg $0xFFFFFFFF  }
0x38: {  	_ =	task.clear_ibuf [dreg:s6], $0x2FFFF;
	_ =	strace $0x9FFFFFFF  }
0x39: {  	(tm) =	ssettm $0x7FFFFFFF  }
tec
execute0_lowered:
.L_overlay_start_1:
0x0: {  	(tag) =	ssettag $0x1  }
0x1: {  	s0 =	srdreg.scid  }
0x2: {  	s4 =	rddreg [dreg:$0x0];
	s1 =	stileid.u32  }
0x3: {  	s5 =	simm.s32 $0x1;
	s7 =	simm.s32 $0x2;
	s0 =	sshll.u32 s0, $0x4  }
0x4: {  	s8 =	simm.s32 $0x0;
	s12 =	simm.s32 $0x0;
	s2 =	sand.u32 $0x10, s0  }
.Ltmp0:
0x5: {  	s10 =	simm.s32 $0x0;
	s3 =	sor.u32 s1, s2;
	(pc) =	sbr.rel .LBB1_1-.Ltmp0, $4  }
0x6: {  	s0 =	rddreg [dreg:$0x1];
	_ =	strace $0x80000047;
	s3 =	sshll.u32 s3, $0x3  }
0x7: {  	s11 =	simm.s32 $0x0;
	s2 =	sadd.s32 $0x1E9600, s4;
	s6 =	ssub.s32 $0x3D08, s3  }
0x8: {  	s4 =	sadd.s32 $0x1000, s4;
	[sflag:s5] =	ssyncpa.u1 $0x0;
	s6 =	sshrl.u32 s6, $0x8  }
0x9: {  	[sflag:s7] =	ssyncpa.u1 $0x0;
	s9 =	smov.u32 s3;
	s7 =	sor.u32 $0x2, s6  }
.LBB1_9:
0xa: {  	s14 =	sshll.u32 s10, $0x7  }
0xb: {  	s14 =	sadd.s32 s4, s14  }
0xc: {  	[hbm4b:s14+s8] =	stream.linear.scatter [tilespmem:s15], [sflag:$0x2], s13, $0x38;
	[tilespmem:$0x8000] =	vst v63  }
.LBB1_10:
0xd: {  	p0 =	slt.u32 s11, $0x2  }
0xe: {  	p1 =	sgt.s32 @!p0 s12, $0x3D01  }
0xf: {  	s13 =	smov.u32 s12;
	s14 =	sshra.s32 @!p0 s12, $0x1F;
	p1 =	por !p1, p0  }
0x10: {  	s12 =	sand.u32 @!p0 s14, s12;
	s13 =	simm.s32 @p1 $0x3D01  }
0x11: {  	s12 =	ssub.s32 @!p0 s13, s12  }
0x12: {  	s12 =	sadd.s32 @!p0 $0xFFFFC2FF, s12  }
0x13: {  	s13 =	sshll.u32 @!p0 s12, $0xC  }
0x14: {  	p1 =	sgt.s32 @!p0 s12, $0x7;
	s12 =	ssub.s32 @!p0 $0x8000, s13  }
0x15: {  	s14 =	sadd.s32 $0x100, s9;
	p1 =	por !p1, p0;
	s12 =	sshrl.u32 @!p0 s12, $0x2  }
0x16: {  	s12 =	simm.s32 @!p1 $0x0;
	p1 =	sgt.s32 s14, $0x3D08  }
0x17: {  	s14 =	smov.u32 @p1 s3;
	p1 =	sne.s32 s11, s7  }
.Ltmp1:
0x18: {  	_ = 	snop;
	(pc) =	sbr.rel @!p1 .LBB1_11-.Ltmp1, $4  }
0x19: {  	s13 =	simm.s32 @!p0 $0x2  }
0x1a: {  	_ =	swait.ge @!p0 [sflag:s13], s12;
	s15 =	ssub.s32 @!p0 $0x0, s12  }
0x1b: {  	s12 =	smov.u32 s10;
	s11 =	sadd.s32 $0x1, s11;
	[sflag:s13] =	ssyncset.done @!p0 $0x0  }
0x1c: {  	s10 =	smov.u32 s9;
	s9 =	smov.u32 s14;
	[sflag:s13] =	ssyncadd.s32 @!p0 s15  }
.LBB1_1:
0x1d: {  	p0 =	sgt.u32 s11, s6  }
0x1e: {  	p1 =	sgt.s32 @!p0 s9, $0x3D01  }
0x1f: {  	s13 =	smov.u32 s9;
	s14 =	sshra.s32 @!p0 s9, $0x1F;
	p1 =	por !p1, p0  }
0x20: {  	s14 =	sand.u32 @!p0 s14, s9;
	s13 =	simm.s32 @p1 $0x3D01  }
0x21: {  	s13 =	ssub.s32 @!p0 s13, s14  }
0x22: {  	s13 =	sadd.s32 @!p0 $0xFFFFC2FF, s13  }
0x23: {  	s15 =	sshll.u32 @!p0 s9, $0x7;
	s16 =	simm.s32 @!p0 $0x0;
	s14 =	sshll.u32 @!p0 s13, $0xC  }
0x24: {  	p1 =	sgt.s32 @!p0 s13, $0x7;
	s13 =	ssub.s32 @!p0 $0x8000, s14;
	s14 =	sxor.u32 @!p0 $0xFFFFFFFF, s11  }
0x25: {  	p1 =	por !p1, p0;
	s13 =	sshrl.u32 @!p0 s13, $0x2;
	s14 =	sshll.u32 @!p0 s14, $0xD  }
0x26: {  	s15 =	sadd.s32 @!p0 s2, s15;
	s13 =	simm.s32 @!p1 $0x0;
	s14 =	sand.u32 @!p0 $0x2000, s14  }
0x27: {  	[tilespmem:s14], [sflag:$0x1] =	stream.linear.gather @!p0 [hbm4b:s15+s16], s13, $0x38;
	[tilespmem:$0x8000] =	vst v63  }
0x28: {  	p0 =	seq.s32 s11, $0x0  }
0x29: {  	p1 =	sge.u32 @!p0 s11, s7  }
0x2a: {  	p0 =	por p0, p1  }
.Ltmp2:
0x2b: {  	_ = 	snop;
	(pc) =	sbr.rel @p0 .LBB1_10-.Ltmp2, $1  }
0x2c: {  	_ =	sdelay $0x3  }
0x2d: {  	p0 =	sgt.s32 s10, $0x3D01;
	s13 =	smov.u32 s10;
	s14 =	sshra.s32 s10, $0x1F  }
0x2e: {  	s13 =	simm.s32 @!p0 $0x3D01;
	s14 =	sand.u32 s14, s10  }
0x2f: {  	s13 =	ssub.s32 s13, s14  }
0x30: {  	s13 =	sadd.s32 $0xFFFFC2FF, s13  }
0x31: {  	s31 =	sshll.u32 s13, $0xC  }
0x32: {  	s14 =	ssub.s32 $0x8000, s31  }
0x33: {  	p0 =	sgt.s32 s13, $0x7;
	s13 =	sshrl.u32 s14, $0x2;
	s14 =	sadd.s32 $0x8, s10  }
0x34: {  	s13 =	simm.s32 @p0 $0x0;
	p0 =	slt.s32 s14, $0x3D09  }
0x35: {  	s14 =	simm.s32 @!p0 $0x3D09  }
0x36: {  	s14 =	ssub.s32 s14, s10  }
0x37: {  	p0 =	slt.s32 s14, $0x1  }
.Ltmp3:
0x38: {  	_ = 	snop;
	(pc) =	sbr.rel @p0 .LBB1_9-.Ltmp3, $4  }
0x39: {  	s16 =	sshll.u32 s11, $0xF  }
0x3a: {  	s16 =	sand.u32 $0x8000, s16;
	_ =	swait.ge [sflag:s5], s13  }
0x3b: {  	s16 =	sshrl.u32 s16, $0x2;
	s15 =	ssub.s32 $0x0, s13;
	[sflag:s5] =	ssyncset.done $0x0  }
0x3c: {  	[sflag:s5] =	ssyncadd.s32 s15;
	s15 =	sor.u32 $0x4000, s16  }
0x3d: {  	s17 =	simm.s32 $0x0  }
.LBB1_4:
0x3e: {  	s18 =	sshll.u32 s17, $0xC  }
0x3f: {  	s18 =	sshra.s32 s18, $0x2  }
0x40: {  	s19 =	sadd.s32 s18, s16  }
0x41: {  	s20 =	sadd.s32 $0x100, s19;
	v0 =	vmov s19  }
0x42: {  	s21 =	sadd.s32 $0x200, s19;
	v1 =	vmov s20  }
0x43: {  	s22 =	sadd.s32 $0x300, s19;
	v2 =	vmov s21  }
0x44: {  	p1 =	por $0x1, $0x1;
	s18 =	sadd.s32 s18, s15;
	v3 =	vmov s22;
	s20 =	simm.s32 $0x0  }
.LBB1_5:
0x45: {  	s19 =	sshll.u32 s20, $0x7  }
0x46: {  	s21 =	sand.u32 $0x3FFFFF80, s19  }
0x47: {  	p0 =	por p1, p1;
	s21 =	sadd.s32 s21, s18  }
0x48: {  	s22 =	sadd.s32 $0x80, s21;
	s23 =	sadd.s32 $0x100, s21;
	s24 =	sadd.s32 $0x180, s21;
	v4 =	vmov s21  }
0x49: {  	s20 =	sshll.u32 s20, $0x5;
	p1 =	por $0x1, $0x1;
	s21 =	simm.s32 $0x0;
	v5 =	vmov s22;
	v6 =	vmov s23;
	v7 =	vmov s24  }
.LBB1_6:
0x4a: {  	s22 =	sor.u32 s20, s21  }
0x4b: {  	v8 =	vld.idx.msk [tilespmem:v0+s22+$0x0 ss:$0x1], $0xffff  }
0x4c: {  	v9 =	vld.idx.msk [tilespmem:v1+s22+$0x0 ss:$0x1], $0xffff  }
0x4d: {  	v10 =	vld.idx.msk [tilespmem:v2+s22+$0x0 ss:$0x1], $0xffff;
	_ =	sdelay $0x1  }
0x4e: {  	v13 =	vld.idx.msk [tilespmem:v3+s22+$0x0 ss:$0x1], $0xffff  }
0x4f: {  	v24 =	vld.idx.msk [tilespmem:v0+s22+$0x10 ss:$0x1], $0xffff;
	v11 =	vshrl.u32 v8, $0x10;
	v12 =	vshrl.u32 v8, $0x8;
	v14 =	vshrl.u32 v8, $0x18  }
0x50: {  	v38 =	vld.idx.msk [tilespmem:v1+s22+$0x10 ss:$0x1], $0xffff;
	v8 =	vand.u32 $0xFF, v8;
	v15 =	vshrl.u32 v9, $0x10;
	v16 =	vshrl.u32 v9, $0x8  }
0x51: {  	v43 =	vld.idx.msk [tilespmem:v2+s22+$0x10 ss:$0x1], $0xffff;
	v17 =	vshrl.u32 v9, $0x18;
	v9 =	vand.u32 $0xFF, v9;
	v18 =	vshrl.u32 v10, $0x10  }
0x52: {  	v46 =	vld.idx.msk [tilespmem:v3+s22+$0x10 ss:$0x1], $0xffff;
	v19 =	vshrl.u32 v10, $0x8;
	v20 =	vshrl.u32 v10, $0x18;
	v10 =	vand.u32 $0xFF, v10  }
0x53: {  	v21 =	vshrl.u32 v13, $0x18;
	v22 =	vshrl.u32 v13, $0x10;
	v23 =	vshrl.u32 v13, $0x8  }
0x54: {  	v13 =	vand.u32 $0xFF, v13;
	v44 =	vshrl.u32 v24, $0x10;
	v45 =	vshrl.u32 v24, $0x8  }
0x55: {  	v47 =	vshrl.u32 v24, $0x18;
	v48 =	vand.u32 $0xFF, v24;
	v49 =	vshrl.u32 v38, $0x10  }
0x56: {  	v50 =	vshrl.u32 v38, $0x8;
	v51 =	vshrl.u32 v38, $0x18;
	v52 =	vshrl.u32 v43, $0x10  }
0x57: {  	v53 =	vshrl.u32 v43, $0x8;
	v54 =	vshrl.u32 v43, $0x18;
	v25 =	vshrl.u32 v46, $0x10  }
0x58: {  	v26 =	vand.u32 $0xFF, v46;
	v55 =	vshrl.u32 v46, $0x8;
	v11 =	vand.u32 $0xFF, v11  }
0x59: {  	v12 =	vand.u32 $0xFF, v12;
	v15 =	vand.u32 $0xFF, v15;
	v16 =	vand.u32 $0xFF, v16  }
0x5a: {  	v18 =	vand.u32 $0xFF, v18;
	v19 =	vand.u32 $0xFF, v19;
	v22 =	vand.u32 $0xFF, v22  }
0x5b: {  	v23 =	vand.u32 $0xFF, v23;
	v8 =	vpack.i.b32.b16 v10, v8;
	v9 =	vpack.i.b32.b16 v13, v9  }
0x5c: {  	s23 =	sshll.u32 s21, $0x2;
	v41 =	vpack.i.b32.b16 v20, v14;
	v42 =	vpack.i.b32.b16 v21, v17;
	v13 =	vand.u32 $0xFF, v44  }
0x5d: {  	s21 =	sor.u32 $0x80, s23;
	v20 =	vand.u32 $0xFF, v50;
	v14 =	vand.u32 $0xFF, v43;
	v25 =	vand.u32 $0xFF, v25  }
0x5e: {  	s31 =	sor.u32 s19, s21;
	v62 =	vpack.i.b32.b16 v54, v47;
	v8 =	vpack.i.b16.b8 v9, v8;
	v36 =	vpack.i.b32.b16 v19, v12  }
0x5f: {  	s22 =	sshra.s32 s31, $0x2;
	v37 =	vpack.i.b32.b16 v23, v16;
	v39 =	vpack.i.b32.b16 v18, v11;
	v40 =	vpack.i.b32.b16 v22, v15  }
0x60: {  	v56 =	vld.idx.msk [tilespmem:v0+s22+$0x0 ss:$0x1], $0xffff;
	v11 =	vpack.i.b16.b8 v42, v41;
	v15 =	vand.u32 $0xFF, v45;
	v19 =	vand.u32 $0xFF, v49  }
0x61: {  	v59 =	vld.idx.msk [tilespmem:v1+s22+$0x0 ss:$0x1], $0xffff;
	v12 =	vand.u32 $0xFF, v38;
	v22 =	vand.u32 $0xFF, v52;
	v23 =	vand.u32 $0xFF, v53  }
0x62: {  	v61 =	vld.idx.msk [tilespmem:v2+s22+$0x0 ss:$0x1], $0xffff;
	v14 =	vpack.i.b32.b16 v14, v48;
	v16 =	vshrl.u32 v46, $0x18;
	v18 =	vand.u32 $0xFF, v55  }
0x63: {  	v63 =	vld.idx.msk [tilespmem:v3+s22+$0x0 ss:$0x1], $0xffff;
	v9 =	vpack.i.b16.b8 v37, v36;
	v10 =	vpack.i.b16.b8 v40, v39;
	v12 =	vpack.i.b32.b16 v26, v12  }
0x64: {  	v57 =	vpack.i.b32.b16 v23, v15;
	v58 =	vpack.i.b32.b16 v18, v20;
	v13 =	vpack.i.b32.b16 v22, v13  }
0x65: {  	v60 =	vpack.i.b32.b16 v25, v19;
	v16 =	vpack.i.b32.b16 v16, v51;
	v25 =	vshrl.u32 v56, $0x10  }
0x66: {  	v27 =	vshrl.u32 v56, $0x8;
	v28 =	vshrl.u32 v56, $0x18;
	v29 =	vand.u32 $0xFF, v56  }
0x67: {  	v30 =	vshrl.u32 v59, $0x18;
	v31 =	vshrl.u32 v59, $0x10;
	v32 =	vshrl.u32 v59, $0x8  }
0x68: {  	s23 =	sshra.s32 s23, $0x2;
	v33 =	vand.u32 $0xFF, v61;
	v18 =	vand.u32 $0xFF, v59;
	v34 =	vand.u32 $0xFF, v63  }
0x69: {  	v35 =	vshrl.u32 v61, $0x10;
	[tilespmem:v4+s23+$0x0 ss:$0x1] =	vst.idx.msk $0xffff, v8;
	v8 =	vshrl.u32 v61, $0x18;
	v19 =	vshrl.u32 v61, $0x8  }
0x6a: {  	v37 =	vshrl.u32 v63, $0x8;
	v39 =	vshrl.u32 v63, $0x10;
	v40 =	vshrl.u32 v63, $0x18  }
0x6b: {  	v12 =	vpack.i.b16.b8 v12, v14;
	v14 =	vpack.i.b16.b8 v58, v57;
	v13 =	vpack.i.b16.b8 v60, v13  }
0x6c: {  	v15 =	vpack.i.b16.b8 v16, v62;
	v16 =	vand.u32 $0xFF, v25;
	v20 =	vand.u32 $0xFF, v27  }
0x6d: {  	[tilespmem:v7+s23+$0x0 ss:$0x1] =	vst.idx.msk $0xffff, v11;
	v24 =	vand.u32 $0xFF, v31;
	v22 =	vpack.i.b32.b16 v33, v29;
	v25 =	vand.u32 $0xFF, v32  }
0x6e: {  	v43 =	vld.idx.msk [tilespmem:v2+s22+$0x10 ss:$0x1], $0xffff;
	v18 =	vpack.i.b32.b16 v34, v18;
	v26 =	vand.u32 $0xFF, v35;
	[tilespmem:v5+s23+$0x0 ss:$0x1] =	vst.idx.msk $0xffff, v9;
	v36 =	vand.u32 $0xFF, v19  }
0x6f: {  	v38 =	vld.idx.msk [tilespmem:v0+s22+$0x10 ss:$0x1], $0xffff;
	[tilespmem:v6+s23+$0x0 ss:$0x1] =	vst.idx.msk $0xffff, v10;
	v19 =	vand.u32 $0xFF, v37;
	v10 =	vand.u32 $0xFF, v39;
	v8 =	vpack.i.b32.b16 v8, v28  }
0x70: {  	v42 =	vld.idx.msk [tilespmem:v1+s22+$0x10 ss:$0x1], $0xffff;
	v11 =	vpack.i.b32.b16 v40, v30;
	v18 =	vpack.i.b16.b8 v18, v22;
	v9 =	vpack.i.b32.b16 v36, v20  }
0x71: {  	v41 =	vpack.i.b32.b16 v19, v25;
	v16 =	vpack.i.b32.b16 v26, v16;
	v10 =	vpack.i.b32.b16 v10, v24  }
0x72: {  	v46 =	vld.idx.msk [tilespmem:v3+s22+$0x10 ss:$0x1], $0xffff;
	v8 =	vpack.i.b16.b8 v11, v8;
	v9 =	vpack.i.b16.b8 v41, v9;
	v10 =	vpack.i.b16.b8 v10, v16  }
0x73: {  	v53 =	vshrl.u32 v43, $0x18;
	v54 =	vshrl.u32 v43, $0x8;
	v55 =	vshrl.u32 v43, $0x10  }
0x74: {  	[tilespmem:v4+s23+$0x10 ss:$0x1] =	vst.idx.msk $0xffff, v12;
	v16 =	vand.u32 $0xFF, v43;
	v44 =	vshrl.u32 v38, $0x10;
	v45 =	vshrl.u32 v38, $0x8  }
0x75: {  	[tilespmem:v5+s23+$0x10 ss:$0x1] =	vst.idx.msk $0xffff, v14;
	v47 =	vshrl.u32 v38, $0x18;
	v48 =	vand.u32 $0xFF, v38;
	v49 =	vshrl.u32 v42, $0x10  }
0x76: {  	[tilespmem:v6+s23+$0x10 ss:$0x1] =	vst.idx.msk $0xffff, v13;
	v50 =	vshrl.u32 v42, $0x8;
	v51 =	vshrl.u32 v42, $0x18;
	v52 =	vand.u32 $0xFF, v42  }
0x77: {  	s21 =	sshrl.u32 s21, $0x2;
	[tilespmem:v7+s23+$0x10 ss:$0x1] =	vst.idx.msk $0xffff, v15;
	v22 =	vand.u32 $0xFF, v54;
	v56 =	vshrl.u32 v46, $0x10;
	v57 =	vshrl.u32 v46, $0x8  }
0x78: {  	[tilespmem:v5+s21+$0x0 ss:$0x1] =	vst.idx.msk $0xffff, v9;
	v58 =	vand.u32 $0xFF, v46;
	v9 =	vand.u32 $0xFF, v55;
	v11 =	vand.u32 $0xFF, v44  }
0x79: {  	[tilespmem:v4+s21+$0x0 ss:$0x1] =	vst.idx.msk $0xffff, v18;
	v12 =	vand.u32 $0xFF, v45;
	v20 =	vand.u32 $0xFF, v49;
	v21 =	vand.u32 $0xFF, v50  }
0x7a: {  	[tilespmem:v7+s21+$0x0 ss:$0x1] =	vst.idx.msk $0xffff, v8;
	v8 =	vand.u32 $0xFF, v57;
	v13 =	vpack.i.b32.b16 v16, v48;
	v59 =	vpack.i.b32.b16 v58, v52  }
0x7b: {  	p2 =	por p1, p1;
	[tilespmem:v6+s21+$0x0 ss:$0x1] =	vst.idx.msk $0xffff, v10;
	v10 =	vand.u32 $0xFF, v56;
	v12 =	vpack.i.b32.b16 v22, v12;
	v8 =	vpack.i.b32.b16 v8, v21  }
.Ltmp4:
0x7c: {  	v62 =	vpack.i.b32.b16 v53, v47;
	v13 =	vpack.i.b16.b8 v59, v13;
	v8 =	vpack.i.b16.b8 v8, v12;
	(pc) =	sbr.rel @p2 .LBB1_6-.Ltmp4, $4  }
0x7d: {  	v60 =	vshrl.u32 v46, $0x18;
	v61 =	vpack.i.b32.b16 v10, v20;
	[tilespmem:v5+s21+$0x10 ss:$0x1] =	vst.idx.msk $0xffff, v8;
	v8 =	vpack.i.b32.b16 v9, v11  }
0x7e: {  	v63 =	vpack.i.b32.b16 v60, v51;
	[tilespmem:v4+s21+$0x10 ss:$0x1] =	vst.idx.msk $0xffff, v13;
	v8 =	vpack.i.b16.b8 v61, v8  }
0x7f: {  	[tilespmem:v6+s21+$0x10 ss:$0x1] =	vst.idx.msk $0xffff, v8;
	v8 =	vpack.i.b16.b8 v63, v62  }
0x80: {  	p1 =	por $0x0, $0x0;
	[tilespmem:v7+s21+$0x10 ss:$0x1] =	vst.idx.msk $0xffff, v8;
	s21 =	simm.s32 $0x40  }
.Ltmp5:
0x81: {  	(pc) =	sbr.rel @p0 .LBB1_5-.Ltmp5, $2  }
0x82: {  	_ =	sdelay $0x2  }
0x83: {  	s20 =	simm.s32 $0x4;
	p1 =	por $0x0, $0x0  }
0x84: {  	s17 =	sadd.s32 $0x1, s17  }
0x85: {  	p0 =	sne.s32 s17, s14  }
.Ltmp6:
0x86: {  	_ = 	snop;
	(pc) =	sbr.rel @p0 .LBB1_4-.Ltmp6, $4  }
.Ltmp7:
0x87: {  	_ = 	snop;
	(pc) =	sbr.rel @!p0 .LBB1_9-.Ltmp7, $4  }
0x88: {  	_ = 	snop  }
0x89: {  	_ = 	snop  }
0x8a: {  	_ = 	snop  }
0x8b: {  	_ = 	snop  }
.LBB1_11:
0x8c: {  	_ =	sfence.sel $0x180000  }
0x8d: {  	s2 =	simm.s32 $0x1;
	[bflag:$0x0] =	sbarrier.arrive $0xFFFF  }
0x8e: {  	s31 =	simm.s32 $0x2;
	[sflag:s2] =	ssyncpa.u1 $0x1  }
0x8f: {  	[sflag:s31] =	ssyncpa.u1 $0x1  }
0x90: {  	p0 =	sne.s32 s1, $0x0;
	_ =	strace $0x90000047  }
0x91: {  	s0 =	sadd.s32 @!p0 $0x100000, s0;
	[bflag:$0x2] =	sbarrier.arrive $0xFFFF  }
0x92: {  	[sflag:s0] =	ssyncadd.tile.s32 @!p0 $0x1;
	_ =	shalt  }
.Lfunc_end1:
_tile_overlayer_lowered:
.L_overlay_start_2:
0x93: {  	(tag) =	ssettag $0x2  }
0x94: {  	s0 =	rddreg [dreg:$0x0];
	s2 =	stileid.u32  }
0x95: {  	s1 =	rddreg [dreg:$0x1];
	p0 =	sne.s32 s2, $0x0  }
0x96: {  	s3 =	rddreg [dreg:$0x2];
	[bflag:$0x3] =	sbarrier.arrive $0xFFFF;
	s2 =	simm.s32 @!p0 $0x1C01  }
0x97: {  	[timem:s3], [sflag:s2] =	dma.local @!p0 [hbm:s0], s1  }
0x98: {  	s0 =	simm.s32 @!p0 $0x1  }
0x99: {  	_ =	swait.ge @!p0 [sflag:s0], s1  }
0x9a: {  	s1 =	ssub.s32 @!p0 $0x0, s1;
	[sflag:s0] =	ssyncset.done @!p0 $0x0  }
0x9b: {  	[sflag:s0] =	ssyncadd.s32 @!p0 s1  }
0x9c: {  	[bflag:$0x3] =	sbarrier.arrive $0xFFFF  }
0x9d: {  	_ =	shalt  }

// kernel: sparse-core-data-format-call.cloned.1.call-start
scs
called_computation_lowered:
.L_overlay_start_0:
0x0: {  	s2 =	sld [smem:$0x3FD9]  }
0x1: {  	s3 =	sld [smem:$0x3FFE];
	_ =	sdelay $0x1  }
0x2: {  	s1 =	srdreg.scid  }
0x3: {  	s0 =	sand.u32 $0x1, s1  }
0x4: {  	s18 =	sshll.u32 s0, $0xA;
	s2 =	sadd.s32 s3, s2  }
0x5: {  	s2 =	sadd.s32 s2, s18  }
0x6: {  	[smem:$0x3FC4] =	sst s2  }
0x7: {  	_ = 	snop  }
0x8: {  	s2 =	sld [smem:$0x3FD0];
	(tm) =	ssettm $0x1  }
0x9: {  	s19 =	sld [smem:$0x3FFB];
	_ =	sdelay $0x3  }
0xa: {  	_ =	strace s19  }
0xb: {  	s3 =	sld [smem:$0x3FFC];
	_ =	sdelay $0x3  }
0xc: {  	_ =	strace s3  }
0xd: {  	s3 =	sld [smem:$0x3FFD];
	_ =	sdelay $0x3  }
0xe: {  	_ =	strace s3  }
0xf: {  	_ =	strace $0x8FFFFFFF  }
0x10: {  	s20 =	sld [smem:$0x3FDB];
	_ =	sdelay $0x1  }
0x11: {  	s4 =	simm.s32 $_scs_section_size  }
0x12: {  	s5 =	simm.s32 $_size__tile_overlayer_lowered;
	s6 =	simm.s32 $_tile_overlayer_lowered  }
0x13: {  	s23 =	simm.s32 $0x1BFF;
	s22 =	sshll.u32 s6, $0x1;
	s3 =	sadd.s32 s4, s20  }
0x14: {  	s7 =	simm.s32 $0x0;
	s21 =	sshll.u32 s5, $0x1;
	s5 =	sadd.s32 s22, s3  }
0x15: {  	[timem:s7], [sflag:s23] =	dma.local [hbm:s5], s21  }
0x16: {  	_ =	swait.ge [sflag:s23], s21  }
0x17: {  	s4 =	ssub.s32 $0x0, s21;
	[sflag:s23] =	ssyncset.done $0x0  }
0x18: {  	[sflag:s23] =	ssyncadd.s32 s4;
	_ =	sdelay $0x1  }
0x19: {  	s24 =	simm.s32 $0x1B8B  }
0x1a: {  	_ =	swait.ge [sflag:s24], $0x1  }
0x1b: {  	[sflag:s24] =	ssyncset.done $0x0  }
0x1c: {  	s26 =	simm.s32 $0x1B8E;
	s25 =	sld [smem:$0x3FFE];
	[sflag:s24] =	ssyncadd.s32 $0xFFFFFFFF  }
0x1d: {  	s27 =	simm.s32 $execute0_lowered;
	[smem:$0x3FD2] =	sst s26  }
0x1e: {  	s5 =	sshll.u32 s27, $0x1;
	_ =	strace $0x8000004C;
	[dreg:$0x1] =	wrdreg $0xFFFFFFFF  }
0x1f: {  	s28 =	simm.s32 $_size_execute0_lowered;
	s3 =	sadd.s32 s3, s5;
	[dreg:$0x0] =	wrdreg $0x0  }
0x20: {  	s5 =	sshll.u32 s28, $0x1;
	[dreg:$0x2] =	wrdreg s3  }
0x21: {  	[dreg:$0x3] =	wrdreg s5  }
0x22: {  	[dreg:$0x4] =	wrdreg $0xC0  }
0x23: {  	_ =	task [dreg:s7], $0x5FFFF  }
0x24: {  	[dreg:$0x1] =	wrdreg $0xFFFFFFFF  }
0x25: {  	[dreg:$0x0] =	wrdreg $0x60  }
0x26: {  	[dreg:$0x2] =	wrdreg s25  }
0x27: {  	[dreg:$0x3] =	wrdreg s2  }
0x28: {  	[dreg:$0x4] =	wrdreg $0x9  }
0x29: {  	_ =	task.clear_ibuf [dreg:s7], $0x5FFFF;
	_ =	strace $0x9000004C  }
0x2a: {  	s29 =	simm.s32 $0x9;
	_ =	strace $0x8000004E  }
0x2b: {  	_ =	swait.ge [sflag:s29], $0x1  }
0x2c: {  	[sflag:s29] =	ssyncadd.s32 $0xFFFFFFFF  }
0x2d: {  	_ =	strace $0x9000004E  }
0x2e: {  	_ =	sfence  }
0x2f: {  	s30 =	sld [smem:$0x0];
	_ =	sdelay $0x2  }
0x30: {  	s31 =	sshll.u32 s1, $0xD;
	s1 =	sshrl.u32 s1, $0x2  }
0x31: {  	s3 =	sand.u32 $0x4000, s31;
	s1 =	sadd.s32 s1, s30  }
0x32: {  	s0 =	sor.u32 s3, s0;
	s1 =	sshll.u32 s1, $0x11  }
0x33: {  	s0 =	sor.u32 s1, s0  }
0x34: {  	s0 =	sadd.s32 $0x8F2B, s0  }
0x35: {  	[sflag:s0] =	ssyncadd.remote.s32 $0x1  }
0x36: {  	_ =	sfence.sel $0xFFFF  }
0x37: {  	[dreg:$0x0] =	wrdreg $0xFFFFFFFF;
	(pc) =	sbr.abs _section_cstart, $3  }
0x38: {  	[dreg:$0x1] =	wrdreg $0xFFFFFFFF  }
0x39: {  	_ =	task.clear_ibuf [dreg:s7], $0x2FFFF;
	_ =	strace $0x9FFFFFFF  }
0x3a: {  	(tm) =	ssettm $0x7FFFFFFF  }
0x3b: {  	_ =	shalt  }
tec
execute0_lowered:
.L_overlay_start_1:
0x0: {  	(tag) =	ssettag $0x1  }
0x1: {  	s0 =	srdreg.scid  }
0x2: {  	s1 =	sshll.u32 s0, $0x4  }
0x3: {  	s0 =	stileid.u32;
	s1 =	sand.u32 $0x10, s1  }
0x4: {  	s1 =	sor.u32 s0, s1  }
0x5: {  	s6 =	rddreg [dreg:$0x0];
	s4 =	simm.s32 $0x1;
	s2 =	sshll.u32 s1, $0x7  }
0x6: {  	s7 =	simm.s32 $0x2;
	s13 =	simm.s32 $0x0;
	s1 =	ssub.s32 $0x4000, s2  }
0x7: {  	s8 =	simm.s32 $0x10000;
	s12 =	simm.s32 $0x0;
	s3 =	sand.u32 $0xF80, s1  }
0x8: {  	s9 =	simm.s32 $0x0;
	s5 =	sshrl.u32 s1, $0xC;
	p0 =	sne.s32 s3, $0x0  }
.Ltmp0:
0x9: {  	s1 =	rddreg [dreg:$0x2];
	s4 =	simm.s32 @!p0 $0x0;
	(pc) =	sbr.rel .LBB1_1-.Ltmp0, $4  }
0xa: {  	s11 =	simm.s32 $0x0;
	s3 =	rddreg [dreg:$0x1];
	s5 =	sadd.s32 s4, s5  }
0xb: {  	_ =	strace $0x8000004D;
	s4 =	simm.s32 $0x1;
	s5 =	smul.u32 $0xA, s5  }
0xc: {  	s6 =	sadd.s32 $0x1000, s6;
	s10 =	smov.u32 s2;
	[sflag:s4] =	ssyncpa.u1 $0x0  }
0xd: {  	p0 =	por $0x0, $0x0;
	[sflag:s7] =	ssyncpa.u1 $0x0;
	s7 =	sor.u32 $0x1, s5  }
.LBB1_4:
0xe: {  	v1 =	vperm.xlane.i2c.b16 v1;
	v0 =	vperm.xlane.i2c.b16 v0  }
0xf: {  	v2 =	vperm.xlane.i2c.b16 v2;
	v3 =	vperm.xlane.i2c.b16 v3  }
0x10: {  	[tilespmem:s16+$0x0 ss:$0x81] =	vst.msk $0xffff, v5;
	s17 =	sshra.s32 s17, $0x2;
	s18 =	sshll.u32 s12, $0x3;
	s19 =	sshll.u32 s12, $0x1;
	v62 =	vcombine.low v0, v1  }
0x11: {  	s13 =	sshll.u32 s13, $0x10;
	s30 =	sshrl.u32 s12, $0x1;
	[tilespmem:s16+$0x1020 ss:$0x81] =	vst.msk $0xffff, v4;
	s15 =	sadd.s32 s17, s15;
	v63 =	vcombine.low v3, v2  }
0x12: {  	s31 =	sand.u32 $0x7, s12;
	s28 =	sand.u32 $0xF0, s19;
	s29 =	sand.u32 $0x3C00, s18;
	v0 =	vcombine.high v0, v1;
	[tilespmem:s15+$0x810 ss:$0x81] =	vst.msk $0xffff, v62  }
0x13: {  	s17 =	sand.u32 $0xFC00, s30;
	s13 =	sadd.s32 s3, s13;
	s16 =	sor.u32 s28, s29;
	v2 =	vcombine.high v3, v2;
	[tilespmem:s15+$0x0 ss:$0x81] =	vst.msk $0xffff, v63  }
0x14: {  	s12 =	sshll.u32 s31, $0x12;
	s13 =	sadd.s32 s17, s13;
	s16 =	sshrl.u32 s16, $0x4;
	[tilespmem:s15+$0x1830 ss:$0x81] =	vst.msk $0xffff, v0  }
0x15: {  	s12 =	sor.u32 $0x200, s12;
	s13 =	sadd.s32 s16, s13;
	[tilespmem:s15+$0x1020 ss:$0x81] =	vst.msk $0xffff, v2  }
0x16: {  	[hbm4b:s13+s12] =	stream.strided.scatter [tilespmem:s14], [sflag:$0x2], $0x2000, s8, s12, $0x20;
	[tilespmem:$0x8080] =	vst v63  }
.LBB1_5:
0x17: {  	s14 =	sadd.s32 $0x2, s9  }
0x18: {  	s12 =	sadd.s32 $0x1000, s10;
	s16 =	smov.u32 s10;
	p2 =	sgt.s32 s14, $0x13  }
0x19: {  	s16 =	smov.u32 @p2 s12  }
0x1a: {  	s14 =	simm.s32 @p2 $0x0;
	p2 =	sgt.s32 s16, $0x3FFF  }
0x1b: {  	s16 =	smov.u32 @p2 s2;
	p2 =	sne.s32 s11, s7  }
.Ltmp1:
0x1c: {  	p1 =	slt.u32 s11, $0x2;
	(pc) =	sbr.rel @!p2 .LBB1_6-.Ltmp1, $4  }
0x1d: {  	s15 =	simm.s32 @!p1 $0x2  }
0x1e: {  	s13 =	smov.u32 s9;
	p0 =	por !p0, !p0;
	_ =	swait.ge @!p1 [sflag:s15], $0x2000  }
0x1f: {  	s12 =	smov.u32 s10;
	[sflag:s15] =	ssyncset.done @!p1 $0x0;
	s9 =	smov.u32 s14  }
0x20: {  	s11 =	sadd.s32 $0x1, s11;
	[sflag:s15] =	ssyncadd.s32 @!p1 $0xFFFFE000;
	s10 =	smov.u32 s16  }
.LBB1_1:
0x21: {  	p1 =	sge.u32 s11, s5  }
0x22: {  	s14 =	sand.u32 @!p1 $0x1FFFFFE, s9  }
0x23: {  	s15 =	smulhi.u32 @!p1 $0xAAAAAAB, s14;
	_ =	sdelay $0x1  }
0x24: {  	s15 =	smul.u32 @!p1 $0x18, s15  }
0x25: {  	s31 =	sadd.s32 $0xFFFFFFFF, s11;
	s16 =	smul.u32 @!p1 $0xC0, s10  }
0x26: {  	s17 =	simm.s32 @!p1 $0x600;
	s14 =	ssub.s32 @!p1 s14, s15;
	s15 =	sxor.u32 @!p1 $0xFFFFFFFF, s11  }
0x27: {  	s16 =	sadd.s32 @!p1 s6, s16;
	s14 =	sshll.u32 @!p1 s14, $0x3;
	s15 =	sshll.u32 @!p1 s15, $0xD  }
0x28: {  	s14 =	sadd.s32 @!p1 s14, s16;
	s15 =	sand.u32 @!p1 $0x2000, s15;
	s16 =	simm.s32 @!p1 $0x40  }
0x29: {  	[tilespmem:s15], [sflag:$0x1] =	stream.strided.gather @!p1 [hbm4b:s14+s16], $0x2000, s17, s16, $0x38;
	[tilespmem:$0x8080] =	vst v63  }
0x2a: {  	p1 =	sge.u32 s31, s5  }
.Ltmp2:
0x2b: {  	_ = 	snop;
	(pc) =	sbr.rel @p1 .LBB1_5-.Ltmp2, $1  }
0x2c: {  	_ =	sdelay $0x3  }
0x2d: {  	s14 =	simm.s32 $0x1  }
0x2e: {  	_ =	swait.ge [sflag:s4], $0x2000;
	s14 =	simm.s32 @!p0 $0x0  }
0x2f: {  	[sflag:s4] =	ssyncset.done $0x0;
	s15 =	sshll.u32 s14, $0xD  }
0x30: {  	[sflag:s4] =	ssyncadd.s32 $0xFFFFE000;
	s15 =	sor.u32 $0x20, s15  }
0x31: {  	v0 =	vld [tilespmem:s15+$0x0]  }
0x32: {  	v1 =	vld [tilespmem:s15+$0x10]  }
0x33: {  	v2 =	vld [tilespmem:s15+$0xFFFFFFF0]  }
0x34: {  	v3 =	vld [tilespmem:s15+$0xFFFFFFE0];
	_ =	sdelay $0x1  }
0x35: {  	s14 =	smul.u32 $0x8100, s14;
	s19 =	sadd.s32 $0x40, s15  }
0x36: {  	s16 =	sand.u32 $0x1, s11;
	v4 =	vperm.xlane.i2c.b16 v1;
	v5 =	vperm.xlane.i2c.b16 v0;
	v0 =	vld [tilespmem:s19+$0x0]  }
0x37: {  	s16 =	smul.u32 $0x8100, s16;
	s14 =	sshrl.u32 s14, $0x2;
	v6 =	vperm.xlane.i2c.b16 v2;
	v1 =	vld [tilespmem:s19+$0x10]  }
0x38: {  	s15 =	sor.u32 $0x4000, s14;
	v8 =	vperm.xlane.i2c.b16 v3;
	v2 =	vld [tilespmem:s19+$0xFFFFFFF0];
	v7 =	vcombine.low v5, v4  }
0x39: {  	s31 =	sshrl.u32 s16, $0x2;
	s16 =	sadd.s32 $0x0, s15;
	v3 =	vld [tilespmem:s19+$0xFFFFFFE0];
	v9 =	vcombine.high v5, v4  }
0x3a: {  	s17 =	simm.s32 $0x4;
	v5 =	vcombine.low v8, v6;
	[tilespmem:s16+$0x810 ss:$0x81] =	vst.msk $0xffff, v7  }
0x3b: {  	s18 =	simm.s32 $0x8;
	s14 =	sor.u32 $0x4000, s31;
	s19 =	sadd.s32 $0x40, s19;
	v4 =	vcombine.high v8, v6;
	[tilespmem:s16+$0x1830 ss:$0x81] =	vst.msk $0xffff, v9  }
.LBB1_3:
0x3c: {  	v6 =	vperm.xlane.i2c.b16 v1;
	v7 =	vperm.xlane.i2c.b16 v0;
	v0 =	vld [tilespmem:s19+$0x0];
	[tilespmem:s16+$0x0 ss:$0x81] =	vst.msk $0xffff, v5;
	s20 =	smov.u32 s18;
	p1 =	sne.s32 s18, $0x1FC  }
.Ltmp3:
0x3d: {  	v8 =	vperm.xlane.i2c.b16 v2;
	v1 =	vld [tilespmem:s19+$0x10];
	[tilespmem:s16+$0x1020 ss:$0x81] =	vst.msk $0xffff, v4;
	(pc) =	sbr.rel @p1 .LBB1_3-.Ltmp3, $4  }
0x3e: {  	s18 =	sadd.s32 $0x4, s18;
	v4 =	vperm.xlane.i2c.b16 v3;
	s16 =	sshra.s32 s17, $0x2;
	v2 =	vld [tilespmem:s19+$0xFFFFFFF0];
	v9 =	vcombine.low v7, v6  }
0x3f: {  	s17 =	smov.u32 s20;
	s16 =	sadd.s32 s16, s15;
	v6 =	vcombine.high v7, v6;
	v3 =	vld [tilespmem:s19+$0xFFFFFFE0]  }
0x40: {  	v5 =	vcombine.low v4, v8;
	v4 =	vcombine.high v4, v8;
	[tilespmem:s16+$0x810 ss:$0x81] =	vst.msk $0xffff, v9  }
0x41: {  	s19 =	sadd.s32 $0x40, s19;
	[tilespmem:s16+$0x1830 ss:$0x81] =	vst.msk $0xffff, v6  }
.Ltmp4:
0x42: {  	_ = 	snop;
	(pc) =	sbr.rel .LBB1_4-.Ltmp4, $1  }
0x43: {  	_ =	sdelay $0x3  }
.LBB1_6:
0x44: {  	_ =	sfence.sel $0x180000  }
0x45: {  	s2 =	simm.s32 $0x1;
	[bflag:$0x0] =	sbarrier.arrive $0xFFFF  }
0x46: {  	s31 =	simm.s32 $0x2;
	[sflag:s2] =	ssyncpa.u1 $0x1  }
0x47: {  	[sflag:s31] =	ssyncpa.u1 $0x1  }
0x48: {  	p0 =	sne.s32 s0, $0x0;
	_ =	strace $0x9000004D  }
0x49: {  	s0 =	sadd.s32 @!p0 $0x100000, s1;
	[bflag:$0x2] =	sbarrier.arrive $0xFFFF  }
0x4a: {  	[sflag:s0] =	ssyncadd.tile.s32 @!p0 $0x1;
	_ =	shalt  }
.Lfunc_end1:
_tile_overlayer_lowered:
.L_overlay_start_2:
0x4b: {  	(tag) =	ssettag $0x2  }
0x4c: {  	s0 =	rddreg [dreg:$0x0];
	s2 =	stileid.u32  }
0x4d: {  	s1 =	rddreg [dreg:$0x1];
	p0 =	sne.s32 s2, $0x0  }
0x4e: {  	s3 =	rddreg [dreg:$0x2];
	[bflag:$0x3] =	sbarrier.arrive $0xFFFF;
	s2 =	simm.s32 @!p0 $0x1C01  }
0x4f: {  	[timem:s3], [sflag:s2] =	dma.local @!p0 [hbm:s0], s1  }
0x50: {  	s0 =	simm.s32 @!p0 $0x1  }
0x51: {  	_ =	swait.ge @!p0 [sflag:s0], s1  }
0x52: {  	s1 =	ssub.s32 @!p0 $0x0, s1;
	[sflag:s0] =	ssyncset.done @!p0 $0x0  }
0x53: {  	[sflag:s0] =	ssyncadd.s32 @!p0 s1  }
0x54: {  	[bflag:$0x3] =	sbarrier.arrive $0xFFFF  }
0x55: {  	_ =	shalt  }

</sc_bundles>
